<compile_context>
chip_gen: v7x
topology: tpu7x:2x2x1
jax: 0.10.2.dev20260603
libtpu: 0.0.44.dev20260713+nightly
codegen_flags: <defaults>
</compile_context>

<pallas_src>
import functools
import math

import jax
import jax.numpy as jnp
from jax import lax
from jax.experimental import pallas as pl
from jax.experimental.pallas import tpu as pltpu
from jax.experimental.pallas import tpu_sc as plsc

D = 768
FF = 3072
E = 8
T = 2048
NPAIR = 2 * T
K_KEEP = int(math.ceil(0.55 * FF))
BM = 128
PADM = NPAIR + E * BM
NB = PADM // BM
MB1 = 256
FC = 512
NW = 32


def _k1_body(x_ref, rw_ref, xq_ref, e1_ref, e2_ref, w1_ref, w2_ref):
    xb = x_ref[...]
    rw = rw_ref[...]
    amax = jnp.clip(jnp.max(jnp.abs(rw)), 1e-8, None)
    s = 127.0 / amax
    rwq = jnp.clip(jnp.round(rw * s), -127, 127) / s
    logits = lax.dot_general(
        xb.astype(jnp.bfloat16), rwq.astype(jnp.bfloat16),
        (((1,), (1,)), ((), ())), preferred_element_type=jnp.float32)
    m = jnp.max(logits, axis=1, keepdims=True)
    ex = jnp.exp(logits - m)
    probs = ex / jnp.sum(ex, axis=1, keepdims=True)
    ii = lax.broadcasted_iota(jnp.int32, (MB1, E), 1)
    m1 = jnp.max(probs, axis=1, keepdims=True)
    i1 = jnp.min(jnp.where(probs == m1, ii, E), axis=1, keepdims=True)
    pm = jnp.where(ii == i1, -1.0, probs)
    m2 = jnp.max(pm, axis=1, keepdims=True)
    i2 = jnp.min(jnp.where(pm == m2, ii, E), axis=1, keepdims=True)
    tot = m1 + m2
    w1_ref[...] = m1 / tot
    w2_ref[...] = m2 / tot
    e1_ref[...] = i1
    e2_ref[...] = i2
    xa = jnp.max(jnp.abs(xb), axis=1, keepdims=True)
    xs = 7.0 / jnp.clip(xa, 1e-5, None)
    xq_ref[...] = jnp.clip(jnp.round(xb * xs), -8, 7) / xs


def _router_quant(flat, router_w):
    grid = (T // MB1,)
    return pl.pallas_call(
        _k1_body,
        grid=grid,
        in_specs=[
            pl.BlockSpec((MB1, D), lambda i: (i, 0)),
            pl.BlockSpec((E, D), lambda i: (0, 0)),
        ],
        out_specs=[
            pl.BlockSpec((MB1, D), lambda i: (i, 0)),
            pl.BlockSpec((MB1, 1), lambda i: (i, 0)),
            pl.BlockSpec((MB1, 1), lambda i: (i, 0)),
            pl.BlockSpec((MB1, 1), lambda i: (i, 0)),
            pl.BlockSpec((MB1, 1), lambda i: (i, 0)),
        ],
        out_shape=[
            jax.ShapeDtypeStruct((T, D), jnp.float32),
            jax.ShapeDtypeStruct((T, 1), jnp.int32),
            jax.ShapeDtypeStruct((T, 1), jnp.int32),
            jax.ShapeDtypeStruct((T, 1), jnp.float32),
            jax.ShapeDtypeStruct((T, 1), jnp.float32),
        ],
    )(flat, router_w)


def _k2_body(e1_ref, e2_ref, pos_ref, blk_ref):
    CH = 128
    nch = NPAIR // CH
    ii8 = lax.broadcasted_iota(jnp.int32, (CH, E), 1).astype(jnp.float32)
    row = lax.broadcasted_iota(jnp.int32, (CH, CH), 0)
    col = lax.broadcasted_iota(jnp.int32, (CH, CH), 1)
    tl = (row > col).astype(jnp.float32)

    def oh_of(c):
        half = T // CH
        ref = e1_ref if c < half else e2_ref
        ec = ref[pl.ds((c % half) * CH, CH), :].astype(jnp.float32)
        return (ec == ii8).astype(jnp.float32)

    carry = jnp.zeros((1, E), jnp.float32)
    for c in range(nch):
        oh = oh_of(c)
        rank = lax.dot_general(tl, oh, (((1,), (0,)), ((), ())),
                               preferred_element_type=jnp.float32)
        my_rank = jnp.sum(rank * oh, axis=1, keepdims=True)
        base = jnp.sum(oh * carry, axis=1, keepdims=True)
        pos_ref[pl.ds(c * CH, CH), :] = (my_rank + base).astype(jnp.int32)
        carry = carry + jnp.sum(oh, axis=0, keepdims=True)
    counts = carry
    cpad = jnp.ceil(counts / BM) * BM
    jj = lax.broadcasted_iota(jnp.int32, (E, E), 0)
    kk = lax.broadcasted_iota(jnp.int32, (E, E), 1)
    su = (jj < kk).astype(jnp.float32)
    gbase = lax.dot_general(cpad, su, (((1,), (0,)), ((), ())),
                            preferred_element_type=jnp.float32)

    for c in range(nch):
        oh = oh_of(c)
        add = jnp.sum(oh * gbase, axis=1, keepdims=True).astype(jnp.int32)
        pos_ref[pl.ds(c * CH, CH), :] = pos_ref[pl.ds(c * CH, CH), :] + add

    bstart = (lax.broadcasted_iota(jnp.int32, (NB, E), 0) * BM).astype(jnp.float32)
    ge = (bstart >= gbase).astype(jnp.int32)
    blk_ref[...] = jnp.sum(ge, axis=1, keepdims=True) - 1


def _dispatch(e1, e2):
    return pl.pallas_call(
        _k2_body,
        in_specs=[pl.BlockSpec((T, 1), lambda: (0, 0)),
                  pl.BlockSpec((T, 1), lambda: (0, 0))],
        out_specs=[pl.BlockSpec((NPAIR, 1), lambda: (0, 0)),
                   pl.BlockSpec((NB, 1), lambda: (0, 0))],
        out_shape=[jax.ShapeDtypeStruct((NPAIR, 1), jnp.int32),
                   jax.ShapeDtypeStruct((NB, 1), jnp.int32)],
    )(e1, e2)


def _sc_scatter_rows(xq, pos):
    mesh = plsc.VectorSubcoreMesh(core_axis_name="c", subcore_axis_name="s")
    cpw = NPAIR // NW

    @functools.partial(
        pl.kernel, mesh=mesh,
        out_type=jax.ShapeDtypeStruct((PADM, D), jnp.float32),
        scratch_types=[
            pltpu.VMEM((cpw,), jnp.int32),
            pltpu.VMEM((cpw, D), jnp.float32),
            pltpu.SemaphoreType.DMA,
        ],
    )
    def k(xq_hbm, pos_hbm, a_hbm, idx_v, rows_v, sem):
        wid = lax.axis_index("s") * 2 + lax.axis_index("c")
        base = wid * cpw
        src = (wid % (NW // 2)) * cpw
        pltpu.sync_copy(xq_hbm.at[pl.ds(src, cpw)], rows_v)
        pltpu.sync_copy(pos_hbm.at[pl.ds(base, cpw)], idx_v)
        pltpu.async_copy(rows_v, a_hbm.at[idx_v], sem).wait()

    return k(xq, pos)


def _sumabs_body(w_ref, o_ref):
    o_ref[...] = jnp.broadcast_to(
        jnp.sum(jnp.abs(w_ref[...]), axis=(1, 2))[:, None, None], o_ref.shape)


def _tq_body(w_ref, s_ref, o_ref):
    n = w_ref.shape[1] * w_ref.shape[2]
    s = jnp.clip(s_ref[0, 0, 0] / n, 1e-5, None)
    w = w_ref[...]
    o_ref[...] = jnp.clip(jnp.round(w / s), -1, 1).astype(jnp.int8)


def _ternarize(w):
    _, R, C = w.shape
    sums = pl.pallas_call(
        _sumabs_body,
        grid=(E,),
        in_specs=[pl.BlockSpec((1, R, C), lambda i: (i, 0, 0))],
        out_specs=pl.BlockSpec((1, 1, 128), lambda i: (i, 0, 0)),
        out_shape=jax.ShapeDtypeStruct((E, 1, 128), jnp.float32),
    )(w)
    q = pl.pallas_call(
        _tq_body,
        grid=(E,),
        in_specs=[pl.BlockSpec((1, R, C), lambda i: (i, 0, 0)),
                  pl.BlockSpec((1, 1, 128), lambda i: (i, 0, 0))],
        out_specs=pl.BlockSpec((1, R, C), lambda i: (i, 0, 0)),
        out_shape=jax.ShapeDtypeStruct((E, R, C), jnp.int8),
    )(w, sums)
    return q, sums


def _k4_body(be_ref, a_ref, wg_ref, wu_ref, wd_ref, sg_ref, su_ref, sd_ref,
             y_ref, h_ref, ab_ref):
    del be_ref
    nn = float(FF * D)
    sg = jnp.clip(sg_ref[0, 0, 0] / nn, 1e-5, None).astype(jnp.bfloat16
                                                           ).astype(jnp.float32)
    su_ = jnp.clip(su_ref[0, 0, 0] / nn, 1e-5, None).astype(jnp.bfloat16
                                                            ).astype(jnp.float32)
    sd = jnp.clip(sd_ref[0, 0, 0] / nn, 1e-5, None).astype(jnp.bfloat16
                                                           ).astype(jnp.float32)
    a = a_ref[...].astype(jnp.bfloat16)
    for c in range(FF // FC):
        wg = wg_ref[0, pl.ds(c * FC, FC), :].astype(jnp.bfloat16)
        wu = wu_ref[0, pl.ds(c * FC, FC), :].astype(jnp.bfloat16)
        g = lax.dot_general(a, wg, (((1,), (1,)), ((), ())),
                            preferred_element_type=jnp.float32) * sg
        u = lax.dot_general(a, wu, (((1,), (1,)), ((), ())),
                            preferred_element_type=jnp.float32) * su_
        h_ref[:, pl.ds(c * FC, FC)] = g * jax.nn.sigmoid(g) * u

    h = h_ref[...]
    ah = jnp.abs(h)
    amax = jnp.max(ah, axis=1, keepdims=True)
    scale = 127.0 / jnp.clip(amax, 1e-5, None)
    qs = 32704.0 / jnp.maximum(amax, 1e-30)
    ab_ref[...] = (ah * qs).astype(jnp.int32)

    t = jnp.zeros((BM, 1), jnp.int32)
    for j in range(15):
        cand = t | jnp.int32(1 << (14 - j))
        cnt = jnp.sum((ab_ref[...] >= cand).astype(jnp.int32), axis=1,
                      keepdims=True)
        t = jnp.where(cnt >= K_KEEP, cand, t)
    tq = t

    for c in range(FF // FC):
        hc = h_ref[:, pl.ds(c * FC, FC)]
        xs = jnp.where(ab_ref[:, pl.ds(c * FC, FC)] >= tq, hc, 0.0)
        hq = (jnp.clip(jnp.round(xs * scale), -127, 127) / scale
              ).astype(jnp.bfloat16)
        wd = wd_ref[0, :, pl.ds(c * FC, FC)].astype(jnp.bfloat16)
        part = lax.dot_general(hq, wd, (((1,), (1,)), ((), ())),
                               preferred_element_type=jnp.float32)
        if c == 0:
            y_ref[...] = part
        else:
            y_ref[...] = y_ref[...] + part
    y_ref[...] = y_ref[...] * sd


def _ffn(blk_e, a, tg, tu, td, sg, su, sd):
    return pl.pallas_call(
        _k4_body,
        grid_spec=pltpu.PrefetchScalarGridSpec(
            num_scalar_prefetch=1,
            grid=(NB,),
            in_specs=[
                pl.BlockSpec((BM, D), lambda i, be: (i, 0)),
                pl.BlockSpec((1, FF, D), lambda i, be: (be[i], 0, 0)),
                pl.BlockSpec((1, FF, D), lambda i, be: (be[i], 0, 0)),
                pl.BlockSpec((1, D, FF), lambda i, be: (be[i], 0, 0)),
                pl.BlockSpec((1, 1, 128), lambda i, be: (be[i], 0, 0)),
                pl.BlockSpec((1, 1, 128), lambda i, be: (be[i], 0, 0)),
                pl.BlockSpec((1, 1, 128), lambda i, be: (be[i], 0, 0)),
            ],
            out_specs=pl.BlockSpec((BM, D), lambda i, be: (i, 0)),
            scratch_shapes=[
                pltpu.VMEM((BM, FF), jnp.float32),
                pltpu.VMEM((BM, FF), jnp.int32),
            ],
        ),
        out_shape=jax.ShapeDtypeStruct((PADM, D), jnp.float32),
    )(blk_e, a, tg, tu, td, sg, su, sd)


def _sc_gather_rows(y, pos):
    mesh = plsc.VectorSubcoreMesh(core_axis_name="c", subcore_axis_name="s")
    tpw = T // NW

    @functools.partial(
        pl.kernel, mesh=mesh,
        out_type=[jax.ShapeDtypeStruct((T, D), jnp.float32),
                  jax.ShapeDtypeStruct((T, D), jnp.float32)],
        scratch_types=[
            pltpu.VMEM((tpw,), jnp.int32),
            pltpu.VMEM((tpw,), jnp.int32),
            pltpu.VMEM((tpw, D), jnp.float32),
            pltpu.VMEM((tpw, D), jnp.float32),
            pltpu.SemaphoreType.DMA,
        ],
    )
    def k(y_hbm, pos_hbm, y0_hbm, y1_hbm, idx0, idx1, buf0, buf1, sem):
        wid = lax.axis_index("s") * 2 + lax.axis_index("c")
        base = wid * tpw
        pltpu.sync_copy(pos_hbm.at[pl.ds(base, tpw)], idx0)
        pltpu.sync_copy(pos_hbm.at[pl.ds(T + base, tpw)], idx1)
        pltpu.async_copy(y_hbm.at[idx0], buf0, sem).wait()
        pltpu.async_copy(y_hbm.at[idx1], buf1, sem).wait()
        pltpu.sync_copy(buf0, y0_hbm.at[pl.ds(base, tpw)])
        pltpu.sync_copy(buf1, y1_hbm.at[pl.ds(base, tpw)])

    return k(y, pos)


def _k6_body(y0_ref, y1_ref, w1_ref, w2_ref, o_ref):
    o_ref[...] = w1_ref[...] * y0_ref[...] + w2_ref[...] * y1_ref[...]


def _combine(y0, y1, w1, w2):
    grid = (T // MB1,)
    return pl.pallas_call(
        _k6_body,
        grid=grid,
        in_specs=[pl.BlockSpec((MB1, D), lambda i: (i, 0)),
                  pl.BlockSpec((MB1, D), lambda i: (i, 0)),
                  pl.BlockSpec((MB1, 1), lambda i: (i, 0)),
                  pl.BlockSpec((MB1, 1), lambda i: (i, 0))],
        out_specs=pl.BlockSpec((MB1, D), lambda i: (i, 0)),
        out_shape=jax.ShapeDtypeStruct((T, D), jnp.float32),
    )(y0, y1, w1, w2)


def kernel(x, router_w, gate_w, up_w, down_w):
    Bs, Ts, Dm = x.shape
    flat = x.reshape(-1, Dm)
    xq, e1, e2, w1, w2 = _router_quant(flat, router_w)
    pos, blk_e = _dispatch(e1, e2)
    pos1 = pos.reshape(NPAIR)
    a = _sc_scatter_rows(xq, pos1)
    tg, sg = _ternarize(gate_w)
    tu, su = _ternarize(up_w)
    td, sd = _ternarize(down_w)
    y = _ffn(blk_e.reshape(NB), a, tg, tu, td, sg, su, sd)
    y0, y1 = _sc_gather_rows(y, pos1)
    out = _combine(y0, y1, w1, w2)
    return out.reshape(Bs, Ts, Dm)

# --- scband reference (transcript-rebuilt; emitter-appended) ---
"""Pipeline reference for scband-bit-mo-effn-16716012716238 (READ-ONLY COPY).

The authoritative reference and input builder live on the scoring server;
editing this copy changes nothing except your own understanding.
"""

import jax, jax.numpy as jnp
import numpy as np
import math

D = 768
FF = 3072
E = 8
TOPK = 2
RATIO = 0.55
B, T = 1, 2048

def _ste(x, q):
    return x + jax.lax.stop_gradient(q - x)

def quant_int4(x):
    amax = jnp.max(jnp.abs(x), axis=-1, keepdims=True)
    scale = 7.0 / jnp.clip(amax, 1e-5, None)
    q = jnp.clip(jnp.round(x * scale), -8, 7) / scale
    return _ste(x, q)

def quant_topk_int8(x):
    d = x.shape[-1]
    k = int(math.ceil(RATIO * d))
    vals = jax.lax.top_k(jnp.abs(x), k)[0]
    thresh = vals[..., -1:]
    xs = jnp.where(jnp.abs(x) >= thresh, x, 0.0)
    amax = jnp.max(jnp.abs(xs), axis=-1, keepdims=True)
    scale = 127.0 / jnp.clip(amax, 1e-5, None)
    q = jnp.clip(jnp.round(xs * scale), -127, 127) / scale
    return _ste(x, q)

def ternary(w):
    s = jnp.clip(jnp.mean(jnp.abs(w)), 1e-5, None)
    q = jnp.clip(jnp.round(w / s), -1, 1) * s
    return _ste(w, q)

def bitffn(x, gw, uw, dw):
    xq = quant_int4(x)
    g = xq @ ternary(gw).T
    u = xq @ ternary(uw).T
    h = jax.nn.silu(g) * u
    hq = quant_topk_int8(h)
    return hq @ ternary(dw).T

def setup_inputs(seed: int = 0):
    key = jax.random.key(seed)
    ks = jax.random.split(key, 5)
    x = jax.random.normal(ks[0], (B, T, D), dtype=jnp.float32)
    router_w = jax.random.normal(ks[1], (E, D), dtype=jnp.float32) * 0.01
    bg = 1.0 / math.sqrt(D)
    gate_w = jax.random.uniform(ks[2], (E, FF, D), minval=-bg, maxval=bg, dtype=jnp.float32)
    up_w = jax.random.uniform(ks[3], (E, FF, D), minval=-bg, maxval=bg, dtype=jnp.float32)
    bd = 1.0 / math.sqrt(FF)
    down_w = jax.random.uniform(ks[4], (E, D, FF), minval=-bd, maxval=bd, dtype=jnp.float32)
    return {"x": x, "router_w": router_w, "gate_w": gate_w, "up_w": up_w, "down_w": down_w}

def reference(x, router_w, gate_w, up_w, down_w):
    Bs, Ts, Dm = x.shape
    flat = x.reshape(-1, Dm)
    # Int8Linear router: global absmax int8 weight quant
    amax = jnp.clip(jnp.max(jnp.abs(router_w)), 1e-8, None)
    s = 127.0 / amax
    rw = _ste(router_w, jnp.clip(jnp.round(router_w * s), -127, 127) / s)
    logits = flat @ rw.T
    probs = jax.nn.softmax(logits, axis=-1)
    topv, topi = jax.lax.top_k(probs, TOPK)
    topv = topv / jnp.sum(topv, axis=-1, keepdims=True)
    out = jnp.zeros_like(flat)
    for e in range(E):
        mask = (topi == e)
        w_e = jnp.sum(jnp.where(mask, topv, 0.0), axis=-1)
        y = bitffn(flat, gate_w[e], up_w[e], down_w[e])
        out = out + w_e[:, None] * y
    return out.reshape(Bs, Ts, Dm)

if __name__ == "__main__":
    import jax
    _d = setup_inputs()
    print(jax.jit(kernel)(*tuple(_d.values())))

</pallas_src>

<mosaic_0001>
#map = affine_map<(d0, d1) -> (0, 0)>
#map1 = affine_map<(d0, d1) -> (0)>
module attributes {stable_mosaic.version = 14 : i64} {
  func.func @k(%arg0: i32, %arg1: i32, %arg2: memref<5120x768xf32, #tpu.memory_space<hbm>>, %arg3: memref<4096xi32, #tpu.memory_space<hbm>>, %arg4: memref<2048x768xf32, #tpu.memory_space<hbm>>, %arg5: memref<2048x768xf32, #tpu.memory_space<hbm>>, %arg6: memref<64xi32, #tpu.memory_space<vmem>>, %arg7: memref<64xi32, #tpu.memory_space<vmem>>, %arg8: memref<64x768xf32, #tpu.memory_space<vmem>>, %arg9: memref<64x768xf32, #tpu.memory_space<vmem>>, %arg10: memref<!tpu.dma_semaphore, #tpu.memory_space<semaphore_mem>>) attributes {dimension_semantics = [#tpu.dimension_semantics<core_parallel>, #tpu.dimension_semantics<subcore_parallel>], iteration_bounds = array<i64: 2, 16>, scalar_prefetch = 0 : i64, scratch_operands = 5 : i64, tpu.core_type = #tpu.core_type<sc_vector_subcore>, window_params = [{transform_indices = #map}, {transform_indices = #map1}, {transform_indices = #map}, {transform_indices = #map}]} {
    %mul3A = arith.constant 2 : i32
    %mul3A_0 = arith.muli %arg1, %mul3A : i32
    %add3A = arith.addi %mul3A_0, %arg0 : i32
    %mul3A_1 = arith.constant 64 : i32
    %mul3A_2 = arith.muli %add3A, %mul3A_1 : i32
    "tpu.region"() ({
      %run_scoped3A = tpu.sem_alloc : memref<!tpu.dma_semaphore, #tpu.memory_space<semaphore_mem>>
      %dma_start3A_15 = tpu.memref_slice %arg3[%mul3A_2] : memref<4096xi32, #tpu.memory_space<hbm>> -> memref<64xi32, #tpu.memory_space<hbm>>
      %dma_start3A_16 = tpu.memref_slice %arg3[%mul3A_2] : memref<4096xi32, #tpu.memory_space<hbm>> -> memref<64xi32, #tpu.memory_space<hbm>>
      tpu.enqueue_dma source(%dma_start3A_16 : memref<64xi32, #tpu.memory_space<hbm>>) target(%arg6 : memref<64xi32, #tpu.memory_space<vmem>>) target_semaphore(%run_scoped3A : memref<!tpu.dma_semaphore, #tpu.memory_space<semaphore_mem>>)
      %dma_wait3A_17 = tpu.memref_slice %arg3[%mul3A_2] : memref<4096xi32, #tpu.memory_space<hbm>> -> memref<64xi32, #tpu.memory_space<hbm>>
      %dma_wait3A_18 = tpu.memref_slice %arg3[%mul3A_2] : memref<4096xi32, #tpu.memory_space<hbm>> -> memref<64xi32, #tpu.memory_space<hbm>>
      tpu.wait_dma2 semaphore(%run_scoped3A : memref<!tpu.dma_semaphore, #tpu.memory_space<semaphore_mem>>) src(%dma_wait3A_18 : memref<64xi32, #tpu.memory_space<hbm>>) dst(%arg6 : memref<64xi32, #tpu.memory_space<vmem>>)
      tpu.yield
    }) : () -> ()
    %add3A_3 = arith.constant 2048 : i32
    %add3A_4 = arith.addi %add3A_3, %mul3A_2 : i32
    "tpu.region"() ({
      %run_scoped3A = tpu.sem_alloc : memref<!tpu.dma_semaphore, #tpu.memory_space<semaphore_mem>>
      %dma_start3A_15 = tpu.memref_slice %arg3[%add3A_4] : memref<4096xi32, #tpu.memory_space<hbm>> -> memref<64xi32, #tpu.memory_space<hbm>>
      %dma_start3A_16 = tpu.memref_slice %arg3[%add3A_4] : memref<4096xi32, #tpu.memory_space<hbm>> -> memref<64xi32, #tpu.memory_space<hbm>>
      tpu.enqueue_dma source(%dma_start3A_16 : memref<64xi32, #tpu.memory_space<hbm>>) target(%arg7 : memref<64xi32, #tpu.memory_space<vmem>>) target_semaphore(%run_scoped3A : memref<!tpu.dma_semaphore, #tpu.memory_space<semaphore_mem>>)
      %dma_wait3A_17 = tpu.memref_slice %arg3[%add3A_4] : memref<4096xi32, #tpu.memory_space<hbm>> -> memref<64xi32, #tpu.memory_space<hbm>>
      %dma_wait3A_18 = tpu.memref_slice %arg3[%add3A_4] : memref<4096xi32, #tpu.memory_space<hbm>> -> memref<64xi32, #tpu.memory_space<hbm>>
      tpu.wait_dma2 semaphore(%run_scoped3A : memref<!tpu.dma_semaphore, #tpu.memory_space<semaphore_mem>>) src(%dma_wait3A_18 : memref<64xi32, #tpu.memory_space<hbm>>) dst(%arg7 : memref<64xi32, #tpu.memory_space<vmem>>)
      tpu.yield
    }) : () -> ()
    %dma_start3A = arith.constant 0 : i32
    %dma_start3A_5 = arith.constant 0 : i32
    %dma_start3A_6 = tpu.memref_slice %arg2[%dma_start3A, %dma_start3A_5] : memref<5120x768xf32, #tpu.memory_space<hbm>> -> memref<5120x768xf32, #tpu.memory_space<hbm>>
    tpu.enqueue_indirect_dma source(%dma_start3A_6 : memref<5120x768xf32, #tpu.memory_space<hbm>>) target(%arg8 : memref<64x768xf32, #tpu.memory_space<vmem>>) offsets(%arg6 : memref<64xi32, #tpu.memory_space<vmem>>) semaphore(%arg10 : memref<!tpu.dma_semaphore, #tpu.memory_space<semaphore_mem>>)
    %dma_wait3A = arith.constant 0 : i32
    %dma_wait3A_7 = arith.constant 0 : i32
    %dma_wait3A_8 = tpu.memref_slice %arg2[%dma_wait3A, %dma_wait3A_7] : memref<5120x768xf32, #tpu.memory_space<hbm>> -> memref<5120x768xf32, #tpu.memory_space<hbm>>
    tpu.wait_indirect_dma semaphore(%arg10 : memref<!tpu.dma_semaphore, #tpu.memory_space<semaphore_mem>>) src(%dma_wait3A_8 : memref<5120x768xf32, #tpu.memory_space<hbm>>) dst(%arg8 : memref<64x768xf32, #tpu.memory_space<vmem>>)
    %dma_start3A_9 = arith.constant 0 : i32
    %dma_start3A_10 = arith.constant 0 : i32
    %dma_start3A_11 = tpu.memref_slice %arg2[%dma_start3A_9, %dma_start3A_10] : memref<5120x768xf32, #tpu.memory_space<hbm>> -> memref<5120x768xf32, #tpu.memory_space<hbm>>
    tpu.enqueue_indirect_dma source(%dma_start3A_11 : memref<5120x768xf32, #tpu.memory_space<hbm>>) target(%arg9 : memref<64x768xf32, #tpu.memory_space<vmem>>) offsets(%arg7 : memref<64xi32, #tpu.memory_space<vmem>>) semaphore(%arg10 : memref<!tpu.dma_semaphore, #tpu.memory_space<semaphore_mem>>)
    %dma_wait3A_12 = arith.constant 0 : i32
    %dma_wait3A_13 = arith.constant 0 : i32
    %dma_wait3A_14 = tpu.memref_slice %arg2[%dma_wait3A_12, %dma_wait3A_13] : memref<5120x768xf32, #tpu.memory_space<hbm>> -> memref<5120x768xf32, #tpu.memory_space<hbm>>
    tpu.wait_indirect_dma semaphore(%arg10 : memref<!tpu.dma_semaphore, #tpu.memory_space<semaphore_mem>>) src(%dma_wait3A_14 : memref<5120x768xf32, #tpu.memory_space<hbm>>) dst(%arg9 : memref<64x768xf32, #tpu.memory_space<vmem>>)
    "tpu.region"() ({
      %run_scoped3A = tpu.sem_alloc : memref<!tpu.dma_semaphore, #tpu.memory_space<semaphore_mem>>
      %dma_start3A_15 = arith.constant 0 : i32
      %dma_start3A_16 = tpu.memref_slice %arg4[%mul3A_2, %dma_start3A_15] : memref<2048x768xf32, #tpu.memory_space<hbm>> -> memref<64x768xf32, #tpu.memory_space<hbm>>
      %dma_start3A_17 = arith.constant 0 : i32
      %dma_start3A_18 = tpu.memref_slice %arg4[%mul3A_2, %dma_start3A_17] : memref<2048x768xf32, #tpu.memory_space<hbm>> -> memref<64x768xf32, #tpu.memory_space<hbm>>
      tpu.enqueue_dma source(%arg8 : memref<64x768xf32, #tpu.memory_space<vmem>>) target(%dma_start3A_18 : memref<64x768xf32, #tpu.memory_space<hbm>>) target_semaphore(%run_scoped3A : memref<!tpu.dma_semaphore, #tpu.memory_space<semaphore_mem>>)
      %dma_wait3A_19 = arith.constant 0 : i32
      %dma_wait3A_20 = tpu.memref_slice %arg4[%mul3A_2, %dma_wait3A_19] : memref<2048x768xf32, #tpu.memory_space<hbm>> -> memref<64x768xf32, #tpu.memory_space<hbm>>
      %dma_wait3A_21 = arith.constant 0 : i32
      %dma_wait3A_22 = tpu.memref_slice %arg4[%mul3A_2, %dma_wait3A_21] : memref<2048x768xf32, #tpu.memory_space<hbm>> -> memref<64x768xf32, #tpu.memory_space<hbm>>
      tpu.wait_dma2 semaphore(%run_scoped3A : memref<!tpu.dma_semaphore, #tpu.memory_space<semaphore_mem>>) src(%arg8 : memref<64x768xf32, #tpu.memory_space<vmem>>) dst(%dma_wait3A_22 : memref<64x768xf32, #tpu.memory_space<hbm>>)
      tpu.yield
    }) : () -> ()
    "tpu.region"() ({
      %run_scoped3A = tpu.sem_alloc : memref<!tpu.dma_semaphore, #tpu.memory_space<semaphore_mem>>
      %dma_start3A_15 = arith.constant 0 : i32
      %dma_start3A_16 = tpu.memref_slice %arg5[%mul3A_2, %dma_start3A_15] : memref<2048x768xf32, #tpu.memory_space<hbm>> -> memref<64x768xf32, #tpu.memory_space<hbm>>
      %dma_start3A_17 = arith.constant 0 : i32
      %dma_start3A_18 = tpu.memref_slice %arg5[%mul3A_2, %dma_start3A_17] : memref<2048x768xf32, #tpu.memory_space<hbm>> -> memref<64x768xf32, #tpu.memory_space<hbm>>
      tpu.enqueue_dma source(%arg9 : memref<64x768xf32, #tpu.memory_space<vmem>>) target(%dma_start3A_18 : memref<64x768xf32, #tpu.memory_space<hbm>>) target_semaphore(%run_scoped3A : memref<!tpu.dma_semaphore, #tpu.memory_space<semaphore_mem>>)
      %dma_wait3A_19 = arith.constant 0 : i32
      %dma_wait3A_20 = tpu.memref_slice %arg5[%mul3A_2, %dma_wait3A_19] : memref<2048x768xf32, #tpu.memory_space<hbm>> -> memref<64x768xf32, #tpu.memory_space<hbm>>
      %dma_wait3A_21 = arith.constant 0 : i32
      %dma_wait3A_22 = tpu.memref_slice %arg5[%mul3A_2, %dma_wait3A_21] : memref<2048x768xf32, #tpu.memory_space<hbm>> -> memref<64x768xf32, #tpu.memory_space<hbm>>
      tpu.wait_dma2 semaphore(%run_scoped3A : memref<!tpu.dma_semaphore, #tpu.memory_space<semaphore_mem>>) src(%arg9 : memref<64x768xf32, #tpu.memory_space<vmem>>) dst(%dma_wait3A_22 : memref<64x768xf32, #tpu.memory_space<hbm>>)
      tpu.yield
    }) : () -> ()
    return
  }
}

#map = affine_map<(d0, d1) -> (0, 0)>
#map1 = affine_map<(d0, d1) -> (0)>
module attributes {stable_mosaic.version = 14 : i64} {
  func.func @k(%arg0: i32, %arg1: i32, %arg2: memref<2048x768xf32, #tpu.memory_space<hbm>>, %arg3: memref<4096xi32, #tpu.memory_space<hbm>>, %arg4: memref<5120x768xf32, #tpu.memory_space<hbm>>, %arg5: memref<128xi32, #tpu.memory_space<vmem>>, %arg6: memref<128x768xf32, #tpu.memory_space<vmem>>, %arg7: memref<!tpu.dma_semaphore, #tpu.memory_space<semaphore_mem>>) attributes {dimension_semantics = [#tpu.dimension_semantics<core_parallel>, #tpu.dimension_semantics<subcore_parallel>], iteration_bounds = array<i64: 2, 16>, scalar_prefetch = 0 : i64, scratch_operands = 3 : i64, tpu.core_type = #tpu.core_type<sc_vector_subcore>, window_params = [{transform_indices = #map}, {transform_indices = #map1}, {transform_indices = #map}]} {
    %mul3A = arith.constant 2 : i32
    %mul3A_0 = arith.muli %arg1, %mul3A : i32
    %add3A = arith.addi %mul3A_0, %arg0 : i32
    %mul3A_1 = arith.constant 128 : i32
    %mul3A_2 = arith.muli %add3A, %mul3A_1 : i32
    %jit3A = arith.constant 16 : i32
    %eq3A = arith.constant 0 : i32
    %eq3A_3 = arith.cmpi eq, %jit3A, %eq3A : i32
    %jit3A_4 = arith.constant 1 : i32
    %select_n3A = arith.select %eq3A_3, %jit3A_4, %jit3A : i32
    %rem3A = arith.remsi %add3A, %select_n3A : i32
    %ne3A = arith.constant 0 : i32
    %ne3A_5 = arith.cmpi ne, %rem3A, %ne3A : i32
    %lt3A = arith.constant 0 : i32
    %lt3A_6 = arith.cmpi slt, %rem3A, %lt3A : i32
    %lt3A_7 = arith.constant 0 : i32
    %lt3A_8 = arith.cmpi slt, %select_n3A, %lt3A_7 : i32
    %ne3A_9 = arith.xori %lt3A_6, %lt3A_8 : i1
    %and3A = arith.andi %ne3A_9, %ne3A_5 : i1
    %add3A_10 = arith.addi %rem3A, %select_n3A : i32
    %select_n3A_11 = arith.select %and3A, %add3A_10, %rem3A : i32
    %mul3A_12 = arith.constant 128 : i32
    %mul3A_13 = arith.muli %select_n3A_11, %mul3A_12 : i32
    "tpu.region"() ({
      %run_scoped3A = tpu.sem_alloc : memref<!tpu.dma_semaphore, #tpu.memory_space<semaphore_mem>>
      %dma_start3A_18 = arith.constant 0 : i32
      %dma_start3A_19 = tpu.memref_slice %arg2[%mul3A_13, %dma_start3A_18] : memref<2048x768xf32, #tpu.memory_space<hbm>> -> memref<128x768xf32, #tpu.memory_space<hbm>>
      %dma_start3A_20 = arith.constant 0 : i32
      %dma_start3A_21 = tpu.memref_slice %arg2[%mul3A_13, %dma_start3A_20] : memref<2048x768xf32, #tpu.memory_space<hbm>> -> memref<128x768xf32, #tpu.memory_space<hbm>>
      tpu.enqueue_dma source(%dma_start3A_21 : memref<128x768xf32, #tpu.memory_space<hbm>>) target(%arg6 : memref<128x768xf32, #tpu.memory_space<vmem>>) target_semaphore(%run_scoped3A : memref<!tpu.dma_semaphore, #tpu.memory_space<semaphore_mem>>)
      %dma_wait3A_22 = arith.constant 0 : i32
      %dma_wait3A_23 = tpu.memref_slice %arg2[%mul3A_13, %dma_wait3A_22] : memref<2048x768xf32, #tpu.memory_space<hbm>> -> memref<128x768xf32, #tpu.memory_space<hbm>>
      %dma_wait3A_24 = arith.constant 0 : i32
      %dma_wait3A_25 = tpu.memref_slice %arg2[%mul3A_13, %dma_wait3A_24] : memref<2048x768xf32, #tpu.memory_space<hbm>> -> memref<128x768xf32, #tpu.memory_space<hbm>>
      tpu.wait_dma2 semaphore(%run_scoped3A : memref<!tpu.dma_semaphore, #tpu.memory_space<semaphore_mem>>) src(%dma_wait3A_25 : memref<128x768xf32, #tpu.memory_space<hbm>>) dst(%arg6 : memref<128x768xf32, #tpu.memory_space<vmem>>)
      tpu.yield
    }) : () -> ()
    "tpu.region"() ({
      %run_scoped3A = tpu.sem_alloc : memref<!tpu.dma_semaphore, #tpu.memory_space<semaphore_mem>>
      %dma_start3A_18 = tpu.memref_slice %arg3[%mul3A_2] : memref<4096xi32, #tpu.memory_space<hbm>> -> memref<128xi32, #tpu.memory_space<hbm>>
      %dma_start3A_19 = tpu.memref_slice %arg3[%mul3A_2] : memref<4096xi32, #tpu.memory_space<hbm>> -> memref<128xi32, #tpu.memory_space<hbm>>
      tpu.enqueue_dma source(%dma_start3A_19 : memref<128xi32, #tpu.memory_space<hbm>>) target(%arg5 : memref<128xi32, #tpu.memory_space<vmem>>) target_semaphore(%run_scoped3A : memref<!tpu.dma_semaphore, #tpu.memory_space<semaphore_mem>>)
      %dma_wait3A_20 = tpu.memref_slice %arg3[%mul3A_2] : memref<4096xi32, #tpu.memory_space<hbm>> -> memref<128xi32, #tpu.memory_space<hbm>>
      %dma_wait3A_21 = tpu.memref_slice %arg3[%mul3A_2] : memref<4096xi32, #tpu.memory_space<hbm>> -> memref<128xi32, #tpu.memory_space<hbm>>
      tpu.wait_dma2 semaphore(%run_scoped3A : memref<!tpu.dma_semaphore, #tpu.memory_space<semaphore_mem>>) src(%dma_wait3A_21 : memref<128xi32, #tpu.memory_space<hbm>>) dst(%arg5 : memref<128xi32, #tpu.memory_space<vmem>>)
      tpu.yield
    }) : () -> ()
    %dma_start3A = arith.constant 0 : i32
    %dma_start3A_14 = arith.constant 0 : i32
    %dma_start3A_15 = tpu.memref_slice %arg4[%dma_start3A, %dma_start3A_14] : memref<5120x768xf32, #tpu.memory_space<hbm>> -> memref<5120x768xf32, #tpu.memory_space<hbm>>
    tpu.enqueue_indirect_dma source(%arg6 : memref<128x768xf32, #tpu.memory_space<vmem>>) target(%dma_start3A_15 : memref<5120x768xf32, #tpu.memory_space<hbm>>) offsets(%arg5 : memref<128xi32, #tpu.memory_space<vmem>>) semaphore(%arg7 : memref<!tpu.dma_semaphore, #tpu.memory_space<semaphore_mem>>)
    %dma_wait3A = arith.constant 0 : i32
    %dma_wait3A_16 = arith.constant 0 : i32
    %dma_wait3A_17 = tpu.memref_slice %arg4[%dma_wait3A, %dma_wait3A_16] : memref<5120x768xf32, #tpu.memory_space<hbm>> -> memref<5120x768xf32, #tpu.memory_space<hbm>>
    tpu.wait_indirect_dma semaphore(%arg7 : memref<!tpu.dma_semaphore, #tpu.memory_space<semaphore_mem>>) src(%arg6 : memref<128x768xf32, #tpu.memory_space<vmem>>) dst(%dma_wait3A_17 : memref<5120x768xf32, #tpu.memory_space<hbm>>)
    return
  }
}

module attributes {stable_mosaic.version = 14 : i64} {
  func.func @_sumabs_body(%arg0: i32, %arg1: memref<1x3072x768xf32, #tpu.memory_space<vmem>>, %arg2: memref<1x1x128xf32, #tpu.memory_space<vmem>>) attributes {dimension_semantics = [#tpu.dimension_semantics<arbitrary>], iteration_bounds = array<i64: 8>, scalar_prefetch = 0 : i64, scratch_operands = 0 : i64, tpu.core_type = #tpu.core_type<tc>, window_params = [{transform_indices = @transform_0, window_bounds = array<i64: 1, 3072, 768>}, {transform_indices = @transform_1, window_bounds = array<i64: 1, 1, 128>}]} {
    %get3A = arith.constant 0 : index
    %get3A_0 = arith.constant 0 : index
    %get3A_1 = arith.constant 0 : index
    %get3A_2 = vector.load %arg1[%get3A, %get3A_0, %get3A_1] : memref<1x3072x768xf32, #tpu.memory_space<vmem>>, vector<1x3072x768xf32>
    %abs3A = math.absf %get3A_2 : vector<1x3072x768xf32>
    %reduce_sum3A = arith.constant dense<0.000000e+00> : vector<1xf32>
    %reduce_sum3A_3 = vector.multi_reduction <add>, %abs3A, %reduce_sum3A [1, 2] : vector<1x3072x768xf32> to vector<1xf32>
    %broadcast_in_dim3A = vector.shape_cast %reduce_sum3A_3 : vector<1xf32> to vector<1x1x1xf32>
    %broadcast_in_dim3A_4 = vector.shape_cast %broadcast_in_dim3A : vector<1x1x1xf32> to vector<1x1x1xf32>
    %broadcast_in_dim3A_5 = vector.broadcast %broadcast_in_dim3A_4 : vector<1x1x1xf32> to vector<1x1x128xf32>
    %swap3A = arith.constant 0 : index
    %swap3A_6 = arith.constant 0 : index
    %swap3A_7 = arith.constant 0 : index
    %swap3A_8 = vector.load %arg2[%swap3A, %swap3A_6, %swap3A_7] : memref<1x1x128xf32, #tpu.memory_space<vmem>>, vector<1x1x128xf32>
    tpu.vector_store %arg2[%swap3A, %swap3A_6, %swap3A_7], %broadcast_in_dim3A_5 {strides = array<i32>} : memref<1x1x128xf32, #tpu.memory_space<vmem>>, vector<1x1x128xf32>,
    return
  }
  func.func @transform_0(%arg0: i32) -> (i32, i32, i32) {
    %c0_i32 = arith.constant 0 : i32
    %c0_i32_0 = arith.constant 0 : i32
    %c0_i32_1 = arith.constant 0 : i32
    return %arg0, %c0_i32, %c0_i32_0 : i32, i32, i32
  }
  func.func @transform_1(%arg0: i32) -> (i32, i32, i32) {
    %c0_i32 = arith.constant 0 : i32
    %c0_i32_0 = arith.constant 0 : i32
    %c0_i32_1 = arith.constant 0 : i32
    return %arg0, %c0_i32, %c0_i32_0 : i32, i32, i32
  }
}

module attributes {stable_mosaic.version = 14 : i64} {
  func.func @_k1_body(%arg0: i32, %arg1: memref<256x768xf32, #tpu.memory_space<vmem>>, %arg2: memref<8x768xf32, #tpu.memory_space<vmem>>, %arg3: memref<256x768xf32, #tpu.memory_space<vmem>>, %arg4: memref<256x1xi32, #tpu.memory_space<vmem>>, %arg5: memref<256x1xi32, #tpu.memory_space<vmem>>, %arg6: memref<256x1xf32, #tpu.memory_space<vmem>>, %arg7: memref<256x1xf32, #tpu.memory_space<vmem>>) attributes {dimension_semantics = [#tpu.dimension_semantics<arbitrary>], iteration_bounds = array<i64: 8>, scalar_prefetch = 0 : i64, scratch_operands = 0 : i64, tpu.core_type = #tpu.core_type<tc>, window_params = [{transform_indices = @transform_0, window_bounds = array<i64: 256, 768>}, {pipeline_mode = #tpu.pipeline_mode<synchronous>, transform_indices = @transform_1, window_bounds = array<i64: 8, 768>}, {transform_indices = @transform_2, window_bounds = array<i64: 256, 768>}, {transform_indices = @transform_3, window_bounds = array<i64: 256, 1>}, {transform_indices = @transform_4, window_bounds = array<i64: 256, 1>}, {transform_indices = @transform_5, window_bounds = array<i64: 256, 1>}, {transform_indices = @transform_6, window_bounds = array<i64: 256, 1>}]} {
    %get3A = arith.constant 0 : index
    %get3A_0 = arith.constant 0 : index
    %get3A_1 = vector.load %arg1[%get3A, %get3A_0] : memref<256x768xf32, #tpu.memory_space<vmem>>, vector<256x768xf32>
    %get3A_2 = arith.constant 0 : index
    %get3A_3 = arith.constant 0 : index
    %get3A_4 = vector.load %arg2[%get3A_2, %get3A_3] : memref<8x768xf32, #tpu.memory_space<vmem>>, vector<8x768xf32>
    %abs3A = math.absf %get3A_4 : vector<8x768xf32>
    %reduce_max3A = vector.shape_cast %abs3A : vector<8x768xf32> to vector<1x8x768xf32>
    %reduce_max3A_5 = arith.constant dense<0xFF800000> : vector<1xf32>
    %reduce_max3A_6 = vector.multi_reduction <maximumf>, %reduce_max3A, %reduce_max3A_5 [1, 2] : vector<1x8x768xf32> to vector<1xf32>
    %reduce_max3A_7 = vector.shape_cast %reduce_max3A_6 : vector<1xf32> to vector<1x1x1xf32>
    %reduce_max3A_8 = vector.extract %reduce_max3A_7[0, 0, 0] : f32 from vector<1x1x1xf32>
    %jit3A = arith.constant 9.99999993E-9 : f32
    %max3A = arith.maximumf %jit3A, %reduce_max3A_8 : f32
    %div3A = arith.constant 1.270000e+02 : f32
    %div3A_9 = arith.divf %div3A, %max3A : f32
    %mul3A = vector.broadcast %div3A_9 : f32 to vector<8x768xf32>
    %mul3A_10 = arith.mulf %get3A_4, %mul3A : vector<8x768xf32>
    %round3A = math.roundeven %mul3A_10 : vector<8x768xf32>
    %jit3A_11 = arith.constant -127 : i32
    %jit3A_12 = arith.constant 127 : i32
    %convert_element_type3A = arith.sitofp %jit3A_11 : i32 to f32
    %max3A_13 = vector.broadcast %convert_element_type3A : f32 to vector<8x768xf32>
    %max3A_14 = arith.maximumf %max3A_13, %round3A : vector<8x768xf32>
    %convert_element_type3A_15 = arith.sitofp %jit3A_12 : i32 to f32
    %min3A = vector.broadcast %convert_element_type3A_15 : f32 to vector<8x768xf32>
    %min3A_16 = arith.minimumf %min3A, %max3A_14 : vector<8x768xf32>
    %div3A_17 = vector.broadcast %div3A_9 : f32 to vector<8x768xf32>
    %div3A_18 = arith.divf %min3A_16, %div3A_17 : vector<8x768xf32>
    %convert_element_type3A_19 = arith.truncf %get3A_1 : vector<256x768xf32> to vector<256x768xbf16>
    %convert_element_type3A_20 = arith.truncf %div3A_18 : vector<8x768xf32> to vector<8x768xbf16>
    %dot_general3A = arith.constant dense<0.000000e+00> : vector<256x8xf32>
    %dot_general3A_21 = tpu.matmul %convert_element_type3A_19, %convert_element_type3A_20, %dot_general3A {dimension_numbers = #tpu.dot_dimension_numbers<[1], [1], [0], [0], [0, 0, 1, 0], [], []>, transpose_lhs_hint = false} : vector<256x768xbf16>, vector<8x768xbf16>, vector<256x8xf32> -> vector<256x8xf32>
    %reduce_max3A_22 = arith.constant dense<0xFF800000> : vector<256xf32>
    %reduce_max3A_23 = vector.multi_reduction <maximumf>, %dot_general3A_21, %reduce_max3A_22 [1] : vector<256x8xf32> to vector<256xf32>
    %broadcast_in_dim3A = vector.shape_cast %reduce_max3A_23 : vector<256xf32> to vector<256x1xf32>
    %sub3A = vector.broadcast %broadcast_in_dim3A : vector<256x1xf32> to vector<256x8xf32>
    %sub3A_24 = arith.subf %dot_general3A_21, %sub3A : vector<256x8xf32>
    %exp3A = math.exp %sub3A_24 : vector<256x8xf32>
    %reduce_sum3A = arith.constant dense<0.000000e+00> : vector<256xf32>
    %reduce_sum3A_25 = vector.multi_reduction <add>, %exp3A, %reduce_sum3A [1] : vector<256x8xf32> to vector<256xf32>
    %broadcast_in_dim3A_26 = vector.shape_cast %reduce_sum3A_25 : vector<256xf32> to vector<256x1xf32>
    %div3A_27 = vector.broadcast %broadcast_in_dim3A_26 : vector<256x1xf32> to vector<256x8xf32>
    %div3A_28 = arith.divf %exp3A, %div3A_27 : vector<256x8xf32>
    %iota3A = tpu.iota {dimensions = array<i32: 1>} : vector<256x8xi32>
    %reduce_max3A_29 = arith.constant dense<0xFF800000> : vector<256xf32>
    %reduce_max3A_30 = vector.multi_reduction <maximumf>, %div3A_28, %reduce_max3A_29 [1] : vector<256x8xf32> to vector<256xf32>
    %broadcast_in_dim3A_31 = vector.shape_cast %reduce_max3A_30 : vector<256xf32> to vector<256x1xf32>
    %eq3A = vector.broadcast %broadcast_in_dim3A_31 : vector<256x1xf32> to vector<256x8xf32>
    %eq3A_32 = arith.cmpf oeq, %div3A_28, %eq3A : vector<256x8xf32>
    %jit3A_33 = arith.constant 8 : i32
    %broadcast_in_dim3A_34 = vector.broadcast %jit3A_33 : i32 to vector<256x8xi32>
    %select_n3A = arith.select %eq3A_32, %iota3A, %broadcast_in_dim3A_34 : vector<256x8xi1>, vector<256x8xi32>
    %reduce_min3A = arith.constant dense<2147483647> : vector<256xi32>
    %reduce_min3A_35 = vector.multi_reduction <minsi>, %select_n3A, %reduce_min3A [1] : vector<256x8xi32> to vector<256xi32>
    %broadcast_in_dim3A_36 = vector.shape_cast %reduce_min3A_35 : vector<256xi32> to vector<256x1xi32>
    %eq3A_37 = vector.broadcast %broadcast_in_dim3A_36 : vector<256x1xi32> to vector<256x8xi32>
    %eq3A_38 = arith.cmpi eq, %iota3A, %eq3A_37 : vector<256x8xi32>
    %jit3A_39 = arith.constant -1.000000e+00 : f32
    %broadcast_in_dim3A_40 = vector.broadcast %jit3A_39 : f32 to vector<256x8xf32>
    %select_n3A_41 = arith.select %eq3A_38, %broadcast_in_dim3A_40, %div3A_28 : vector<256x8xi1>, vector<256x8xf32>
    %reduce_max3A_42 = arith.constant dense<0xFF800000> : vector<256xf32>
    %reduce_max3A_43 = vector.multi_reduction <maximumf>, %select_n3A_41, %reduce_max3A_42 [1] : vector<256x8xf32> to vector<256xf32>
    %broadcast_in_dim3A_44 = vector.shape_cast %reduce_max3A_43 : vector<256xf32> to vector<256x1xf32>
    %eq3A_45 = vector.broadcast %broadcast_in_dim3A_44 : vector<256x1xf32> to vector<256x8xf32>
    %eq3A_46 = arith.cmpf oeq, %select_n3A_41, %eq3A_45 : vector<256x8xf32>
    %jit3A_47 = arith.constant 8 : i32
    %broadcast_in_dim3A_48 = vector.broadcast %jit3A_47 : i32 to vector<256x8xi32>
    %select_n3A_49 = arith.select %eq3A_46, %iota3A, %broadcast_in_dim3A_48 : vector<256x8xi1>, vector<256x8xi32>
    %reduce_min3A_50 = arith.constant dense<2147483647> : vector<256xi32>
    %reduce_min3A_51 = vector.multi_reduction <minsi>, %select_n3A_49, %reduce_min3A_50 [1] : vector<256x8xi32> to vector<256xi32>
    %broadcast_in_dim3A_52 = vector.shape_cast %reduce_min3A_51 : vector<256xi32> to vector<256x1xi32>
    %add3A = arith.addf %broadcast_in_dim3A_31, %broadcast_in_dim3A_44 : vector<256x1xf32>
    %div3A_53 = arith.divf %broadcast_in_dim3A_31, %add3A : vector<256x1xf32>
    %swap3A = arith.constant 0 : index
    %swap3A_54 = arith.constant 0 : index
    %swap3A_55 = vector.load %arg6[%swap3A, %swap3A_54] : memref<256x1xf32, #tpu.memory_space<vmem>>, vector<256x1xf32>
    tpu.vector_store %arg6[%swap3A, %swap3A_54], %div3A_53 {strides = array<i32>} : memref<256x1xf32, #tpu.memory_space<vmem>>, vector<256x1xf32>,
    %div3A_56 = arith.divf %broadcast_in_dim3A_44, %add3A : vector<256x1xf32>
    %swap3A_57 = arith.constant 0 : index
    %swap3A_58 = arith.constant 0 : index
    %swap3A_59 = vector.load %arg7[%swap3A_57, %swap3A_58] : memref<256x1xf32, #tpu.memory_space<vmem>>, vector<256x1xf32>
    tpu.vector_store %arg7[%swap3A_57, %swap3A_58], %div3A_56 {strides = array<i32>} : memref<256x1xf32, #tpu.memory_space<vmem>>, vector<256x1xf32>,
    %swap3A_60 = arith.constant 0 : index
    %swap3A_61 = arith.constant 0 : index
    %swap3A_62 = vector.load %arg4[%swap3A_60, %swap3A_61] : memref<256x1xi32, #tpu.memory_space<vmem>>, vector<256x1xi32>
    tpu.vector_store %arg4[%swap3A_60, %swap3A_61], %broadcast_in_dim3A_36 {strides = array<i32>} : memref<256x1xi32, #tpu.memory_space<vmem>>, vector<256x1xi32>,
    %swap3A_63 = arith.constant 0 : index
    %swap3A_64 = arith.constant 0 : index
    %swap3A_65 = vector.load %arg5[%swap3A_63, %swap3A_64] : memref<256x1xi32, #tpu.memory_space<vmem>>, vector<256x1xi32>
    tpu.vector_store %arg5[%swap3A_63, %swap3A_64], %broadcast_in_dim3A_52 {strides = array<i32>} : memref<256x1xi32, #tpu.memory_space<vmem>>, vector<256x1xi32>,
    %abs3A_66 = math.absf %get3A_1 : vector<256x768xf32>
    %reduce_max3A_67 = arith.constant dense<0xFF800000> : vector<256xf32>
    %reduce_max3A_68 = vector.multi_reduction <maximumf>, %abs3A_66, %reduce_max3A_67 [1] : vector<256x768xf32> to vector<256xf32>
    %broadcast_in_dim3A_69 = vector.shape_cast %reduce_max3A_68 : vector<256xf32> to vector<256x1xf32>
    %jit3A_70 = arith.constant 9.99999974E-6 : f32
    %max3A_71 = vector.broadcast %jit3A_70 : f32 to vector<256x1xf32>
    %max3A_72 = arith.maximumf %max3A_71, %broadcast_in_dim3A_69 : vector<256x1xf32>
    %div3A_73 = arith.constant 7.000000e+00 : f32
    %div3A_74 = vector.broadcast %div3A_73 : f32 to vector<256x1xf32>
    %div3A_75 = arith.divf %div3A_74, %max3A_72 : vector<256x1xf32>
    %mul3A_76 = vector.broadcast %div3A_75 : vector<256x1xf32> to vector<256x768xf32>
    %mul3A_77 = arith.mulf %get3A_1, %mul3A_76 : vector<256x768xf32>
    %round3A_78 = math.roundeven %mul3A_77 : vector<256x768xf32>
    %jit3A_79 = arith.constant -8 : i32
    %jit3A_80 = arith.constant 7 : i32
    %convert_element_type3A_81 = arith.sitofp %jit3A_79 : i32 to f32
    %max3A_82 = vector.broadcast %convert_element_type3A_81 : f32 to vector<256x768xf32>
    %max3A_83 = arith.maximumf %max3A_82, %round3A_78 : vector<256x768xf32>
    %convert_element_type3A_84 = arith.sitofp %jit3A_80 : i32 to f32
    %min3A_85 = vector.broadcast %convert_element_type3A_84 : f32 to vector<256x768xf32>
    %min3A_86 = arith.minimumf %min3A_85, %max3A_83 : vector<256x768xf32>
    %div3A_87 = vector.broadcast %div3A_75 : vector<256x1xf32> to vector<256x768xf32>
    %div3A_88 = arith.divf %min3A_86, %div3A_87 : vector<256x768xf32>
    %swap3A_89 = arith.constant 0 : index
    %swap3A_90 = arith.constant 0 : index
    %swap3A_91 = vector.load %arg3[%swap3A_89, %swap3A_90] : memref<256x768xf32, #tpu.memory_space<vmem>>, vector<256x768xf32>
    tpu.vector_store %arg3[%swap3A_89, %swap3A_90], %div3A_88 {strides = array<i32>} : memref<256x768xf32, #tpu.memory_space<vmem>>, vector<256x768xf32>,
    return
  }
  func.func @transform_0(%arg0: i32) -> (i32, i32) {
    %c0_i32 = arith.constant 0 : i32
    %c0_i32_0 = arith.constant 0 : i32
    return %arg0, %c0_i32 : i32, i32
  }
  func.func @transform_1(%arg0: i32) -> (i32, i32) {
    %c0_i32 = arith.constant 0 : i32
    %c0_i32_0 = arith.constant 0 : i32
    %c0_i32_1 = arith.constant 0 : i32
    return %c0_i32, %c0_i32_0 : i32, i32
  }
  func.func @transform_2(%arg0: i32) -> (i32, i32) {
    %c0_i32 = arith.constant 0 : i32
    %c0_i32_0 = arith.constant 0 : i32
    return %arg0, %c0_i32 : i32, i32
  }
  func.func @transform_3(%arg0: i32) -> (i32, i32) {
    %c0_i32 = arith.constant 0 : i32
    %c0_i32_0 = arith.constant 0 : i32
    return %arg0, %c0_i32 : i32, i32
  }
  func.func @transform_4(%arg0: i32) -> (i32, i32) {
    %c0_i32 = arith.constant 0 : i32
    %c0_i32_0 = arith.constant 0 : i32
    return %arg0, %c0_i32 : i32, i32
  }
  func.func @transform_5(%arg0: i32) -> (i32, i32) {
    %c0_i32 = arith.constant 0 : i32
    %c0_i32_0 = arith.constant 0 : i32
    return %arg0, %c0_i32 : i32, i32
  }
  func.func @transform_6(%arg0: i32) -> (i32, i32) {
    %c0_i32 = arith.constant 0 : i32
    %c0_i32_0 = arith.constant 0 : i32
    return %arg0, %c0_i32 : i32, i32
  }
}

module attributes {stable_mosaic.version = 14 : i64} {
  func.func @_k2_body(%arg0: memref<2048x1xi32, #tpu.memory_space<vmem>>, %arg1: memref<2048x1xi32, #tpu.memory_space<vmem>>, %arg2: memref<4096x1xi32, #tpu.memory_space<vmem>>, %arg3: memref<40x1xi32, #tpu.memory_space<vmem>>) attributes {dimension_semantics = [], scalar_prefetch = 0 : i64, scratch_operands = 0 : i64, tpu.core_type = #tpu.core_type<tc>} {
    %iota3A = tpu.iota {dimensions = array<i32: 1>} : vector<128x8xi32>
    %convert_element_type3A = arith.sitofp %iota3A : vector<128x8xi32> to vector<128x8xf32>
    %iota3A_0 = tpu.iota {dimensions = array<i32: 0>} : vector<128x128xi32>
    %iota3A_1 = tpu.iota {dimensions = array<i32: 1>} : vector<128x128xi32>
    %gt3A = arith.cmpi sgt, %iota3A_0, %iota3A_1 : vector<128x128xi32>
    %convert_element_type3A_2 = arith.extui %gt3A : vector<128x128xi1> to vector<128x128xi32>
    %convert_element_type3A_3 = arith.sitofp %convert_element_type3A_2 : vector<128x128xi32> to vector<128x128xf32>
    %broadcast_in_dim3A = arith.constant 0.000000e+00 : f32
    %broadcast_in_dim3A_4 = vector.broadcast %broadcast_in_dim3A : f32 to vector<1x8xf32>
    %get3A = arith.constant 0 : index
    %get3A_5 = arith.constant 0 : index
    %get3A_6 = vector.load %arg0[%get3A, %get3A_5] : memref<2048x1xi32, #tpu.memory_space<vmem>>, vector<128x1xi32>
    %convert_element_type3A_7 = arith.sitofp %get3A_6 : vector<128x1xi32> to vector<128x1xf32>
    %eq3A = vector.broadcast %convert_element_type3A_7 : vector<128x1xf32> to vector<128x8xf32>
    %eq3A_8 = arith.cmpf oeq, %eq3A, %convert_element_type3A : vector<128x8xf32>
    %convert_element_type3A_9 = arith.extui %eq3A_8 : vector<128x8xi1> to vector<128x8xi32>
    %convert_element_type3A_10 = arith.sitofp %convert_element_type3A_9 : vector<128x8xi32> to vector<128x8xf32>
    %dot_general3A = arith.constant dense<0.000000e+00> : vector<128x8xf32>
    %dot_general3A_11 = tpu.matmul %convert_element_type3A_3, %convert_element_type3A_10, %dot_general3A {dimension_numbers = #tpu.dot_dimension_numbers<[1], [0], [0], [1], [0, 0, 1, 1], [], []>, transpose_lhs_hint = false} : vector<128x128xf32>, vector<128x8xf32>, vector<128x8xf32> -> vector<128x8xf32>
    %mul3A = arith.mulf %dot_general3A_11, %convert_element_type3A_10 : vector<128x8xf32>
    %reduce_sum3A = arith.constant dense<0.000000e+00> : vector<128xf32>
    %reduce_sum3A_12 = vector.multi_reduction <add>, %mul3A, %reduce_sum3A [1] : vector<128x8xf32> to vector<128xf32>
    %broadcast_in_dim3A_13 = vector.shape_cast %reduce_sum3A_12 : vector<128xf32> to vector<128x1xf32>
    %mul3A_14 = vector.broadcast %broadcast_in_dim3A_4 : vector<1x8xf32> to vector<128x8xf32>
    %mul3A_15 = arith.mulf %convert_element_type3A_10, %mul3A_14 : vector<128x8xf32>
    %reduce_sum3A_16 = arith.constant dense<0.000000e+00> : vector<128xf32>
    %reduce_sum3A_17 = vector.multi_reduction <add>, %mul3A_15, %reduce_sum3A_16 [1] : vector<128x8xf32> to vector<128xf32>
    %broadcast_in_dim3A_18 = vector.shape_cast %reduce_sum3A_17 : vector<128xf32> to vector<128x1xf32>
    %add3A = arith.addf %broadcast_in_dim3A_13, %broadcast_in_dim3A_18 : vector<128x1xf32>
    %convert_element_type3A_19 = arith.fptosi %add3A : vector<128x1xf32> to vector<128x1xi32>
    %swap3A = arith.constant 0 : index
    %swap3A_20 = arith.constant 0 : index
    %swap3A_21 = vector.load %arg2[%swap3A, %swap3A_20] : memref<4096x1xi32, #tpu.memory_space<vmem>>, vector<128x1xi32>
    tpu.vector_store %arg2[%swap3A, %swap3A_20], %convert_element_type3A_19 {strides = array<i32>} : memref<4096x1xi32, #tpu.memory_space<vmem>>, vector<128x1xi32>,
    %reduce_sum3A_22 = arith.constant dense<0.000000e+00> : vector<8xf32>
    %reduce_sum3A_23 = vector.multi_reduction <add>, %convert_element_type3A_10, %reduce_sum3A_22 [0] : vector<128x8xf32> to vector<8xf32>
    %broadcast_in_dim3A_24 = vector.shape_cast %reduce_sum3A_23 : vector<8xf32> to vector<1x8xf32>
    %add3A_25 = arith.addf %broadcast_in_dim3A_4, %broadcast_in_dim3A_24 : vector<1x8xf32>
    %get3A_26 = arith.constant 128 : index
    %get3A_27 = arith.constant 0 : index
    %get3A_28 = vector.load %arg0[%get3A_26, %get3A_27] : memref<2048x1xi32, #tpu.memory_space<vmem>>, vector<128x1xi32>
    %convert_element_type3A_29 = arith.sitofp %get3A_28 : vector<128x1xi32> to vector<128x1xf32>
    %eq3A_30 = vector.broadcast %convert_element_type3A_29 : vector<128x1xf32> to vector<128x8xf32>
    %eq3A_31 = arith.cmpf oeq, %eq3A_30, %convert_element_type3A : vector<128x8xf32>
    %convert_element_type3A_32 = arith.extui %eq3A_31 : vector<128x8xi1> to vector<128x8xi32>
    %convert_element_type3A_33 = arith.sitofp %convert_element_type3A_32 : vector<128x8xi32> to vector<128x8xf32>
    %dot_general3A_34 = arith.constant dense<0.000000e+00> : vector<128x8xf32>
    %dot_general3A_35 = tpu.matmul %convert_element_type3A_3, %convert_element_type3A_33, %dot_general3A_34 {dimension_numbers = #tpu.dot_dimension_numbers<[1], [0], [0], [1], [0, 0, 1, 1], [], []>, transpose_lhs_hint = false} : vector<128x128xf32>, vector<128x8xf32>, vector<128x8xf32> -> vector<128x8xf32>
    %mul3A_36 = arith.mulf %dot_general3A_35, %convert_element_type3A_33 : vector<128x8xf32>
    %reduce_sum3A_37 = arith.constant dense<0.000000e+00> : vector<128xf32>
    %reduce_sum3A_38 = vector.multi_reduction <add>, %mul3A_36, %reduce_sum3A_37 [1] : vector<128x8xf32> to vector<128xf32>
    %broadcast_in_dim3A_39 = vector.shape_cast %reduce_sum3A_38 : vector<128xf32> to vector<128x1xf32>
    %mul3A_40 = vector.broadcast %add3A_25 : vector<1x8xf32> to vector<128x8xf32>
    %mul3A_41 = arith.mulf %convert_element_type3A_33, %mul3A_40 : vector<128x8xf32>
    %reduce_sum3A_42 = arith.constant dense<0.000000e+00> : vector<128xf32>
    %reduce_sum3A_43 = vector.multi_reduction <add>, %mul3A_41, %reduce_sum3A_42 [1] : vector<128x8xf32> to vector<128xf32>
    %broadcast_in_dim3A_44 = vector.shape_cast %reduce_sum3A_43 : vector<128xf32> to vector<128x1xf32>
    %add3A_45 = arith.addf %broadcast_in_dim3A_39, %broadcast_in_dim3A_44 : vector<128x1xf32>
    %convert_element_type3A_46 = arith.fptosi %add3A_45 : vector<128x1xf32> to vector<128x1xi32>
    %swap3A_47 = arith.constant 128 : index
    %swap3A_48 = arith.constant 0 : index
    %swap3A_49 = vector.load %arg2[%swap3A_47, %swap3A_48] : memref<4096x1xi32, #tpu.memory_space<vmem>>, vector<128x1xi32>
    tpu.vector_store %arg2[%swap3A_47, %swap3A_48], %convert_element_type3A_46 {strides = array<i32>} : memref<4096x1xi32, #tpu.memory_space<vmem>>, vector<128x1xi32>,
    %reduce_sum3A_50 = arith.constant dense<0.000000e+00> : vector<8xf32>
    %reduce_sum3A_51 = vector.multi_reduction <add>, %convert_element_type3A_33, %reduce_sum3A_50 [0] : vector<128x8xf32> to vector<8xf32>
    %broadcast_in_dim3A_52 = vector.shape_cast %reduce_sum3A_51 : vector<8xf32> to vector<1x8xf32>
    %add3A_53 = arith.addf %add3A_25, %broadcast_in_dim3A_52 : vector<1x8xf32>
    %get3A_54 = arith.constant 256 : index
    %get3A_55 = arith.constant 0 : index
    %get3A_56 = vector.load %arg0[%get3A_54, %get3A_55] : memref<2048x1xi32, #tpu.memory_space<vmem>>, vector<128x1xi32>
    %convert_element_type3A_57 = arith.sitofp %get3A_56 : vector<128x1xi32> to vector<128x1xf32>
    %eq3A_58 = vector.broadcast %convert_element_type3A_57 : vector<128x1xf32> to vector<128x8xf32>
    %eq3A_59 = arith.cmpf oeq, %eq3A_58, %convert_element_type3A : vector<128x8xf32>
    %convert_element_type3A_60 = arith.extui %eq3A_59 : vector<128x8xi1> to vector<128x8xi32>
    %convert_element_type3A_61 = arith.sitofp %convert_element_type3A_60 : vector<128x8xi32> to vector<128x8xf32>
    %dot_general3A_62 = arith.constant dense<0.000000e+00> : vector<128x8xf32>
    %dot_general3A_63 = tpu.matmul %convert_element_type3A_3, %convert_element_type3A_61, %dot_general3A_62 {dimension_numbers = #tpu.dot_dimension_numbers<[1], [0], [0], [1], [0, 0, 1, 1], [], []>, transpose_lhs_hint = false} : vector<128x128xf32>, vector<128x8xf32>, vector<128x8xf32> -> vector<128x8xf32>
    %mul3A_64 = arith.mulf %dot_general3A_63, %convert_element_type3A_61 : vector<128x8xf32>
    %reduce_sum3A_65 = arith.constant dense<0.000000e+00> : vector<128xf32>
    %reduce_sum3A_66 = vector.multi_reduction <add>, %mul3A_64, %reduce_sum3A_65 [1] : vector<128x8xf32> to vector<128xf32>
    %broadcast_in_dim3A_67 = vector.shape_cast %reduce_sum3A_66 : vector<128xf32> to vector<128x1xf32>
    %mul3A_68 = vector.broadcast %add3A_53 : vector<1x8xf32> to vector<128x8xf32>
    %mul3A_69 = arith.mulf %convert_element_type3A_61, %mul3A_68 : vector<128x8xf32>
    %reduce_sum3A_70 = arith.constant dense<0.000000e+00> : vector<128xf32>
    %reduce_sum3A_71 = vector.multi_reduction <add>, %mul3A_69, %reduce_sum3A_70 [1] : vector<128x8xf32> to vector<128xf32>
    %broadcast_in_dim3A_72 = vector.shape_cast %reduce_sum3A_71 : vector<128xf32> to vector<128x1xf32>
    %add3A_73 = arith.addf %broadcast_in_dim3A_67, %broadcast_in_dim3A_72 : vector<128x1xf32>
    %convert_element_type3A_74 = arith.fptosi %add3A_73 : vector<128x1xf32> to vector<128x1xi32>
    %swap3A_75 = arith.constant 256 : index
    %swap3A_76 = arith.constant 0 : index
    %swap3A_77 = vector.load %arg2[%swap3A_75, %swap3A_76] : memref<4096x1xi32, #tpu.memory_space<vmem>>, vector<128x1xi32>
    tpu.vector_store %arg2[%swap3A_75, %swap3A_76], %convert_element_type3A_74 {strides = array<i32>} : memref<4096x1xi32, #tpu.memory_space<vmem>>, vector<128x1xi32>,
    %reduce_sum3A_78 = arith.constant dense<0.000000e+00> : vector<8xf32>
    %reduce_sum3A_79 = vector.multi_reduction <add>, %convert_element_type3A_61, %reduce_sum3A_78 [0] : vector<128x8xf32> to vector<8xf32>
    %broadcast_in_dim3A_80 = vector.shape_cast %reduce_sum3A_79 : vector<8xf32> to vector<1x8xf32>
    %add3A_81 = arith.addf %add3A_53, %broadcast_in_dim3A_80 : vector<1x8xf32>
    %get3A_82 = arith.constant 384 : index
    %get3A_83 = arith.constant 0 : index
    %get3A_84 = vector.load %arg0[%get3A_82, %get3A_83] : memref<2048x1xi32, #tpu.memory_space<vmem>>, vector<128x1xi32>
    %convert_element_type3A_85 = arith.sitofp %get3A_84 : vector<128x1xi32> to vector<128x1xf32>
    %eq3A_86 = vector.broadcast %convert_element_type3A_85 : vector<128x1xf32> to vector<128x8xf32>
    %eq3A_87 = arith.cmpf oeq, %eq3A_86, %convert_element_type3A : vector<128x8xf32>
    %convert_element_type3A_88 = arith.extui %eq3A_87 : vector<128x8xi1> to vector<128x8xi32>
    %convert_element_type3A_89 = arith.sitofp %convert_element_type3A_88 : vector<128x8xi32> to vector<128x8xf32>
    %dot_general3A_90 = arith.constant dense<0.000000e+00> : vector<128x8xf32>
    %dot_general3A_91 = tpu.matmul %convert_element_type3A_3, %convert_element_type3A_89, %dot_general3A_90 {dimension_numbers = #tpu.dot_dimension_numbers<[1], [0], [0], [1], [0, 0, 1, 1], [], []>, transpose_lhs_hint = false} : vector<128x128xf32>, vector<128x8xf32>, vector<128x8xf32> -> vector<128x8xf32>
    %mul3A_92 = arith.mulf %dot_general3A_91, %convert_element_type3A_89 : vector<128x8xf32>
    %reduce_sum3A_93 = arith.constant dense<0.000000e+00> : vector<128xf32>
    %reduce_sum3A_94 = vector.multi_reduction <add>, %mul3A_92, %reduce_sum3A_93 [1] : vector<128x8xf32> to vector<128xf32>
    %broadcast_in_dim3A_95 = vector.shape_cast %reduce_sum3A_94 : vector<128xf32> to vector<128x1xf32>
    %mul3A_96 = vector.broadcast %add3A_81 : vector<1x8xf32> to vector<128x8xf32>
    %mul3A_97 = arith.mulf %convert_element_type3A_89, %mul3A_96 : vector<128x8xf32>
    %reduce_sum3A_98 = arith.constant dense<0.000000e+00> : vector<128xf32>
    %reduce_sum3A_99 = vector.multi_reduction <add>, %mul3A_97, %reduce_sum3A_98 [1] : vector<128x8xf32> to vector<128xf32>
    %broadcast_in_dim3A_100 = vector.shape_cast %reduce_sum3A_99 : vector<128xf32> to vector<128x1xf32>
    %add3A_101 = arith.addf %broadcast_in_dim3A_95, %broadcast_in_dim3A_100 : vector<128x1xf32>
    %convert_element_type3A_102 = arith.fptosi %add3A_101 : vector<128x1xf32> to vector<128x1xi32>
    %swap3A_103 = arith.constant 384 : index
    %swap3A_104 = arith.constant 0 : index
    %swap3A_105 = vector.load %arg2[%swap3A_103, %swap3A_104] : memref<4096x1xi32, #tpu.memory_space<vmem>>, vector<128x1xi32>
    tpu.vector_store %arg2[%swap3A_103, %swap3A_104], %convert_element_type3A_102 {strides = array<i32>} : memref<4096x1xi32, #tpu.memory_space<vmem>>, vector<128x1xi32>,
    %reduce_sum3A_106 = arith.constant dense<0.000000e+00> : vector<8xf32>
    %reduce_sum3A_107 = vector.multi_reduction <add>, %convert_element_type3A_89, %reduce_sum3A_106 [0] : vector<128x8xf32> to vector<8xf32>
    %broadcast_in_dim3A_108 = vector.shape_cast %reduce_sum3A_107 : vector<8xf32> to vector<1x8xf32>
    %add3A_109 = arith.addf %add3A_81, %broadcast_in_dim3A_108 : vector<1x8xf32>
    %get3A_110 = arith.constant 512 : index
    %get3A_111 = arith.constant 0 : index
    %get3A_112 = vector.load %arg0[%get3A_110, %get3A_111] : memref<2048x1xi32, #tpu.memory_space<vmem>>, vector<128x1xi32>
    %convert_element_type3A_113 = arith.sitofp %get3A_112 : vector<128x1xi32> to vector<128x1xf32>
    %eq3A_114 = vector.broadcast %convert_element_type3A_113 : vector<128x1xf32> to vector<128x8xf32>
    %eq3A_115 = arith.cmpf oeq, %eq3A_114, %convert_element_type3A : vector<128x8xf32>
    %convert_element_type3A_116 = arith.extui %eq3A_115 : vector<128x8xi1> to vector<128x8xi32>
    %convert_element_type3A_117 = arith.sitofp %convert_element_type3A_116 : vector<128x8xi32> to vector<128x8xf32>
    %dot_general3A_118 = arith.constant dense<0.000000e+00> : vector<128x8xf32>
    %dot_general3A_119 = tpu.matmul %convert_element_type3A_3, %convert_element_type3A_117, %dot_general3A_118 {dimension_numbers = #tpu.dot_dimension_numbers<[1], [0], [0], [1], [0, 0, 1, 1], [], []>, transpose_lhs_hint = false} : vector<128x128xf32>, vector<128x8xf32>, vector<128x8xf32> -> vector<128x8xf32>
    %mul3A_120 = arith.mulf %dot_general3A_119, %convert_element_type3A_117 : vector<128x8xf32>
    %reduce_sum3A_121 = arith.constant dense<0.000000e+00> : vector<128xf32>
    %reduce_sum3A_122 = vector.multi_reduction <add>, %mul3A_120, %reduce_sum3A_121 [1] : vector<128x8xf32> to vector<128xf32>
    %broadcast_in_dim3A_123 = vector.shape_cast %reduce_sum3A_122 : vector<128xf32> to vector<128x1xf32>
    %mul3A_124 = vector.broadcast %add3A_109 : vector<1x8xf32> to vector<128x8xf32>
    %mul3A_125 = arith.mulf %convert_element_type3A_117, %mul3A_124 : vector<128x8xf32>
    %reduce_sum3A_126 = arith.constant dense<0.000000e+00> : vector<128xf32>
    %reduce_sum3A_127 = vector.multi_reduction <add>, %mul3A_125, %reduce_sum3A_126 [1] : vector<128x8xf32> to vector<128xf32>
    %broadcast_in_dim3A_128 = vector.shape_cast %reduce_sum3A_127 : vector<128xf32> to vector<128x1xf32>
    %add3A_129 = arith.addf %broadcast_in_dim3A_123, %broadcast_in_dim3A_128 : vector<128x1xf32>
    %convert_element_type3A_130 = arith.fptosi %add3A_129 : vector<128x1xf32> to vector<128x1xi32>
    %swap3A_131 = arith.constant 512 : index
    %swap3A_132 = arith.constant 0 : index
    %swap3A_133 = vector.load %arg2[%swap3A_131, %swap3A_132] : memref<4096x1xi32, #tpu.memory_space<vmem>>, vector<128x1xi32>
    tpu.vector_store %arg2[%swap3A_131, %swap3A_132], %convert_element_type3A_130 {strides = array<i32>} : memref<4096x1xi32, #tpu.memory_space<vmem>>, vector<128x1xi32>,
    %reduce_sum3A_134 = arith.constant dense<0.000000e+00> : vector<8xf32>
    %reduce_sum3A_135 = vector.multi_reduction <add>, %convert_element_type3A_117, %reduce_sum3A_134 [0] : vector<128x8xf32> to vector<8xf32>
    %broadcast_in_dim3A_136 = vector.shape_cast %reduce_sum3A_135 : vector<8xf32> to vector<1x8xf32>
    %add3A_137 = arith.addf %add3A_109, %broadcast_in_dim3A_136 : vector<1x8xf32>
    %get3A_138 = arith.constant 640 : index
    %get3A_139 = arith.constant 0 : index
    %get3A_140 = vector.load %arg0[%get3A_138, %get3A_139] : memref<2048x1xi32, #tpu.memory_space<vmem>>, vector<128x1xi32>
    %convert_element_type3A_141 = arith.sitofp %get3A_140 : vector<128x1xi32> to vector<128x1xf32>
    %eq3A_142 = vector.broadcast %convert_element_type3A_141 : vector<128x1xf32> to vector<128x8xf32>
    %eq3A_143 = arith.cmpf oeq, %eq3A_142, %convert_element_type3A : vector<128x8xf32>
    %convert_element_type3A_144 = arith.extui %eq3A_143 : vector<128x8xi1> to vector<128x8xi32>
    %convert_element_type3A_145 = arith.sitofp %convert_element_type3A_144 : vector<128x8xi32> to vector<128x8xf32>
    %dot_general3A_146 = arith.constant dense<0.000000e+00> : vector<128x8xf32>
    %dot_general3A_147 = tpu.matmul %convert_element_type3A_3, %convert_element_type3A_145, %dot_general3A_146 {dimension_numbers = #tpu.dot_dimension_numbers<[1], [0], [0], [1], [0, 0, 1, 1], [], []>, transpose_lhs_hint = false} : vector<128x128xf32>, vector<128x8xf32>, vector<128x8xf32> -> vector<128x8xf32>
    %mul3A_148 = arith.mulf %dot_general3A_147, %convert_element_type3A_145 : vector<128x8xf32>
    %reduce_sum3A_149 = arith.constant dense<0.000000e+00> : vector<128xf32>
    %reduce_sum3A_150 = vector.multi_reduction <add>, %mul3A_148, %reduce_sum3A_149 [1] : vector<128x8xf32> to vector<128xf32>
    %broadcast_in_dim3A_151 = vector.shape_cast %reduce_sum3A_150 : vector<128xf32> to vector<128x1xf32>
    %mul3A_152 = vector.broadcast %add3A_137 : vector<1x8xf32> to vector<128x8xf32>
    %mul3A_153 = arith.mulf %convert_element_type3A_145, %mul3A_152 : vector<128x8xf32>
    %reduce_sum3A_154 = arith.constant dense<0.000000e+00> : vector<128xf32>
    %reduce_sum3A_155 = vector.multi_reduction <add>, %mul3A_153, %reduce_sum3A_154 [1] : vector<128x8xf32> to vector<128xf32>
    %broadcast_in_dim3A_156 = vector.shape_cast %reduce_sum3A_155 : vector<128xf32> to vector<128x1xf32>
    %add3A_157 = arith.addf %broadcast_in_dim3A_151, %broadcast_in_dim3A_156 : vector<128x1xf32>
    %convert_element_type3A_158 = arith.fptosi %add3A_157 : vector<128x1xf32> to vector<128x1xi32>
    %swap3A_159 = arith.constant 640 : index
    %swap3A_160 = arith.constant 0 : index
    %swap3A_161 = vector.load %arg2[%swap3A_159, %swap3A_160] : memref<4096x1xi32, #tpu.memory_space<vmem>>, vector<128x1xi32>
    tpu.vector_store %arg2[%swap3A_159, %swap3A_160], %convert_element_type3A_158 {strides = array<i32>} : memref<4096x1xi32, #tpu.memory_space<vmem>>, vector<128x1xi32>,
    %reduce_sum3A_162 = arith.constant dense<0.000000e+00> : vector<8xf32>
    %reduce_sum3A_163 = vector.multi_reduction <add>, %convert_element_type3A_145, %reduce_sum3A_162 [0] : vector<128x8xf32> to vector<8xf32>
    %broadcast_in_dim3A_164 = vector.shape_cast %reduce_sum3A_163 : vector<8xf32> to vector<1x8xf32>
    %add3A_165 = arith.addf %add3A_137, %broadcast_in_dim3A_164 : vector<1x8xf32>
    %get3A_166 = arith.constant 768 : index
    %get3A_167 = arith.constant 0 : index
    %get3A_168 = vector.load %arg0[%get3A_166, %get3A_167] : memref<2048x1xi32, #tpu.memory_space<vmem>>, vector<128x1xi32>
    %convert_element_type3A_169 = arith.sitofp %get3A_168 : vector<128x1xi32> to vector<128x1xf32>
    %eq3A_170 = vector.broadcast %convert_element_type3A_169 : vector<128x1xf32> to vector<128x8xf32>
    %eq3A_171 = arith.cmpf oeq, %eq3A_170, %convert_element_type3A : vector<128x8xf32>
    %convert_element_type3A_172 = arith.extui %eq3A_171 : vector<128x8xi1> to vector<128x8xi32>
    %convert_element_type3A_173 = arith.sitofp %convert_element_type3A_172 : vector<128x8xi32> to vector<128x8xf32>
    %dot_general3A_174 = arith.constant dense<0.000000e+00> : vector<128x8xf32>
    %dot_general3A_175 = tpu.matmul %convert_element_type3A_3, %convert_element_type3A_173, %dot_general3A_174 {dimension_numbers = #tpu.dot_dimension_numbers<[1], [0], [0], [1], [0, 0, 1, 1], [], []>, transpose_lhs_hint = false} : vector<128x128xf32>, vector<128x8xf32>, vector<128x8xf32> -> vector<128x8xf32>
    %mul3A_176 = arith.mulf %dot_general3A_175, %convert_element_type3A_173 : vector<128x8xf32>
    %reduce_sum3A_177 = arith.constant dense<0.000000e+00> : vector<128xf32>
    %reduce_sum3A_178 = vector.multi_reduction <add>, %mul3A_176, %reduce_sum3A_177 [1] : vector<128x8xf32> to vector<128xf32>
    %broadcast_in_dim3A_179 = vector.shape_cast %reduce_sum3A_178 : vector<128xf32> to vector<128x1xf32>
    %mul3A_180 = vector.broadcast %add3A_165 : vector<1x8xf32> to vector<128x8xf32>
    %mul3A_181 = arith.mulf %convert_element_type3A_173, %mul3A_180 : vector<128x8xf32>
    %reduce_sum3A_182 = arith.constant dense<0.000000e+00> : vector<128xf32>
    %reduce_sum3A_183 = vector.multi_reduction <add>, %mul3A_181, %reduce_sum3A_182 [1] : vector<128x8xf32> to vector<128xf32>
    %broadcast_in_dim3A_184 = vector.shape_cast %reduce_sum3A_183 : vector<128xf32> to vector<128x1xf32>
    %add3A_185 = arith.addf %broadcast_in_dim3A_179, %broadcast_in_dim3A_184 : vector<128x1xf32>
    %convert_element_type3A_186 = arith.fptosi %add3A_185 : vector<128x1xf32> to vector<128x1xi32>
    %swap3A_187 = arith.constant 768 : index
    %swap3A_188 = arith.constant 0 : index
    %swap3A_189 = vector.load %arg2[%swap3A_187, %swap3A_188] : memref<4096x1xi32, #tpu.memory_space<vmem>>, vector<128x1xi32>
    tpu.vector_store %arg2[%swap3A_187, %swap3A_188], %convert_element_type3A_186 {strides = array<i32>} : memref<4096x1xi32, #tpu.memory_space<vmem>>, vector<128x1xi32>,
    %reduce_sum3A_190 = arith.constant dense<0.000000e+00> : vector<8xf32>
    %reduce_sum3A_191 = vector.multi_reduction <add>, %convert_element_type3A_173, %reduce_sum3A_190 [0] : vector<128x8xf32> to vector<8xf32>
    %broadcast_in_dim3A_192 = vector.shape_cast %reduce_sum3A_191 : vector<8xf32> to vector<1x8xf32>
    %add3A_193 = arith.addf %add3A_165, %broadcast_in_dim3A_192 : vector<1x8xf32>
    %get3A_194 = arith.constant 896 : index
    %get3A_195 = arith.constant 0 : index
    %get3A_196 = vector.load %arg0[%get3A_194, %get3A_195] : memref<2048x1xi32, #tpu.memory_space<vmem>>, vector<128x1xi32>
    %convert_element_type3A_197 = arith.sitofp %get3A_196 : vector<128x1xi32> to vector<128x1xf32>
    %eq3A_198 = vector.broadcast %convert_element_type3A_197 : vector<128x1xf32> to vector<128x8xf32>
    %eq3A_199 = arith.cmpf oeq, %eq3A_198, %convert_element_type3A : vector<128x8xf32>
    %convert_element_type3A_200 = arith.extui %eq3A_199 : vector<128x8xi1> to vector<128x8xi32>
    %convert_element_type3A_201 = arith.sitofp %convert_element_type3A_200 : vector<128x8xi32> to vector<128x8xf32>
    %dot_general3A_202 = arith.constant dense<0.000000e+00> : vector<128x8xf32>
    %dot_general3A_203 = tpu.matmul %convert_element_type3A_3, %convert_element_type3A_201, %dot_general3A_202 {dimension_numbers = #tpu.dot_dimension_numbers<[1], [0], [0], [1], [0, 0, 1, 1], [], []>, transpose_lhs_hint = false} : vector<128x128xf32>, vector<128x8xf32>, vector<128x8xf32> -> vector<128x8xf32>
    %mul3A_204 = arith.mulf %dot_general3A_203, %convert_element_type3A_201 : vector<128x8xf32>
    %reduce_sum3A_205 = arith.constant dense<0.000000e+00> : vector<128xf32>
    %reduce_sum3A_206 = vector.multi_reduction <add>, %mul3A_204, %reduce_sum3A_205 [1] : vector<128x8xf32> to vector<128xf32>
    %broadcast_in_dim3A_207 = vector.shape_cast %reduce_sum3A_206 : vector<128xf32> to vector<128x1xf32>
    %mul3A_208 = vector.broadcast %add3A_193 : vector<1x8xf32> to vector<128x8xf32>
    %mul3A_209 = arith.mulf %convert_element_type3A_201, %mul3A_208 : vector<128x8xf32>
    %reduce_sum3A_210 = arith.constant dense<0.000000e+00> : vector<128xf32>
    %reduce_sum3A_211 = vector.multi_reduction <add>, %mul3A_209, %reduce_sum3A_210 [1] : vector<128x8xf32> to vector<128xf32>
    %broadcast_in_dim3A_212 = vector.shape_cast %reduce_sum3A_211 : vector<128xf32> to vector<128x1xf32>
    %add3A_213 = arith.addf %broadcast_in_dim3A_207, %broadcast_in_dim3A_212 : vector<128x1xf32>
    %convert_element_type3A_214 = arith.fptosi %add3A_213 : vector<128x1xf32> to vector<128x1xi32>
    %swap3A_215 = arith.constant 896 : index
    %swap3A_216 = arith.constant 0 : index
    %swap3A_217 = vector.load %arg2[%swap3A_215, %swap3A_216] : memref<4096x1xi32, #tpu.memory_space<vmem>>, vector<128x1xi32>
    tpu.vector_store %arg2[%swap3A_215, %swap3A_216], %convert_element_type3A_214 {strides = array<i32>} : memref<4096x1xi32, #tpu.memory_space<vmem>>, vector<128x1xi32>,
    %reduce_sum3A_218 = arith.constant dense<0.000000e+00> : vector<8xf32>
    %reduce_sum3A_219 = vector.multi_reduction <add>, %convert_element_type3A_201, %reduce_sum3A_218 [0] : vector<128x8xf32> to vector<8xf32>
    %broadcast_in_dim3A_220 = vector.shape_cast %reduce_sum3A_219 : vector<8xf32> to vector<1x8xf32>
    %add3A_221 = arith.addf %add3A_193, %broadcast_in_dim3A_220 : vector<1x8xf32>
    %get3A_222 = arith.constant 1024 : index
    %get3A_223 = arith.constant 0 : index
    %get3A_224 = vector.load %arg0[%get3A_222, %get3A_223] : memref<2048x1xi32, #tpu.memory_space<vmem>>, vector<128x1xi32>
    %convert_element_type3A_225 = arith.sitofp %get3A_224 : vector<128x1xi32> to vector<128x1xf32>
    %eq3A_226 = vector.broadcast %convert_element_type3A_225 : vector<128x1xf32> to vector<128x8xf32>
    %eq3A_227 = arith.cmpf oeq, %eq3A_226, %convert_element_type3A : vector<128x8xf32>
    %convert_element_type3A_228 = arith.extui %eq3A_227 : vector<128x8xi1> to vector<128x8xi32>
    %convert_element_type3A_229 = arith.sitofp %convert_element_type3A_228 : vector<128x8xi32> to vector<128x8xf32>
    %dot_general3A_230 = arith.constant dense<0.000000e+00> : vector<128x8xf32>
    %dot_general3A_231 = tpu.matmul %convert_element_type3A_3, %convert_element_type3A_229, %dot_general3A_230 {dimension_numbers = #tpu.dot_dimension_numbers<[1], [0], [0], [1], [0, 0, 1, 1], [], []>, transpose_lhs_hint = false} : vector<128x128xf32>, vector<128x8xf32>, vector<128x8xf32> -> vector<128x8xf32>
    %mul3A_232 = arith.mulf %dot_general3A_231, %convert_element_type3A_229 : vector<128x8xf32>
    %reduce_sum3A_233 = arith.constant dense<0.000000e+00> : vector<128xf32>
    %reduce_sum3A_234 = vector.multi_reduction <add>, %mul3A_232, %reduce_sum3A_233 [1] : vector<128x8xf32> to vector<128xf32>
    %broadcast_in_dim3A_235 = vector.shape_cast %reduce_sum3A_234 : vector<128xf32> to vector<128x1xf32>
    %mul3A_236 = vector.broadcast %add3A_221 : vector<1x8xf32> to vector<128x8xf32>
    %mul3A_237 = arith.mulf %convert_element_type3A_229, %mul3A_236 : vector<128x8xf32>
    %reduce_sum3A_238 = arith.constant dense<0.000000e+00> : vector<128xf32>
    %reduce_sum3A_239 = vector.multi_reduction <add>, %mul3A_237, %reduce_sum3A_238 [1] : vector<128x8xf32> to vector<128xf32>
    %broadcast_in_dim3A_240 = vector.shape_cast %reduce_sum3A_239 : vector<128xf32> to vector<128x1xf32>
    %add3A_241 = arith.addf %broadcast_in_dim3A_235, %broadcast_in_dim3A_240 : vector<128x1xf32>
    %convert_element_type3A_242 = arith.fptosi %add3A_241 : vector<128x1xf32> to vector<128x1xi32>
    %swap3A_243 = arith.constant 1024 : index
    %swap3A_244 = arith.constant 0 : index
    %swap3A_245 = vector.load %arg2[%swap3A_243, %swap3A_244] : memref<4096x1xi32, #tpu.memory_space<vmem>>, vector<128x1xi32>
    tpu.vector_store %arg2[%swap3A_243, %swap3A_244], %convert_element_type3A_242 {strides = array<i32>} : memref<4096x1xi32, #tpu.memory_space<vmem>>, vector<128x1xi32>,
    %reduce_sum3A_246 = arith.constant dense<0.000000e+00> : vector<8xf32>
    %reduce_sum3A_247 = vector.multi_reduction <add>, %convert_element_type3A_229, %reduce_sum3A_246 [0] : vector<128x8xf32> to vector<8xf32>
    %broadcast_in_dim3A_248 = vector.shape_cast %reduce_sum3A_247 : vector<8xf32> to vector<1x8xf32>
    %add3A_249 = arith.addf %add3A_221, %broadcast_in_dim3A_248 : vector<1x8xf32>
    %get3A_250 = arith.constant 1152 : index
    %get3A_251 = arith.constant 0 : index
    %get3A_252 = vector.load %arg0[%get3A_250, %get3A_251] : memref<2048x1xi32, #tpu.memory_space<vmem>>, vector<128x1xi32>
    %convert_element_type3A_253 = arith.sitofp %get3A_252 : vector<128x1xi32> to vector<128x1xf32>
    %eq3A_254 = vector.broadcast %convert_element_type3A_253 : vector<128x1xf32> to vector<128x8xf32>
    %eq3A_255 = arith.cmpf oeq, %eq3A_254, %convert_element_type3A : vector<128x8xf32>
    %convert_element_type3A_256 = arith.extui %eq3A_255 : vector<128x8xi1> to vector<128x8xi32>
    %convert_element_type3A_257 = arith.sitofp %convert_element_type3A_256 : vector<128x8xi32> to vector<128x8xf32>
    %dot_general3A_258 = arith.constant dense<0.000000e+00> : vector<128x8xf32>
    %dot_general3A_259 = tpu.matmul %convert_element_type3A_3, %convert_element_type3A_257, %dot_general3A_258 {dimension_numbers = #tpu.dot_dimension_numbers<[1], [0], [0], [1], [0, 0, 1, 1], [], []>, transpose_lhs_hint = false} : vector<128x128xf32>, vector<128x8xf32>, vector<128x8xf32> -> vector<128x8xf32>
    %mul3A_260 = arith.mulf %dot_general3A_259, %convert_element_type3A_257 : vector<128x8xf32>
    %reduce_sum3A_261 = arith.constant dense<0.000000e+00> : vector<128xf32>
    %reduce_sum3A_262 = vector.multi_reduction <add>, %mul3A_260, %reduce_sum3A_261 [1] : vector<128x8xf32> to vector<128xf32>
    %broadcast_in_dim3A_263 = vector.shape_cast %reduce_sum3A_262 : vector<128xf32> to vector<128x1xf32>
    %mul3A_264 = vector.broadcast %add3A_249 : vector<1x8xf32> to vector<128x8xf32>
    %mul3A_265 = arith.mulf %convert_element_type3A_257, %mul3A_264 : vector<128x8xf32>
    %reduce_sum3A_266 = arith.constant dense<0.000000e+00> : vector<128xf32>
    %reduce_sum3A_267 = vector.multi_reduction <add>, %mul3A_265, %reduce_sum3A_266 [1] : vector<128x8xf32> to vector<128xf32>
    %broadcast_in_dim3A_268 = vector.shape_cast %reduce_sum3A_267 : vector<128xf32> to vector<128x1xf32>
    %add3A_269 = arith.addf %broadcast_in_dim3A_263, %broadcast_in_dim3A_268 : vector<128x1xf32>
    %convert_element_type3A_270 = arith.fptosi %add3A_269 : vector<128x1xf32> to vector<128x1xi32>
    %swap3A_271 = arith.constant 1152 : index
    %swap3A_272 = arith.constant 0 : index
    %swap3A_273 = vector.load %arg2[%swap3A_271, %swap3A_272] : memref<4096x1xi32, #tpu.memory_space<vmem>>, vector<128x1xi32>
    tpu.vector_store %arg2[%swap3A_271, %swap3A_272], %convert_element_type3A_270 {strides = array<i32>} : memref<4096x1xi32, #tpu.memory_space<vmem>>, vector<128x1xi32>,
    %reduce_sum3A_274 = arith.constant dense<0.000000e+00> : vector<8xf32>
    %reduce_sum3A_275 = vector.multi_reduction <add>, %convert_element_type3A_257, %reduce_sum3A_274 [0] : vector<128x8xf32> to vector<8xf32>
    %broadcast_in_dim3A_276 = vector.shape_cast %reduce_sum3A_275 : vector<8xf32> to vector<1x8xf32>
    %add3A_277 = arith.addf %add3A_249, %broadcast_in_dim3A_276 : vector<1x8xf32>
    %get3A_278 = arith.constant 1280 : index
    %get3A_279 = arith.constant 0 : index
    %get3A_280 = vector.load %arg0[%get3A_278, %get3A_279] : memref<2048x1xi32, #tpu.memory_space<vmem>>, vector<128x1xi32>
    %convert_element_type3A_281 = arith.sitofp %get3A_280 : vector<128x1xi32> to vector<128x1xf32>
    %eq3A_282 = vector.broadcast %convert_element_type3A_281 : vector<128x1xf32> to vector<128x8xf32>
    %eq3A_283 = arith.cmpf oeq, %eq3A_282, %convert_element_type3A : vector<128x8xf32>
    %convert_element_type3A_284 = arith.extui %eq3A_283 : vector<128x8xi1> to vector<128x8xi32>
    %convert_element_type3A_285 = arith.sitofp %convert_element_type3A_284 : vector<128x8xi32> to vector<128x8xf32>
    %dot_general3A_286 = arith.constant dense<0.000000e+00> : vector<128x8xf32>
    %dot_general3A_287 = tpu.matmul %convert_element_type3A_3, %convert_element_type3A_285, %dot_general3A_286 {dimension_numbers = #tpu.dot_dimension_numbers<[1], [0], [0], [1], [0, 0, 1, 1], [], []>, transpose_lhs_hint = false} : vector<128x128xf32>, vector<128x8xf32>, vector<128x8xf32> -> vector<128x8xf32>
    %mul3A_288 = arith.mulf %dot_general3A_287, %convert_element_type3A_285 : vector<128x8xf32>
    %reduce_sum3A_289 = arith.constant dense<0.000000e+00> : vector<128xf32>
    %reduce_sum3A_290 = vector.multi_reduction <add>, %mul3A_288, %reduce_sum3A_289 [1] : vector<128x8xf32> to vector<128xf32>
    %broadcast_in_dim3A_291 = vector.shape_cast %reduce_sum3A_290 : vector<128xf32> to vector<128x1xf32>
    %mul3A_292 = vector.broadcast %add3A_277 : vector<1x8xf32> to vector<128x8xf32>
    %mul3A_293 = arith.mulf %convert_element_type3A_285, %mul3A_292 : vector<128x8xf32>
    %reduce_sum3A_294 = arith.constant dense<0.000000e+00> : vector<128xf32>
    %reduce_sum3A_295 = vector.multi_reduction <add>, %mul3A_293, %reduce_sum3A_294 [1] : vector<128x8xf32> to vector<128xf32>
    %broadcast_in_dim3A_296 = vector.shape_cast %reduce_sum3A_295 : vector<128xf32> to vector<128x1xf32>
    %add3A_297 = arith.addf %broadcast_in_dim3A_291, %broadcast_in_dim3A_296 : vector<128x1xf32>
    %convert_element_type3A_298 = arith.fptosi %add3A_297 : vector<128x1xf32> to vector<128x1xi32>
    %swap3A_299 = arith.constant 1280 : index
    %swap3A_300 = arith.constant 0 : index
    %swap3A_301 = vector.load %arg2[%swap3A_299, %swap3A_300] : memref<4096x1xi32, #tpu.memory_space<vmem>>, vector<128x1xi32>
    tpu.vector_store %arg2[%swap3A_299, %swap3A_300], %convert_element_type3A_298 {strides = array<i32>} : memref<4096x1xi32, #tpu.memory_space<vmem>>, vector<128x1xi32>,
    %reduce_sum3A_302 = arith.constant dense<0.000000e+00> : vector<8xf32>
    %reduce_sum3A_303 = vector.multi_reduction <add>, %convert_element_type3A_285, %reduce_sum3A_302 [0] : vector<128x8xf32> to vector<8xf32>
    %broadcast_in_dim3A_304 = vector.shape_cast %reduce_sum3A_303 : vector<8xf32> to vector<1x8xf32>
    %add3A_305 = arith.addf %add3A_277, %broadcast_in_dim3A_304 : vector<1x8xf32>
    %get3A_306 = arith.constant 1408 : index
    %get3A_307 = arith.constant 0 : index
    %get3A_308 = vector.load %arg0[%get3A_306, %get3A_307] : memref<2048x1xi32, #tpu.memory_space<vmem>>, vector<128x1xi32>
    %convert_element_type3A_309 = arith.sitofp %get3A_308 : vector<128x1xi32> to vector<128x1xf32>
    %eq3A_310 = vector.broadcast %convert_element_type3A_309 : vector<128x1xf32> to vector<128x8xf32>
    %eq3A_311 = arith.cmpf oeq, %eq3A_310, %convert_element_type3A : vector<128x8xf32>
    %convert_element_type3A_312 = arith.extui %eq3A_311 : vector<128x8xi1> to vector<128x8xi32>
    %convert_element_type3A_313 = arith.sitofp %convert_element_type3A_312 : vector<128x8xi32> to vector<128x8xf32>
    %dot_general3A_314 = arith.constant dense<0.000000e+00> : vector<128x8xf32>
    %dot_general3A_315 = tpu.matmul %convert_element_type3A_3, %convert_element_type3A_313, %dot_general3A_314 {dimension_numbers = #tpu.dot_dimension_numbers<[1], [0], [0], [1], [0, 0, 1, 1], [], []>, transpose_lhs_hint = false} : vector<128x128xf32>, vector<128x8xf32>, vector<128x8xf32> -> vector<128x8xf32>
    %mul3A_316 = arith.mulf %dot_general3A_315, %convert_element_type3A_313 : vector<128x8xf32>
    %reduce_sum3A_317 = arith.constant dense<0.000000e+00> : vector<128xf32>
    %reduce_sum3A_318 = vector.multi_reduction <add>, %mul3A_316, %reduce_sum3A_317 [1] : vector<128x8xf32> to vector<128xf32>
    %broadcast_in_dim3A_319 = vector.shape_cast %reduce_sum3A_318 : vector<128xf32> to vector<128x1xf32>
    %mul3A_320 = vector.broadcast %add3A_305 : vector<1x8xf32> to vector<128x8xf32>
    %mul3A_321 = arith.mulf %convert_element_type3A_313, %mul3A_320 : vector<128x8xf32>
    %reduce_sum3A_322 = arith.constant dense<0.000000e+00> : vector<128xf32>
    %reduce_sum3A_323 = vector.multi_reduction <add>, %mul3A_321, %reduce_sum3A_322 [1] : vector<128x8xf32> to vector<128xf32>
    %broadcast_in_dim3A_324 = vector.shape_cast %reduce_sum3A_323 : vector<128xf32> to vector<128x1xf32>
    %add3A_325 = arith.addf %broadcast_in_dim3A_319, %broadcast_in_dim3A_324 : vector<128x1xf32>
    %convert_element_type3A_326 = arith.fptosi %add3A_325 : vector<128x1xf32> to vector<128x1xi32>
    %swap3A_327 = arith.constant 1408 : index
    %swap3A_328 = arith.constant 0 : index
    %swap3A_329 = vector.load %arg2[%swap3A_327, %swap3A_328] : memref<4096x1xi32, #tpu.memory_space<vmem>>, vector<128x1xi32>
    tpu.vector_store %arg2[%swap3A_327, %swap3A_328], %convert_element_type3A_326 {strides = array<i32>} : memref<4096x1xi32, #tpu.memory_space<vmem>>, vector<128x1xi32>,
    %reduce_sum3A_330 = arith.constant dense<0.000000e+00> : vector<8xf32>
    %reduce_sum3A_331 = vector.multi_reduction <add>, %convert_element_type3A_313, %reduce_sum3A_330 [0] : vector<128x8xf32> to vector<8xf32>
    %broadcast_in_dim3A_332 = vector.shape_cast %reduce_sum3A_331 : vector<8xf32> to vector<1x8xf32>
    %add3A_333 = arith.addf %add3A_305, %broadcast_in_dim3A_332 : vector<1x8xf32>
    %get3A_334 = arith.constant 1536 : index
    %get3A_335 = arith.constant 0 : index
    %get3A_336 = vector.load %arg0[%get3A_334, %get3A_335] : memref<2048x1xi32, #tpu.memory_space<vmem>>, vector<128x1xi32>
    %convert_element_type3A_337 = arith.sitofp %get3A_336 : vector<128x1xi32> to vector<128x1xf32>
    %eq3A_338 = vector.broadcast %convert_element_type3A_337 : vector<128x1xf32> to vector<128x8xf32>
    %eq3A_339 = arith.cmpf oeq, %eq3A_338, %convert_element_type3A : vector<128x8xf32>
    %convert_element_type3A_340 = arith.extui %eq3A_339 : vector<128x8xi1> to vector<128x8xi32>
    %convert_element_type3A_341 = arith.sitofp %convert_element_type3A_340 : vector<128x8xi32> to vector<128x8xf32>
    %dot_general3A_342 = arith.constant dense<0.000000e+00> : vector<128x8xf32>
    %dot_general3A_343 = tpu.matmul %convert_element_type3A_3, %convert_element_type3A_341, %dot_general3A_342 {dimension_numbers = #tpu.dot_dimension_numbers<[1], [0], [0], [1], [0, 0, 1, 1], [], []>, transpose_lhs_hint = false} : vector<128x128xf32>, vector<128x8xf32>, vector<128x8xf32> -> vector<128x8xf32>
    %mul3A_344 = arith.mulf %dot_general3A_343, %convert_element_type3A_341 : vector<128x8xf32>
    %reduce_sum3A_345 = arith.constant dense<0.000000e+00> : vector<128xf32>
    %reduce_sum3A_346 = vector.multi_reduction <add>, %mul3A_344, %reduce_sum3A_345 [1] : vector<128x8xf32> to vector<128xf32>
    %broadcast_in_dim3A_347 = vector.shape_cast %reduce_sum3A_346 : vector<128xf32> to vector<128x1xf32>
    %mul3A_348 = vector.broadcast %add3A_333 : vector<1x8xf32> to vector<128x8xf32>
    %mul3A_349 = arith.mulf %convert_element_type3A_341, %mul3A_348 : vector<128x8xf32>
    %reduce_sum3A_350 = arith.constant dense<0.000000e+00> : vector<128xf32>
    %reduce_sum3A_351 = vector.multi_reduction <add>, %mul3A_349, %reduce_sum3A_350 [1] : vector<128x8xf32> to vector<128xf32>
    %broadcast_in_dim3A_352 = vector.shape_cast %reduce_sum3A_351 : vector<128xf32> to vector<128x1xf32>
    %add3A_353 = arith.addf %broadcast_in_dim3A_347, %broadcast_in_dim3A_352 : vector<128x1xf32>
    %convert_element_type3A_354 = arith.fptosi %add3A_353 : vector<128x1xf32> to vector<128x1xi32>
    %swap3A_355 = arith.constant 1536 : index
    %swap3A_356 = arith.constant 0 : index
    %swap3A_357 = vector.load %arg2[%swap3A_355, %swap3A_356] : memref<4096x1xi32, #tpu.memory_space<vmem>>, vector<128x1xi32>
    tpu.vector_store %arg2[%swap3A_355, %swap3A_356], %convert_element_type3A_354 {strides = array<i32>} : memref<4096x1xi32, #tpu.memory_space<vmem>>, vector<128x1xi32>,
    %reduce_sum3A_358 = arith.constant dense<0.000000e+00> : vector<8xf32>
    %reduce_sum3A_359 = vector.multi_reduction <add>, %convert_element_type3A_341, %reduce_sum3A_358 [0] : vector<128x8xf32> to vector<8xf32>
    %broadcast_in_dim3A_360 = vector.shape_cast %reduce_sum3A_359 : vector<8xf32> to vector<1x8xf32>
    %add3A_361 = arith.addf %add3A_333, %broadcast_in_dim3A_360 : vector<1x8xf32>
    %get3A_362 = arith.constant 1664 : index
    %get3A_363 = arith.constant 0 : index
    %get3A_364 = vector.load %arg0[%get3A_362, %get3A_363] : memref<2048x1xi32, #tpu.memory_space<vmem>>, vector<128x1xi32>
    %convert_element_type3A_365 = arith.sitofp %get3A_364 : vector<128x1xi32> to vector<128x1xf32>
    %eq3A_366 = vector.broadcast %convert_element_type3A_365 : vector<128x1xf32> to vector<128x8xf32>
    %eq3A_367 = arith.cmpf oeq, %eq3A_366, %convert_element_type3A : vector<128x8xf32>
    %convert_element_type3A_368 = arith.extui %eq3A_367 : vector<128x8xi1> to vector<128x8xi32>
    %convert_element_type3A_369 = arith.sitofp %convert_element_type3A_368 : vector<128x8xi32> to vector<128x8xf32>
    %dot_general3A_370 = arith.constant dense<0.000000e+00> : vector<128x8xf32>
    %dot_general3A_371 = tpu.matmul %convert_element_type3A_3, %convert_element_type3A_369, %dot_general3A_370 {dimension_numbers = #tpu.dot_dimension_numbers<[1], [0], [0], [1], [0, 0, 1, 1], [], []>, transpose_lhs_hint = false} : vector<128x128xf32>, vector<128x8xf32>, vector<128x8xf32> -> vector<128x8xf32>
    %mul3A_372 = arith.mulf %dot_general3A_371, %convert_element_type3A_369 : vector<128x8xf32>
    %reduce_sum3A_373 = arith.constant dense<0.000000e+00> : vector<128xf32>
    %reduce_sum3A_374 = vector.multi_reduction <add>, %mul3A_372, %reduce_sum3A_373 [1] : vector<128x8xf32> to vector<128xf32>
    %broadcast_in_dim3A_375 = vector.shape_cast %reduce_sum3A_374 : vector<128xf32> to vector<128x1xf32>
    %mul3A_376 = vector.broadcast %add3A_361 : vector<1x8xf32> to vector<128x8xf32>
    %mul3A_377 = arith.mulf %convert_element_type3A_369, %mul3A_376 : vector<128x8xf32>
    %reduce_sum3A_378 = arith.constant dense<0.000000e+00> : vector<128xf32>
    %reduce_sum3A_379 = vector.multi_reduction <add>, %mul3A_377, %reduce_sum3A_378 [1] : vector<128x8xf32> to vector<128xf32>
    %broadcast_in_dim3A_380 = vector.shape_cast %reduce_sum3A_379 : vector<128xf32> to vector<128x1xf32>
    %add3A_381 = arith.addf %broadcast_in_dim3A_375, %broadcast_in_dim3A_380 : vector<128x1xf32>
    %convert_element_type3A_382 = arith.fptosi %add3A_381 : vector<128x1xf32> to vector<128x1xi32>
    %swap3A_383 = arith.constant 1664 : index
    %swap3A_384 = arith.constant 0 : index
    %swap3A_385 = vector.load %arg2[%swap3A_383, %swap3A_384] : memref<4096x1xi32, #tpu.memory_space<vmem>>, vector<128x1xi32>
    tpu.vector_store %arg2[%swap3A_383, %swap3A_384], %convert_element_type3A_382 {strides = array<i32>} : memref<4096x1xi32, #tpu.memory_space<vmem>>, vector<128x1xi32>,
    %reduce_sum3A_386 = arith.constant dense<0.000000e+00> : vector<8xf32>
    %reduce_sum3A_387 = vector.multi_reduction <add>, %convert_element_type3A_369, %reduce_sum3A_386 [0] : vector<128x8xf32> to vector<8xf32>
    %broadcast_in_dim3A_388 = vector.shape_cast %reduce_sum3A_387 : vector<8xf32> to vector<1x8xf32>
    %add3A_389 = arith.addf %add3A_361, %broadcast_in_dim3A_388 : vector<1x8xf32>
    %get3A_390 = arith.constant 1792 : index
    %get3A_391 = arith.constant 0 : index
    %get3A_392 = vector.load %arg0[%get3A_390, %get3A_391] : memref<2048x1xi32, #tpu.memory_space<vmem>>, vector<128x1xi32>
    %convert_element_type3A_393 = arith.sitofp %get3A_392 : vector<128x1xi32> to vector<128x1xf32>
    %eq3A_394 = vector.broadcast %convert_element_type3A_393 : vector<128x1xf32> to vector<128x8xf32>
    %eq3A_395 = arith.cmpf oeq, %eq3A_394, %convert_element_type3A : vector<128x8xf32>
    %convert_element_type3A_396 = arith.extui %eq3A_395 : vector<128x8xi1> to vector<128x8xi32>
    %convert_element_type3A_397 = arith.sitofp %convert_element_type3A_396 : vector<128x8xi32> to vector<128x8xf32>
    %dot_general3A_398 = arith.constant dense<0.000000e+00> : vector<128x8xf32>
    %dot_general3A_399 = tpu.matmul %convert_element_type3A_3, %convert_element_type3A_397, %dot_general3A_398 {dimension_numbers = #tpu.dot_dimension_numbers<[1], [0], [0], [1], [0, 0, 1, 1], [], []>, transpose_lhs_hint = false} : vector<128x128xf32>, vector<128x8xf32>, vector<128x8xf32> -> vector<128x8xf32>
    %mul3A_400 = arith.mulf %dot_general3A_399, %convert_element_type3A_397 : vector<128x8xf32>
    %reduce_sum3A_401 = arith.constant dense<0.000000e+00> : vector<128xf32>
    %reduce_sum3A_402 = vector.multi_reduction <add>, %mul3A_400, %reduce_sum3A_401 [1] : vector<128x8xf32> to vector<128xf32>
    %broadcast_in_dim3A_403 = vector.shape_cast %reduce_sum3A_402 : vector<128xf32> to vector<128x1xf32>
    %mul3A_404 = vector.broadcast %add3A_389 : vector<1x8xf32> to vector<128x8xf32>
    %mul3A_405 = arith.mulf %convert_element_type3A_397, %mul3A_404 : vector<128x8xf32>
    %reduce_sum3A_406 = arith.constant dense<0.000000e+00> : vector<128xf32>
    %reduce_sum3A_407 = vector.multi_reduction <add>, %mul3A_405, %reduce_sum3A_406 [1] : vector<128x8xf32> to vector<128xf32>
    %broadcast_in_dim3A_408 = vector.shape_cast %reduce_sum3A_407 : vector<128xf32> to vector<128x1xf32>
    %add3A_409 = arith.addf %broadcast_in_dim3A_403, %broadcast_in_dim3A_408 : vector<128x1xf32>
    %convert_element_type3A_410 = arith.fptosi %add3A_409 : vector<128x1xf32> to vector<128x1xi32>
    %swap3A_411 = arith.constant 1792 : index
    %swap3A_412 = arith.constant 0 : index
    %swap3A_413 = vector.load %arg2[%swap3A_411, %swap3A_412] : memref<4096x1xi32, #tpu.memory_space<vmem>>, vector<128x1xi32>
    tpu.vector_store %arg2[%swap3A_411, %swap3A_412], %convert_element_type3A_410 {strides = array<i32>} : memref<4096x1xi32, #tpu.memory_space<vmem>>, vector<128x1xi32>,
    %reduce_sum3A_414 = arith.constant dense<0.000000e+00> : vector<8xf32>
    %reduce_sum3A_415 = vector.multi_reduction <add>, %convert_element_type3A_397, %reduce_sum3A_414 [0] : vector<128x8xf32> to vector<8xf32>
    %broadcast_in_dim3A_416 = vector.shape_cast %reduce_sum3A_415 : vector<8xf32> to vector<1x8xf32>
    %add3A_417 = arith.addf %add3A_389, %broadcast_in_dim3A_416 : vector<1x8xf32>
    %get3A_418 = arith.constant 1920 : index
    %get3A_419 = arith.constant 0 : index
    %get3A_420 = vector.load %arg0[%get3A_418, %get3A_419] : memref<2048x1xi32, #tpu.memory_space<vmem>>, vector<128x1xi32>
    %convert_element_type3A_421 = arith.sitofp %get3A_420 : vector<128x1xi32> to vector<128x1xf32>
    %eq3A_422 = vector.broadcast %convert_element_type3A_421 : vector<128x1xf32> to vector<128x8xf32>
    %eq3A_423 = arith.cmpf oeq, %eq3A_422, %convert_element_type3A : vector<128x8xf32>
    %convert_element_type3A_424 = arith.extui %eq3A_423 : vector<128x8xi1> to vector<128x8xi32>
    %convert_element_type3A_425 = arith.sitofp %convert_element_type3A_424 : vector<128x8xi32> to vector<128x8xf32>
    %dot_general3A_426 = arith.constant dense<0.000000e+00> : vector<128x8xf32>
    %dot_general3A_427 = tpu.matmul %convert_element_type3A_3, %convert_element_type3A_425, %dot_general3A_426 {dimension_numbers = #tpu.dot_dimension_numbers<[1], [0], [0], [1], [0, 0, 1, 1], [], []>, transpose_lhs_hint = false} : vector<128x128xf32>, vector<128x8xf32>, vector<128x8xf32> -> vector<128x8xf32>
    %mul3A_428 = arith.mulf %dot_general3A_427, %convert_element_type3A_425 : vector<128x8xf32>
    %reduce_sum3A_429 = arith.constant dense<0.000000e+00> : vector<128xf32>
    %reduce_sum3A_430 = vector.multi_reduction <add>, %mul3A_428, %reduce_sum3A_429 [1] : vector<128x8xf32> to vector<128xf32>
    %broadcast_in_dim3A_431 = vector.shape_cast %reduce_sum3A_430 : vector<128xf32> to vector<128x1xf32>
    %mul3A_432 = vector.broadcast %add3A_417 : vector<1x8xf32> to vector<128x8xf32>
    %mul3A_433 = arith.mulf %convert_element_type3A_425, %mul3A_432 : vector<128x8xf32>
    %reduce_sum3A_434 = arith.constant dense<0.000000e+00> : vector<128xf32>
    %reduce_sum3A_435 = vector.multi_reduction <add>, %mul3A_433, %reduce_sum3A_434 [1] : vector<128x8xf32> to vector<128xf32>
    %broadcast_in_dim3A_436 = vector.shape_cast %reduce_sum3A_435 : vector<128xf32> to vector<128x1xf32>
    %add3A_437 = arith.addf %broadcast_in_dim3A_431, %broadcast_in_dim3A_436 : vector<128x1xf32>
    %convert_element_type3A_438 = arith.fptosi %add3A_437 : vector<128x1xf32> to vector<128x1xi32>
    %swap3A_439 = arith.constant 1920 : index
    %swap3A_440 = arith.constant 0 : index
    %swap3A_441 = vector.load %arg2[%swap3A_439, %swap3A_440] : memref<4096x1xi32, #tpu.memory_space<vmem>>, vector<128x1xi32>
    tpu.vector_store %arg2[%swap3A_439, %swap3A_440], %convert_element_type3A_438 {strides = array<i32>} : memref<4096x1xi32, #tpu.memory_space<vmem>>, vector<128x1xi32>,
    %reduce_sum3A_442 = arith.constant dense<0.000000e+00> : vector<8xf32>
    %reduce_sum3A_443 = vector.multi_reduction <add>, %convert_element_type3A_425, %reduce_sum3A_442 [0] : vector<128x8xf32> to vector<8xf32>
    %broadcast_in_dim3A_444 = vector.shape_cast %reduce_sum3A_443 : vector<8xf32> to vector<1x8xf32>
    %add3A_445 = arith.addf %add3A_417, %broadcast_in_dim3A_444 : vector<1x8xf32>
    %get3A_446 = arith.constant 0 : index
    %get3A_447 = arith.constant 0 : index
    %get3A_448 = vector.load %arg1[%get3A_446, %get3A_447] : memref<2048x1xi32, #tpu.memory_space<vmem>>, vector<128x1xi32>
    %convert_element_type3A_449 = arith.sitofp %get3A_448 : vector<128x1xi32> to vector<128x1xf32>
    %eq3A_450 = vector.broadcast %convert_element_type3A_449 : vector<128x1xf32> to vector<128x8xf32>
    %eq3A_451 = arith.cmpf oeq, %eq3A_450, %convert_element_type3A : vector<128x8xf32>
    %convert_element_type3A_452 = arith.extui %eq3A_451 : vector<128x8xi1> to vector<128x8xi32>
    %convert_element_type3A_453 = arith.sitofp %convert_element_type3A_452 : vector<128x8xi32> to vector<128x8xf32>
    %dot_general3A_454 = arith.constant dense<0.000000e+00> : vector<128x8xf32>
    %dot_general3A_455 = tpu.matmul %convert_element_type3A_3, %convert_element_type3A_453, %dot_general3A_454 {dimension_numbers = #tpu.dot_dimension_numbers<[1], [0], [0], [1], [0, 0, 1, 1], [], []>, transpose_lhs_hint = false} : vector<128x128xf32>, vector<128x8xf32>, vector<128x8xf32> -> vector<128x8xf32>
    %mul3A_456 = arith.mulf %dot_general3A_455, %convert_element_type3A_453 : vector<128x8xf32>
    %reduce_sum3A_457 = arith.constant dense<0.000000e+00> : vector<128xf32>
    %reduce_sum3A_458 = vector.multi_reduction <add>, %mul3A_456, %reduce_sum3A_457 [1] : vector<128x8xf32> to vector<128xf32>
    %broadcast_in_dim3A_459 = vector.shape_cast %reduce_sum3A_458 : vector<128xf32> to vector<128x1xf32>
    %mul3A_460 = vector.broadcast %add3A_445 : vector<1x8xf32> to vector<128x8xf32>
    %mul3A_461 = arith.mulf %convert_element_type3A_453, %mul3A_460 : vector<128x8xf32>
    %reduce_sum3A_462 = arith.constant dense<0.000000e+00> : vector<128xf32>
    %reduce_sum3A_463 = vector.multi_reduction <add>, %mul3A_461, %reduce_sum3A_462 [1] : vector<128x8xf32> to vector<128xf32>
    %broadcast_in_dim3A_464 = vector.shape_cast %reduce_sum3A_463 : vector<128xf32> to vector<128x1xf32>
    %add3A_465 = arith.addf %broadcast_in_dim3A_459, %broadcast_in_dim3A_464 : vector<128x1xf32>
    %convert_element_type3A_466 = arith.fptosi %add3A_465 : vector<128x1xf32> to vector<128x1xi32>
    %swap3A_467 = arith.constant 2048 : index
    %swap3A_468 = arith.constant 0 : index
    %swap3A_469 = vector.load %arg2[%swap3A_467, %swap3A_468] : memref<4096x1xi32, #tpu.memory_space<vmem>>, vector<128x1xi32>
    tpu.vector_store %arg2[%swap3A_467, %swap3A_468], %convert_element_type3A_466 {strides = array<i32>} : memref<4096x1xi32, #tpu.memory_space<vmem>>, vector<128x1xi32>,
    %reduce_sum3A_470 = arith.constant dense<0.000000e+00> : vector<8xf32>
    %reduce_sum3A_471 = vector.multi_reduction <add>, %convert_element_type3A_453, %reduce_sum3A_470 [0] : vector<128x8xf32> to vector<8xf32>
    %broadcast_in_dim3A_472 = vector.shape_cast %reduce_sum3A_471 : vector<8xf32> to vector<1x8xf32>
    %add3A_473 = arith.addf %add3A_445, %broadcast_in_dim3A_472 : vector<1x8xf32>
    %get3A_474 = arith.constant 128 : index
    %get3A_475 = arith.constant 0 : index
    %get3A_476 = vector.load %arg1[%get3A_474, %get3A_475] : memref<2048x1xi32, #tpu.memory_space<vmem>>, vector<128x1xi32>
    %convert_element_type3A_477 = arith.sitofp %get3A_476 : vector<128x1xi32> to vector<128x1xf32>
    %eq3A_478 = vector.broadcast %convert_element_type3A_477 : vector<128x1xf32> to vector<128x8xf32>
    %eq3A_479 = arith.cmpf oeq, %eq3A_478, %convert_element_type3A : vector<128x8xf32>
    %convert_element_type3A_480 = arith.extui %eq3A_479 : vector<128x8xi1> to vector<128x8xi32>
    %convert_element_type3A_481 = arith.sitofp %convert_element_type3A_480 : vector<128x8xi32> to vector<128x8xf32>
    %dot_general3A_482 = arith.constant dense<0.000000e+00> : vector<128x8xf32>
    %dot_general3A_483 = tpu.matmul %convert_element_type3A_3, %convert_element_type3A_481, %dot_general3A_482 {dimension_numbers = #tpu.dot_dimension_numbers<[1], [0], [0], [1], [0, 0, 1, 1], [], []>, transpose_lhs_hint = false} : vector<128x128xf32>, vector<128x8xf32>, vector<128x8xf32> -> vector<128x8xf32>
    %mul3A_484 = arith.mulf %dot_general3A_483, %convert_element_type3A_481 : vector<128x8xf32>
    %reduce_sum3A_485 = arith.constant dense<0.000000e+00> : vector<128xf32>
    %reduce_sum3A_486 = vector.multi_reduction <add>, %mul3A_484, %reduce_sum3A_485 [1] : vector<128x8xf32> to vector<128xf32>
    %broadcast_in_dim3A_487 = vector.shape_cast %reduce_sum3A_486 : vector<128xf32> to vector<128x1xf32>
    %mul3A_488 = vector.broadcast %add3A_473 : vector<1x8xf32> to vector<128x8xf32>
    %mul3A_489 = arith.mulf %convert_element_type3A_481, %mul3A_488 : vector<128x8xf32>
    %reduce_sum3A_490 = arith.constant dense<0.000000e+00> : vector<128xf32>
    %reduce_sum3A_491 = vector.multi_reduction <add>, %mul3A_489, %reduce_sum3A_490 [1] : vector<128x8xf32> to vector<128xf32>
    %broadcast_in_dim3A_492 = vector.shape_cast %reduce_sum3A_491 : vector<128xf32> to vector<128x1xf32>
    %add3A_493 = arith.addf %broadcast_in_dim3A_487, %broadcast_in_dim3A_492 : vector<128x1xf32>
    %convert_element_type3A_494 = arith.fptosi %add3A_493 : vector<128x1xf32> to vector<128x1xi32>
    %swap3A_495 = arith.constant 2176 : index
    %swap3A_496 = arith.constant 0 : index
    %swap3A_497 = vector.load %arg2[%swap3A_495, %swap3A_496] : memref<4096x1xi32, #tpu.memory_space<vmem>>, vector<128x1xi32>
    tpu.vector_store %arg2[%swap3A_495, %swap3A_496], %convert_element_type3A_494 {strides = array<i32>} : memref<4096x1xi32, #tpu.memory_space<vmem>>, vector<128x1xi32>,
    %reduce_sum3A_498 = arith.constant dense<0.000000e+00> : vector<8xf32>
    %reduce_sum3A_499 = vector.multi_reduction <add>, %convert_element_type3A_481, %reduce_sum3A_498 [0] : vector<128x8xf32> to vector<8xf32>
    %broadcast_in_dim3A_500 = vector.shape_cast %reduce_sum3A_499 : vector<8xf32> to vector<1x8xf32>
    %add3A_501 = arith.addf %add3A_473, %broadcast_in_dim3A_500 : vector<1x8xf32>
    %get3A_502 = arith.constant 256 : index
    %get3A_503 = arith.constant 0 : index
    %get3A_504 = vector.load %arg1[%get3A_502, %get3A_503] : memref<2048x1xi32, #tpu.memory_space<vmem>>, vector<128x1xi32>
    %convert_element_type3A_505 = arith.sitofp %get3A_504 : vector<128x1xi32> to vector<128x1xf32>
    %eq3A_506 = vector.broadcast %convert_element_type3A_505 : vector<128x1xf32> to vector<128x8xf32>
    %eq3A_507 = arith.cmpf oeq, %eq3A_506, %convert_element_type3A : vector<128x8xf32>
    %convert_element_type3A_508 = arith.extui %eq3A_507 : vector<128x8xi1> to vector<128x8xi32>
    %convert_element_type3A_509 = arith.sitofp %convert_element_type3A_508 : vector<128x8xi32> to vector<128x8xf32>
    %dot_general3A_510 = arith.constant dense<0.000000e+00> : vector<128x8xf32>
    %dot_general3A_511 = tpu.matmul %convert_element_type3A_3, %convert_element_type3A_509, %dot_general3A_510 {dimension_numbers = #tpu.dot_dimension_numbers<[1], [0], [0], [1], [0, 0, 1, 1], [], []>, transpose_lhs_hint = false} : vector<128x128xf32>, vector<128x8xf32>, vector<128x8xf32> -> vector<128x8xf32>
    %mul3A_512 = arith.mulf %dot_general3A_511, %convert_element_type3A_509 : vector<128x8xf32>
    %reduce_sum3A_513 = arith.constant dense<0.000000e+00> : vector<128xf32>
    %reduce_sum3A_514 = vector.multi_reduction <add>, %mul3A_512, %reduce_sum3A_513 [1] : vector<128x8xf32> to vector<128xf32>
    %broadcast_in_dim3A_515 = vector.shape_cast %reduce_sum3A_514 : vector<128xf32> to vector<128x1xf32>
    %mul3A_516 = vector.broadcast %add3A_501 : vector<1x8xf32> to vector<128x8xf32>
    %mul3A_517 = arith.mulf %convert_element_type3A_509, %mul3A_516 : vector<128x8xf32>
    %reduce_sum3A_518 = arith.constant dense<0.000000e+00> : vector<128xf32>
    %reduce_sum3A_519 = vector.multi_reduction <add>, %mul3A_517, %reduce_sum3A_518 [1] : vector<128x8xf32> to vector<128xf32>
    %broadcast_in_dim3A_520 = vector.shape_cast %reduce_sum3A_519 : vector<128xf32> to vector<128x1xf32>
    %add3A_521 = arith.addf %broadcast_in_dim3A_515, %broadcast_in_dim3A_520 : vector<128x1xf32>
    %convert_element_type3A_522 = arith.fptosi %add3A_521 : vector<128x1xf32> to vector<128x1xi32>
    %swap3A_523 = arith.constant 2304 : index
    %swap3A_524 = arith.constant 0 : index
    %swap3A_525 = vector.load %arg2[%swap3A_523, %swap3A_524] : memref<4096x1xi32, #tpu.memory_space<vmem>>, vector<128x1xi32>
    tpu.vector_store %arg2[%swap3A_523, %swap3A_524], %convert_element_type3A_522 {strides = array<i32>} : memref<4096x1xi32, #tpu.memory_space<vmem>>, vector<128x1xi32>,
    %reduce_sum3A_526 = arith.constant dense<0.000000e+00> : vector<8xf32>
    %reduce_sum3A_527 = vector.multi_reduction <add>, %convert_element_type3A_509, %reduce_sum3A_526 [0] : vector<128x8xf32> to vector<8xf32>
    %broadcast_in_dim3A_528 = vector.shape_cast %reduce_sum3A_527 : vector<8xf32> to vector<1x8xf32>
    %add3A_529 = arith.addf %add3A_501, %broadcast_in_dim3A_528 : vector<1x8xf32>
    %get3A_530 = arith.constant 384 : index
    %get3A_531 = arith.constant 0 : index
    %get3A_532 = vector.load %arg1[%get3A_530, %get3A_531] : memref<2048x1xi32, #tpu.memory_space<vmem>>, vector<128x1xi32>
    %convert_element_type3A_533 = arith.sitofp %get3A_532 : vector<128x1xi32> to vector<128x1xf32>
    %eq3A_534 = vector.broadcast %convert_element_type3A_533 : vector<128x1xf32> to vector<128x8xf32>
    %eq3A_535 = arith.cmpf oeq, %eq3A_534, %convert_element_type3A : vector<128x8xf32>
    %convert_element_type3A_536 = arith.extui %eq3A_535 : vector<128x8xi1> to vector<128x8xi32>
    %convert_element_type3A_537 = arith.sitofp %convert_element_type3A_536 : vector<128x8xi32> to vector<128x8xf32>
    %dot_general3A_538 = arith.constant dense<0.000000e+00> : vector<128x8xf32>
    %dot_general3A_539 = tpu.matmul %convert_element_type3A_3, %convert_element_type3A_537, %dot_general3A_538 {dimension_numbers = #tpu.dot_dimension_numbers<[1], [0], [0], [1], [0, 0, 1, 1], [], []>, transpose_lhs_hint = false} : vector<128x128xf32>, vector<128x8xf32>, vector<128x8xf32> -> vector<128x8xf32>
    %mul3A_540 = arith.mulf %dot_general3A_539, %convert_element_type3A_537 : vector<128x8xf32>
    %reduce_sum3A_541 = arith.constant dense<0.000000e+00> : vector<128xf32>
    %reduce_sum3A_542 = vector.multi_reduction <add>, %mul3A_540, %reduce_sum3A_541 [1] : vector<128x8xf32> to vector<128xf32>
    %broadcast_in_dim3A_543 = vector.shape_cast %reduce_sum3A_542 : vector<128xf32> to vector<128x1xf32>
    %mul3A_544 = vector.broadcast %add3A_529 : vector<1x8xf32> to vector<128x8xf32>
    %mul3A_545 = arith.mulf %convert_element_type3A_537, %mul3A_544 : vector<128x8xf32>
    %reduce_sum3A_546 = arith.constant dense<0.000000e+00> : vector<128xf32>
    %reduce_sum3A_547 = vector.multi_reduction <add>, %mul3A_545, %reduce_sum3A_546 [1] : vector<128x8xf32> to vector<128xf32>
    %broadcast_in_dim3A_548 = vector.shape_cast %reduce_sum3A_547 : vector<128xf32> to vector<128x1xf32>
    %add3A_549 = arith.addf %broadcast_in_dim3A_543, %broadcast_in_dim3A_548 : vector<128x1xf32>
    %convert_element_type3A_550 = arith.fptosi %add3A_549 : vector<128x1xf32> to vector<128x1xi32>
    %swap3A_551 = arith.constant 2432 : index
    %swap3A_552 = arith.constant 0 : index
    %swap3A_553 = vector.load %arg2[%swap3A_551, %swap3A_552] : memref<4096x1xi32, #tpu.memory_space<vmem>>, vector<128x1xi32>
    tpu.vector_store %arg2[%swap3A_551, %swap3A_552], %convert_element_type3A_550 {strides = array<i32>} : memref<4096x1xi32, #tpu.memory_space<vmem>>, vector<128x1xi32>,
    %reduce_sum3A_554 = arith.constant dense<0.000000e+00> : vector<8xf32>
    %reduce_sum3A_555 = vector.multi_reduction <add>, %convert_element_type3A_537, %reduce_sum3A_554 [0] : vector<128x8xf32> to vector<8xf32>
    %broadcast_in_dim3A_556 = vector.shape_cast %reduce_sum3A_555 : vector<8xf32> to vector<1x8xf32>
    %add3A_557 = arith.addf %add3A_529, %broadcast_in_dim3A_556 : vector<1x8xf32>
    %get3A_558 = arith.constant 512 : index
    %get3A_559 = arith.constant 0 : index
    %get3A_560 = vector.load %arg1[%get3A_558, %get3A_559] : memref<2048x1xi32, #tpu.memory_space<vmem>>, vector<128x1xi32>
    %convert_element_type3A_561 = arith.sitofp %get3A_560 : vector<128x1xi32> to vector<128x1xf32>
    %eq3A_562 = vector.broadcast %convert_element_type3A_561 : vector<128x1xf32> to vector<128x8xf32>
    %eq3A_563 = arith.cmpf oeq, %eq3A_562, %convert_element_type3A : vector<128x8xf32>
    %convert_element_type3A_564 = arith.extui %eq3A_563 : vector<128x8xi1> to vector<128x8xi32>
    %convert_element_type3A_565 = arith.sitofp %convert_element_type3A_564 : vector<128x8xi32> to vector<128x8xf32>
    %dot_general3A_566 = arith.constant dense<0.000000e+00> : vector<128x8xf32>
    %dot_general3A_567 = tpu.matmul %convert_element_type3A_3, %convert_element_type3A_565, %dot_general3A_566 {dimension_numbers = #tpu.dot_dimension_numbers<[1], [0], [0], [1], [0, 0, 1, 1], [], []>, transpose_lhs_hint = false} : vector<128x128xf32>, vector<128x8xf32>, vector<128x8xf32> -> vector<128x8xf32>
    %mul3A_568 = arith.mulf %dot_general3A_567, %convert_element_type3A_565 : vector<128x8xf32>
    %reduce_sum3A_569 = arith.constant dense<0.000000e+00> : vector<128xf32>
    %reduce_sum3A_570 = vector.multi_reduction <add>, %mul3A_568, %reduce_sum3A_569 [1] : vector<128x8xf32> to vector<128xf32>
    %broadcast_in_dim3A_571 = vector.shape_cast %reduce_sum3A_570 : vector<128xf32> to vector<128x1xf32>
    %mul3A_572 = vector.broadcast %add3A_557 : vector<1x8xf32> to vector<128x8xf32>
    %mul3A_573 = arith.mulf %convert_element_type3A_565, %mul3A_572 : vector<128x8xf32>
    %reduce_sum3A_574 = arith.constant dense<0.000000e+00> : vector<128xf32>
    %reduce_sum3A_575 = vector.multi_reduction <add>, %mul3A_573, %reduce_sum3A_574 [1] : vector<128x8xf32> to vector<128xf32>
    %broadcast_in_dim3A_576 = vector.shape_cast %reduce_sum3A_575 : vector<128xf32> to vector<128x1xf32>
    %add3A_577 = arith.addf %broadcast_in_dim3A_571, %broadcast_in_dim3A_576 : vector<128x1xf32>
    %convert_element_type3A_578 = arith.fptosi %add3A_577 : vector<128x1xf32> to vector<128x1xi32>
    %swap3A_579 = arith.constant 2560 : index
    %swap3A_580 = arith.constant 0 : index
    %swap3A_581 = vector.load %arg2[%swap3A_579, %swap3A_580] : memref<4096x1xi32, #tpu.memory_space<vmem>>, vector<128x1xi32>
    tpu.vector_store %arg2[%swap3A_579, %swap3A_580], %convert_element_type3A_578 {strides = array<i32>} : memref<4096x1xi32, #tpu.memory_space<vmem>>, vector<128x1xi32>,
    %reduce_sum3A_582 = arith.constant dense<0.000000e+00> : vector<8xf32>
    %reduce_sum3A_583 = vector.multi_reduction <add>, %convert_element_type3A_565, %reduce_sum3A_582 [0] : vector<128x8xf32> to vector<8xf32>
    %broadcast_in_dim3A_584 = vector.shape_cast %reduce_sum3A_583 : vector<8xf32> to vector<1x8xf32>
    %add3A_585 = arith.addf %add3A_557, %broadcast_in_dim3A_584 : vector<1x8xf32>
    %get3A_586 = arith.constant 640 : index
    %get3A_587 = arith.constant 0 : index
    %get3A_588 = vector.load %arg1[%get3A_586, %get3A_587] : memref<2048x1xi32, #tpu.memory_space<vmem>>, vector<128x1xi32>
    %convert_element_type3A_589 = arith.sitofp %get3A_588 : vector<128x1xi32> to vector<128x1xf32>
    %eq3A_590 = vector.broadcast %convert_element_type3A_589 : vector<128x1xf32> to vector<128x8xf32>
    %eq3A_591 = arith.cmpf oeq, %eq3A_590, %convert_element_type3A : vector<128x8xf32>
    %convert_element_type3A_592 = arith.extui %eq3A_591 : vector<128x8xi1> to vector<128x8xi32>
    %convert_element_type3A_593 = arith.sitofp %convert_element_type3A_592 : vector<128x8xi32> to vector<128x8xf32>
    %dot_general3A_594 = arith.constant dense<0.000000e+00> : vector<128x8xf32>
    %dot_general3A_595 = tpu.matmul %convert_element_type3A_3, %convert_element_type3A_593, %dot_general3A_594 {dimension_numbers = #tpu.dot_dimension_numbers<[1], [0], [0], [1], [0, 0, 1, 1], [], []>, transpose_lhs_hint = false} : vector<128x128xf32>, vector<128x8xf32>, vector<128x8xf32> -> vector<128x8xf32>
    %mul3A_596 = arith.mulf %dot_general3A_595, %convert_element_type3A_593 : vector<128x8xf32>
    %reduce_sum3A_597 = arith.constant dense<0.000000e+00> : vector<128xf32>
    %reduce_sum3A_598 = vector.multi_reduction <add>, %mul3A_596, %reduce_sum3A_597 [1] : vector<128x8xf32> to vector<128xf32>
    %broadcast_in_dim3A_599 = vector.shape_cast %reduce_sum3A_598 : vector<128xf32> to vector<128x1xf32>
    %mul3A_600 = vector.broadcast %add3A_585 : vector<1x8xf32> to vector<128x8xf32>
    %mul3A_601 = arith.mulf %convert_element_type3A_593, %mul3A_600 : vector<128x8xf32>
    %reduce_sum3A_602 = arith.constant dense<0.000000e+00> : vector<128xf32>
    %reduce_sum3A_603 = vector.multi_reduction <add>, %mul3A_601, %reduce_sum3A_602 [1] : vector<128x8xf32> to vector<128xf32>
    %broadcast_in_dim3A_604 = vector.shape_cast %reduce_sum3A_603 : vector<128xf32> to vector<128x1xf32>
    %add3A_605 = arith.addf %broadcast_in_dim3A_599, %broadcast_in_dim3A_604 : vector<128x1xf32>
    %convert_element_type3A_606 = arith.fptosi %add3A_605 : vector<128x1xf32> to vector<128x1xi32>
    %swap3A_607 = arith.constant 2688 : index
    %swap3A_608 = arith.constant 0 : index
    %swap3A_609 = vector.load %arg2[%swap3A_607, %swap3A_608] : memref<4096x1xi32, #tpu.memory_space<vmem>>, vector<128x1xi32>
    tpu.vector_store %arg2[%swap3A_607, %swap3A_608], %convert_element_type3A_606 {strides = array<i32>} : memref<4096x1xi32, #tpu.memory_space<vmem>>, vector<128x1xi32>,
    %reduce_sum3A_610 = arith.constant dense<0.000000e+00> : vector<8xf32>
    %reduce_sum3A_611 = vector.multi_reduction <add>, %convert_element_type3A_593, %reduce_sum3A_610 [0] : vector<128x8xf32> to vector<8xf32>
    %broadcast_in_dim3A_612 = vector.shape_cast %reduce_sum3A_611 : vector<8xf32> to vector<1x8xf32>
    %add3A_613 = arith.addf %add3A_585, %broadcast_in_dim3A_612 : vector<1x8xf32>
    %get3A_614 = arith.constant 768 : index
    %get3A_615 = arith.constant 0 : index
    %get3A_616 = vector.load %arg1[%get3A_614, %get3A_615] : memref<2048x1xi32, #tpu.memory_space<vmem>>, vector<128x1xi32>
    %convert_element_type3A_617 = arith.sitofp %get3A_616 : vector<128x1xi32> to vector<128x1xf32>
    %eq3A_618 = vector.broadcast %convert_element_type3A_617 : vector<128x1xf32> to vector<128x8xf32>
    %eq3A_619 = arith.cmpf oeq, %eq3A_618, %convert_element_type3A : vector<128x8xf32>
    %convert_element_type3A_620 = arith.extui %eq3A_619 : vector<128x8xi1> to vector<128x8xi32>
    %convert_element_type3A_621 = arith.sitofp %convert_element_type3A_620 : vector<128x8xi32> to vector<128x8xf32>
    %dot_general3A_622 = arith.constant dense<0.000000e+00> : vector<128x8xf32>
    %dot_general3A_623 = tpu.matmul %convert_element_type3A_3, %convert_element_type3A_621, %dot_general3A_622 {dimension_numbers = #tpu.dot_dimension_numbers<[1], [0], [0], [1], [0, 0, 1, 1], [], []>, transpose_lhs_hint = false} : vector<128x128xf32>, vector<128x8xf32>, vector<128x8xf32> -> vector<128x8xf32>
    %mul3A_624 = arith.mulf %dot_general3A_623, %convert_element_type3A_621 : vector<128x8xf32>
    %reduce_sum3A_625 = arith.constant dense<0.000000e+00> : vector<128xf32>
    %reduce_sum3A_626 = vector.multi_reduction <add>, %mul3A_624, %reduce_sum3A_625 [1] : vector<128x8xf32> to vector<128xf32>
    %broadcast_in_dim3A_627 = vector.shape_cast %reduce_sum3A_626 : vector<128xf32> to vector<128x1xf32>
    %mul3A_628 = vector.broadcast %add3A_613 : vector<1x8xf32> to vector<128x8xf32>
    %mul3A_629 = arith.mulf %convert_element_type3A_621, %mul3A_628 : vector<128x8xf32>
    %reduce_sum3A_630 = arith.constant dense<0.000000e+00> : vector<128xf32>
    %reduce_sum3A_631 = vector.multi_reduction <add>, %mul3A_629, %reduce_sum3A_630 [1] : vector<128x8xf32> to vector<128xf32>
    %broadcast_in_dim3A_632 = vector.shape_cast %reduce_sum3A_631 : vector<128xf32> to vector<128x1xf32>
    %add3A_633 = arith.addf %broadcast_in_dim3A_627, %broadcast_in_dim3A_632 : vector<128x1xf32>
    %convert_element_type3A_634 = arith.fptosi %add3A_633 : vector<128x1xf32> to vector<128x1xi32>
    %swap3A_635 = arith.constant 2816 : index
    %swap3A_636 = arith.constant 0 : index
    %swap3A_637 = vector.load %arg2[%swap3A_635, %swap3A_636] : memref<4096x1xi32, #tpu.memory_space<vmem>>, vector<128x1xi32>
    tpu.vector_store %arg2[%swap3A_635, %swap3A_636], %convert_element_type3A_634 {strides = array<i32>} : memref<4096x1xi32, #tpu.memory_space<vmem>>, vector<128x1xi32>,
    %reduce_sum3A_638 = arith.constant dense<0.000000e+00> : vector<8xf32>
    %reduce_sum3A_639 = vector.multi_reduction <add>, %convert_element_type3A_621, %reduce_sum3A_638 [0] : vector<128x8xf32> to vector<8xf32>
    %broadcast_in_dim3A_640 = vector.shape_cast %reduce_sum3A_639 : vector<8xf32> to vector<1x8xf32>
    %add3A_641 = arith.addf %add3A_613, %broadcast_in_dim3A_640 : vector<1x8xf32>
    %get3A_642 = arith.constant 896 : index
    %get3A_643 = arith.constant 0 : index
    %get3A_644 = vector.load %arg1[%get3A_642, %get3A_643] : memref<2048x1xi32, #tpu.memory_space<vmem>>, vector<128x1xi32>
    %convert_element_type3A_645 = arith.sitofp %get3A_644 : vector<128x1xi32> to vector<128x1xf32>
    %eq3A_646 = vector.broadcast %convert_element_type3A_645 : vector<128x1xf32> to vector<128x8xf32>
    %eq3A_647 = arith.cmpf oeq, %eq3A_646, %convert_element_type3A : vector<128x8xf32>
    %convert_element_type3A_648 = arith.extui %eq3A_647 : vector<128x8xi1> to vector<128x8xi32>
    %convert_element_type3A_649 = arith.sitofp %convert_element_type3A_648 : vector<128x8xi32> to vector<128x8xf32>
    %dot_general3A_650 = arith.constant dense<0.000000e+00> : vector<128x8xf32>
    %dot_general3A_651 = tpu.matmul %convert_element_type3A_3, %convert_element_type3A_649, %dot_general3A_650 {dimension_numbers = #tpu.dot_dimension_numbers<[1], [0], [0], [1], [0, 0, 1, 1], [], []>, transpose_lhs_hint = false} : vector<128x128xf32>, vector<128x8xf32>, vector<128x8xf32> -> vector<128x8xf32>
    %mul3A_652 = arith.mulf %dot_general3A_651, %convert_element_type3A_649 : vector<128x8xf32>
    %reduce_sum3A_653 = arith.constant dense<0.000000e+00> : vector<128xf32>
    %reduce_sum3A_654 = vector.multi_reduction <add>, %mul3A_652, %reduce_sum3A_653 [1] : vector<128x8xf32> to vector<128xf32>
    %broadcast_in_dim3A_655 = vector.shape_cast %reduce_sum3A_654 : vector<128xf32> to vector<128x1xf32>
    %mul3A_656 = vector.broadcast %add3A_641 : vector<1x8xf32> to vector<128x8xf32>
    %mul3A_657 = arith.mulf %convert_element_type3A_649, %mul3A_656 : vector<128x8xf32>
    %reduce_sum3A_658 = arith.constant dense<0.000000e+00> : vector<128xf32>
    %reduce_sum3A_659 = vector.multi_reduction <add>, %mul3A_657, %reduce_sum3A_658 [1] : vector<128x8xf32> to vector<128xf32>
    %broadcast_in_dim3A_660 = vector.shape_cast %reduce_sum3A_659 : vector<128xf32> to vector<128x1xf32>
    %add3A_661 = arith.addf %broadcast_in_dim3A_655, %broadcast_in_dim3A_660 : vector<128x1xf32>
    %convert_element_type3A_662 = arith.fptosi %add3A_661 : vector<128x1xf32> to vector<128x1xi32>
    %swap3A_663 = arith.constant 2944 : index
    %swap3A_664 = arith.constant 0 : index
    %swap3A_665 = vector.load %arg2[%swap3A_663, %swap3A_664] : memref<4096x1xi32, #tpu.memory_space<vmem>>, vector<128x1xi32>
    tpu.vector_store %arg2[%swap3A_663, %swap3A_664], %convert_element_type3A_662 {strides = array<i32>} : memref<4096x1xi32, #tpu.memory_space<vmem>>, vector<128x1xi32>,
    %reduce_sum3A_666 = arith.constant dense<0.000000e+00> : vector<8xf32>
    %reduce_sum3A_667 = vector.multi_reduction <add>, %convert_element_type3A_649, %reduce_sum3A_666 [0] : vector<128x8xf32> to vector<8xf32>
    %broadcast_in_dim3A_668 = vector.shape_cast %reduce_sum3A_667 : vector<8xf32> to vector<1x8xf32>
    %add3A_669 = arith.addf %add3A_641, %broadcast_in_dim3A_668 : vector<1x8xf32>
    %get3A_670 = arith.constant 1024 : index
    %get3A_671 = arith.constant 0 : index
    %get3A_672 = vector.load %arg1[%get3A_670, %get3A_671] : memref<2048x1xi32, #tpu.memory_space<vmem>>, vector<128x1xi32>
    %convert_element_type3A_673 = arith.sitofp %get3A_672 : vector<128x1xi32> to vector<128x1xf32>
    %eq3A_674 = vector.broadcast %convert_element_type3A_673 : vector<128x1xf32> to vector<128x8xf32>
    %eq3A_675 = arith.cmpf oeq, %eq3A_674, %convert_element_type3A : vector<128x8xf32>
    %convert_element_type3A_676 = arith.extui %eq3A_675 : vector<128x8xi1> to vector<128x8xi32>
    %convert_element_type3A_677 = arith.sitofp %convert_element_type3A_676 : vector<128x8xi32> to vector<128x8xf32>
    %dot_general3A_678 = arith.constant dense<0.000000e+00> : vector<128x8xf32>
    %dot_general3A_679 = tpu.matmul %convert_element_type3A_3, %convert_element_type3A_677, %dot_general3A_678 {dimension_numbers = #tpu.dot_dimension_numbers<[1], [0], [0], [1], [0, 0, 1, 1], [], []>, transpose_lhs_hint = false} : vector<128x128xf32>, vector<128x8xf32>, vector<128x8xf32> -> vector<128x8xf32>
    %mul3A_680 = arith.mulf %dot_general3A_679, %convert_element_type3A_677 : vector<128x8xf32>
    %reduce_sum3A_681 = arith.constant dense<0.000000e+00> : vector<128xf32>
    %reduce_sum3A_682 = vector.multi_reduction <add>, %mul3A_680, %reduce_sum3A_681 [1] : vector<128x8xf32> to vector<128xf32>
    %broadcast_in_dim3A_683 = vector.shape_cast %reduce_sum3A_682 : vector<128xf32> to vector<128x1xf32>
    %mul3A_684 = vector.broadcast %add3A_669 : vector<1x8xf32> to vector<128x8xf32>
    %mul3A_685 = arith.mulf %convert_element_type3A_677, %mul3A_684 : vector<128x8xf32>
    %reduce_sum3A_686 = arith.constant dense<0.000000e+00> : vector<128xf32>
    %reduce_sum3A_687 = vector.multi_reduction <add>, %mul3A_685, %reduce_sum3A_686 [1] : vector<128x8xf32> to vector<128xf32>
    %broadcast_in_dim3A_688 = vector.shape_cast %reduce_sum3A_687 : vector<128xf32> to vector<128x1xf32>
    %add3A_689 = arith.addf %broadcast_in_dim3A_683, %broadcast_in_dim3A_688 : vector<128x1xf32>
    %convert_element_type3A_690 = arith.fptosi %add3A_689 : vector<128x1xf32> to vector<128x1xi32>
    %swap3A_691 = arith.constant 3072 : index
    %swap3A_692 = arith.constant 0 : index
    %swap3A_693 = vector.load %arg2[%swap3A_691, %swap3A_692] : memref<4096x1xi32, #tpu.memory_space<vmem>>, vector<128x1xi32>
    tpu.vector_store %arg2[%swap3A_691, %swap3A_692], %convert_element_type3A_690 {strides = array<i32>} : memref<4096x1xi32, #tpu.memory_space<vmem>>, vector<128x1xi32>,
    %reduce_sum3A_694 = arith.constant dense<0.000000e+00> : vector<8xf32>
    %reduce_sum3A_695 = vector.multi_reduction <add>, %convert_element_type3A_677, %reduce_sum3A_694 [0] : vector<128x8xf32> to vector<8xf32>
    %broadcast_in_dim3A_696 = vector.shape_cast %reduce_sum3A_695 : vector<8xf32> to vector<1x8xf32>
    %add3A_697 = arith.addf %add3A_669, %broadcast_in_dim3A_696 : vector<1x8xf32>
    %get3A_698 = arith.constant 1152 : index
    %get3A_699 = arith.constant 0 : index
    %get3A_700 = vector.load %arg1[%get3A_698, %get3A_699] : memref<2048x1xi32, #tpu.memory_space<vmem>>, vector<128x1xi32>
    %convert_element_type3A_701 = arith.sitofp %get3A_700 : vector<128x1xi32> to vector<128x1xf32>
    %eq3A_702 = vector.broadcast %convert_element_type3A_701 : vector<128x1xf32> to vector<128x8xf32>
    %eq3A_703 = arith.cmpf oeq, %eq3A_702, %convert_element_type3A : vector<128x8xf32>
    %convert_element_type3A_704 = arith.extui %eq3A_703 : vector<128x8xi1> to vector<128x8xi32>
    %convert_element_type3A_705 = arith.sitofp %convert_element_type3A_704 : vector<128x8xi32> to vector<128x8xf32>
    %dot_general3A_706 = arith.constant dense<0.000000e+00> : vector<128x8xf32>
    %dot_general3A_707 = tpu.matmul %convert_element_type3A_3, %convert_element_type3A_705, %dot_general3A_706 {dimension_numbers = #tpu.dot_dimension_numbers<[1], [0], [0], [1], [0, 0, 1, 1], [], []>, transpose_lhs_hint = false} : vector<128x128xf32>, vector<128x8xf32>, vector<128x8xf32> -> vector<128x8xf32>
    %mul3A_708 = arith.mulf %dot_general3A_707, %convert_element_type3A_705 : vector<128x8xf32>
    %reduce_sum3A_709 = arith.constant dense<0.000000e+00> : vector<128xf32>
    %reduce_sum3A_710 = vector.multi_reduction <add>, %mul3A_708, %reduce_sum3A_709 [1] : vector<128x8xf32> to vector<128xf32>
    %broadcast_in_dim3A_711 = vector.shape_cast %reduce_sum3A_710 : vector<128xf32> to vector<128x1xf32>
    %mul3A_712 = vector.broadcast %add3A_697 : vector<1x8xf32> to vector<128x8xf32>
    %mul3A_713 = arith.mulf %convert_element_type3A_705, %mul3A_712 : vector<128x8xf32>
    %reduce_sum3A_714 = arith.constant dense<0.000000e+00> : vector<128xf32>
    %reduce_sum3A_715 = vector.multi_reduction <add>, %mul3A_713, %reduce_sum3A_714 [1] : vector<128x8xf32> to vector<128xf32>
    %broadcast_in_dim3A_716 = vector.shape_cast %reduce_sum3A_715 : vector<128xf32> to vector<128x1xf32>
    %add3A_717 = arith.addf %broadcast_in_dim3A_711, %broadcast_in_dim3A_716 : vector<128x1xf32>
    %convert_element_type3A_718 = arith.fptosi %add3A_717 : vector<128x1xf32> to vector<128x1xi32>
    %swap3A_719 = arith.constant 3200 : index
    %swap3A_720 = arith.constant 0 : index
    %swap3A_721 = vector.load %arg2[%swap3A_719, %swap3A_720] : memref<4096x1xi32, #tpu.memory_space<vmem>>, vector<128x1xi32>
    tpu.vector_store %arg2[%swap3A_719, %swap3A_720], %convert_element_type3A_718 {strides = array<i32>} : memref<4096x1xi32, #tpu.memory_space<vmem>>, vector<128x1xi32>,
    %reduce_sum3A_722 = arith.constant dense<0.000000e+00> : vector<8xf32>
    %reduce_sum3A_723 = vector.multi_reduction <add>, %convert_element_type3A_705, %reduce_sum3A_722 [0] : vector<128x8xf32> to vector<8xf32>
    %broadcast_in_dim3A_724 = vector.shape_cast %reduce_sum3A_723 : vector<8xf32> to vector<1x8xf32>
    %add3A_725 = arith.addf %add3A_697, %broadcast_in_dim3A_724 : vector<1x8xf32>
    %get3A_726 = arith.constant 1280 : index
    %get3A_727 = arith.constant 0 : index
    %get3A_728 = vector.load %arg1[%get3A_726, %get3A_727] : memref<2048x1xi32, #tpu.memory_space<vmem>>, vector<128x1xi32>
    %convert_element_type3A_729 = arith.sitofp %get3A_728 : vector<128x1xi32> to vector<128x1xf32>
    %eq3A_730 = vector.broadcast %convert_element_type3A_729 : vector<128x1xf32> to vector<128x8xf32>
    %eq3A_731 = arith.cmpf oeq, %eq3A_730, %convert_element_type3A : vector<128x8xf32>
    %convert_element_type3A_732 = arith.extui %eq3A_731 : vector<128x8xi1> to vector<128x8xi32>
    %convert_element_type3A_733 = arith.sitofp %convert_element_type3A_732 : vector<128x8xi32> to vector<128x8xf32>
    %dot_general3A_734 = arith.constant dense<0.000000e+00> : vector<128x8xf32>
    %dot_general3A_735 = tpu.matmul %convert_element_type3A_3, %convert_element_type3A_733, %dot_general3A_734 {dimension_numbers = #tpu.dot_dimension_numbers<[1], [0], [0], [1], [0, 0, 1, 1], [], []>, transpose_lhs_hint = false} : vector<128x128xf32>, vector<128x8xf32>, vector<128x8xf32> -> vector<128x8xf32>
    %mul3A_736 = arith.mulf %dot_general3A_735, %convert_element_type3A_733 : vector<128x8xf32>
    %reduce_sum3A_737 = arith.constant dense<0.000000e+00> : vector<128xf32>
    %reduce_sum3A_738 = vector.multi_reduction <add>, %mul3A_736, %reduce_sum3A_737 [1] : vector<128x8xf32> to vector<128xf32>
    %broadcast_in_dim3A_739 = vector.shape_cast %reduce_sum3A_738 : vector<128xf32> to vector<128x1xf32>
    %mul3A_740 = vector.broadcast %add3A_725 : vector<1x8xf32> to vector<128x8xf32>
    %mul3A_741 = arith.mulf %convert_element_type3A_733, %mul3A_740 : vector<128x8xf32>
    %reduce_sum3A_742 = arith.constant dense<0.000000e+00> : vector<128xf32>
    %reduce_sum3A_743 = vector.multi_reduction <add>, %mul3A_741, %reduce_sum3A_742 [1] : vector<128x8xf32> to vector<128xf32>
    %broadcast_in_dim3A_744 = vector.shape_cast %reduce_sum3A_743 : vector<128xf32> to vector<128x1xf32>
    %add3A_745 = arith.addf %broadcast_in_dim3A_739, %broadcast_in_dim3A_744 : vector<128x1xf32>
    %convert_element_type3A_746 = arith.fptosi %add3A_745 : vector<128x1xf32> to vector<128x1xi32>
    %swap3A_747 = arith.constant 3328 : index
    %swap3A_748 = arith.constant 0 : index
    %swap3A_749 = vector.load %arg2[%swap3A_747, %swap3A_748] : memref<4096x1xi32, #tpu.memory_space<vmem>>, vector<128x1xi32>
    tpu.vector_store %arg2[%swap3A_747, %swap3A_748], %convert_element_type3A_746 {strides = array<i32>} : memref<4096x1xi32, #tpu.memory_space<vmem>>, vector<128x1xi32>,
    %reduce_sum3A_750 = arith.constant dense<0.000000e+00> : vector<8xf32>
    %reduce_sum3A_751 = vector.multi_reduction <add>, %convert_element_type3A_733, %reduce_sum3A_750 [0] : vector<128x8xf32> to vector<8xf32>
    %broadcast_in_dim3A_752 = vector.shape_cast %reduce_sum3A_751 : vector<8xf32> to vector<1x8xf32>
    %add3A_753 = arith.addf %add3A_725, %broadcast_in_dim3A_752 : vector<1x8xf32>
    %get3A_754 = arith.constant 1408 : index
    %get3A_755 = arith.constant 0 : index
    %get3A_756 = vector.load %arg1[%get3A_754, %get3A_755] : memref<2048x1xi32, #tpu.memory_space<vmem>>, vector<128x1xi32>
    %convert_element_type3A_757 = arith.sitofp %get3A_756 : vector<128x1xi32> to vector<128x1xf32>
    %eq3A_758 = vector.broadcast %convert_element_type3A_757 : vector<128x1xf32> to vector<128x8xf32>
    %eq3A_759 = arith.cmpf oeq, %eq3A_758, %convert_element_type3A : vector<128x8xf32>
    %convert_element_type3A_760 = arith.extui %eq3A_759 : vector<128x8xi1> to vector<128x8xi32>
    %convert_element_type3A_761 = arith.sitofp %convert_element_type3A_760 : vector<128x8xi32> to vector<128x8xf32>
    %dot_general3A_762 = arith.constant dense<0.000000e+00> : vector<128x8xf32>
    %dot_general3A_763 = tpu.matmul %convert_element_type3A_3, %convert_element_type3A_761, %dot_general3A_762 {dimension_numbers = #tpu.dot_dimension_numbers<[1], [0], [0], [1], [0, 0, 1, 1], [], []>, transpose_lhs_hint = false} : vector<128x128xf32>, vector<128x8xf32>, vector<128x8xf32> -> vector<128x8xf32>
    %mul3A_764 = arith.mulf %dot_general3A_763, %convert_element_type3A_761 : vector<128x8xf32>
    %reduce_sum3A_765 = arith.constant dense<0.000000e+00> : vector<128xf32>
    %reduce_sum3A_766 = vector.multi_reduction <add>, %mul3A_764, %reduce_sum3A_765 [1] : vector<128x8xf32> to vector<128xf32>
    %broadcast_in_dim3A_767 = vector.shape_cast %reduce_sum3A_766 : vector<128xf32> to vector<128x1xf32>
    %mul3A_768 = vector.broadcast %add3A_753 : vector<1x8xf32> to vector<128x8xf32>
    %mul3A_769 = arith.mulf %convert_element_type3A_761, %mul3A_768 : vector<128x8xf32>
    %reduce_sum3A_770 = arith.constant dense<0.000000e+00> : vector<128xf32>
    %reduce_sum3A_771 = vector.multi_reduction <add>, %mul3A_769, %reduce_sum3A_770 [1] : vector<128x8xf32> to vector<128xf32>
    %broadcast_in_dim3A_772 = vector.shape_cast %reduce_sum3A_771 : vector<128xf32> to vector<128x1xf32>
    %add3A_773 = arith.addf %broadcast_in_dim3A_767, %broadcast_in_dim3A_772 : vector<128x1xf32>
    %convert_element_type3A_774 = arith.fptosi %add3A_773 : vector<128x1xf32> to vector<128x1xi32>
    %swap3A_775 = arith.constant 3456 : index
    %swap3A_776 = arith.constant 0 : index
    %swap3A_777 = vector.load %arg2[%swap3A_775, %swap3A_776] : memref<4096x1xi32, #tpu.memory_space<vmem>>, vector<128x1xi32>
    tpu.vector_store %arg2[%swap3A_775, %swap3A_776], %convert_element_type3A_774 {strides = array<i32>} : memref<4096x1xi32, #tpu.memory_space<vmem>>, vector<128x1xi32>,
    %reduce_sum3A_778 = arith.constant dense<0.000000e+00> : vector<8xf32>
    %reduce_sum3A_779 = vector.multi_reduction <add>, %convert_element_type3A_761, %reduce_sum3A_778 [0] : vector<128x8xf32> to vector<8xf32>
    %broadcast_in_dim3A_780 = vector.shape_cast %reduce_sum3A_779 : vector<8xf32> to vector<1x8xf32>
    %add3A_781 = arith.addf %add3A_753, %broadcast_in_dim3A_780 : vector<1x8xf32>
    %get3A_782 = arith.constant 1536 : index
    %get3A_783 = arith.constant 0 : index
    %get3A_784 = vector.load %arg1[%get3A_782, %get3A_783] : memref<2048x1xi32, #tpu.memory_space<vmem>>, vector<128x1xi32>
    %convert_element_type3A_785 = arith.sitofp %get3A_784 : vector<128x1xi32> to vector<128x1xf32>
    %eq3A_786 = vector.broadcast %convert_element_type3A_785 : vector<128x1xf32> to vector<128x8xf32>
    %eq3A_787 = arith.cmpf oeq, %eq3A_786, %convert_element_type3A : vector<128x8xf32>
    %convert_element_type3A_788 = arith.extui %eq3A_787 : vector<128x8xi1> to vector<128x8xi32>
    %convert_element_type3A_789 = arith.sitofp %convert_element_type3A_788 : vector<128x8xi32> to vector<128x8xf32>
    %dot_general3A_790 = arith.constant dense<0.000000e+00> : vector<128x8xf32>
    %dot_general3A_791 = tpu.matmul %convert_element_type3A_3, %convert_element_type3A_789, %dot_general3A_790 {dimension_numbers = #tpu.dot_dimension_numbers<[1], [0], [0], [1], [0, 0, 1, 1], [], []>, transpose_lhs_hint = false} : vector<128x128xf32>, vector<128x8xf32>, vector<128x8xf32> -> vector<128x8xf32>
    %mul3A_792 = arith.mulf %dot_general3A_791, %convert_element_type3A_789 : vector<128x8xf32>
    %reduce_sum3A_793 = arith.constant dense<0.000000e+00> : vector<128xf32>
    %reduce_sum3A_794 = vector.multi_reduction <add>, %mul3A_792, %reduce_sum3A_793 [1] : vector<128x8xf32> to vector<128xf32>
    %broadcast_in_dim3A_795 = vector.shape_cast %reduce_sum3A_794 : vector<128xf32> to vector<128x1xf32>
    %mul3A_796 = vector.broadcast %add3A_781 : vector<1x8xf32> to vector<128x8xf32>
    %mul3A_797 = arith.mulf %convert_element_type3A_789, %mul3A_796 : vector<128x8xf32>
    %reduce_sum3A_798 = arith.constant dense<0.000000e+00> : vector<128xf32>
    %reduce_sum3A_799 = vector.multi_reduction <add>, %mul3A_797, %reduce_sum3A_798 [1] : vector<128x8xf32> to vector<128xf32>
    %broadcast_in_dim3A_800 = vector.shape_cast %reduce_sum3A_799 : vector<128xf32> to vector<128x1xf32>
    %add3A_801 = arith.addf %broadcast_in_dim3A_795, %broadcast_in_dim3A_800 : vector<128x1xf32>
    %convert_element_type3A_802 = arith.fptosi %add3A_801 : vector<128x1xf32> to vector<128x1xi32>
    %swap3A_803 = arith.constant 3584 : index
    %swap3A_804 = arith.constant 0 : index
    %swap3A_805 = vector.load %arg2[%swap3A_803, %swap3A_804] : memref<4096x1xi32, #tpu.memory_space<vmem>>, vector<128x1xi32>
    tpu.vector_store %arg2[%swap3A_803, %swap3A_804], %convert_element_type3A_802 {strides = array<i32>} : memref<4096x1xi32, #tpu.memory_space<vmem>>, vector<128x1xi32>,
    %reduce_sum3A_806 = arith.constant dense<0.000000e+00> : vector<8xf32>
    %reduce_sum3A_807 = vector.multi_reduction <add>, %convert_element_type3A_789, %reduce_sum3A_806 [0] : vector<128x8xf32> to vector<8xf32>
    %broadcast_in_dim3A_808 = vector.shape_cast %reduce_sum3A_807 : vector<8xf32> to vector<1x8xf32>
    %add3A_809 = arith.addf %add3A_781, %broadcast_in_dim3A_808 : vector<1x8xf32>
    %get3A_810 = arith.constant 1664 : index
    %get3A_811 = arith.constant 0 : index
    %get3A_812 = vector.load %arg1[%get3A_810, %get3A_811] : memref<2048x1xi32, #tpu.memory_space<vmem>>, vector<128x1xi32>
    %convert_element_type3A_813 = arith.sitofp %get3A_812 : vector<128x1xi32> to vector<128x1xf32>
    %eq3A_814 = vector.broadcast %convert_element_type3A_813 : vector<128x1xf32> to vector<128x8xf32>
    %eq3A_815 = arith.cmpf oeq, %eq3A_814, %convert_element_type3A : vector<128x8xf32>
    %convert_element_type3A_816 = arith.extui %eq3A_815 : vector<128x8xi1> to vector<128x8xi32>
    %convert_element_type3A_817 = arith.sitofp %convert_element_type3A_816 : vector<128x8xi32> to vector<128x8xf32>
    %dot_general3A_818 = arith.constant dense<0.000000e+00> : vector<128x8xf32>
    %dot_general3A_819 = tpu.matmul %convert_element_type3A_3, %convert_element_type3A_817, %dot_general3A_818 {dimension_numbers = #tpu.dot_dimension_numbers<[1], [0], [0], [1], [0, 0, 1, 1], [], []>, transpose_lhs_hint = false} : vector<128x128xf32>, vector<128x8xf32>, vector<128x8xf32> -> vector<128x8xf32>
    %mul3A_820 = arith.mulf %dot_general3A_819, %convert_element_type3A_817 : vector<128x8xf32>
    %reduce_sum3A_821 = arith.constant dense<0.000000e+00> : vector<128xf32>
    %reduce_sum3A_822 = vector.multi_reduction <add>, %mul3A_820, %reduce_sum3A_821 [1] : vector<128x8xf32> to vector<128xf32>
    %broadcast_in_dim3A_823 = vector.shape_cast %reduce_sum3A_822 : vector<128xf32> to vector<128x1xf32>
    %mul3A_824 = vector.broadcast %add3A_809 : vector<1x8xf32> to vector<128x8xf32>
    %mul3A_825 = arith.mulf %convert_element_type3A_817, %mul3A_824 : vector<128x8xf32>
    %reduce_sum3A_826 = arith.constant dense<0.000000e+00> : vector<128xf32>
    %reduce_sum3A_827 = vector.multi_reduction <add>, %mul3A_825, %reduce_sum3A_826 [1] : vector<128x8xf32> to vector<128xf32>
    %broadcast_in_dim3A_828 = vector.shape_cast %reduce_sum3A_827 : vector<128xf32> to vector<128x1xf32>
    %add3A_829 = arith.addf %broadcast_in_dim3A_823, %broadcast_in_dim3A_828 : vector<128x1xf32>
    %convert_element_type3A_830 = arith.fptosi %add3A_829 : vector<128x1xf32> to vector<128x1xi32>
    %swap3A_831 = arith.constant 3712 : index
    %swap3A_832 = arith.constant 0 : index
    %swap3A_833 = vector.load %arg2[%swap3A_831, %swap3A_832] : memref<4096x1xi32, #tpu.memory_space<vmem>>, vector<128x1xi32>
    tpu.vector_store %arg2[%swap3A_831, %swap3A_832], %convert_element_type3A_830 {strides = array<i32>} : memref<4096x1xi32, #tpu.memory_space<vmem>>, vector<128x1xi32>,
    %reduce_sum3A_834 = arith.constant dense<0.000000e+00> : vector<8xf32>
    %reduce_sum3A_835 = vector.multi_reduction <add>, %convert_element_type3A_817, %reduce_sum3A_834 [0] : vector<128x8xf32> to vector<8xf32>
    %broadcast_in_dim3A_836 = vector.shape_cast %reduce_sum3A_835 : vector<8xf32> to vector<1x8xf32>
    %add3A_837 = arith.addf %add3A_809, %broadcast_in_dim3A_836 : vector<1x8xf32>
    %get3A_838 = arith.constant 1792 : index
    %get3A_839 = arith.constant 0 : index
    %get3A_840 = vector.load %arg1[%get3A_838, %get3A_839] : memref<2048x1xi32, #tpu.memory_space<vmem>>, vector<128x1xi32>
    %convert_element_type3A_841 = arith.sitofp %get3A_840 : vector<128x1xi32> to vector<128x1xf32>
    %eq3A_842 = vector.broadcast %convert_element_type3A_841 : vector<128x1xf32> to vector<128x8xf32>
    %eq3A_843 = arith.cmpf oeq, %eq3A_842, %convert_element_type3A : vector<128x8xf32>
    %convert_element_type3A_844 = arith.extui %eq3A_843 : vector<128x8xi1> to vector<128x8xi32>
    %convert_element_type3A_845 = arith.sitofp %convert_element_type3A_844 : vector<128x8xi32> to vector<128x8xf32>
    %dot_general3A_846 = arith.constant dense<0.000000e+00> : vector<128x8xf32>
    %dot_general3A_847 = tpu.matmul %convert_element_type3A_3, %convert_element_type3A_845, %dot_general3A_846 {dimension_numbers = #tpu.dot_dimension_numbers<[1], [0], [0], [1], [0, 0, 1, 1], [], []>, transpose_lhs_hint = false} : vector<128x128xf32>, vector<128x8xf32>, vector<128x8xf32> -> vector<128x8xf32>
    %mul3A_848 = arith.mulf %dot_general3A_847, %convert_element_type3A_845 : vector<128x8xf32>
    %reduce_sum3A_849 = arith.constant dense<0.000000e+00> : vector<128xf32>
    %reduce_sum3A_850 = vector.multi_reduction <add>, %mul3A_848, %reduce_sum3A_849 [1] : vector<128x8xf32> to vector<128xf32>
    %broadcast_in_dim3A_851 = vector.shape_cast %reduce_sum3A_850 : vector<128xf32> to vector<128x1xf32>
    %mul3A_852 = vector.broadcast %add3A_837 : vector<1x8xf32> to vector<128x8xf32>
    %mul3A_853 = arith.mulf %convert_element_type3A_845, %mul3A_852 : vector<128x8xf32>
    %reduce_sum3A_854 = arith.constant dense<0.000000e+00> : vector<128xf32>
    %reduce_sum3A_855 = vector.multi_reduction <add>, %mul3A_853, %reduce_sum3A_854 [1] : vector<128x8xf32> to vector<128xf32>
    %broadcast_in_dim3A_856 = vector.shape_cast %reduce_sum3A_855 : vector<128xf32> to vector<128x1xf32>
    %add3A_857 = arith.addf %broadcast_in_dim3A_851, %broadcast_in_dim3A_856 : vector<128x1xf32>
    %convert_element_type3A_858 = arith.fptosi %add3A_857 : vector<128x1xf32> to vector<128x1xi32>
    %swap3A_859 = arith.constant 3840 : index
    %swap3A_860 = arith.constant 0 : index
    %swap3A_861 = vector.load %arg2[%swap3A_859, %swap3A_860] : memref<4096x1xi32, #tpu.memory_space<vmem>>, vector<128x1xi32>
    tpu.vector_store %arg2[%swap3A_859, %swap3A_860], %convert_element_type3A_858 {strides = array<i32>} : memref<4096x1xi32, #tpu.memory_space<vmem>>, vector<128x1xi32>,
    %reduce_sum3A_862 = arith.constant dense<0.000000e+00> : vector<8xf32>
    %reduce_sum3A_863 = vector.multi_reduction <add>, %convert_element_type3A_845, %reduce_sum3A_862 [0] : vector<128x8xf32> to vector<8xf32>
    %broadcast_in_dim3A_864 = vector.shape_cast %reduce_sum3A_863 : vector<8xf32> to vector<1x8xf32>
    %add3A_865 = arith.addf %add3A_837, %broadcast_in_dim3A_864 : vector<1x8xf32>
    %get3A_866 = arith.constant 1920 : index
    %get3A_867 = arith.constant 0 : index
    %get3A_868 = vector.load %arg1[%get3A_866, %get3A_867] : memref<2048x1xi32, #tpu.memory_space<vmem>>, vector<128x1xi32>
    %convert_element_type3A_869 = arith.sitofp %get3A_868 : vector<128x1xi32> to vector<128x1xf32>
    %eq3A_870 = vector.broadcast %convert_element_type3A_869 : vector<128x1xf32> to vector<128x8xf32>
    %eq3A_871 = arith.cmpf oeq, %eq3A_870, %convert_element_type3A : vector<128x8xf32>
    %convert_element_type3A_872 = arith.extui %eq3A_871 : vector<128x8xi1> to vector<128x8xi32>
    %convert_element_type3A_873 = arith.sitofp %convert_element_type3A_872 : vector<128x8xi32> to vector<128x8xf32>
    %dot_general3A_874 = arith.constant dense<0.000000e+00> : vector<128x8xf32>
    %dot_general3A_875 = tpu.matmul %convert_element_type3A_3, %convert_element_type3A_873, %dot_general3A_874 {dimension_numbers = #tpu.dot_dimension_numbers<[1], [0], [0], [1], [0, 0, 1, 1], [], []>, transpose_lhs_hint = false} : vector<128x128xf32>, vector<128x8xf32>, vector<128x8xf32> -> vector<128x8xf32>
    %mul3A_876 = arith.mulf %dot_general3A_875, %convert_element_type3A_873 : vector<128x8xf32>
    %reduce_sum3A_877 = arith.constant dense<0.000000e+00> : vector<128xf32>
    %reduce_sum3A_878 = vector.multi_reduction <add>, %mul3A_876, %reduce_sum3A_877 [1] : vector<128x8xf32> to vector<128xf32>
    %broadcast_in_dim3A_879 = vector.shape_cast %reduce_sum3A_878 : vector<128xf32> to vector<128x1xf32>
    %mul3A_880 = vector.broadcast %add3A_865 : vector<1x8xf32> to vector<128x8xf32>
    %mul3A_881 = arith.mulf %convert_element_type3A_873, %mul3A_880 : vector<128x8xf32>
    %reduce_sum3A_882 = arith.constant dense<0.000000e+00> : vector<128xf32>
    %reduce_sum3A_883 = vector.multi_reduction <add>, %mul3A_881, %reduce_sum3A_882 [1] : vector<128x8xf32> to vector<128xf32>
    %broadcast_in_dim3A_884 = vector.shape_cast %reduce_sum3A_883 : vector<128xf32> to vector<128x1xf32>
    %add3A_885 = arith.addf %broadcast_in_dim3A_879, %broadcast_in_dim3A_884 : vector<128x1xf32>
    %convert_element_type3A_886 = arith.fptosi %add3A_885 : vector<128x1xf32> to vector<128x1xi32>
    %swap3A_887 = arith.constant 3968 : index
    %swap3A_888 = arith.constant 0 : index
    %swap3A_889 = vector.load %arg2[%swap3A_887, %swap3A_888] : memref<4096x1xi32, #tpu.memory_space<vmem>>, vector<128x1xi32>
    tpu.vector_store %arg2[%swap3A_887, %swap3A_888], %convert_element_type3A_886 {strides = array<i32>} : memref<4096x1xi32, #tpu.memory_space<vmem>>, vector<128x1xi32>,
    %reduce_sum3A_890 = arith.constant dense<0.000000e+00> : vector<8xf32>
    %reduce_sum3A_891 = vector.multi_reduction <add>, %convert_element_type3A_873, %reduce_sum3A_890 [0] : vector<128x8xf32> to vector<8xf32>
    %broadcast_in_dim3A_892 = vector.shape_cast %reduce_sum3A_891 : vector<8xf32> to vector<1x8xf32>
    %add3A_893 = arith.addf %add3A_865, %broadcast_in_dim3A_892 : vector<1x8xf32>
    %div3A = arith.constant 1.280000e+02 : f32
    %div3A_894 = vector.broadcast %div3A : f32 to vector<1x8xf32>
    %div3A_895 = arith.divf %add3A_893, %div3A_894 : vector<1x8xf32>
    %ceil3A = math.ceil %div3A_895 : vector<1x8xf32>
    %mul3A_896 = arith.constant 1.280000e+02 : f32
    %mul3A_897 = vector.broadcast %mul3A_896 : f32 to vector<1x8xf32>
    %mul3A_898 = arith.mulf %ceil3A, %mul3A_897 : vector<1x8xf32>
    %iota3A_899 = tpu.iota {dimensions = array<i32: 0>} : vector<8x8xi32>
    %iota3A_900 = tpu.iota {dimensions = array<i32: 1>} : vector<8x8xi32>
    %lt3A = arith.cmpi slt, %iota3A_899, %iota3A_900 : vector<8x8xi32>
    %convert_element_type3A_901 = arith.extui %lt3A : vector<8x8xi1> to vector<8x8xi32>
    %convert_element_type3A_902 = arith.sitofp %convert_element_type3A_901 : vector<8x8xi32> to vector<8x8xf32>
    %dot_general3A_903 = arith.constant dense<0.000000e+00> : vector<1x8xf32>
    %dot_general3A_904 = tpu.matmul %mul3A_898, %convert_element_type3A_902, %dot_general3A_903 {dimension_numbers = #tpu.dot_dimension_numbers<[1], [0], [0], [1], [0, 0, 1, 1], [], []>, transpose_lhs_hint = false} : vector<1x8xf32>, vector<8x8xf32>, vector<1x8xf32> -> vector<1x8xf32>
    %get3A_905 = arith.constant 0 : index
    %get3A_906 = arith.constant 0 : index
    %get3A_907 = vector.load %arg0[%get3A_905, %get3A_906] : memref<2048x1xi32, #tpu.memory_space<vmem>>, vector<128x1xi32>
    %convert_element_type3A_908 = arith.sitofp %get3A_907 : vector<128x1xi32> to vector<128x1xf32>
    %eq3A_909 = vector.broadcast %convert_element_type3A_908 : vector<128x1xf32> to vector<128x8xf32>
    %eq3A_910 = arith.cmpf oeq, %eq3A_909, %convert_element_type3A : vector<128x8xf32>
    %convert_element_type3A_911 = arith.extui %eq3A_910 : vector<128x8xi1> to vector<128x8xi32>
    %convert_element_type3A_912 = arith.sitofp %convert_element_type3A_911 : vector<128x8xi32> to vector<128x8xf32>
    %mul3A_913 = vector.broadcast %dot_general3A_904 : vector<1x8xf32> to vector<128x8xf32>
    %mul3A_914 = arith.mulf %convert_element_type3A_912, %mul3A_913 : vector<128x8xf32>
    %reduce_sum3A_915 = arith.constant dense<0.000000e+00> : vector<128xf32>
    %reduce_sum3A_916 = vector.multi_reduction <add>, %mul3A_914, %reduce_sum3A_915 [1] : vector<128x8xf32> to vector<128xf32>
    %broadcast_in_dim3A_917 = vector.shape_cast %reduce_sum3A_916 : vector<128xf32> to vector<128x1xf32>
    %convert_element_type3A_918 = arith.fptosi %broadcast_in_dim3A_917 : vector<128x1xf32> to vector<128x1xi32>
    %get3A_919 = arith.constant 0 : index
    %get3A_920 = arith.constant 0 : index
    %get3A_921 = vector.load %arg2[%get3A_919, %get3A_920] : memref<4096x1xi32, #tpu.memory_space<vmem>>, vector<128x1xi32>
    %add3A_922 = arith.addi %get3A_921, %convert_element_type3A_918 : vector<128x1xi32>
    %swap3A_923 = arith.constant 0 : index
    %swap3A_924 = arith.constant 0 : index
    %swap3A_925 = vector.load %arg2[%swap3A_923, %swap3A_924] : memref<4096x1xi32, #tpu.memory_space<vmem>>, vector<128x1xi32>
    tpu.vector_store %arg2[%swap3A_923, %swap3A_924], %add3A_922 {strides = array<i32>} : memref<4096x1xi32, #tpu.memory_space<vmem>>, vector<128x1xi32>,
    %get3A_926 = arith.constant 128 : index
    %get3A_927 = arith.constant 0 : index
    %get3A_928 = vector.load %arg0[%get3A_926, %get3A_927] : memref<2048x1xi32, #tpu.memory_space<vmem>>, vector<128x1xi32>
    %convert_element_type3A_929 = arith.sitofp %get3A_928 : vector<128x1xi32> to vector<128x1xf32>
    %eq3A_930 = vector.broadcast %convert_element_type3A_929 : vector<128x1xf32> to vector<128x8xf32>
    %eq3A_931 = arith.cmpf oeq, %eq3A_930, %convert_element_type3A : vector<128x8xf32>
    %convert_element_type3A_932 = arith.extui %eq3A_931 : vector<128x8xi1> to vector<128x8xi32>
    %convert_element_type3A_933 = arith.sitofp %convert_element_type3A_932 : vector<128x8xi32> to vector<128x8xf32>
    %mul3A_934 = vector.broadcast %dot_general3A_904 : vector<1x8xf32> to vector<128x8xf32>
    %mul3A_935 = arith.mulf %convert_element_type3A_933, %mul3A_934 : vector<128x8xf32>
    %reduce_sum3A_936 = arith.constant dense<0.000000e+00> : vector<128xf32>
    %reduce_sum3A_937 = vector.multi_reduction <add>, %mul3A_935, %reduce_sum3A_936 [1] : vector<128x8xf32> to vector<128xf32>
    %broadcast_in_dim3A_938 = vector.shape_cast %reduce_sum3A_937 : vector<128xf32> to vector<128x1xf32>
    %convert_element_type3A_939 = arith.fptosi %broadcast_in_dim3A_938 : vector<128x1xf32> to vector<128x1xi32>
    %get3A_940 = arith.constant 128 : index
    %get3A_941 = arith.constant 0 : index
    %get3A_942 = vector.load %arg2[%get3A_940, %get3A_941] : memref<4096x1xi32, #tpu.memory_space<vmem>>, vector<128x1xi32>
    %add3A_943 = arith.addi %get3A_942, %convert_element_type3A_939 : vector<128x1xi32>
    %swap3A_944 = arith.constant 128 : index
    %swap3A_945 = arith.constant 0 : index
    %swap3A_946 = vector.load %arg2[%swap3A_944, %swap3A_945] : memref<4096x1xi32, #tpu.memory_space<vmem>>, vector<128x1xi32>
    tpu.vector_store %arg2[%swap3A_944, %swap3A_945], %add3A_943 {strides = array<i32>} : memref<4096x1xi32, #tpu.memory_space<vmem>>, vector<128x1xi32>,
    %get3A_947 = arith.constant 256 : index
    %get3A_948 = arith.constant 0 : index
    %get3A_949 = vector.load %arg0[%get3A_947, %get3A_948] : memref<2048x1xi32, #tpu.memory_space<vmem>>, vector<128x1xi32>
    %convert_element_type3A_950 = arith.sitofp %get3A_949 : vector<128x1xi32> to vector<128x1xf32>
    %eq3A_951 = vector.broadcast %convert_element_type3A_950 : vector<128x1xf32> to vector<128x8xf32>
    %eq3A_952 = arith.cmpf oeq, %eq3A_951, %convert_element_type3A : vector<128x8xf32>
    %convert_element_type3A_953 = arith.extui %eq3A_952 : vector<128x8xi1> to vector<128x8xi32>
    %convert_element_type3A_954 = arith.sitofp %convert_element_type3A_953 : vector<128x8xi32> to vector<128x8xf32>
    %mul3A_955 = vector.broadcast %dot_general3A_904 : vector<1x8xf32> to vector<128x8xf32>
    %mul3A_956 = arith.mulf %convert_element_type3A_954, %mul3A_955 : vector<128x8xf32>
    %reduce_sum3A_957 = arith.constant dense<0.000000e+00> : vector<128xf32>
    %reduce_sum3A_958 = vector.multi_reduction <add>, %mul3A_956, %reduce_sum3A_957 [1] : vector<128x8xf32> to vector<128xf32>
    %broadcast_in_dim3A_959 = vector.shape_cast %reduce_sum3A_958 : vector<128xf32> to vector<128x1xf32>
    %convert_element_type3A_960 = arith.fptosi %broadcast_in_dim3A_959 : vector<128x1xf32> to vector<128x1xi32>
    %get3A_961 = arith.constant 256 : index
    %get3A_962 = arith.constant 0 : index
    %get3A_963 = vector.load %arg2[%get3A_961, %get3A_962] : memref<4096x1xi32, #tpu.memory_space<vmem>>, vector<128x1xi32>
    %add3A_964 = arith.addi %get3A_963, %convert_element_type3A_960 : vector<128x1xi32>
    %swap3A_965 = arith.constant 256 : index
    %swap3A_966 = arith.constant 0 : index
    %swap3A_967 = vector.load %arg2[%swap3A_965, %swap3A_966] : memref<4096x1xi32, #tpu.memory_space<vmem>>, vector<128x1xi32>
    tpu.vector_store %arg2[%swap3A_965, %swap3A_966], %add3A_964 {strides = array<i32>} : memref<4096x1xi32, #tpu.memory_space<vmem>>, vector<128x1xi32>,
    %get3A_968 = arith.constant 384 : index
    %get3A_969 = arith.constant 0 : index
    %get3A_970 = vector.load %arg0[%get3A_968, %get3A_969] : memref<2048x1xi32, #tpu.memory_space<vmem>>, vector<128x1xi32>
    %convert_element_type3A_971 = arith.sitofp %get3A_970 : vector<128x1xi32> to vector<128x1xf32>
    %eq3A_972 = vector.broadcast %convert_element_type3A_971 : vector<128x1xf32> to vector<128x8xf32>
    %eq3A_973 = arith.cmpf oeq, %eq3A_972, %convert_element_type3A : vector<128x8xf32>
    %convert_element_type3A_974 = arith.extui %eq3A_973 : vector<128x8xi1> to vector<128x8xi32>
    %convert_element_type3A_975 = arith.sitofp %convert_element_type3A_974 : vector<128x8xi32> to vector<128x8xf32>
    %mul3A_976 = vector.broadcast %dot_general3A_904 : vector<1x8xf32> to vector<128x8xf32>
    %mul3A_977 = arith.mulf %convert_element_type3A_975, %mul3A_976 : vector<128x8xf32>
    %reduce_sum3A_978 = arith.constant dense<0.000000e+00> : vector<128xf32>
    %reduce_sum3A_979 = vector.multi_reduction <add>, %mul3A_977, %reduce_sum3A_978 [1] : vector<128x8xf32> to vector<128xf32>
    %broadcast_in_dim3A_980 = vector.shape_cast %reduce_sum3A_979 : vector<128xf32> to vector<128x1xf32>
    %convert_element_type3A_981 = arith.fptosi %broadcast_in_dim3A_980 : vector<128x1xf32> to vector<128x1xi32>
    %get3A_982 = arith.constant 384 : index
    %get3A_983 = arith.constant 0 : index
    %get3A_984 = vector.load %arg2[%get3A_982, %get3A_983] : memref<4096x1xi32, #tpu.memory_space<vmem>>, vector<128x1xi32>
    %add3A_985 = arith.addi %get3A_984, %convert_element_type3A_981 : vector<128x1xi32>
    %swap3A_986 = arith.constant 384 : index
    %swap3A_987 = arith.constant 0 : index
    %swap3A_988 = vector.load %arg2[%swap3A_986, %swap3A_987] : memref<4096x1xi32, #tpu.memory_space<vmem>>, vector<128x1xi32>
    tpu.vector_store %arg2[%swap3A_986, %swap3A_987], %add3A_985 {strides = array<i32>} : memref<4096x1xi32, #tpu.memory_space<vmem>>, vector<128x1xi32>,
    %get3A_989 = arith.constant 512 : index
    %get3A_990 = arith.constant 0 : index
    %get3A_991 = vector.load %arg0[%get3A_989, %get3A_990] : memref<2048x1xi32, #tpu.memory_space<vmem>>, vector<128x1xi32>
    %convert_element_type3A_992 = arith.sitofp %get3A_991 : vector<128x1xi32> to vector<128x1xf32>
    %eq3A_993 = vector.broadcast %convert_element_type3A_992 : vector<128x1xf32> to vector<128x8xf32>
    %eq3A_994 = arith.cmpf oeq, %eq3A_993, %convert_element_type3A : vector<128x8xf32>
    %convert_element_type3A_995 = arith.extui %eq3A_994 : vector<128x8xi1> to vector<128x8xi32>
    %convert_element_type3A_996 = arith.sitofp %convert_element_type3A_995 : vector<128x8xi32> to vector<128x8xf32>
    %mul3A_997 = vector.broadcast %dot_general3A_904 : vector<1x8xf32> to vector<128x8xf32>
    %mul3A_998 = arith.mulf %convert_element_type3A_996, %mul3A_997 : vector<128x8xf32>
    %reduce_sum3A_999 = arith.constant dense<0.000000e+00> : vector<128xf32>
    %reduce_sum3A_1000 = vector.multi_reduction <add>, %mul3A_998, %reduce_sum3A_999 [1] : vector<128x8xf32> to vector<128xf32>
    %broadcast_in_dim3A_1001 = vector.shape_cast %reduce_sum3A_1000 : vector<128xf32> to vector<128x1xf32>
    %convert_element_type3A_1002 = arith.fptosi %broadcast_in_dim3A_1001 : vector<128x1xf32> to vector<128x1xi32>
    %get3A_1003 = arith.constant 512 : index
    %get3A_1004 = arith.constant 0 : index
    %get3A_1005 = vector.load %arg2[%get3A_1003, %get3A_1004] : memref<4096x1xi32, #tpu.memory_space<vmem>>, vector<128x1xi32>
    %add3A_1006 = arith.addi %get3A_1005, %convert_element_type3A_1002 : vector<128x1xi32>
    %swap3A_1007 = arith.constant 512 : index
    %swap3A_1008 = arith.constant 0 : index
    %swap3A_1009 = vector.load %arg2[%swap3A_1007, %swap3A_1008] : memref<4096x1xi32, #tpu.memory_space<vmem>>, vector<128x1xi32>
    tpu.vector_store %arg2[%swap3A_1007, %swap3A_1008], %add3A_1006 {strides = array<i32>} : memref<4096x1xi32, #tpu.memory_space<vmem>>, vector<128x1xi32>,
    %get3A_1010 = arith.constant 640 : index
    %get3A_1011 = arith.constant 0 : index
    %get3A_1012 = vector.load %arg0[%get3A_1010, %get3A_1011] : memref<2048x1xi32, #tpu.memory_space<vmem>>, vector<128x1xi32>
    %convert_element_type3A_1013 = arith.sitofp %get3A_1012 : vector<128x1xi32> to vector<128x1xf32>
    %eq3A_1014 = vector.broadcast %convert_element_type3A_1013 : vector<128x1xf32> to vector<128x8xf32>
    %eq3A_1015 = arith.cmpf oeq, %eq3A_1014, %convert_element_type3A : vector<128x8xf32>
    %convert_element_type3A_1016 = arith.extui %eq3A_1015 : vector<128x8xi1> to vector<128x8xi32>
    %convert_element_type3A_1017 = arith.sitofp %convert_element_type3A_1016 : vector<128x8xi32> to vector<128x8xf32>
    %mul3A_1018 = vector.broadcast %dot_general3A_904 : vector<1x8xf32> to vector<128x8xf32>
    %mul3A_1019 = arith.mulf %convert_element_type3A_1017, %mul3A_1018 : vector<128x8xf32>
    %reduce_sum3A_1020 = arith.constant dense<0.000000e+00> : vector<128xf32>
    %reduce_sum3A_1021 = vector.multi_reduction <add>, %mul3A_1019, %reduce_sum3A_1020 [1] : vector<128x8xf32> to vector<128xf32>
    %broadcast_in_dim3A_1022 = vector.shape_cast %reduce_sum3A_1021 : vector<128xf32> to vector<128x1xf32>
    %convert_element_type3A_1023 = arith.fptosi %broadcast_in_dim3A_1022 : vector<128x1xf32> to vector<128x1xi32>
    %get3A_1024 = arith.constant 640 : index
    %get3A_1025 = arith.constant 0 : index
    %get3A_1026 = vector.load %arg2[%get3A_1024, %get3A_1025] : memref<4096x1xi32, #tpu.memory_space<vmem>>, vector<128x1xi32>
    %add3A_1027 = arith.addi %get3A_1026, %convert_element_type3A_1023 : vector<128x1xi32>
    %swap3A_1028 = arith.constant 640 : index
    %swap3A_1029 = arith.constant 0 : index
    %swap3A_1030 = vector.load %arg2[%swap3A_1028, %swap3A_1029] : memref<4096x1xi32, #tpu.memory_space<vmem>>, vector<128x1xi32>
    tpu.vector_store %arg2[%swap3A_1028, %swap3A_1029], %add3A_1027 {strides = array<i32>} : memref<4096x1xi32, #tpu.memory_space<vmem>>, vector<128x1xi32>,
    %get3A_1031 = arith.constant 768 : index
    %get3A_1032 = arith.constant 0 : index
    %get3A_1033 = vector.load %arg0[%get3A_1031, %get3A_1032] : memref<2048x1xi32, #tpu.memory_space<vmem>>, vector<128x1xi32>
    %convert_element_type3A_1034 = arith.sitofp %get3A_1033 : vector<128x1xi32> to vector<128x1xf32>
    %eq3A_1035 = vector.broadcast %convert_element_type3A_1034 : vector<128x1xf32> to vector<128x8xf32>
    %eq3A_1036 = arith.cmpf oeq, %eq3A_1035, %convert_element_type3A : vector<128x8xf32>
    %convert_element_type3A_1037 = arith.extui %eq3A_1036 : vector<128x8xi1> to vector<128x8xi32>
    %convert_element_type3A_1038 = arith.sitofp %convert_element_type3A_1037 : vector<128x8xi32> to vector<128x8xf32>
    %mul3A_1039 = vector.broadcast %dot_general3A_904 : vector<1x8xf32> to vector<128x8xf32>
    %mul3A_1040 = arith.mulf %convert_element_type3A_1038, %mul3A_1039 : vector<128x8xf32>
    %reduce_sum3A_1041 = arith.constant dense<0.000000e+00> : vector<128xf32>
    %reduce_sum3A_1042 = vector.multi_reduction <add>, %mul3A_1040, %reduce_sum3A_1041 [1] : vector<128x8xf32> to vector<128xf32>
    %broadcast_in_dim3A_1043 = vector.shape_cast %reduce_sum3A_1042 : vector<128xf32> to vector<128x1xf32>
    %convert_element_type3A_1044 = arith.fptosi %broadcast_in_dim3A_1043 : vector<128x1xf32> to vector<128x1xi32>
    %get3A_1045 = arith.constant 768 : index
    %get3A_1046 = arith.constant 0 : index
    %get3A_1047 = vector.load %arg2[%get3A_1045, %get3A_1046] : memref<4096x1xi32, #tpu.memory_space<vmem>>, vector<128x1xi32>
    %add3A_1048 = arith.addi %get3A_1047, %convert_element_type3A_1044 : vector<128x1xi32>
    %swap3A_1049 = arith.constant 768 : index
    %swap3A_1050 = arith.constant 0 : index
    %swap3A_1051 = vector.load %arg2[%swap3A_1049, %swap3A_1050] : memref<4096x1xi32, #tpu.memory_space<vmem>>, vector<128x1xi32>
    tpu.vector_store %arg2[%swap3A_1049, %swap3A_1050], %add3A_1048 {strides = array<i32>} : memref<4096x1xi32, #tpu.memory_space<vmem>>, vector<128x1xi32>,
    %get3A_1052 = arith.constant 896 : index
    %get3A_1053 = arith.constant 0 : index
    %get3A_1054 = vector.load %arg0[%get3A_1052, %get3A_1053] : memref<2048x1xi32, #tpu.memory_space<vmem>>, vector<128x1xi32>
    %convert_element_type3A_1055 = arith.sitofp %get3A_1054 : vector<128x1xi32> to vector<128x1xf32>
    %eq3A_1056 = vector.broadcast %convert_element_type3A_1055 : vector<128x1xf32> to vector<128x8xf32>
    %eq3A_1057 = arith.cmpf oeq, %eq3A_1056, %convert_element_type3A : vector<128x8xf32>
    %convert_element_type3A_1058 = arith.extui %eq3A_1057 : vector<128x8xi1> to vector<128x8xi32>
    %convert_element_type3A_1059 = arith.sitofp %convert_element_type3A_1058 : vector<128x8xi32> to vector<128x8xf32>
    %mul3A_1060 = vector.broadcast %dot_general3A_904 : vector<1x8xf32> to vector<128x8xf32>
    %mul3A_1061 = arith.mulf %convert_element_type3A_1059, %mul3A_1060 : vector<128x8xf32>
    %reduce_sum3A_1062 = arith.constant dense<0.000000e+00> : vector<128xf32>
    %reduce_sum3A_1063 = vector.multi_reduction <add>, %mul3A_1061, %reduce_sum3A_1062 [1] : vector<128x8xf32> to vector<128xf32>
    %broadcast_in_dim3A_1064 = vector.shape_cast %reduce_sum3A_1063 : vector<128xf32> to vector<128x1xf32>
    %convert_element_type3A_1065 = arith.fptosi %broadcast_in_dim3A_1064 : vector<128x1xf32> to vector<128x1xi32>
    %get3A_1066 = arith.constant 896 : index
    %get3A_1067 = arith.constant 0 : index
    %get3A_1068 = vector.load %arg2[%get3A_1066, %get3A_1067] : memref<4096x1xi32, #tpu.memory_space<vmem>>, vector<128x1xi32>
    %add3A_1069 = arith.addi %get3A_1068, %convert_element_type3A_1065 : vector<128x1xi32>
    %swap3A_1070 = arith.constant 896 : index
    %swap3A_1071 = arith.constant 0 : index
    %swap3A_1072 = vector.load %arg2[%swap3A_1070, %swap3A_1071] : memref<4096x1xi32, #tpu.memory_space<vmem>>, vector<128x1xi32>
    tpu.vector_store %arg2[%swap3A_1070, %swap3A_1071], %add3A_1069 {strides = array<i32>} : memref<4096x1xi32, #tpu.memory_space<vmem>>, vector<128x1xi32>,
    %get3A_1073 = arith.constant 1024 : index
    %get3A_1074 = arith.constant 0 : index
    %get3A_1075 = vector.load %arg0[%get3A_1073, %get3A_1074] : memref<2048x1xi32, #tpu.memory_space<vmem>>, vector<128x1xi32>
    %convert_element_type3A_1076 = arith.sitofp %get3A_1075 : vector<128x1xi32> to vector<128x1xf32>
    %eq3A_1077 = vector.broadcast %convert_element_type3A_1076 : vector<128x1xf32> to vector<128x8xf32>
    %eq3A_1078 = arith.cmpf oeq, %eq3A_1077, %convert_element_type3A : vector<128x8xf32>
    %convert_element_type3A_1079 = arith.extui %eq3A_1078 : vector<128x8xi1> to vector<128x8xi32>
    %convert_element_type3A_1080 = arith.sitofp %convert_element_type3A_1079 : vector<128x8xi32> to vector<128x8xf32>
    %mul3A_1081 = vector.broadcast %dot_general3A_904 : vector<1x8xf32> to vector<128x8xf32>
    %mul3A_1082 = arith.mulf %convert_element_type3A_1080, %mul3A_1081 : vector<128x8xf32>
    %reduce_sum3A_1083 = arith.constant dense<0.000000e+00> : vector<128xf32>
    %reduce_sum3A_1084 = vector.multi_reduction <add>, %mul3A_1082, %reduce_sum3A_1083 [1] : vector<128x8xf32> to vector<128xf32>
    %broadcast_in_dim3A_1085 = vector.shape_cast %reduce_sum3A_1084 : vector<128xf32> to vector<128x1xf32>
    %convert_element_type3A_1086 = arith.fptosi %broadcast_in_dim3A_1085 : vector<128x1xf32> to vector<128x1xi32>
    %get3A_1087 = arith.constant 1024 : index
    %get3A_1088 = arith.constant 0 : index
    %get3A_1089 = vector.load %arg2[%get3A_1087, %get3A_1088] : memref<4096x1xi32, #tpu.memory_space<vmem>>, vector<128x1xi32>
    %add3A_1090 = arith.addi %get3A_1089, %convert_element_type3A_1086 : vector<128x1xi32>
    %swap3A_1091 = arith.constant 1024 : index
    %swap3A_1092 = arith.constant 0 : index
    %swap3A_1093 = vector.load %arg2[%swap3A_1091, %swap3A_1092] : memref<4096x1xi32, #tpu.memory_space<vmem>>, vector<128x1xi32>
    tpu.vector_store %arg2[%swap3A_1091, %swap3A_1092], %add3A_1090 {strides = array<i32>} : memref<4096x1xi32, #tpu.memory_space<vmem>>, vector<128x1xi32>,
    %get3A_1094 = arith.constant 1152 : index
    %get3A_1095 = arith.constant 0 : index
    %get3A_1096 = vector.load %arg0[%get3A_1094, %get3A_1095] : memref<2048x1xi32, #tpu.memory_space<vmem>>, vector<128x1xi32>
    %convert_element_type3A_1097 = arith.sitofp %get3A_1096 : vector<128x1xi32> to vector<128x1xf32>
    %eq3A_1098 = vector.broadcast %convert_element_type3A_1097 : vector<128x1xf32> to vector<128x8xf32>
    %eq3A_1099 = arith.cmpf oeq, %eq3A_1098, %convert_element_type3A : vector<128x8xf32>
    %convert_element_type3A_1100 = arith.extui %eq3A_1099 : vector<128x8xi1> to vector<128x8xi32>
    %convert_element_type3A_1101 = arith.sitofp %convert_element_type3A_1100 : vector<128x8xi32> to vector<128x8xf32>
    %mul3A_1102 = vector.broadcast %dot_general3A_904 : vector<1x8xf32> to vector<128x8xf32>
    %mul3A_1103 = arith.mulf %convert_element_type3A_1101, %mul3A_1102 : vector<128x8xf32>
    %reduce_sum3A_1104 = arith.constant dense<0.000000e+00> : vector<128xf32>
    %reduce_sum3A_1105 = vector.multi_reduction <add>, %mul3A_1103, %reduce_sum3A_1104 [1] : vector<128x8xf32> to vector<128xf32>
    %broadcast_in_dim3A_1106 = vector.shape_cast %reduce_sum3A_1105 : vector<128xf32> to vector<128x1xf32>
    %convert_element_type3A_1107 = arith.fptosi %broadcast_in_dim3A_1106 : vector<128x1xf32> to vector<128x1xi32>
    %get3A_1108 = arith.constant 1152 : index
    %get3A_1109 = arith.constant 0 : index
    %get3A_1110 = vector.load %arg2[%get3A_1108, %get3A_1109] : memref<4096x1xi32, #tpu.memory_space<vmem>>, vector<128x1xi32>
    %add3A_1111 = arith.addi %get3A_1110, %convert_element_type3A_1107 : vector<128x1xi32>
    %swap3A_1112 = arith.constant 1152 : index
    %swap3A_1113 = arith.constant 0 : index
    %swap3A_1114 = vector.load %arg2[%swap3A_1112, %swap3A_1113] : memref<4096x1xi32, #tpu.memory_space<vmem>>, vector<128x1xi32>
    tpu.vector_store %arg2[%swap3A_1112, %swap3A_1113], %add3A_1111 {strides = array<i32>} : memref<4096x1xi32, #tpu.memory_space<vmem>>, vector<128x1xi32>,
    %get3A_1115 = arith.constant 1280 : index
    %get3A_1116 = arith.constant 0 : index
    %get3A_1117 = vector.load %arg0[%get3A_1115, %get3A_1116] : memref<2048x1xi32, #tpu.memory_space<vmem>>, vector<128x1xi32>
    %convert_element_type3A_1118 = arith.sitofp %get3A_1117 : vector<128x1xi32> to vector<128x1xf32>
    %eq3A_1119 = vector.broadcast %convert_element_type3A_1118 : vector<128x1xf32> to vector<128x8xf32>
    %eq3A_1120 = arith.cmpf oeq, %eq3A_1119, %convert_element_type3A : vector<128x8xf32>
    %convert_element_type3A_1121 = arith.extui %eq3A_1120 : vector<128x8xi1> to vector<128x8xi32>
    %convert_element_type3A_1122 = arith.sitofp %convert_element_type3A_1121 : vector<128x8xi32> to vector<128x8xf32>
    %mul3A_1123 = vector.broadcast %dot_general3A_904 : vector<1x8xf32> to vector<128x8xf32>
    %mul3A_1124 = arith.mulf %convert_element_type3A_1122, %mul3A_1123 : vector<128x8xf32>
    %reduce_sum3A_1125 = arith.constant dense<0.000000e+00> : vector<128xf32>
    %reduce_sum3A_1126 = vector.multi_reduction <add>, %mul3A_1124, %reduce_sum3A_1125 [1] : vector<128x8xf32> to vector<128xf32>
    %broadcast_in_dim3A_1127 = vector.shape_cast %reduce_sum3A_1126 : vector<128xf32> to vector<128x1xf32>
    %convert_element_type3A_1128 = arith.fptosi %broadcast_in_dim3A_1127 : vector<128x1xf32> to vector<128x1xi32>
    %get3A_1129 = arith.constant 1280 : index
    %get3A_1130 = arith.constant 0 : index
    %get3A_1131 = vector.load %arg2[%get3A_1129, %get3A_1130] : memref<4096x1xi32, #tpu.memory_space<vmem>>, vector<128x1xi32>
    %add3A_1132 = arith.addi %get3A_1131, %convert_element_type3A_1128 : vector<128x1xi32>
    %swap3A_1133 = arith.constant 1280 : index
    %swap3A_1134 = arith.constant 0 : index
    %swap3A_1135 = vector.load %arg2[%swap3A_1133, %swap3A_1134] : memref<4096x1xi32, #tpu.memory_space<vmem>>, vector<128x1xi32>
    tpu.vector_store %arg2[%swap3A_1133, %swap3A_1134], %add3A_1132 {strides = array<i32>} : memref<4096x1xi32, #tpu.memory_space<vmem>>, vector<128x1xi32>,
    %get3A_1136 = arith.constant 1408 : index
    %get3A_1137 = arith.constant 0 : index
    %get3A_1138 = vector.load %arg0[%get3A_1136, %get3A_1137] : memref<2048x1xi32, #tpu.memory_space<vmem>>, vector<128x1xi32>
    %convert_element_type3A_1139 = arith.sitofp %get3A_1138 : vector<128x1xi32> to vector<128x1xf32>
    %eq3A_1140 = vector.broadcast %convert_element_type3A_1139 : vector<128x1xf32> to vector<128x8xf32>
    %eq3A_1141 = arith.cmpf oeq, %eq3A_1140, %convert_element_type3A : vector<128x8xf32>
    %convert_element_type3A_1142 = arith.extui %eq3A_1141 : vector<128x8xi1> to vector<128x8xi32>
    %convert_element_type3A_1143 = arith.sitofp %convert_element_type3A_1142 : vector<128x8xi32> to vector<128x8xf32>
    %mul3A_1144 = vector.broadcast %dot_general3A_904 : vector<1x8xf32> to vector<128x8xf32>
    %mul3A_1145 = arith.mulf %convert_element_type3A_1143, %mul3A_1144 : vector<128x8xf32>
    %reduce_sum3A_1146 = arith.constant dense<0.000000e+00> : vector<128xf32>
    %reduce_sum3A_1147 = vector.multi_reduction <add>, %mul3A_1145, %reduce_sum3A_1146 [1] : vector<128x8xf32> to vector<128xf32>
    %broadcast_in_dim3A_1148 = vector.shape_cast %reduce_sum3A_1147 : vector<128xf32> to vector<128x1xf32>
    %convert_element_type3A_1149 = arith.fptosi %broadcast_in_dim3A_1148 : vector<128x1xf32> to vector<128x1xi32>
    %get3A_1150 = arith.constant 1408 : index
    %get3A_1151 = arith.constant 0 : index
    %get3A_1152 = vector.load %arg2[%get3A_1150, %get3A_1151] : memref<4096x1xi32, #tpu.memory_space<vmem>>, vector<128x1xi32>
    %add3A_1153 = arith.addi %get3A_1152, %convert_element_type3A_1149 : vector<128x1xi32>
    %swap3A_1154 = arith.constant 1408 : index
    %swap3A_1155 = arith.constant 0 : index
    %swap3A_1156 = vector.load %arg2[%swap3A_1154, %swap3A_1155] : memref<4096x1xi32, #tpu.memory_space<vmem>>, vector<128x1xi32>
    tpu.vector_store %arg2[%swap3A_1154, %swap3A_1155], %add3A_1153 {strides = array<i32>} : memref<4096x1xi32, #tpu.memory_space<vmem>>, vector<128x1xi32>,
    %get3A_1157 = arith.constant 1536 : index
    %get3A_1158 = arith.constant 0 : index
    %get3A_1159 = vector.load %arg0[%get3A_1157, %get3A_1158] : memref<2048x1xi32, #tpu.memory_space<vmem>>, vector<128x1xi32>
    %convert_element_type3A_1160 = arith.sitofp %get3A_1159 : vector<128x1xi32> to vector<128x1xf32>
    %eq3A_1161 = vector.broadcast %convert_element_type3A_1160 : vector<128x1xf32> to vector<128x8xf32>
    %eq3A_1162 = arith.cmpf oeq, %eq3A_1161, %convert_element_type3A : vector<128x8xf32>
    %convert_element_type3A_1163 = arith.extui %eq3A_1162 : vector<128x8xi1> to vector<128x8xi32>
    %convert_element_type3A_1164 = arith.sitofp %convert_element_type3A_1163 : vector<128x8xi32> to vector<128x8xf32>
    %mul3A_1165 = vector.broadcast %dot_general3A_904 : vector<1x8xf32> to vector<128x8xf32>
    %mul3A_1166 = arith.mulf %convert_element_type3A_1164, %mul3A_1165 : vector<128x8xf32>
    %reduce_sum3A_1167 = arith.constant dense<0.000000e+00> : vector<128xf32>
    %reduce_sum3A_1168 = vector.multi_reduction <add>, %mul3A_1166, %reduce_sum3A_1167 [1] : vector<128x8xf32> to vector<128xf32>
    %broadcast_in_dim3A_1169 = vector.shape_cast %reduce_sum3A_1168 : vector<128xf32> to vector<128x1xf32>
    %convert_element_type3A_1170 = arith.fptosi %broadcast_in_dim3A_1169 : vector<128x1xf32> to vector<128x1xi32>
    %get3A_1171 = arith.constant 1536 : index
    %get3A_1172 = arith.constant 0 : index
    %get3A_1173 = vector.load %arg2[%get3A_1171, %get3A_1172] : memref<4096x1xi32, #tpu.memory_space<vmem>>, vector<128x1xi32>
    %add3A_1174 = arith.addi %get3A_1173, %convert_element_type3A_1170 : vector<128x1xi32>
    %swap3A_1175 = arith.constant 1536 : index
    %swap3A_1176 = arith.constant 0 : index
    %swap3A_1177 = vector.load %arg2[%swap3A_1175, %swap3A_1176] : memref<4096x1xi32, #tpu.memory_space<vmem>>, vector<128x1xi32>
    tpu.vector_store %arg2[%swap3A_1175, %swap3A_1176], %add3A_1174 {strides = array<i32>} : memref<4096x1xi32, #tpu.memory_space<vmem>>, vector<128x1xi32>,
    %get3A_1178 = arith.constant 1664 : index
    %get3A_1179 = arith.constant 0 : index
    %get3A_1180 = vector.load %arg0[%get3A_1178, %get3A_1179] : memref<2048x1xi32, #tpu.memory_space<vmem>>, vector<128x1xi32>
    %convert_element_type3A_1181 = arith.sitofp %get3A_1180 : vector<128x1xi32> to vector<128x1xf32>
    %eq3A_1182 = vector.broadcast %convert_element_type3A_1181 : vector<128x1xf32> to vector<128x8xf32>
    %eq3A_1183 = arith.cmpf oeq, %eq3A_1182, %convert_element_type3A : vector<128x8xf32>
    %convert_element_type3A_1184 = arith.extui %eq3A_1183 : vector<128x8xi1> to vector<128x8xi32>
    %convert_element_type3A_1185 = arith.sitofp %convert_element_type3A_1184 : vector<128x8xi32> to vector<128x8xf32>
    %mul3A_1186 = vector.broadcast %dot_general3A_904 : vector<1x8xf32> to vector<128x8xf32>
    %mul3A_1187 = arith.mulf %convert_element_type3A_1185, %mul3A_1186 : vector<128x8xf32>
    %reduce_sum3A_1188 = arith.constant dense<0.000000e+00> : vector<128xf32>
    %reduce_sum3A_1189 = vector.multi_reduction <add>, %mul3A_1187, %reduce_sum3A_1188 [1] : vector<128x8xf32> to vector<128xf32>
    %broadcast_in_dim3A_1190 = vector.shape_cast %reduce_sum3A_1189 : vector<128xf32> to vector<128x1xf32>
    %convert_element_type3A_1191 = arith.fptosi %broadcast_in_dim3A_1190 : vector<128x1xf32> to vector<128x1xi32>
    %get3A_1192 = arith.constant 1664 : index
    %get3A_1193 = arith.constant 0 : index
    %get3A_1194 = vector.load %arg2[%get3A_1192, %get3A_1193] : memref<4096x1xi32, #tpu.memory_space<vmem>>, vector<128x1xi32>
    %add3A_1195 = arith.addi %get3A_1194, %convert_element_type3A_1191 : vector<128x1xi32>
    %swap3A_1196 = arith.constant 1664 : index
    %swap3A_1197 = arith.constant 0 : index
    %swap3A_1198 = vector.load %arg2[%swap3A_1196, %swap3A_1197] : memref<4096x1xi32, #tpu.memory_space<vmem>>, vector<128x1xi32>
    tpu.vector_store %arg2[%swap3A_1196, %swap3A_1197], %add3A_1195 {strides = array<i32>} : memref<4096x1xi32, #tpu.memory_space<vmem>>, vector<128x1xi32>,
    %get3A_1199 = arith.constant 1792 : index
    %get3A_1200 = arith.constant 0 : index
    %get3A_1201 = vector.load %arg0[%get3A_1199, %get3A_1200] : memref<2048x1xi32, #tpu.memory_space<vmem>>, vector<128x1xi32>
    %convert_element_type3A_1202 = arith.sitofp %get3A_1201 : vector<128x1xi32> to vector<128x1xf32>
    %eq3A_1203 = vector.broadcast %convert_element_type3A_1202 : vector<128x1xf32> to vector<128x8xf32>
    %eq3A_1204 = arith.cmpf oeq, %eq3A_1203, %convert_element_type3A : vector<128x8xf32>
    %convert_element_type3A_1205 = arith.extui %eq3A_1204 : vector<128x8xi1> to vector<128x8xi32>
    %convert_element_type3A_1206 = arith.sitofp %convert_element_type3A_1205 : vector<128x8xi32> to vector<128x8xf32>
    %mul3A_1207 = vector.broadcast %dot_general3A_904 : vector<1x8xf32> to vector<128x8xf32>
    %mul3A_1208 = arith.mulf %convert_element_type3A_1206, %mul3A_1207 : vector<128x8xf32>
    %reduce_sum3A_1209 = arith.constant dense<0.000000e+00> : vector<128xf32>
    %reduce_sum3A_1210 = vector.multi_reduction <add>, %mul3A_1208, %reduce_sum3A_1209 [1] : vector<128x8xf32> to vector<128xf32>
    %broadcast_in_dim3A_1211 = vector.shape_cast %reduce_sum3A_1210 : vector<128xf32> to vector<128x1xf32>
    %convert_element_type3A_1212 = arith.fptosi %broadcast_in_dim3A_1211 : vector<128x1xf32> to vector<128x1xi32>
    %get3A_1213 = arith.constant 1792 : index
    %get3A_1214 = arith.constant 0 : index
    %get3A_1215 = vector.load %arg2[%get3A_1213, %get3A_1214] : memref<4096x1xi32, #tpu.memory_space<vmem>>, vector<128x1xi32>
    %add3A_1216 = arith.addi %get3A_1215, %convert_element_type3A_1212 : vector<128x1xi32>
    %swap3A_1217 = arith.constant 1792 : index
    %swap3A_1218 = arith.constant 0 : index
    %swap3A_1219 = vector.load %arg2[%swap3A_1217, %swap3A_1218] : memref<4096x1xi32, #tpu.memory_space<vmem>>, vector<128x1xi32>
    tpu.vector_store %arg2[%swap3A_1217, %swap3A_1218], %add3A_1216 {strides = array<i32>} : memref<4096x1xi32, #tpu.memory_space<vmem>>, vector<128x1xi32>,
    %get3A_1220 = arith.constant 1920 : index
    %get3A_1221 = arith.constant 0 : index
    %get3A_1222 = vector.load %arg0[%get3A_1220, %get3A_1221] : memref<2048x1xi32, #tpu.memory_space<vmem>>, vector<128x1xi32>
    %convert_element_type3A_1223 = arith.sitofp %get3A_1222 : vector<128x1xi32> to vector<128x1xf32>
    %eq3A_1224 = vector.broadcast %convert_element_type3A_1223 : vector<128x1xf32> to vector<128x8xf32>
    %eq3A_1225 = arith.cmpf oeq, %eq3A_1224, %convert_element_type3A : vector<128x8xf32>
    %convert_element_type3A_1226 = arith.extui %eq3A_1225 : vector<128x8xi1> to vector<128x8xi32>
    %convert_element_type3A_1227 = arith.sitofp %convert_element_type3A_1226 : vector<128x8xi32> to vector<128x8xf32>
    %mul3A_1228 = vector.broadcast %dot_general3A_904 : vector<1x8xf32> to vector<128x8xf32>
    %mul3A_1229 = arith.mulf %convert_element_type3A_1227, %mul3A_1228 : vector<128x8xf32>
    %reduce_sum3A_1230 = arith.constant dense<0.000000e+00> : vector<128xf32>
    %reduce_sum3A_1231 = vector.multi_reduction <add>, %mul3A_1229, %reduce_sum3A_1230 [1] : vector<128x8xf32> to vector<128xf32>
    %broadcast_in_dim3A_1232 = vector.shape_cast %reduce_sum3A_1231 : vector<128xf32> to vector<128x1xf32>
    %convert_element_type3A_1233 = arith.fptosi %broadcast_in_dim3A_1232 : vector<128x1xf32> to vector<128x1xi32>
    %get3A_1234 = arith.constant 1920 : index
    %get3A_1235 = arith.constant 0 : index
    %get3A_1236 = vector.load %arg2[%get3A_1234, %get3A_1235] : memref<4096x1xi32, #tpu.memory_space<vmem>>, vector<128x1xi32>
    %add3A_1237 = arith.addi %get3A_1236, %convert_element_type3A_1233 : vector<128x1xi32>
    %swap3A_1238 = arith.constant 1920 : index
    %swap3A_1239 = arith.constant 0 : index
    %swap3A_1240 = vector.load %arg2[%swap3A_1238, %swap3A_1239] : memref<4096x1xi32, #tpu.memory_space<vmem>>, vector<128x1xi32>
    tpu.vector_store %arg2[%swap3A_1238, %swap3A_1239], %add3A_1237 {strides = array<i32>} : memref<4096x1xi32, #tpu.memory_space<vmem>>, vector<128x1xi32>,
    %get3A_1241 = arith.constant 0 : index
    %get3A_1242 = arith.constant 0 : index
    %get3A_1243 = vector.load %arg1[%get3A_1241, %get3A_1242] : memref<2048x1xi32, #tpu.memory_space<vmem>>, vector<128x1xi32>
    %convert_element_type3A_1244 = arith.sitofp %get3A_1243 : vector<128x1xi32> to vector<128x1xf32>
    %eq3A_1245 = vector.broadcast %convert_element_type3A_1244 : vector<128x1xf32> to vector<128x8xf32>
    %eq3A_1246 = arith.cmpf oeq, %eq3A_1245, %convert_element_type3A : vector<128x8xf32>
    %convert_element_type3A_1247 = arith.extui %eq3A_1246 : vector<128x8xi1> to vector<128x8xi32>
    %convert_element_type3A_1248 = arith.sitofp %convert_element_type3A_1247 : vector<128x8xi32> to vector<128x8xf32>
    %mul3A_1249 = vector.broadcast %dot_general3A_904 : vector<1x8xf32> to vector<128x8xf32>
    %mul3A_1250 = arith.mulf %convert_element_type3A_1248, %mul3A_1249 : vector<128x8xf32>
    %reduce_sum3A_1251 = arith.constant dense<0.000000e+00> : vector<128xf32>
    %reduce_sum3A_1252 = vector.multi_reduction <add>, %mul3A_1250, %reduce_sum3A_1251 [1] : vector<128x8xf32> to vector<128xf32>
    %broadcast_in_dim3A_1253 = vector.shape_cast %reduce_sum3A_1252 : vector<128xf32> to vector<128x1xf32>
    %convert_element_type3A_1254 = arith.fptosi %broadcast_in_dim3A_1253 : vector<128x1xf32> to vector<128x1xi32>
    %get3A_1255 = arith.constant 2048 : index
    %get3A_1256 = arith.constant 0 : index
    %get3A_1257 = vector.load %arg2[%get3A_1255, %get3A_1256] : memref<4096x1xi32, #tpu.memory_space<vmem>>, vector<128x1xi32>
    %add3A_1258 = arith.addi %get3A_1257, %convert_element_type3A_1254 : vector<128x1xi32>
    %swap3A_1259 = arith.constant 2048 : index
    %swap3A_1260 = arith.constant 0 : index
    %swap3A_1261 = vector.load %arg2[%swap3A_1259, %swap3A_1260] : memref<4096x1xi32, #tpu.memory_space<vmem>>, vector<128x1xi32>
    tpu.vector_store %arg2[%swap3A_1259, %swap3A_1260], %add3A_1258 {strides = array<i32>} : memref<4096x1xi32, #tpu.memory_space<vmem>>, vector<128x1xi32>,
    %get3A_1262 = arith.constant 128 : index
    %get3A_1263 = arith.constant 0 : index
    %get3A_1264 = vector.load %arg1[%get3A_1262, %get3A_1263] : memref<2048x1xi32, #tpu.memory_space<vmem>>, vector<128x1xi32>
    %convert_element_type3A_1265 = arith.sitofp %get3A_1264 : vector<128x1xi32> to vector<128x1xf32>
    %eq3A_1266 = vector.broadcast %convert_element_type3A_1265 : vector<128x1xf32> to vector<128x8xf32>
    %eq3A_1267 = arith.cmpf oeq, %eq3A_1266, %convert_element_type3A : vector<128x8xf32>
    %convert_element_type3A_1268 = arith.extui %eq3A_1267 : vector<128x8xi1> to vector<128x8xi32>
    %convert_element_type3A_1269 = arith.sitofp %convert_element_type3A_1268 : vector<128x8xi32> to vector<128x8xf32>
    %mul3A_1270 = vector.broadcast %dot_general3A_904 : vector<1x8xf32> to vector<128x8xf32>
    %mul3A_1271 = arith.mulf %convert_element_type3A_1269, %mul3A_1270 : vector<128x8xf32>
    %reduce_sum3A_1272 = arith.constant dense<0.000000e+00> : vector<128xf32>
    %reduce_sum3A_1273 = vector.multi_reduction <add>, %mul3A_1271, %reduce_sum3A_1272 [1] : vector<128x8xf32> to vector<128xf32>
    %broadcast_in_dim3A_1274 = vector.shape_cast %reduce_sum3A_1273 : vector<128xf32> to vector<128x1xf32>
    %convert_element_type3A_1275 = arith.fptosi %broadcast_in_dim3A_1274 : vector<128x1xf32> to vector<128x1xi32>
    %get3A_1276 = arith.constant 2176 : index
    %get3A_1277 = arith.constant 0 : index
    %get3A_1278 = vector.load %arg2[%get3A_1276, %get3A_1277] : memref<4096x1xi32, #tpu.memory_space<vmem>>, vector<128x1xi32>
    %add3A_1279 = arith.addi %get3A_1278, %convert_element_type3A_1275 : vector<128x1xi32>
    %swap3A_1280 = arith.constant 2176 : index
    %swap3A_1281 = arith.constant 0 : index
    %swap3A_1282 = vector.load %arg2[%swap3A_1280, %swap3A_1281] : memref<4096x1xi32, #tpu.memory_space<vmem>>, vector<128x1xi32>
    tpu.vector_store %arg2[%swap3A_1280, %swap3A_1281], %add3A_1279 {strides = array<i32>} : memref<4096x1xi32, #tpu.memory_space<vmem>>, vector<128x1xi32>,
    %get3A_1283 = arith.constant 256 : index
    %get3A_1284 = arith.constant 0 : index
    %get3A_1285 = vector.load %arg1[%get3A_1283, %get3A_1284] : memref<2048x1xi32, #tpu.memory_space<vmem>>, vector<128x1xi32>
    %convert_element_type3A_1286 = arith.sitofp %get3A_1285 : vector<128x1xi32> to vector<128x1xf32>
    %eq3A_1287 = vector.broadcast %convert_element_type3A_1286 : vector<128x1xf32> to vector<128x8xf32>
    %eq3A_1288 = arith.cmpf oeq, %eq3A_1287, %convert_element_type3A : vector<128x8xf32>
    %convert_element_type3A_1289 = arith.extui %eq3A_1288 : vector<128x8xi1> to vector<128x8xi32>
    %convert_element_type3A_1290 = arith.sitofp %convert_element_type3A_1289 : vector<128x8xi32> to vector<128x8xf32>
    %mul3A_1291 = vector.broadcast %dot_general3A_904 : vector<1x8xf32> to vector<128x8xf32>
    %mul3A_1292 = arith.mulf %convert_element_type3A_1290, %mul3A_1291 : vector<128x8xf32>
    %reduce_sum3A_1293 = arith.constant dense<0.000000e+00> : vector<128xf32>
    %reduce_sum3A_1294 = vector.multi_reduction <add>, %mul3A_1292, %reduce_sum3A_1293 [1] : vector<128x8xf32> to vector<128xf32>
    %broadcast_in_dim3A_1295 = vector.shape_cast %reduce_sum3A_1294 : vector<128xf32> to vector<128x1xf32>
    %convert_element_type3A_1296 = arith.fptosi %broadcast_in_dim3A_1295 : vector<128x1xf32> to vector<128x1xi32>
    %get3A_1297 = arith.constant 2304 : index
    %get3A_1298 = arith.constant 0 : index
    %get3A_1299 = vector.load %arg2[%get3A_1297, %get3A_1298] : memref<4096x1xi32, #tpu.memory_space<vmem>>, vector<128x1xi32>
    %add3A_1300 = arith.addi %get3A_1299, %convert_element_type3A_1296 : vector<128x1xi32>
    %swap3A_1301 = arith.constant 2304 : index
    %swap3A_1302 = arith.constant 0 : index
    %swap3A_1303 = vector.load %arg2[%swap3A_1301, %swap3A_1302] : memref<4096x1xi32, #tpu.memory_space<vmem>>, vector<128x1xi32>
    tpu.vector_store %arg2[%swap3A_1301, %swap3A_1302], %add3A_1300 {strides = array<i32>} : memref<4096x1xi32, #tpu.memory_space<vmem>>, vector<128x1xi32>,
    %get3A_1304 = arith.constant 384 : index
    %get3A_1305 = arith.constant 0 : index
    %get3A_1306 = vector.load %arg1[%get3A_1304, %get3A_1305] : memref<2048x1xi32, #tpu.memory_space<vmem>>, vector<128x1xi32>
    %convert_element_type3A_1307 = arith.sitofp %get3A_1306 : vector<128x1xi32> to vector<128x1xf32>
    %eq3A_1308 = vector.broadcast %convert_element_type3A_1307 : vector<128x1xf32> to vector<128x8xf32>
    %eq3A_1309 = arith.cmpf oeq, %eq3A_1308, %convert_element_type3A : vector<128x8xf32>
    %convert_element_type3A_1310 = arith.extui %eq3A_1309 : vector<128x8xi1> to vector<128x8xi32>
    %convert_element_type3A_1311 = arith.sitofp %convert_element_type3A_1310 : vector<128x8xi32> to vector<128x8xf32>
    %mul3A_1312 = vector.broadcast %dot_general3A_904 : vector<1x8xf32> to vector<128x8xf32>
    %mul3A_1313 = arith.mulf %convert_element_type3A_1311, %mul3A_1312 : vector<128x8xf32>
    %reduce_sum3A_1314 = arith.constant dense<0.000000e+00> : vector<128xf32>
    %reduce_sum3A_1315 = vector.multi_reduction <add>, %mul3A_1313, %reduce_sum3A_1314 [1] : vector<128x8xf32> to vector<128xf32>
    %broadcast_in_dim3A_1316 = vector.shape_cast %reduce_sum3A_1315 : vector<128xf32> to vector<128x1xf32>
    %convert_element_type3A_1317 = arith.fptosi %broadcast_in_dim3A_1316 : vector<128x1xf32> to vector<128x1xi32>
    %get3A_1318 = arith.constant 2432 : index
    %get3A_1319 = arith.constant 0 : index
    %get3A_1320 = vector.load %arg2[%get3A_1318, %get3A_1319] : memref<4096x1xi32, #tpu.memory_space<vmem>>, vector<128x1xi32>
    %add3A_1321 = arith.addi %get3A_1320, %convert_element_type3A_1317 : vector<128x1xi32>
    %swap3A_1322 = arith.constant 2432 : index
    %swap3A_1323 = arith.constant 0 : index
    %swap3A_1324 = vector.load %arg2[%swap3A_1322, %swap3A_1323] : memref<4096x1xi32, #tpu.memory_space<vmem>>, vector<128x1xi32>
    tpu.vector_store %arg2[%swap3A_1322, %swap3A_1323], %add3A_1321 {strides = array<i32>} : memref<4096x1xi32, #tpu.memory_space<vmem>>, vector<128x1xi32>,
    %get3A_1325 = arith.constant 512 : index
    %get3A_1326 = arith.constant 0 : index
    %get3A_1327 = vector.load %arg1[%get3A_1325, %get3A_1326] : memref<2048x1xi32, #tpu.memory_space<vmem>>, vector<128x1xi32>
    %convert_element_type3A_1328 = arith.sitofp %get3A_1327 : vector<128x1xi32> to vector<128x1xf32>
    %eq3A_1329 = vector.broadcast %convert_element_type3A_1328 : vector<128x1xf32> to vector<128x8xf32>
    %eq3A_1330 = arith.cmpf oeq, %eq3A_1329, %convert_element_type3A : vector<128x8xf32>
    %convert_element_type3A_1331 = arith.extui %eq3A_1330 : vector<128x8xi1> to vector<128x8xi32>
    %convert_element_type3A_1332 = arith.sitofp %convert_element_type3A_1331 : vector<128x8xi32> to vector<128x8xf32>
    %mul3A_1333 = vector.broadcast %dot_general3A_904 : vector<1x8xf32> to vector<128x8xf32>
    %mul3A_1334 = arith.mulf %convert_element_type3A_1332, %mul3A_1333 : vector<128x8xf32>
    %reduce_sum3A_1335 = arith.constant dense<0.000000e+00> : vector<128xf32>
    %reduce_sum3A_1336 = vector.multi_reduction <add>, %mul3A_1334, %reduce_sum3A_1335 [1] : vector<128x8xf32> to vector<128xf32>
    %broadcast_in_dim3A_1337 = vector.shape_cast %reduce_sum3A_1336 : vector<128xf32> to vector<128x1xf32>
    %convert_element_type3A_1338 = arith.fptosi %broadcast_in_dim3A_1337 : vector<128x1xf32> to vector<128x1xi32>
    %get3A_1339 = arith.constant 2560 : index
    %get3A_1340 = arith.constant 0 : index
    %get3A_1341 = vector.load %arg2[%get3A_1339, %get3A_1340] : memref<4096x1xi32, #tpu.memory_space<vmem>>, vector<128x1xi32>
    %add3A_1342 = arith.addi %get3A_1341, %convert_element_type3A_1338 : vector<128x1xi32>
    %swap3A_1343 = arith.constant 2560 : index
    %swap3A_1344 = arith.constant 0 : index
    %swap3A_1345 = vector.load %arg2[%swap3A_1343, %swap3A_1344] : memref<4096x1xi32, #tpu.memory_space<vmem>>, vector<128x1xi32>
    tpu.vector_store %arg2[%swap3A_1343, %swap3A_1344], %add3A_1342 {strides = array<i32>} : memref<4096x1xi32, #tpu.memory_space<vmem>>, vector<128x1xi32>,
    %get3A_1346 = arith.constant 640 : index
    %get3A_1347 = arith.constant 0 : index
    %get3A_1348 = vector.load %arg1[%get3A_1346, %get3A_1347] : memref<2048x1xi32, #tpu.memory_space<vmem>>, vector<128x1xi32>
    %convert_element_type3A_1349 = arith.sitofp %get3A_1348 : vector<128x1xi32> to vector<128x1xf32>
    %eq3A_1350 = vector.broadcast %convert_element_type3A_1349 : vector<128x1xf32> to vector<128x8xf32>
    %eq3A_1351 = arith.cmpf oeq, %eq3A_1350, %convert_element_type3A : vector<128x8xf32>
    %convert_element_type3A_1352 = arith.extui %eq3A_1351 : vector<128x8xi1> to vector<128x8xi32>
    %convert_element_type3A_1353 = arith.sitofp %convert_element_type3A_1352 : vector<128x8xi32> to vector<128x8xf32>
    %mul3A_1354 = vector.broadcast %dot_general3A_904 : vector<1x8xf32> to vector<128x8xf32>
    %mul3A_1355 = arith.mulf %convert_element_type3A_1353, %mul3A_1354 : vector<128x8xf32>
    %reduce_sum3A_1356 = arith.constant dense<0.000000e+00> : vector<128xf32>
    %reduce_sum3A_1357 = vector.multi_reduction <add>, %mul3A_1355, %reduce_sum3A_1356 [1] : vector<128x8xf32> to vector<128xf32>
    %broadcast_in_dim3A_1358 = vector.shape_cast %reduce_sum3A_1357 : vector<128xf32> to vector<128x1xf32>
    %convert_element_type3A_1359 = arith.fptosi %broadcast_in_dim3A_1358 : vector<128x1xf32> to vector<128x1xi32>
    %get3A_1360 = arith.constant 2688 : index
    %get3A_1361 = arith.constant 0 : index
    %get3A_1362 = vector.load %arg2[%get3A_1360, %get3A_1361] : memref<4096x1xi32, #tpu.memory_space<vmem>>, vector<128x1xi32>
    %add3A_1363 = arith.addi %get3A_1362, %convert_element_type3A_1359 : vector<128x1xi32>
    %swap3A_1364 = arith.constant 2688 : index
    %swap3A_1365 = arith.constant 0 : index
    %swap3A_1366 = vector.load %arg2[%swap3A_1364, %swap3A_1365] : memref<4096x1xi32, #tpu.memory_space<vmem>>, vector<128x1xi32>
    tpu.vector_store %arg2[%swap3A_1364, %swap3A_1365], %add3A_1363 {strides = array<i32>} : memref<4096x1xi32, #tpu.memory_space<vmem>>, vector<128x1xi32>,
    %get3A_1367 = arith.constant 768 : index
    %get3A_1368 = arith.constant 0 : index
    %get3A_1369 = vector.load %arg1[%get3A_1367, %get3A_1368] : memref<2048x1xi32, #tpu.memory_space<vmem>>, vector<128x1xi32>
    %convert_element_type3A_1370 = arith.sitofp %get3A_1369 : vector<128x1xi32> to vector<128x1xf32>
    %eq3A_1371 = vector.broadcast %convert_element_type3A_1370 : vector<128x1xf32> to vector<128x8xf32>
    %eq3A_1372 = arith.cmpf oeq, %eq3A_1371, %convert_element_type3A : vector<128x8xf32>
    %convert_element_type3A_1373 = arith.extui %eq3A_1372 : vector<128x8xi1> to vector<128x8xi32>
    %convert_element_type3A_1374 = arith.sitofp %convert_element_type3A_1373 : vector<128x8xi32> to vector<128x8xf32>
    %mul3A_1375 = vector.broadcast %dot_general3A_904 : vector<1x8xf32> to vector<128x8xf32>
    %mul3A_1376 = arith.mulf %convert_element_type3A_1374, %mul3A_1375 : vector<128x8xf32>
    %reduce_sum3A_1377 = arith.constant dense<0.000000e+00> : vector<128xf32>
    %reduce_sum3A_1378 = vector.multi_reduction <add>, %mul3A_1376, %reduce_sum3A_1377 [1] : vector<128x8xf32> to vector<128xf32>
    %broadcast_in_dim3A_1379 = vector.shape_cast %reduce_sum3A_1378 : vector<128xf32> to vector<128x1xf32>
    %convert_element_type3A_1380 = arith.fptosi %broadcast_in_dim3A_1379 : vector<128x1xf32> to vector<128x1xi32>
    %get3A_1381 = arith.constant 2816 : index
    %get3A_1382 = arith.constant 0 : index
    %get3A_1383 = vector.load %arg2[%get3A_1381, %get3A_1382] : memref<4096x1xi32, #tpu.memory_space<vmem>>, vector<128x1xi32>
    %add3A_1384 = arith.addi %get3A_1383, %convert_element_type3A_1380 : vector<128x1xi32>
    %swap3A_1385 = arith.constant 2816 : index
    %swap3A_1386 = arith.constant 0 : index
    %swap3A_1387 = vector.load %arg2[%swap3A_1385, %swap3A_1386] : memref<4096x1xi32, #tpu.memory_space<vmem>>, vector<128x1xi32>
    tpu.vector_store %arg2[%swap3A_1385, %swap3A_1386], %add3A_1384 {strides = array<i32>} : memref<4096x1xi32, #tpu.memory_space<vmem>>, vector<128x1xi32>,
    %get3A_1388 = arith.constant 896 : index
    %get3A_1389 = arith.constant 0 : index
    %get3A_1390 = vector.load %arg1[%get3A_1388, %get3A_1389] : memref<2048x1xi32, #tpu.memory_space<vmem>>, vector<128x1xi32>
    %convert_element_type3A_1391 = arith.sitofp %get3A_1390 : vector<128x1xi32> to vector<128x1xf32>
    %eq3A_1392 = vector.broadcast %convert_element_type3A_1391 : vector<128x1xf32> to vector<128x8xf32>
    %eq3A_1393 = arith.cmpf oeq, %eq3A_1392, %convert_element_type3A : vector<128x8xf32>
    %convert_element_type3A_1394 = arith.extui %eq3A_1393 : vector<128x8xi1> to vector<128x8xi32>
    %convert_element_type3A_1395 = arith.sitofp %convert_element_type3A_1394 : vector<128x8xi32> to vector<128x8xf32>
    %mul3A_1396 = vector.broadcast %dot_general3A_904 : vector<1x8xf32> to vector<128x8xf32>
    %mul3A_1397 = arith.mulf %convert_element_type3A_1395, %mul3A_1396 : vector<128x8xf32>
    %reduce_sum3A_1398 = arith.constant dense<0.000000e+00> : vector<128xf32>
    %reduce_sum3A_1399 = vector.multi_reduction <add>, %mul3A_1397, %reduce_sum3A_1398 [1] : vector<128x8xf32> to vector<128xf32>
    %broadcast_in_dim3A_1400 = vector.shape_cast %reduce_sum3A_1399 : vector<128xf32> to vector<128x1xf32>
    %convert_element_type3A_1401 = arith.fptosi %broadcast_in_dim3A_1400 : vector<128x1xf32> to vector<128x1xi32>
    %get3A_1402 = arith.constant 2944 : index
    %get3A_1403 = arith.constant 0 : index
    %get3A_1404 = vector.load %arg2[%get3A_1402, %get3A_1403] : memref<4096x1xi32, #tpu.memory_space<vmem>>, vector<128x1xi32>
    %add3A_1405 = arith.addi %get3A_1404, %convert_element_type3A_1401 : vector<128x1xi32>
    %swap3A_1406 = arith.constant 2944 : index
    %swap3A_1407 = arith.constant 0 : index
    %swap3A_1408 = vector.load %arg2[%swap3A_1406, %swap3A_1407] : memref<4096x1xi32, #tpu.memory_space<vmem>>, vector<128x1xi32>
    tpu.vector_store %arg2[%swap3A_1406, %swap3A_1407], %add3A_1405 {strides = array<i32>} : memref<4096x1xi32, #tpu.memory_space<vmem>>, vector<128x1xi32>,
    %get3A_1409 = arith.constant 1024 : index
    %get3A_1410 = arith.constant 0 : index
    %get3A_1411 = vector.load %arg1[%get3A_1409, %get3A_1410] : memref<2048x1xi32, #tpu.memory_space<vmem>>, vector<128x1xi32>
    %convert_element_type3A_1412 = arith.sitofp %get3A_1411 : vector<128x1xi32> to vector<128x1xf32>
    %eq3A_1413 = vector.broadcast %convert_element_type3A_1412 : vector<128x1xf32> to vector<128x8xf32>
    %eq3A_1414 = arith.cmpf oeq, %eq3A_1413, %convert_element_type3A : vector<128x8xf32>
    %convert_element_type3A_1415 = arith.extui %eq3A_1414 : vector<128x8xi1> to vector<128x8xi32>
    %convert_element_type3A_1416 = arith.sitofp %convert_element_type3A_1415 : vector<128x8xi32> to vector<128x8xf32>
    %mul3A_1417 = vector.broadcast %dot_general3A_904 : vector<1x8xf32> to vector<128x8xf32>
    %mul3A_1418 = arith.mulf %convert_element_type3A_1416, %mul3A_1417 : vector<128x8xf32>
    %reduce_sum3A_1419 = arith.constant dense<0.000000e+00> : vector<128xf32>
    %reduce_sum3A_1420 = vector.multi_reduction <add>, %mul3A_1418, %reduce_sum3A_1419 [1] : vector<128x8xf32> to vector<128xf32>
    %broadcast_in_dim3A_1421 = vector.shape_cast %reduce_sum3A_1420 : vector<128xf32> to vector<128x1xf32>
    %convert_element_type3A_1422 = arith.fptosi %broadcast_in_dim3A_1421 : vector<128x1xf32> to vector<128x1xi32>
    %get3A_1423 = arith.constant 3072 : index
    %get3A_1424 = arith.constant 0 : index
    %get3A_1425 = vector.load %arg2[%get3A_1423, %get3A_1424] : memref<4096x1xi32, #tpu.memory_space<vmem>>, vector<128x1xi32>
    %add3A_1426 = arith.addi %get3A_1425, %convert_element_type3A_1422 : vector<128x1xi32>
    %swap3A_1427 = arith.constant 3072 : index
    %swap3A_1428 = arith.constant 0 : index
    %swap3A_1429 = vector.load %arg2[%swap3A_1427, %swap3A_1428] : memref<4096x1xi32, #tpu.memory_space<vmem>>, vector<128x1xi32>
    tpu.vector_store %arg2[%swap3A_1427, %swap3A_1428], %add3A_1426 {strides = array<i32>} : memref<4096x1xi32, #tpu.memory_space<vmem>>, vector<128x1xi32>,
    %get3A_1430 = arith.constant 1152 : index
    %get3A_1431 = arith.constant 0 : index
    %get3A_1432 = vector.load %arg1[%get3A_1430, %get3A_1431] : memref<2048x1xi32, #tpu.memory_space<vmem>>, vector<128x1xi32>
    %convert_element_type3A_1433 = arith.sitofp %get3A_1432 : vector<128x1xi32> to vector<128x1xf32>
    %eq3A_1434 = vector.broadcast %convert_element_type3A_1433 : vector<128x1xf32> to vector<128x8xf32>
    %eq3A_1435 = arith.cmpf oeq, %eq3A_1434, %convert_element_type3A : vector<128x8xf32>
    %convert_element_type3A_1436 = arith.extui %eq3A_1435 : vector<128x8xi1> to vector<128x8xi32>
    %convert_element_type3A_1437 = arith.sitofp %convert_element_type3A_1436 : vector<128x8xi32> to vector<128x8xf32>
    %mul3A_1438 = vector.broadcast %dot_general3A_904 : vector<1x8xf32> to vector<128x8xf32>
    %mul3A_1439 = arith.mulf %convert_element_type3A_1437, %mul3A_1438 : vector<128x8xf32>
    %reduce_sum3A_1440 = arith.constant dense<0.000000e+00> : vector<128xf32>
    %reduce_sum3A_1441 = vector.multi_reduction <add>, %mul3A_1439, %reduce_sum3A_1440 [1] : vector<128x8xf32> to vector<128xf32>
    %broadcast_in_dim3A_1442 = vector.shape_cast %reduce_sum3A_1441 : vector<128xf32> to vector<128x1xf32>
    %convert_element_type3A_1443 = arith.fptosi %broadcast_in_dim3A_1442 : vector<128x1xf32> to vector<128x1xi32>
    %get3A_1444 = arith.constant 3200 : index
    %get3A_1445 = arith.constant 0 : index
    %get3A_1446 = vector.load %arg2[%get3A_1444, %get3A_1445] : memref<4096x1xi32, #tpu.memory_space<vmem>>, vector<128x1xi32>
    %add3A_1447 = arith.addi %get3A_1446, %convert_element_type3A_1443 : vector<128x1xi32>
    %swap3A_1448 = arith.constant 3200 : index
    %swap3A_1449 = arith.constant 0 : index
    %swap3A_1450 = vector.load %arg2[%swap3A_1448, %swap3A_1449] : memref<4096x1xi32, #tpu.memory_space<vmem>>, vector<128x1xi32>
    tpu.vector_store %arg2[%swap3A_1448, %swap3A_1449], %add3A_1447 {strides = array<i32>} : memref<4096x1xi32, #tpu.memory_space<vmem>>, vector<128x1xi32>,
    %get3A_1451 = arith.constant 1280 : index
    %get3A_1452 = arith.constant 0 : index
    %get3A_1453 = vector.load %arg1[%get3A_1451, %get3A_1452] : memref<2048x1xi32, #tpu.memory_space<vmem>>, vector<128x1xi32>
    %convert_element_type3A_1454 = arith.sitofp %get3A_1453 : vector<128x1xi32> to vector<128x1xf32>
    %eq3A_1455 = vector.broadcast %convert_element_type3A_1454 : vector<128x1xf32> to vector<128x8xf32>
    %eq3A_1456 = arith.cmpf oeq, %eq3A_1455, %convert_element_type3A : vector<128x8xf32>
    %convert_element_type3A_1457 = arith.extui %eq3A_1456 : vector<128x8xi1> to vector<128x8xi32>
    %convert_element_type3A_1458 = arith.sitofp %convert_element_type3A_1457 : vector<128x8xi32> to vector<128x8xf32>
    %mul3A_1459 = vector.broadcast %dot_general3A_904 : vector<1x8xf32> to vector<128x8xf32>
    %mul3A_1460 = arith.mulf %convert_element_type3A_1458, %mul3A_1459 : vector<128x8xf32>
    %reduce_sum3A_1461 = arith.constant dense<0.000000e+00> : vector<128xf32>
    %reduce_sum3A_1462 = vector.multi_reduction <add>, %mul3A_1460, %reduce_sum3A_1461 [1] : vector<128x8xf32> to vector<128xf32>
    %broadcast_in_dim3A_1463 = vector.shape_cast %reduce_sum3A_1462 : vector<128xf32> to vector<128x1xf32>
    %convert_element_type3A_1464 = arith.fptosi %broadcast_in_dim3A_1463 : vector<128x1xf32> to vector<128x1xi32>
    %get3A_1465 = arith.constant 3328 : index
    %get3A_1466 = arith.constant 0 : index
    %get3A_1467 = vector.load %arg2[%get3A_1465, %get3A_1466] : memref<4096x1xi32, #tpu.memory_space<vmem>>, vector<128x1xi32>
    %add3A_1468 = arith.addi %get3A_1467, %convert_element_type3A_1464 : vector<128x1xi32>
    %swap3A_1469 = arith.constant 3328 : index
    %swap3A_1470 = arith.constant 0 : index
    %swap3A_1471 = vector.load %arg2[%swap3A_1469, %swap3A_1470] : memref<4096x1xi32, #tpu.memory_space<vmem>>, vector<128x1xi32>
    tpu.vector_store %arg2[%swap3A_1469, %swap3A_1470], %add3A_1468 {strides = array<i32>} : memref<4096x1xi32, #tpu.memory_space<vmem>>, vector<128x1xi32>,
    %get3A_1472 = arith.constant 1408 : index
    %get3A_1473 = arith.constant 0 : index
    %get3A_1474 = vector.load %arg1[%get3A_1472, %get3A_1473] : memref<2048x1xi32, #tpu.memory_space<vmem>>, vector<128x1xi32>
    %convert_element_type3A_1475 = arith.sitofp %get3A_1474 : vector<128x1xi32> to vector<128x1xf32>
    %eq3A_1476 = vector.broadcast %convert_element_type3A_1475 : vector<128x1xf32> to vector<128x8xf32>
    %eq3A_1477 = arith.cmpf oeq, %eq3A_1476, %convert_element_type3A : vector<128x8xf32>
    %convert_element_type3A_1478 = arith.extui %eq3A_1477 : vector<128x8xi1> to vector<128x8xi32>
    %convert_element_type3A_1479 = arith.sitofp %convert_element_type3A_1478 : vector<128x8xi32> to vector<128x8xf32>
    %mul3A_1480 = vector.broadcast %dot_general3A_904 : vector<1x8xf32> to vector<128x8xf32>
    %mul3A_1481 = arith.mulf %convert_element_type3A_1479, %mul3A_1480 : vector<128x8xf32>
    %reduce_sum3A_1482 = arith.constant dense<0.000000e+00> : vector<128xf32>
    %reduce_sum3A_1483 = vector.multi_reduction <add>, %mul3A_1481, %reduce_sum3A_1482 [1] : vector<128x8xf32> to vector<128xf32>
    %broadcast_in_dim3A_1484 = vector.shape_cast %reduce_sum3A_1483 : vector<128xf32> to vector<128x1xf32>
    %convert_element_type3A_1485 = arith.fptosi %broadcast_in_dim3A_1484 : vector<128x1xf32> to vector<128x1xi32>
    %get3A_1486 = arith.constant 3456 : index
    %get3A_1487 = arith.constant 0 : index
    %get3A_1488 = vector.load %arg2[%get3A_1486, %get3A_1487] : memref<4096x1xi32, #tpu.memory_space<vmem>>, vector<128x1xi32>
    %add3A_1489 = arith.addi %get3A_1488, %convert_element_type3A_1485 : vector<128x1xi32>
    %swap3A_1490 = arith.constant 3456 : index
    %swap3A_1491 = arith.constant 0 : index
    %swap3A_1492 = vector.load %arg2[%swap3A_1490, %swap3A_1491] : memref<4096x1xi32, #tpu.memory_space<vmem>>, vector<128x1xi32>
    tpu.vector_store %arg2[%swap3A_1490, %swap3A_1491], %add3A_1489 {strides = array<i32>} : memref<4096x1xi32, #tpu.memory_space<vmem>>, vector<128x1xi32>,
    %get3A_1493 = arith.constant 1536 : index
    %get3A_1494 = arith.constant 0 : index
    %get3A_1495 = vector.load %arg1[%get3A_1493, %get3A_1494] : memref<2048x1xi32, #tpu.memory_space<vmem>>, vector<128x1xi32>
    %convert_element_type3A_1496 = arith.sitofp %get3A_1495 : vector<128x1xi32> to vector<128x1xf32>
    %eq3A_1497 = vector.broadcast %convert_element_type3A_1496 : vector<128x1xf32> to vector<128x8xf32>
    %eq3A_1498 = arith.cmpf oeq, %eq3A_1497, %convert_element_type3A : vector<128x8xf32>
    %convert_element_type3A_1499 = arith.extui %eq3A_1498 : vector<128x8xi1> to vector<128x8xi32>
    %convert_element_type3A_1500 = arith.sitofp %convert_element_type3A_1499 : vector<128x8xi32> to vector<128x8xf32>
    %mul3A_1501 = vector.broadcast %dot_general3A_904 : vector<1x8xf32> to vector<128x8xf32>
    %mul3A_1502 = arith.mulf %convert_element_type3A_1500, %mul3A_1501 : vector<128x8xf32>
    %reduce_sum3A_1503 = arith.constant dense<0.000000e+00> : vector<128xf32>
    %reduce_sum3A_1504 = vector.multi_reduction <add>, %mul3A_1502, %reduce_sum3A_1503 [1] : vector<128x8xf32> to vector<128xf32>
    %broadcast_in_dim3A_1505 = vector.shape_cast %reduce_sum3A_1504 : vector<128xf32> to vector<128x1xf32>
    %convert_element_type3A_1506 = arith.fptosi %broadcast_in_dim3A_1505 : vector<128x1xf32> to vector<128x1xi32>
    %get3A_1507 = arith.constant 3584 : index
    %get3A_1508 = arith.constant 0 : index
    %get3A_1509 = vector.load %arg2[%get3A_1507, %get3A_1508] : memref<4096x1xi32, #tpu.memory_space<vmem>>, vector<128x1xi32>
    %add3A_1510 = arith.addi %get3A_1509, %convert_element_type3A_1506 : vector<128x1xi32>
    %swap3A_1511 = arith.constant 3584 : index
    %swap3A_1512 = arith.constant 0 : index
    %swap3A_1513 = vector.load %arg2[%swap3A_1511, %swap3A_1512] : memref<4096x1xi32, #tpu.memory_space<vmem>>, vector<128x1xi32>
    tpu.vector_store %arg2[%swap3A_1511, %swap3A_1512], %add3A_1510 {strides = array<i32>} : memref<4096x1xi32, #tpu.memory_space<vmem>>, vector<128x1xi32>,
    %get3A_1514 = arith.constant 1664 : index
    %get3A_1515 = arith.constant 0 : index
    %get3A_1516 = vector.load %arg1[%get3A_1514, %get3A_1515] : memref<2048x1xi32, #tpu.memory_space<vmem>>, vector<128x1xi32>
    %convert_element_type3A_1517 = arith.sitofp %get3A_1516 : vector<128x1xi32> to vector<128x1xf32>
    %eq3A_1518 = vector.broadcast %convert_element_type3A_1517 : vector<128x1xf32> to vector<128x8xf32>
    %eq3A_1519 = arith.cmpf oeq, %eq3A_1518, %convert_element_type3A : vector<128x8xf32>
    %convert_element_type3A_1520 = arith.extui %eq3A_1519 : vector<128x8xi1> to vector<128x8xi32>
    %convert_element_type3A_1521 = arith.sitofp %convert_element_type3A_1520 : vector<128x8xi32> to vector<128x8xf32>
    %mul3A_1522 = vector.broadcast %dot_general3A_904 : vector<1x8xf32> to vector<128x8xf32>
    %mul3A_1523 = arith.mulf %convert_element_type3A_1521, %mul3A_1522 : vector<128x8xf32>
    %reduce_sum3A_1524 = arith.constant dense<0.000000e+00> : vector<128xf32>
    %reduce_sum3A_1525 = vector.multi_reduction <add>, %mul3A_1523, %reduce_sum3A_1524 [1] : vector<128x8xf32> to vector<128xf32>
    %broadcast_in_dim3A_1526 = vector.shape_cast %reduce_sum3A_1525 : vector<128xf32> to vector<128x1xf32>
    %convert_element_type3A_1527 = arith.fptosi %broadcast_in_dim3A_1526 : vector<128x1xf32> to vector<128x1xi32>
    %get3A_1528 = arith.constant 3712 : index
    %get3A_1529 = arith.constant 0 : index
    %get3A_1530 = vector.load %arg2[%get3A_1528, %get3A_1529] : memref<4096x1xi32, #tpu.memory_space<vmem>>, vector<128x1xi32>
    %add3A_1531 = arith.addi %get3A_1530, %convert_element_type3A_1527 : vector<128x1xi32>
    %swap3A_1532 = arith.constant 3712 : index
    %swap3A_1533 = arith.constant 0 : index
    %swap3A_1534 = vector.load %arg2[%swap3A_1532, %swap3A_1533] : memref<4096x1xi32, #tpu.memory_space<vmem>>, vector<128x1xi32>
    tpu.vector_store %arg2[%swap3A_1532, %swap3A_1533], %add3A_1531 {strides = array<i32>} : memref<4096x1xi32, #tpu.memory_space<vmem>>, vector<128x1xi32>,
    %get3A_1535 = arith.constant 1792 : index
    %get3A_1536 = arith.constant 0 : index
    %get3A_1537 = vector.load %arg1[%get3A_1535, %get3A_1536] : memref<2048x1xi32, #tpu.memory_space<vmem>>, vector<128x1xi32>
    %convert_element_type3A_1538 = arith.sitofp %get3A_1537 : vector<128x1xi32> to vector<128x1xf32>
    %eq3A_1539 = vector.broadcast %convert_element_type3A_1538 : vector<128x1xf32> to vector<128x8xf32>
    %eq3A_1540 = arith.cmpf oeq, %eq3A_1539, %convert_element_type3A : vector<128x8xf32>
    %convert_element_type3A_1541 = arith.extui %eq3A_1540 : vector<128x8xi1> to vector<128x8xi32>
    %convert_element_type3A_1542 = arith.sitofp %convert_element_type3A_1541 : vector<128x8xi32> to vector<128x8xf32>
    %mul3A_1543 = vector.broadcast %dot_general3A_904 : vector<1x8xf32> to vector<128x8xf32>
    %mul3A_1544 = arith.mulf %convert_element_type3A_1542, %mul3A_1543 : vector<128x8xf32>
    %reduce_sum3A_1545 = arith.constant dense<0.000000e+00> : vector<128xf32>
    %reduce_sum3A_1546 = vector.multi_reduction <add>, %mul3A_1544, %reduce_sum3A_1545 [1] : vector<128x8xf32> to vector<128xf32>
    %broadcast_in_dim3A_1547 = vector.shape_cast %reduce_sum3A_1546 : vector<128xf32> to vector<128x1xf32>
    %convert_element_type3A_1548 = arith.fptosi %broadcast_in_dim3A_1547 : vector<128x1xf32> to vector<128x1xi32>
    %get3A_1549 = arith.constant 3840 : index
    %get3A_1550 = arith.constant 0 : index
    %get3A_1551 = vector.load %arg2[%get3A_1549, %get3A_1550] : memref<4096x1xi32, #tpu.memory_space<vmem>>, vector<128x1xi32>
    %add3A_1552 = arith.addi %get3A_1551, %convert_element_type3A_1548 : vector<128x1xi32>
    %swap3A_1553 = arith.constant 3840 : index
    %swap3A_1554 = arith.constant 0 : index
    %swap3A_1555 = vector.load %arg2[%swap3A_1553, %swap3A_1554] : memref<4096x1xi32, #tpu.memory_space<vmem>>, vector<128x1xi32>
    tpu.vector_store %arg2[%swap3A_1553, %swap3A_1554], %add3A_1552 {strides = array<i32>} : memref<4096x1xi32, #tpu.memory_space<vmem>>, vector<128x1xi32>,
    %get3A_1556 = arith.constant 1920 : index
    %get3A_1557 = arith.constant 0 : index
    %get3A_1558 = vector.load %arg1[%get3A_1556, %get3A_1557] : memref<2048x1xi32, #tpu.memory_space<vmem>>, vector<128x1xi32>
    %convert_element_type3A_1559 = arith.sitofp %get3A_1558 : vector<128x1xi32> to vector<128x1xf32>
    %eq3A_1560 = vector.broadcast %convert_element_type3A_1559 : vector<128x1xf32> to vector<128x8xf32>
    %eq3A_1561 = arith.cmpf oeq, %eq3A_1560, %convert_element_type3A : vector<128x8xf32>
    %convert_element_type3A_1562 = arith.extui %eq3A_1561 : vector<128x8xi1> to vector<128x8xi32>
    %convert_element_type3A_1563 = arith.sitofp %convert_element_type3A_1562 : vector<128x8xi32> to vector<128x8xf32>
    %mul3A_1564 = vector.broadcast %dot_general3A_904 : vector<1x8xf32> to vector<128x8xf32>
    %mul3A_1565 = arith.mulf %convert_element_type3A_1563, %mul3A_1564 : vector<128x8xf32>
    %reduce_sum3A_1566 = arith.constant dense<0.000000e+00> : vector<128xf32>
    %reduce_sum3A_1567 = vector.multi_reduction <add>, %mul3A_1565, %reduce_sum3A_1566 [1] : vector<128x8xf32> to vector<128xf32>
    %broadcast_in_dim3A_1568 = vector.shape_cast %reduce_sum3A_1567 : vector<128xf32> to vector<128x1xf32>
    %convert_element_type3A_1569 = arith.fptosi %broadcast_in_dim3A_1568 : vector<128x1xf32> to vector<128x1xi32>
    %get3A_1570 = arith.constant 3968 : index
    %get3A_1571 = arith.constant 0 : index
    %get3A_1572 = vector.load %arg2[%get3A_1570, %get3A_1571] : memref<4096x1xi32, #tpu.memory_space<vmem>>, vector<128x1xi32>
    %add3A_1573 = arith.addi %get3A_1572, %convert_element_type3A_1569 : vector<128x1xi32>
    %swap3A_1574 = arith.constant 3968 : index
    %swap3A_1575 = arith.constant 0 : index
    %swap3A_1576 = vector.load %arg2[%swap3A_1574, %swap3A_1575] : memref<4096x1xi32, #tpu.memory_space<vmem>>, vector<128x1xi32>
    tpu.vector_store %arg2[%swap3A_1574, %swap3A_1575], %add3A_1573 {strides = array<i32>} : memref<4096x1xi32, #tpu.memory_space<vmem>>, vector<128x1xi32>,
    %iota3A_1577 = tpu.iota {dimensions = array<i32: 0>} : vector<40x8xi32>
    %mul3A_1578 = arith.constant 128 : i32
    %mul3A_1579 = vector.broadcast %mul3A_1578 : i32 to vector<40x8xi32>
    %mul3A_1580 = arith.muli %iota3A_1577, %mul3A_1579 : vector<40x8xi32>
    %convert_element_type3A_1581 = arith.sitofp %mul3A_1580 : vector<40x8xi32> to vector<40x8xf32>
    %ge3A = vector.broadcast %dot_general3A_904 : vector<1x8xf32> to vector<40x8xf32>
    %ge3A_1582 = arith.cmpf oge, %convert_element_type3A_1581, %ge3A : vector<40x8xf32>
    %convert_element_type3A_1583 = arith.extui %ge3A_1582 : vector<40x8xi1> to vector<40x8xi32>
    %reduce_sum3A_1584 = arith.constant dense<0> : vector<40xi32>
    %reduce_sum3A_1585 = vector.multi_reduction <add>, %convert_element_type3A_1583, %reduce_sum3A_1584 [1] : vector<40x8xi32> to vector<40xi32>
    %broadcast_in_dim3A_1586 = vector.shape_cast %reduce_sum3A_1585 : vector<40xi32> to vector<40x1xi32>
    %sub3A = arith.constant 1 : i32
    %sub3A_1587 = vector.broadcast %sub3A : i32 to vector<40x1xi32>
    %sub3A_1588 = arith.subi %broadcast_in_dim3A_1586, %sub3A_1587 : vector<40x1xi32>
    %swap3A_1589 = arith.constant 0 : index
    %swap3A_1590 = arith.constant 0 : index
    %swap3A_1591 = vector.load %arg3[%swap3A_1589, %swap3A_1590] : memref<40x1xi32, #tpu.memory_space<vmem>>, vector<40x1xi32>
    tpu.vector_store %arg3[%swap3A_1589, %swap3A_1590], %sub3A_1588 {strides = array<i32>} : memref<40x1xi32, #tpu.memory_space<vmem>>, vector<40x1xi32>,
    return
  }
}

module attributes {stable_mosaic.version = 14 : i64} {
  func.func @_sumabs_body(%arg0: i32, %arg1: memref<1x768x3072xf32, #tpu.memory_space<vmem>>, %arg2: memref<1x1x128xf32, #tpu.memory_space<vmem>>) attributes {dimension_semantics = [#tpu.dimension_semantics<arbitrary>], iteration_bounds = array<i64: 8>, scalar_prefetch = 0 : i64, scratch_operands = 0 : i64, tpu.core_type = #tpu.core_type<tc>, window_params = [{transform_indices = @transform_0, window_bounds = array<i64: 1, 768, 3072>}, {transform_indices = @transform_1, window_bounds = array<i64: 1, 1, 128>}]} {
    %get3A = arith.constant 0 : index
    %get3A_0 = arith.constant 0 : index
    %get3A_1 = arith.constant 0 : index
    %get3A_2 = vector.load %arg1[%get3A, %get3A_0, %get3A_1] : memref<1x768x3072xf32, #tpu.memory_space<vmem>>, vector<1x768x3072xf32>
    %abs3A = math.absf %get3A_2 : vector<1x768x3072xf32>
    %reduce_sum3A = arith.constant dense<0.000000e+00> : vector<1xf32>
    %reduce_sum3A_3 = vector.multi_reduction <add>, %abs3A, %reduce_sum3A [1, 2] : vector<1x768x3072xf32> to vector<1xf32>
    %broadcast_in_dim3A = vector.shape_cast %reduce_sum3A_3 : vector<1xf32> to vector<1x1x1xf32>
    %broadcast_in_dim3A_4 = vector.shape_cast %broadcast_in_dim3A : vector<1x1x1xf32> to vector<1x1x1xf32>
    %broadcast_in_dim3A_5 = vector.broadcast %broadcast_in_dim3A_4 : vector<1x1x1xf32> to vector<1x1x128xf32>
    %swap3A = arith.constant 0 : index
    %swap3A_6 = arith.constant 0 : index
    %swap3A_7 = arith.constant 0 : index
    %swap3A_8 = vector.load %arg2[%swap3A, %swap3A_6, %swap3A_7] : memref<1x1x128xf32, #tpu.memory_space<vmem>>, vector<1x1x128xf32>
    tpu.vector_store %arg2[%swap3A, %swap3A_6, %swap3A_7], %broadcast_in_dim3A_5 {strides = array<i32>} : memref<1x1x128xf32, #tpu.memory_space<vmem>>, vector<1x1x128xf32>,
    return
  }
  func.func @transform_0(%arg0: i32) -> (i32, i32, i32) {
    %c0_i32 = arith.constant 0 : i32
    %c0_i32_0 = arith.constant 0 : i32
    %c0_i32_1 = arith.constant 0 : i32
    return %arg0, %c0_i32, %c0_i32_0 : i32, i32, i32
  }
  func.func @transform_1(%arg0: i32) -> (i32, i32, i32) {
    %c0_i32 = arith.constant 0 : i32
    %c0_i32_0 = arith.constant 0 : i32
    %c0_i32_1 = arith.constant 0 : i32
    return %arg0, %c0_i32, %c0_i32_0 : i32, i32, i32
  }
}

module attributes {stable_mosaic.version = 14 : i64} {
  func.func @_tq_body(%arg0: i32, %arg1: memref<1x768x3072xf32, #tpu.memory_space<vmem>>, %arg2: memref<1x1x128xf32, #tpu.memory_space<vmem>>, %arg3: memref<1x768x3072xi8, #tpu.memory_space<vmem>>) attributes {dimension_semantics = [#tpu.dimension_semantics<arbitrary>], iteration_bounds = array<i64: 8>, scalar_prefetch = 0 : i64, scratch_operands = 0 : i64, tpu.core_type = #tpu.core_type<tc>, window_params = [{transform_indices = @transform_0, window_bounds = array<i64: 1, 768, 3072>}, {transform_indices = @transform_1, window_bounds = array<i64: 1, 1, 128>}, {transform_indices = @transform_2, window_bounds = array<i64: 1, 768, 3072>}]} {
    %get3A = arith.constant 0 : index
    %get3A_0 = arith.constant 0 : index
    %get3A_1 = arith.constant 0 : index
    %get3A_2 = vector.load %arg2[%get3A, %get3A_0, %get3A_1] : memref<1x1x128xf32, #tpu.memory_space<vmem>>, vector<1x1x1xf32>
    %get3A_3 = vector.extract %get3A_2[0, 0, 0] : f32 from vector<1x1x1xf32>
    %div3A = arith.constant 0x4A100000 : f32
    %div3A_4 = arith.divf %get3A_3, %div3A : f32
    %jit3A = arith.constant 9.99999974E-6 : f32
    %max3A = arith.maximumf %jit3A, %div3A_4 : f32
    %get3A_5 = arith.constant 0 : index
    %get3A_6 = arith.constant 0 : index
    %get3A_7 = arith.constant 0 : index
    %get3A_8 = vector.load %arg1[%get3A_5, %get3A_6, %get3A_7] : memref<1x768x3072xf32, #tpu.memory_space<vmem>>, vector<1x768x3072xf32>
    %div3A_9 = vector.broadcast %max3A : f32 to vector<1x768x3072xf32>
    %div3A_10 = arith.divf %get3A_8, %div3A_9 : vector<1x768x3072xf32>
    %round3A = math.roundeven %div3A_10 : vector<1x768x3072xf32>
    %jit3A_11 = arith.constant -1 : i32
    %jit3A_12 = arith.constant 1 : i32
    %convert_element_type3A = arith.sitofp %jit3A_11 : i32 to f32
    %max3A_13 = vector.broadcast %convert_element_type3A : f32 to vector<1x768x3072xf32>
    %max3A_14 = arith.maximumf %max3A_13, %round3A : vector<1x768x3072xf32>
    %convert_element_type3A_15 = arith.sitofp %jit3A_12 : i32 to f32
    %min3A = vector.broadcast %convert_element_type3A_15 : f32 to vector<1x768x3072xf32>
    %min3A_16 = arith.minimumf %min3A, %max3A_14 : vector<1x768x3072xf32>
    %convert_element_type3A_17 = arith.fptosi %min3A_16 : vector<1x768x3072xf32> to vector<1x768x3072xi8>
    %swap3A = arith.constant 0 : index
    %swap3A_18 = arith.constant 0 : index
    %swap3A_19 = arith.constant 0 : index
    %swap3A_20 = vector.load %arg3[%swap3A, %swap3A_18, %swap3A_19] : memref<1x768x3072xi8, #tpu.memory_space<vmem>>, vector<1x768x3072xi8>
    tpu.vector_store %arg3[%swap3A, %swap3A_18, %swap3A_19], %convert_element_type3A_17 {strides = array<i32>} : memref<1x768x3072xi8, #tpu.memory_space<vmem>>, vector<1x768x3072xi8>,
    return
  }
  func.func @transform_0(%arg0: i32) -> (i32, i32, i32) {
    %c0_i32 = arith.constant 0 : i32
    %c0_i32_0 = arith.constant 0 : i32
    %c0_i32_1 = arith.constant 0 : i32
    return %arg0, %c0_i32, %c0_i32_0 : i32, i32, i32
  }
  func.func @transform_1(%arg0: i32) -> (i32, i32, i32) {
    %c0_i32 = arith.constant 0 : i32
    %c0_i32_0 = arith.constant 0 : i32
    %c0_i32_1 = arith.constant 0 : i32
    return %arg0, %c0_i32, %c0_i32_0 : i32, i32, i32
  }
  func.func @transform_2(%arg0: i32) -> (i32, i32, i32) {
    %c0_i32 = arith.constant 0 : i32
    %c0_i32_0 = arith.constant 0 : i32
    %c0_i32_1 = arith.constant 0 : i32
    return %arg0, %c0_i32, %c0_i32_0 : i32, i32, i32
  }
}

module attributes {stable_mosaic.version = 14 : i64} {
  func.func @_tq_body(%arg0: i32, %arg1: memref<1x3072x768xf32, #tpu.memory_space<vmem>>, %arg2: memref<1x1x128xf32, #tpu.memory_space<vmem>>, %arg3: memref<1x3072x768xi8, #tpu.memory_space<vmem>>) attributes {dimension_semantics = [#tpu.dimension_semantics<arbitrary>], iteration_bounds = array<i64: 8>, scalar_prefetch = 0 : i64, scratch_operands = 0 : i64, tpu.core_type = #tpu.core_type<tc>, window_params = [{transform_indices = @transform_0, window_bounds = array<i64: 1, 3072, 768>}, {transform_indices = @transform_1, window_bounds = array<i64: 1, 1, 128>}, {transform_indices = @transform_2, window_bounds = array<i64: 1, 3072, 768>}]} {
    %get3A = arith.constant 0 : index
    %get3A_0 = arith.constant 0 : index
    %get3A_1 = arith.constant 0 : index
    %get3A_2 = vector.load %arg2[%get3A, %get3A_0, %get3A_1] : memref<1x1x128xf32, #tpu.memory_space<vmem>>, vector<1x1x1xf32>
    %get3A_3 = vector.extract %get3A_2[0, 0, 0] : f32 from vector<1x1x1xf32>
    %div3A = arith.constant 0x4A100000 : f32
    %div3A_4 = arith.divf %get3A_3, %div3A : f32
    %jit3A = arith.constant 9.99999974E-6 : f32
    %max3A = arith.maximumf %jit3A, %div3A_4 : f32
    %get3A_5 = arith.constant 0 : index
    %get3A_6 = arith.constant 0 : index
    %get3A_7 = arith.constant 0 : index
    %get3A_8 = vector.load %arg1[%get3A_5, %get3A_6, %get3A_7] : memref<1x3072x768xf32, #tpu.memory_space<vmem>>, vector<1x3072x768xf32>
    %div3A_9 = vector.broadcast %max3A : f32 to vector<1x3072x768xf32>
    %div3A_10 = arith.divf %get3A_8, %div3A_9 : vector<1x3072x768xf32>
    %round3A = math.roundeven %div3A_10 : vector<1x3072x768xf32>
    %jit3A_11 = arith.constant -1 : i32
    %jit3A_12 = arith.constant 1 : i32
    %convert_element_type3A = arith.sitofp %jit3A_11 : i32 to f32
    %max3A_13 = vector.broadcast %convert_element_type3A : f32 to vector<1x3072x768xf32>
    %max3A_14 = arith.maximumf %max3A_13, %round3A : vector<1x3072x768xf32>
    %convert_element_type3A_15 = arith.sitofp %jit3A_12 : i32 to f32
    %min3A = vector.broadcast %convert_element_type3A_15 : f32 to vector<1x3072x768xf32>
    %min3A_16 = arith.minimumf %min3A, %max3A_14 : vector<1x3072x768xf32>
    %convert_element_type3A_17 = arith.fptosi %min3A_16 : vector<1x3072x768xf32> to vector<1x3072x768xi8>
    %swap3A = arith.constant 0 : index
    %swap3A_18 = arith.constant 0 : index
    %swap3A_19 = arith.constant 0 : index
    %swap3A_20 = vector.load %arg3[%swap3A, %swap3A_18, %swap3A_19] : memref<1x3072x768xi8, #tpu.memory_space<vmem>>, vector<1x3072x768xi8>
    tpu.vector_store %arg3[%swap3A, %swap3A_18, %swap3A_19], %convert_element_type3A_17 {strides = array<i32>} : memref<1x3072x768xi8, #tpu.memory_space<vmem>>, vector<1x3072x768xi8>,
    return
  }
  func.func @transform_0(%arg0: i32) -> (i32, i32, i32) {
    %c0_i32 = arith.constant 0 : i32
    %c0_i32_0 = arith.constant 0 : i32
    %c0_i32_1 = arith.constant 0 : i32
    return %arg0, %c0_i32, %c0_i32_0 : i32, i32, i32
  }
  func.func @transform_1(%arg0: i32) -> (i32, i32, i32) {
    %c0_i32 = arith.constant 0 : i32
    %c0_i32_0 = arith.constant 0 : i32
    %c0_i32_1 = arith.constant 0 : i32
    return %arg0, %c0_i32, %c0_i32_0 : i32, i32, i32
  }
  func.func @transform_2(%arg0: i32) -> (i32, i32, i32) {
    %c0_i32 = arith.constant 0 : i32
    %c0_i32_0 = arith.constant 0 : i32
    %c0_i32_1 = arith.constant 0 : i32
    return %arg0, %c0_i32, %c0_i32_0 : i32, i32, i32
  }
}

module attributes {stable_mosaic.version = 14 : i64} {
  func.func @_k4_body(%arg0: i32, %arg1: memref<40xi32, #tpu.memory_space<smem>>, %arg2: memref<128x768xf32, #tpu.memory_space<vmem>>, %arg3: memref<1x3072x768xi8, #tpu.memory_space<vmem>>, %arg4: memref<1x3072x768xi8, #tpu.memory_space<vmem>>, %arg5: memref<1x768x3072xi8, #tpu.memory_space<vmem>>, %arg6: memref<1x1x128xf32, #tpu.memory_space<vmem>>, %arg7: memref<1x1x128xf32, #tpu.memory_space<vmem>>, %arg8: memref<1x1x128xf32, #tpu.memory_space<vmem>>, %arg9: memref<128x768xf32, #tpu.memory_space<vmem>>, %arg10: memref<128x3072xf32, #tpu.memory_space<vmem>>, %arg11: memref<128x3072xi32, #tpu.memory_space<vmem>>) attributes {dimension_semantics = [#tpu.dimension_semantics<arbitrary>], iteration_bounds = array<i64: 40>, scalar_prefetch = 1 : i64, scratch_operands = 2 : i64, tpu.core_type = #tpu.core_type<tc>, window_params = [{transform_indices = @transform_0, window_bounds = array<i64: 128, 768>}, {transform_indices = @transform_1, window_bounds = array<i64: 1, 3072, 768>}, {transform_indices = @transform_2, window_bounds = array<i64: 1, 3072, 768>}, {transform_indices = @transform_3, window_bounds = array<i64: 1, 768, 3072>}, {transform_indices = @transform_4, window_bounds = array<i64: 1, 1, 128>}, {transform_indices = @transform_5, window_bounds = array<i64: 1, 1, 128>}, {transform_indices = @transform_6, window_bounds = array<i64: 1, 1, 128>}, {transform_indices = @transform_7, window_bounds = array<i64: 128, 768>}]} {
    %get3A = arith.constant 0 : index
    %get3A_0 = arith.constant 0 : index
    %get3A_1 = arith.constant 0 : index
    %get3A_2 = vector.load %arg6[%get3A, %get3A_0, %get3A_1] : memref<1x1x128xf32, #tpu.memory_space<vmem>>, vector<1x1x1xf32>
    %get3A_3 = vector.extract %get3A_2[0, 0, 0] : f32 from vector<1x1x1xf32>
    %div3A = arith.constant 0x4A100000 : f32
    %div3A_4 = arith.divf %get3A_3, %div3A : f32
    %jit3A = arith.constant 9.99999974E-6 : f32
    %max3A = arith.maximumf %jit3A, %div3A_4 : f32
    %convert_element_type3A = arith.truncf %max3A : f32 to bf16
    %convert_element_type3A_5 = arith.extf %convert_element_type3A : bf16 to f32
    %get3A_6 = arith.constant 0 : index
    %get3A_7 = arith.constant 0 : index
    %get3A_8 = arith.constant 0 : index
    %get3A_9 = vector.load %arg7[%get3A_6, %get3A_7, %get3A_8] : memref<1x1x128xf32, #tpu.memory_space<vmem>>, vector<1x1x1xf32>
    %get3A_10 = vector.extract %get3A_9[0, 0, 0] : f32 from vector<1x1x1xf32>
    %div3A_11 = arith.constant 0x4A100000 : f32
    %div3A_12 = arith.divf %get3A_10, %div3A_11 : f32
    %jit3A_13 = arith.constant 9.99999974E-6 : f32
    %max3A_14 = arith.maximumf %jit3A_13, %div3A_12 : f32
    %convert_element_type3A_15 = arith.truncf %max3A_14 : f32 to bf16
    %convert_element_type3A_16 = arith.extf %convert_element_type3A_15 : bf16 to f32
    %get3A_17 = arith.constant 0 : index
    %get3A_18 = arith.constant 0 : index
    %get3A_19 = arith.constant 0 : index
    %get3A_20 = vector.load %arg8[%get3A_17, %get3A_18, %get3A_19] : memref<1x1x128xf32, #tpu.memory_space<vmem>>, vector<1x1x1xf32>
    %get3A_21 = vector.extract %get3A_20[0, 0, 0] : f32 from vector<1x1x1xf32>
    %div3A_22 = arith.constant 0x4A100000 : f32
    %div3A_23 = arith.divf %get3A_21, %div3A_22 : f32
    %jit3A_24 = arith.constant 9.99999974E-6 : f32
    %max3A_25 = arith.maximumf %jit3A_24, %div3A_23 : f32
    %convert_element_type3A_26 = arith.truncf %max3A_25 : f32 to bf16
    %convert_element_type3A_27 = arith.extf %convert_element_type3A_26 : bf16 to f32
    %get3A_28 = arith.constant 0 : index
    %get3A_29 = arith.constant 0 : index
    %get3A_30 = vector.load %arg2[%get3A_28, %get3A_29] : memref<128x768xf32, #tpu.memory_space<vmem>>, vector<128x768xf32>
    %convert_element_type3A_31 = arith.truncf %get3A_30 : vector<128x768xf32> to vector<128x768xbf16>
    %get3A_32 = arith.constant 0 : index
    %get3A_33 = arith.constant 0 : index
    %get3A_34 = arith.constant 0 : index
    %get3A_35 = vector.load %arg3[%get3A_32, %get3A_33, %get3A_34] : memref<1x3072x768xi8, #tpu.memory_space<vmem>>, vector<1x512x768xi8>
    %get3A_36 = vector.shape_cast %get3A_35 : vector<1x512x768xi8> to vector<512x768xi8>
    %convert_element_type3A_37 = arith.sitofp %get3A_36 : vector<512x768xi8> to vector<512x768xbf16>
    %get3A_38 = arith.constant 0 : index
    %get3A_39 = arith.constant 0 : index
    %get3A_40 = arith.constant 0 : index
    %get3A_41 = vector.load %arg4[%get3A_38, %get3A_39, %get3A_40] : memref<1x3072x768xi8, #tpu.memory_space<vmem>>, vector<1x512x768xi8>
    %get3A_42 = vector.shape_cast %get3A_41 : vector<1x512x768xi8> to vector<512x768xi8>
    %convert_element_type3A_43 = arith.sitofp %get3A_42 : vector<512x768xi8> to vector<512x768xbf16>
    %dot_general3A = arith.constant dense<0.000000e+00> : vector<128x512xf32>
    %dot_general3A_44 = tpu.matmul %convert_element_type3A_31, %convert_element_type3A_37, %dot_general3A {dimension_numbers = #tpu.dot_dimension_numbers<[1], [1], [0], [0], [0, 0, 1, 0], [], []>, transpose_lhs_hint = false} : vector<128x768xbf16>, vector<512x768xbf16>, vector<128x512xf32> -> vector<128x512xf32>
    %mul3A = vector.broadcast %convert_element_type3A_5 : f32 to vector<128x512xf32>
    %mul3A_45 = arith.mulf %dot_general3A_44, %mul3A : vector<128x512xf32>
    %dot_general3A_46 = arith.constant dense<0.000000e+00> : vector<128x512xf32>
    %dot_general3A_47 = tpu.matmul %convert_element_type3A_31, %convert_element_type3A_43, %dot_general3A_46 {dimension_numbers = #tpu.dot_dimension_numbers<[1], [1], [0], [0], [0, 0, 1, 0], [], []>, transpose_lhs_hint = false} : vector<128x768xbf16>, vector<512x768xbf16>, vector<128x512xf32> -> vector<128x512xf32>
    %mul3A_48 = vector.broadcast %convert_element_type3A_16 : f32 to vector<128x512xf32>
    %mul3A_49 = arith.mulf %dot_general3A_47, %mul3A_48 : vector<128x512xf32>
    %logistic3A = arith.negf %mul3A_45 : vector<128x512xf32>
    %logistic3A_50 = math.exp %logistic3A : vector<128x512xf32>
    %logistic3A_51 = arith.constant 1.000000e+00 : f32
    %logistic3A_52 = vector.broadcast %logistic3A_51 : f32 to vector<128x512xf32>
    %logistic3A_53 = arith.addf %logistic3A_52, %logistic3A_50 : vector<128x512xf32>
    %logistic3A_54 = arith.divf %logistic3A_52, %logistic3A_53 : vector<128x512xf32>
    %mul3A_55 = arith.mulf %mul3A_45, %logistic3A_54 : vector<128x512xf32>
    %mul3A_56 = arith.mulf %mul3A_55, %mul3A_49 : vector<128x512xf32>
    %swap3A = arith.constant 0 : index
    %swap3A_57 = arith.constant 0 : index
    %swap3A_58 = vector.load %arg10[%swap3A, %swap3A_57] : memref<128x3072xf32, #tpu.memory_space<vmem>>, vector<128x512xf32>
    tpu.vector_store %arg10[%swap3A, %swap3A_57], %mul3A_56 {strides = array<i32>} : memref<128x3072xf32, #tpu.memory_space<vmem>>, vector<128x512xf32>,
    %get3A_59 = arith.constant 0 : index
    %get3A_60 = arith.constant 512 : index
    %get3A_61 = arith.constant 0 : index
    %get3A_62 = vector.load %arg3[%get3A_59, %get3A_60, %get3A_61] : memref<1x3072x768xi8, #tpu.memory_space<vmem>>, vector<1x512x768xi8>
    %get3A_63 = vector.shape_cast %get3A_62 : vector<1x512x768xi8> to vector<512x768xi8>
    %convert_element_type3A_64 = arith.sitofp %get3A_63 : vector<512x768xi8> to vector<512x768xbf16>
    %get3A_65 = arith.constant 0 : index
    %get3A_66 = arith.constant 512 : index
    %get3A_67 = arith.constant 0 : index
    %get3A_68 = vector.load %arg4[%get3A_65, %get3A_66, %get3A_67] : memref<1x3072x768xi8, #tpu.memory_space<vmem>>, vector<1x512x768xi8>
    %get3A_69 = vector.shape_cast %get3A_68 : vector<1x512x768xi8> to vector<512x768xi8>
    %convert_element_type3A_70 = arith.sitofp %get3A_69 : vector<512x768xi8> to vector<512x768xbf16>
    %dot_general3A_71 = arith.constant dense<0.000000e+00> : vector<128x512xf32>
    %dot_general3A_72 = tpu.matmul %convert_element_type3A_31, %convert_element_type3A_64, %dot_general3A_71 {dimension_numbers = #tpu.dot_dimension_numbers<[1], [1], [0], [0], [0, 0, 1, 0], [], []>, transpose_lhs_hint = false} : vector<128x768xbf16>, vector<512x768xbf16>, vector<128x512xf32> -> vector<128x512xf32>
    %mul3A_73 = vector.broadcast %convert_element_type3A_5 : f32 to vector<128x512xf32>
    %mul3A_74 = arith.mulf %dot_general3A_72, %mul3A_73 : vector<128x512xf32>
    %dot_general3A_75 = arith.constant dense<0.000000e+00> : vector<128x512xf32>
    %dot_general3A_76 = tpu.matmul %convert_element_type3A_31, %convert_element_type3A_70, %dot_general3A_75 {dimension_numbers = #tpu.dot_dimension_numbers<[1], [1], [0], [0], [0, 0, 1, 0], [], []>, transpose_lhs_hint = false} : vector<128x768xbf16>, vector<512x768xbf16>, vector<128x512xf32> -> vector<128x512xf32>
    %mul3A_77 = vector.broadcast %convert_element_type3A_16 : f32 to vector<128x512xf32>
    %mul3A_78 = arith.mulf %dot_general3A_76, %mul3A_77 : vector<128x512xf32>
    %logistic3A_79 = arith.negf %mul3A_74 : vector<128x512xf32>
    %logistic3A_80 = math.exp %logistic3A_79 : vector<128x512xf32>
    %logistic3A_81 = arith.constant 1.000000e+00 : f32
    %logistic3A_82 = vector.broadcast %logistic3A_81 : f32 to vector<128x512xf32>
    %logistic3A_83 = arith.addf %logistic3A_82, %logistic3A_80 : vector<128x512xf32>
    %logistic3A_84 = arith.divf %logistic3A_82, %logistic3A_83 : vector<128x512xf32>
    %mul3A_85 = arith.mulf %mul3A_74, %logistic3A_84 : vector<128x512xf32>
    %mul3A_86 = arith.mulf %mul3A_85, %mul3A_78 : vector<128x512xf32>
    %swap3A_87 = arith.constant 0 : index
    %swap3A_88 = arith.constant 512 : index
    %swap3A_89 = vector.load %arg10[%swap3A_87, %swap3A_88] : memref<128x3072xf32, #tpu.memory_space<vmem>>, vector<128x512xf32>
    tpu.vector_store %arg10[%swap3A_87, %swap3A_88], %mul3A_86 {strides = array<i32>} : memref<128x3072xf32, #tpu.memory_space<vmem>>, vector<128x512xf32>,
    %get3A_90 = arith.constant 0 : index
    %get3A_91 = arith.constant 1024 : index
    %get3A_92 = arith.constant 0 : index
    %get3A_93 = vector.load %arg3[%get3A_90, %get3A_91, %get3A_92] : memref<1x3072x768xi8, #tpu.memory_space<vmem>>, vector<1x512x768xi8>
    %get3A_94 = vector.shape_cast %get3A_93 : vector<1x512x768xi8> to vector<512x768xi8>
    %convert_element_type3A_95 = arith.sitofp %get3A_94 : vector<512x768xi8> to vector<512x768xbf16>
    %get3A_96 = arith.constant 0 : index
    %get3A_97 = arith.constant 1024 : index
    %get3A_98 = arith.constant 0 : index
    %get3A_99 = vector.load %arg4[%get3A_96, %get3A_97, %get3A_98] : memref<1x3072x768xi8, #tpu.memory_space<vmem>>, vector<1x512x768xi8>
    %get3A_100 = vector.shape_cast %get3A_99 : vector<1x512x768xi8> to vector<512x768xi8>
    %convert_element_type3A_101 = arith.sitofp %get3A_100 : vector<512x768xi8> to vector<512x768xbf16>
    %dot_general3A_102 = arith.constant dense<0.000000e+00> : vector<128x512xf32>
    %dot_general3A_103 = tpu.matmul %convert_element_type3A_31, %convert_element_type3A_95, %dot_general3A_102 {dimension_numbers = #tpu.dot_dimension_numbers<[1], [1], [0], [0], [0, 0, 1, 0], [], []>, transpose_lhs_hint = false} : vector<128x768xbf16>, vector<512x768xbf16>, vector<128x512xf32> -> vector<128x512xf32>
    %mul3A_104 = vector.broadcast %convert_element_type3A_5 : f32 to vector<128x512xf32>
    %mul3A_105 = arith.mulf %dot_general3A_103, %mul3A_104 : vector<128x512xf32>
    %dot_general3A_106 = arith.constant dense<0.000000e+00> : vector<128x512xf32>
    %dot_general3A_107 = tpu.matmul %convert_element_type3A_31, %convert_element_type3A_101, %dot_general3A_106 {dimension_numbers = #tpu.dot_dimension_numbers<[1], [1], [0], [0], [0, 0, 1, 0], [], []>, transpose_lhs_hint = false} : vector<128x768xbf16>, vector<512x768xbf16>, vector<128x512xf32> -> vector<128x512xf32>
    %mul3A_108 = vector.broadcast %convert_element_type3A_16 : f32 to vector<128x512xf32>
    %mul3A_109 = arith.mulf %dot_general3A_107, %mul3A_108 : vector<128x512xf32>
    %logistic3A_110 = arith.negf %mul3A_105 : vector<128x512xf32>
    %logistic3A_111 = math.exp %logistic3A_110 : vector<128x512xf32>
    %logistic3A_112 = arith.constant 1.000000e+00 : f32
    %logistic3A_113 = vector.broadcast %logistic3A_112 : f32 to vector<128x512xf32>
    %logistic3A_114 = arith.addf %logistic3A_113, %logistic3A_111 : vector<128x512xf32>
    %logistic3A_115 = arith.divf %logistic3A_113, %logistic3A_114 : vector<128x512xf32>
    %mul3A_116 = arith.mulf %mul3A_105, %logistic3A_115 : vector<128x512xf32>
    %mul3A_117 = arith.mulf %mul3A_116, %mul3A_109 : vector<128x512xf32>
    %swap3A_118 = arith.constant 0 : index
    %swap3A_119 = arith.constant 1024 : index
    %swap3A_120 = vector.load %arg10[%swap3A_118, %swap3A_119] : memref<128x3072xf32, #tpu.memory_space<vmem>>, vector<128x512xf32>
    tpu.vector_store %arg10[%swap3A_118, %swap3A_119], %mul3A_117 {strides = array<i32>} : memref<128x3072xf32, #tpu.memory_space<vmem>>, vector<128x512xf32>,
    %get3A_121 = arith.constant 0 : index
    %get3A_122 = arith.constant 1536 : index
    %get3A_123 = arith.constant 0 : index
    %get3A_124 = vector.load %arg3[%get3A_121, %get3A_122, %get3A_123] : memref<1x3072x768xi8, #tpu.memory_space<vmem>>, vector<1x512x768xi8>
    %get3A_125 = vector.shape_cast %get3A_124 : vector<1x512x768xi8> to vector<512x768xi8>
    %convert_element_type3A_126 = arith.sitofp %get3A_125 : vector<512x768xi8> to vector<512x768xbf16>
    %get3A_127 = arith.constant 0 : index
    %get3A_128 = arith.constant 1536 : index
    %get3A_129 = arith.constant 0 : index
    %get3A_130 = vector.load %arg4[%get3A_127, %get3A_128, %get3A_129] : memref<1x3072x768xi8, #tpu.memory_space<vmem>>, vector<1x512x768xi8>
    %get3A_131 = vector.shape_cast %get3A_130 : vector<1x512x768xi8> to vector<512x768xi8>
    %convert_element_type3A_132 = arith.sitofp %get3A_131 : vector<512x768xi8> to vector<512x768xbf16>
    %dot_general3A_133 = arith.constant dense<0.000000e+00> : vector<128x512xf32>
    %dot_general3A_134 = tpu.matmul %convert_element_type3A_31, %convert_element_type3A_126, %dot_general3A_133 {dimension_numbers = #tpu.dot_dimension_numbers<[1], [1], [0], [0], [0, 0, 1, 0], [], []>, transpose_lhs_hint = false} : vector<128x768xbf16>, vector<512x768xbf16>, vector<128x512xf32> -> vector<128x512xf32>
    %mul3A_135 = vector.broadcast %convert_element_type3A_5 : f32 to vector<128x512xf32>
    %mul3A_136 = arith.mulf %dot_general3A_134, %mul3A_135 : vector<128x512xf32>
    %dot_general3A_137 = arith.constant dense<0.000000e+00> : vector<128x512xf32>
    %dot_general3A_138 = tpu.matmul %convert_element_type3A_31, %convert_element_type3A_132, %dot_general3A_137 {dimension_numbers = #tpu.dot_dimension_numbers<[1], [1], [0], [0], [0, 0, 1, 0], [], []>, transpose_lhs_hint = false} : vector<128x768xbf16>, vector<512x768xbf16>, vector<128x512xf32> -> vector<128x512xf32>
    %mul3A_139 = vector.broadcast %convert_element_type3A_16 : f32 to vector<128x512xf32>
    %mul3A_140 = arith.mulf %dot_general3A_138, %mul3A_139 : vector<128x512xf32>
    %logistic3A_141 = arith.negf %mul3A_136 : vector<128x512xf32>
    %logistic3A_142 = math.exp %logistic3A_141 : vector<128x512xf32>
    %logistic3A_143 = arith.constant 1.000000e+00 : f32
    %logistic3A_144 = vector.broadcast %logistic3A_143 : f32 to vector<128x512xf32>
    %logistic3A_145 = arith.addf %logistic3A_144, %logistic3A_142 : vector<128x512xf32>
    %logistic3A_146 = arith.divf %logistic3A_144, %logistic3A_145 : vector<128x512xf32>
    %mul3A_147 = arith.mulf %mul3A_136, %logistic3A_146 : vector<128x512xf32>
    %mul3A_148 = arith.mulf %mul3A_147, %mul3A_140 : vector<128x512xf32>
    %swap3A_149 = arith.constant 0 : index
    %swap3A_150 = arith.constant 1536 : index
    %swap3A_151 = vector.load %arg10[%swap3A_149, %swap3A_150] : memref<128x3072xf32, #tpu.memory_space<vmem>>, vector<128x512xf32>
    tpu.vector_store %arg10[%swap3A_149, %swap3A_150], %mul3A_148 {strides = array<i32>} : memref<128x3072xf32, #tpu.memory_space<vmem>>, vector<128x512xf32>,
    %get3A_152 = arith.constant 0 : index
    %get3A_153 = arith.constant 2048 : index
    %get3A_154 = arith.constant 0 : index
    %get3A_155 = vector.load %arg3[%get3A_152, %get3A_153, %get3A_154] : memref<1x3072x768xi8, #tpu.memory_space<vmem>>, vector<1x512x768xi8>
    %get3A_156 = vector.shape_cast %get3A_155 : vector<1x512x768xi8> to vector<512x768xi8>
    %convert_element_type3A_157 = arith.sitofp %get3A_156 : vector<512x768xi8> to vector<512x768xbf16>
    %get3A_158 = arith.constant 0 : index
    %get3A_159 = arith.constant 2048 : index
    %get3A_160 = arith.constant 0 : index
    %get3A_161 = vector.load %arg4[%get3A_158, %get3A_159, %get3A_160] : memref<1x3072x768xi8, #tpu.memory_space<vmem>>, vector<1x512x768xi8>
    %get3A_162 = vector.shape_cast %get3A_161 : vector<1x512x768xi8> to vector<512x768xi8>
    %convert_element_type3A_163 = arith.sitofp %get3A_162 : vector<512x768xi8> to vector<512x768xbf16>
    %dot_general3A_164 = arith.constant dense<0.000000e+00> : vector<128x512xf32>
    %dot_general3A_165 = tpu.matmul %convert_element_type3A_31, %convert_element_type3A_157, %dot_general3A_164 {dimension_numbers = #tpu.dot_dimension_numbers<[1], [1], [0], [0], [0, 0, 1, 0], [], []>, transpose_lhs_hint = false} : vector<128x768xbf16>, vector<512x768xbf16>, vector<128x512xf32> -> vector<128x512xf32>
    %mul3A_166 = vector.broadcast %convert_element_type3A_5 : f32 to vector<128x512xf32>
    %mul3A_167 = arith.mulf %dot_general3A_165, %mul3A_166 : vector<128x512xf32>
    %dot_general3A_168 = arith.constant dense<0.000000e+00> : vector<128x512xf32>
    %dot_general3A_169 = tpu.matmul %convert_element_type3A_31, %convert_element_type3A_163, %dot_general3A_168 {dimension_numbers = #tpu.dot_dimension_numbers<[1], [1], [0], [0], [0, 0, 1, 0], [], []>, transpose_lhs_hint = false} : vector<128x768xbf16>, vector<512x768xbf16>, vector<128x512xf32> -> vector<128x512xf32>
    %mul3A_170 = vector.broadcast %convert_element_type3A_16 : f32 to vector<128x512xf32>
    %mul3A_171 = arith.mulf %dot_general3A_169, %mul3A_170 : vector<128x512xf32>
    %logistic3A_172 = arith.negf %mul3A_167 : vector<128x512xf32>
    %logistic3A_173 = math.exp %logistic3A_172 : vector<128x512xf32>
    %logistic3A_174 = arith.constant 1.000000e+00 : f32
    %logistic3A_175 = vector.broadcast %logistic3A_174 : f32 to vector<128x512xf32>
    %logistic3A_176 = arith.addf %logistic3A_175, %logistic3A_173 : vector<128x512xf32>
    %logistic3A_177 = arith.divf %logistic3A_175, %logistic3A_176 : vector<128x512xf32>
    %mul3A_178 = arith.mulf %mul3A_167, %logistic3A_177 : vector<128x512xf32>
    %mul3A_179 = arith.mulf %mul3A_178, %mul3A_171 : vector<128x512xf32>
    %swap3A_180 = arith.constant 0 : index
    %swap3A_181 = arith.constant 2048 : index
    %swap3A_182 = vector.load %arg10[%swap3A_180, %swap3A_181] : memref<128x3072xf32, #tpu.memory_space<vmem>>, vector<128x512xf32>
    tpu.vector_store %arg10[%swap3A_180, %swap3A_181], %mul3A_179 {strides = array<i32>} : memref<128x3072xf32, #tpu.memory_space<vmem>>, vector<128x512xf32>,
    %get3A_183 = arith.constant 0 : index
    %get3A_184 = arith.constant 2560 : index
    %get3A_185 = arith.constant 0 : index
    %get3A_186 = vector.load %arg3[%get3A_183, %get3A_184, %get3A_185] : memref<1x3072x768xi8, #tpu.memory_space<vmem>>, vector<1x512x768xi8>
    %get3A_187 = vector.shape_cast %get3A_186 : vector<1x512x768xi8> to vector<512x768xi8>
    %convert_element_type3A_188 = arith.sitofp %get3A_187 : vector<512x768xi8> to vector<512x768xbf16>
    %get3A_189 = arith.constant 0 : index
    %get3A_190 = arith.constant 2560 : index
    %get3A_191 = arith.constant 0 : index
    %get3A_192 = vector.load %arg4[%get3A_189, %get3A_190, %get3A_191] : memref<1x3072x768xi8, #tpu.memory_space<vmem>>, vector<1x512x768xi8>
    %get3A_193 = vector.shape_cast %get3A_192 : vector<1x512x768xi8> to vector<512x768xi8>
    %convert_element_type3A_194 = arith.sitofp %get3A_193 : vector<512x768xi8> to vector<512x768xbf16>
    %dot_general3A_195 = arith.constant dense<0.000000e+00> : vector<128x512xf32>
    %dot_general3A_196 = tpu.matmul %convert_element_type3A_31, %convert_element_type3A_188, %dot_general3A_195 {dimension_numbers = #tpu.dot_dimension_numbers<[1], [1], [0], [0], [0, 0, 1, 0], [], []>, transpose_lhs_hint = false} : vector<128x768xbf16>, vector<512x768xbf16>, vector<128x512xf32> -> vector<128x512xf32>
    %mul3A_197 = vector.broadcast %convert_element_type3A_5 : f32 to vector<128x512xf32>
    %mul3A_198 = arith.mulf %dot_general3A_196, %mul3A_197 : vector<128x512xf32>
    %dot_general3A_199 = arith.constant dense<0.000000e+00> : vector<128x512xf32>
    %dot_general3A_200 = tpu.matmul %convert_element_type3A_31, %convert_element_type3A_194, %dot_general3A_199 {dimension_numbers = #tpu.dot_dimension_numbers<[1], [1], [0], [0], [0, 0, 1, 0], [], []>, transpose_lhs_hint = false} : vector<128x768xbf16>, vector<512x768xbf16>, vector<128x512xf32> -> vector<128x512xf32>
    %mul3A_201 = vector.broadcast %convert_element_type3A_16 : f32 to vector<128x512xf32>
    %mul3A_202 = arith.mulf %dot_general3A_200, %mul3A_201 : vector<128x512xf32>
    %logistic3A_203 = arith.negf %mul3A_198 : vector<128x512xf32>
    %logistic3A_204 = math.exp %logistic3A_203 : vector<128x512xf32>
    %logistic3A_205 = arith.constant 1.000000e+00 : f32
    %logistic3A_206 = vector.broadcast %logistic3A_205 : f32 to vector<128x512xf32>
    %logistic3A_207 = arith.addf %logistic3A_206, %logistic3A_204 : vector<128x512xf32>
    %logistic3A_208 = arith.divf %logistic3A_206, %logistic3A_207 : vector<128x512xf32>
    %mul3A_209 = arith.mulf %mul3A_198, %logistic3A_208 : vector<128x512xf32>
    %mul3A_210 = arith.mulf %mul3A_209, %mul3A_202 : vector<128x512xf32>
    %swap3A_211 = arith.constant 0 : index
    %swap3A_212 = arith.constant 2560 : index
    %swap3A_213 = vector.load %arg10[%swap3A_211, %swap3A_212] : memref<128x3072xf32, #tpu.memory_space<vmem>>, vector<128x512xf32>
    tpu.vector_store %arg10[%swap3A_211, %swap3A_212], %mul3A_210 {strides = array<i32>} : memref<128x3072xf32, #tpu.memory_space<vmem>>, vector<128x512xf32>,
    %get3A_214 = arith.constant 0 : index
    %get3A_215 = arith.constant 0 : index
    %get3A_216 = vector.load %arg10[%get3A_214, %get3A_215] : memref<128x3072xf32, #tpu.memory_space<vmem>>, vector<128x3072xf32>
    %abs3A = math.absf %get3A_216 : vector<128x3072xf32>
    %reduce_max3A = arith.constant dense<0xFF800000> : vector<128xf32>
    %reduce_max3A_217 = vector.multi_reduction <maximumf>, %abs3A, %reduce_max3A [1] : vector<128x3072xf32> to vector<128xf32>
    %broadcast_in_dim3A = vector.shape_cast %reduce_max3A_217 : vector<128xf32> to vector<128x1xf32>
    %jit3A_218 = arith.constant 9.99999974E-6 : f32
    %max3A_219 = vector.broadcast %jit3A_218 : f32 to vector<128x1xf32>
    %max3A_220 = arith.maximumf %max3A_219, %broadcast_in_dim3A : vector<128x1xf32>
    %div3A_221 = arith.constant 1.270000e+02 : f32
    %div3A_222 = vector.broadcast %div3A_221 : f32 to vector<128x1xf32>
    %div3A_223 = arith.divf %div3A_222, %max3A_220 : vector<128x1xf32>
    %max3A_224 = arith.constant 1.000000e-30 : f32
    %max3A_225 = vector.broadcast %max3A_224 : f32 to vector<128x1xf32>
    %max3A_226 = arith.maximumf %broadcast_in_dim3A, %max3A_225 : vector<128x1xf32>
    %div3A_227 = arith.constant 3.270400e+04 : f32
    %div3A_228 = vector.broadcast %div3A_227 : f32 to vector<128x1xf32>
    %div3A_229 = arith.divf %div3A_228, %max3A_226 : vector<128x1xf32>
    %mul3A_230 = vector.broadcast %div3A_229 : vector<128x1xf32> to vector<128x3072xf32>
    %mul3A_231 = arith.mulf %abs3A, %mul3A_230 : vector<128x3072xf32>
    %convert_element_type3A_232 = arith.fptosi %mul3A_231 : vector<128x3072xf32> to vector<128x3072xi32>
    %swap3A_233 = arith.constant 0 : index
    %swap3A_234 = arith.constant 0 : index
    %swap3A_235 = vector.load %arg11[%swap3A_233, %swap3A_234] : memref<128x3072xi32, #tpu.memory_space<vmem>>, vector<128x3072xi32>
    tpu.vector_store %arg11[%swap3A_233, %swap3A_234], %convert_element_type3A_232 {strides = array<i32>} : memref<128x3072xi32, #tpu.memory_space<vmem>>, vector<128x3072xi32>,
    %broadcast_in_dim3A_236 = arith.constant 0 : i32
    %broadcast_in_dim3A_237 = vector.broadcast %broadcast_in_dim3A_236 : i32 to vector<128x1xi32>
    %or3A = arith.constant 16384 : i32
    %or3A_238 = vector.broadcast %or3A : i32 to vector<128x1xi32>
    %or3A_239 = arith.ori %broadcast_in_dim3A_237, %or3A_238 : vector<128x1xi32>
    %get3A_240 = arith.constant 0 : index
    %get3A_241 = arith.constant 0 : index
    %get3A_242 = vector.load %arg11[%get3A_240, %get3A_241] : memref<128x3072xi32, #tpu.memory_space<vmem>>, vector<128x3072xi32>
    %ge3A = vector.broadcast %or3A_239 : vector<128x1xi32> to vector<128x3072xi32>
    %ge3A_243 = arith.cmpi sge, %get3A_242, %ge3A : vector<128x3072xi32>
    %convert_element_type3A_244 = arith.extui %ge3A_243 : vector<128x3072xi1> to vector<128x3072xi32>
    %reduce_sum3A = arith.constant dense<0> : vector<128xi32>
    %reduce_sum3A_245 = vector.multi_reduction <add>, %convert_element_type3A_244, %reduce_sum3A [1] : vector<128x3072xi32> to vector<128xi32>
    %broadcast_in_dim3A_246 = vector.shape_cast %reduce_sum3A_245 : vector<128xi32> to vector<128x1xi32>
    %ge3A_247 = arith.constant 1690 : i32
    %ge3A_248 = vector.broadcast %ge3A_247 : i32 to vector<128x1xi32>
    %ge3A_249 = arith.cmpi sge, %broadcast_in_dim3A_246, %ge3A_248 : vector<128x1xi32>
    %select_n3A = arith.select %ge3A_249, %or3A_239, %broadcast_in_dim3A_237 : vector<128x1xi1>, vector<128x1xi32>
    %or3A_250 = arith.constant 8192 : i32
    %or3A_251 = vector.broadcast %or3A_250 : i32 to vector<128x1xi32>
    %or3A_252 = arith.ori %select_n3A, %or3A_251 : vector<128x1xi32>
    %get3A_253 = arith.constant 0 : index
    %get3A_254 = arith.constant 0 : index
    %get3A_255 = vector.load %arg11[%get3A_253, %get3A_254] : memref<128x3072xi32, #tpu.memory_space<vmem>>, vector<128x3072xi32>
    %ge3A_256 = vector.broadcast %or3A_252 : vector<128x1xi32> to vector<128x3072xi32>
    %ge3A_257 = arith.cmpi sge, %get3A_255, %ge3A_256 : vector<128x3072xi32>
    %convert_element_type3A_258 = arith.extui %ge3A_257 : vector<128x3072xi1> to vector<128x3072xi32>
    %reduce_sum3A_259 = arith.constant dense<0> : vector<128xi32>
    %reduce_sum3A_260 = vector.multi_reduction <add>, %convert_element_type3A_258, %reduce_sum3A_259 [1] : vector<128x3072xi32> to vector<128xi32>
    %broadcast_in_dim3A_261 = vector.shape_cast %reduce_sum3A_260 : vector<128xi32> to vector<128x1xi32>
    %ge3A_262 = arith.constant 1690 : i32
    %ge3A_263 = vector.broadcast %ge3A_262 : i32 to vector<128x1xi32>
    %ge3A_264 = arith.cmpi sge, %broadcast_in_dim3A_261, %ge3A_263 : vector<128x1xi32>
    %select_n3A_265 = arith.select %ge3A_264, %or3A_252, %select_n3A : vector<128x1xi1>, vector<128x1xi32>
    %or3A_266 = arith.constant 4096 : i32
    %or3A_267 = vector.broadcast %or3A_266 : i32 to vector<128x1xi32>
    %or3A_268 = arith.ori %select_n3A_265, %or3A_267 : vector<128x1xi32>
    %get3A_269 = arith.constant 0 : index
    %get3A_270 = arith.constant 0 : index
    %get3A_271 = vector.load %arg11[%get3A_269, %get3A_270] : memref<128x3072xi32, #tpu.memory_space<vmem>>, vector<128x3072xi32>
    %ge3A_272 = vector.broadcast %or3A_268 : vector<128x1xi32> to vector<128x3072xi32>
    %ge3A_273 = arith.cmpi sge, %get3A_271, %ge3A_272 : vector<128x3072xi32>
    %convert_element_type3A_274 = arith.extui %ge3A_273 : vector<128x3072xi1> to vector<128x3072xi32>
    %reduce_sum3A_275 = arith.constant dense<0> : vector<128xi32>
    %reduce_sum3A_276 = vector.multi_reduction <add>, %convert_element_type3A_274, %reduce_sum3A_275 [1] : vector<128x3072xi32> to vector<128xi32>
    %broadcast_in_dim3A_277 = vector.shape_cast %reduce_sum3A_276 : vector<128xi32> to vector<128x1xi32>
    %ge3A_278 = arith.constant 1690 : i32
    %ge3A_279 = vector.broadcast %ge3A_278 : i32 to vector<128x1xi32>
    %ge3A_280 = arith.cmpi sge, %broadcast_in_dim3A_277, %ge3A_279 : vector<128x1xi32>
    %select_n3A_281 = arith.select %ge3A_280, %or3A_268, %select_n3A_265 : vector<128x1xi1>, vector<128x1xi32>
    %or3A_282 = arith.constant 2048 : i32
    %or3A_283 = vector.broadcast %or3A_282 : i32 to vector<128x1xi32>
    %or3A_284 = arith.ori %select_n3A_281, %or3A_283 : vector<128x1xi32>
    %get3A_285 = arith.constant 0 : index
    %get3A_286 = arith.constant 0 : index
    %get3A_287 = vector.load %arg11[%get3A_285, %get3A_286] : memref<128x3072xi32, #tpu.memory_space<vmem>>, vector<128x3072xi32>
    %ge3A_288 = vector.broadcast %or3A_284 : vector<128x1xi32> to vector<128x3072xi32>
    %ge3A_289 = arith.cmpi sge, %get3A_287, %ge3A_288 : vector<128x3072xi32>
    %convert_element_type3A_290 = arith.extui %ge3A_289 : vector<128x3072xi1> to vector<128x3072xi32>
    %reduce_sum3A_291 = arith.constant dense<0> : vector<128xi32>
    %reduce_sum3A_292 = vector.multi_reduction <add>, %convert_element_type3A_290, %reduce_sum3A_291 [1] : vector<128x3072xi32> to vector<128xi32>
    %broadcast_in_dim3A_293 = vector.shape_cast %reduce_sum3A_292 : vector<128xi32> to vector<128x1xi32>
    %ge3A_294 = arith.constant 1690 : i32
    %ge3A_295 = vector.broadcast %ge3A_294 : i32 to vector<128x1xi32>
    %ge3A_296 = arith.cmpi sge, %broadcast_in_dim3A_293, %ge3A_295 : vector<128x1xi32>
    %select_n3A_297 = arith.select %ge3A_296, %or3A_284, %select_n3A_281 : vector<128x1xi1>, vector<128x1xi32>
    %or3A_298 = arith.constant 1024 : i32
    %or3A_299 = vector.broadcast %or3A_298 : i32 to vector<128x1xi32>
    %or3A_300 = arith.ori %select_n3A_297, %or3A_299 : vector<128x1xi32>
    %get3A_301 = arith.constant 0 : index
    %get3A_302 = arith.constant 0 : index
    %get3A_303 = vector.load %arg11[%get3A_301, %get3A_302] : memref<128x3072xi32, #tpu.memory_space<vmem>>, vector<128x3072xi32>
    %ge3A_304 = vector.broadcast %or3A_300 : vector<128x1xi32> to vector<128x3072xi32>
    %ge3A_305 = arith.cmpi sge, %get3A_303, %ge3A_304 : vector<128x3072xi32>
    %convert_element_type3A_306 = arith.extui %ge3A_305 : vector<128x3072xi1> to vector<128x3072xi32>
    %reduce_sum3A_307 = arith.constant dense<0> : vector<128xi32>
    %reduce_sum3A_308 = vector.multi_reduction <add>, %convert_element_type3A_306, %reduce_sum3A_307 [1] : vector<128x3072xi32> to vector<128xi32>
    %broadcast_in_dim3A_309 = vector.shape_cast %reduce_sum3A_308 : vector<128xi32> to vector<128x1xi32>
    %ge3A_310 = arith.constant 1690 : i32
    %ge3A_311 = vector.broadcast %ge3A_310 : i32 to vector<128x1xi32>
    %ge3A_312 = arith.cmpi sge, %broadcast_in_dim3A_309, %ge3A_311 : vector<128x1xi32>
    %select_n3A_313 = arith.select %ge3A_312, %or3A_300, %select_n3A_297 : vector<128x1xi1>, vector<128x1xi32>
    %or3A_314 = arith.constant 512 : i32
    %or3A_315 = vector.broadcast %or3A_314 : i32 to vector<128x1xi32>
    %or3A_316 = arith.ori %select_n3A_313, %or3A_315 : vector<128x1xi32>
    %get3A_317 = arith.constant 0 : index
    %get3A_318 = arith.constant 0 : index
    %get3A_319 = vector.load %arg11[%get3A_317, %get3A_318] : memref<128x3072xi32, #tpu.memory_space<vmem>>, vector<128x3072xi32>
    %ge3A_320 = vector.broadcast %or3A_316 : vector<128x1xi32> to vector<128x3072xi32>
    %ge3A_321 = arith.cmpi sge, %get3A_319, %ge3A_320 : vector<128x3072xi32>
    %convert_element_type3A_322 = arith.extui %ge3A_321 : vector<128x3072xi1> to vector<128x3072xi32>
    %reduce_sum3A_323 = arith.constant dense<0> : vector<128xi32>
    %reduce_sum3A_324 = vector.multi_reduction <add>, %convert_element_type3A_322, %reduce_sum3A_323 [1] : vector<128x3072xi32> to vector<128xi32>
    %broadcast_in_dim3A_325 = vector.shape_cast %reduce_sum3A_324 : vector<128xi32> to vector<128x1xi32>
    %ge3A_326 = arith.constant 1690 : i32
    %ge3A_327 = vector.broadcast %ge3A_326 : i32 to vector<128x1xi32>
    %ge3A_328 = arith.cmpi sge, %broadcast_in_dim3A_325, %ge3A_327 : vector<128x1xi32>
    %select_n3A_329 = arith.select %ge3A_328, %or3A_316, %select_n3A_313 : vector<128x1xi1>, vector<128x1xi32>
    %or3A_330 = arith.constant 256 : i32
    %or3A_331 = vector.broadcast %or3A_330 : i32 to vector<128x1xi32>
    %or3A_332 = arith.ori %select_n3A_329, %or3A_331 : vector<128x1xi32>
    %get3A_333 = arith.constant 0 : index
    %get3A_334 = arith.constant 0 : index
    %get3A_335 = vector.load %arg11[%get3A_333, %get3A_334] : memref<128x3072xi32, #tpu.memory_space<vmem>>, vector<128x3072xi32>
    %ge3A_336 = vector.broadcast %or3A_332 : vector<128x1xi32> to vector<128x3072xi32>
    %ge3A_337 = arith.cmpi sge, %get3A_335, %ge3A_336 : vector<128x3072xi32>
    %convert_element_type3A_338 = arith.extui %ge3A_337 : vector<128x3072xi1> to vector<128x3072xi32>
    %reduce_sum3A_339 = arith.constant dense<0> : vector<128xi32>
    %reduce_sum3A_340 = vector.multi_reduction <add>, %convert_element_type3A_338, %reduce_sum3A_339 [1] : vector<128x3072xi32> to vector<128xi32>
    %broadcast_in_dim3A_341 = vector.shape_cast %reduce_sum3A_340 : vector<128xi32> to vector<128x1xi32>
    %ge3A_342 = arith.constant 1690 : i32
    %ge3A_343 = vector.broadcast %ge3A_342 : i32 to vector<128x1xi32>
    %ge3A_344 = arith.cmpi sge, %broadcast_in_dim3A_341, %ge3A_343 : vector<128x1xi32>
    %select_n3A_345 = arith.select %ge3A_344, %or3A_332, %select_n3A_329 : vector<128x1xi1>, vector<128x1xi32>
    %or3A_346 = arith.constant 128 : i32
    %or3A_347 = vector.broadcast %or3A_346 : i32 to vector<128x1xi32>
    %or3A_348 = arith.ori %select_n3A_345, %or3A_347 : vector<128x1xi32>
    %get3A_349 = arith.constant 0 : index
    %get3A_350 = arith.constant 0 : index
    %get3A_351 = vector.load %arg11[%get3A_349, %get3A_350] : memref<128x3072xi32, #tpu.memory_space<vmem>>, vector<128x3072xi32>
    %ge3A_352 = vector.broadcast %or3A_348 : vector<128x1xi32> to vector<128x3072xi32>
    %ge3A_353 = arith.cmpi sge, %get3A_351, %ge3A_352 : vector<128x3072xi32>
    %convert_element_type3A_354 = arith.extui %ge3A_353 : vector<128x3072xi1> to vector<128x3072xi32>
    %reduce_sum3A_355 = arith.constant dense<0> : vector<128xi32>
    %reduce_sum3A_356 = vector.multi_reduction <add>, %convert_element_type3A_354, %reduce_sum3A_355 [1] : vector<128x3072xi32> to vector<128xi32>
    %broadcast_in_dim3A_357 = vector.shape_cast %reduce_sum3A_356 : vector<128xi32> to vector<128x1xi32>
    %ge3A_358 = arith.constant 1690 : i32
    %ge3A_359 = vector.broadcast %ge3A_358 : i32 to vector<128x1xi32>
    %ge3A_360 = arith.cmpi sge, %broadcast_in_dim3A_357, %ge3A_359 : vector<128x1xi32>
    %select_n3A_361 = arith.select %ge3A_360, %or3A_348, %select_n3A_345 : vector<128x1xi1>, vector<128x1xi32>
    %or3A_362 = arith.constant 64 : i32
    %or3A_363 = vector.broadcast %or3A_362 : i32 to vector<128x1xi32>
    %or3A_364 = arith.ori %select_n3A_361, %or3A_363 : vector<128x1xi32>
    %get3A_365 = arith.constant 0 : index
    %get3A_366 = arith.constant 0 : index
    %get3A_367 = vector.load %arg11[%get3A_365, %get3A_366] : memref<128x3072xi32, #tpu.memory_space<vmem>>, vector<128x3072xi32>
    %ge3A_368 = vector.broadcast %or3A_364 : vector<128x1xi32> to vector<128x3072xi32>
    %ge3A_369 = arith.cmpi sge, %get3A_367, %ge3A_368 : vector<128x3072xi32>
    %convert_element_type3A_370 = arith.extui %ge3A_369 : vector<128x3072xi1> to vector<128x3072xi32>
    %reduce_sum3A_371 = arith.constant dense<0> : vector<128xi32>
    %reduce_sum3A_372 = vector.multi_reduction <add>, %convert_element_type3A_370, %reduce_sum3A_371 [1] : vector<128x3072xi32> to vector<128xi32>
    %broadcast_in_dim3A_373 = vector.shape_cast %reduce_sum3A_372 : vector<128xi32> to vector<128x1xi32>
    %ge3A_374 = arith.constant 1690 : i32
    %ge3A_375 = vector.broadcast %ge3A_374 : i32 to vector<128x1xi32>
    %ge3A_376 = arith.cmpi sge, %broadcast_in_dim3A_373, %ge3A_375 : vector<128x1xi32>
    %select_n3A_377 = arith.select %ge3A_376, %or3A_364, %select_n3A_361 : vector<128x1xi1>, vector<128x1xi32>
    %or3A_378 = arith.constant 32 : i32
    %or3A_379 = vector.broadcast %or3A_378 : i32 to vector<128x1xi32>
    %or3A_380 = arith.ori %select_n3A_377, %or3A_379 : vector<128x1xi32>
    %get3A_381 = arith.constant 0 : index
    %get3A_382 = arith.constant 0 : index
    %get3A_383 = vector.load %arg11[%get3A_381, %get3A_382] : memref<128x3072xi32, #tpu.memory_space<vmem>>, vector<128x3072xi32>
    %ge3A_384 = vector.broadcast %or3A_380 : vector<128x1xi32> to vector<128x3072xi32>
    %ge3A_385 = arith.cmpi sge, %get3A_383, %ge3A_384 : vector<128x3072xi32>
    %convert_element_type3A_386 = arith.extui %ge3A_385 : vector<128x3072xi1> to vector<128x3072xi32>
    %reduce_sum3A_387 = arith.constant dense<0> : vector<128xi32>
    %reduce_sum3A_388 = vector.multi_reduction <add>, %convert_element_type3A_386, %reduce_sum3A_387 [1] : vector<128x3072xi32> to vector<128xi32>
    %broadcast_in_dim3A_389 = vector.shape_cast %reduce_sum3A_388 : vector<128xi32> to vector<128x1xi32>
    %ge3A_390 = arith.constant 1690 : i32
    %ge3A_391 = vector.broadcast %ge3A_390 : i32 to vector<128x1xi32>
    %ge3A_392 = arith.cmpi sge, %broadcast_in_dim3A_389, %ge3A_391 : vector<128x1xi32>
    %select_n3A_393 = arith.select %ge3A_392, %or3A_380, %select_n3A_377 : vector<128x1xi1>, vector<128x1xi32>
    %or3A_394 = arith.constant 16 : i32
    %or3A_395 = vector.broadcast %or3A_394 : i32 to vector<128x1xi32>
    %or3A_396 = arith.ori %select_n3A_393, %or3A_395 : vector<128x1xi32>
    %get3A_397 = arith.constant 0 : index
    %get3A_398 = arith.constant 0 : index
    %get3A_399 = vector.load %arg11[%get3A_397, %get3A_398] : memref<128x3072xi32, #tpu.memory_space<vmem>>, vector<128x3072xi32>
    %ge3A_400 = vector.broadcast %or3A_396 : vector<128x1xi32> to vector<128x3072xi32>
    %ge3A_401 = arith.cmpi sge, %get3A_399, %ge3A_400 : vector<128x3072xi32>
    %convert_element_type3A_402 = arith.extui %ge3A_401 : vector<128x3072xi1> to vector<128x3072xi32>
    %reduce_sum3A_403 = arith.constant dense<0> : vector<128xi32>
    %reduce_sum3A_404 = vector.multi_reduction <add>, %convert_element_type3A_402, %reduce_sum3A_403 [1] : vector<128x3072xi32> to vector<128xi32>
    %broadcast_in_dim3A_405 = vector.shape_cast %reduce_sum3A_404 : vector<128xi32> to vector<128x1xi32>
    %ge3A_406 = arith.constant 1690 : i32
    %ge3A_407 = vector.broadcast %ge3A_406 : i32 to vector<128x1xi32>
    %ge3A_408 = arith.cmpi sge, %broadcast_in_dim3A_405, %ge3A_407 : vector<128x1xi32>
    %select_n3A_409 = arith.select %ge3A_408, %or3A_396, %select_n3A_393 : vector<128x1xi1>, vector<128x1xi32>
    %or3A_410 = arith.constant 8 : i32
    %or3A_411 = vector.broadcast %or3A_410 : i32 to vector<128x1xi32>
    %or3A_412 = arith.ori %select_n3A_409, %or3A_411 : vector<128x1xi32>
    %get3A_413 = arith.constant 0 : index
    %get3A_414 = arith.constant 0 : index
    %get3A_415 = vector.load %arg11[%get3A_413, %get3A_414] : memref<128x3072xi32, #tpu.memory_space<vmem>>, vector<128x3072xi32>
    %ge3A_416 = vector.broadcast %or3A_412 : vector<128x1xi32> to vector<128x3072xi32>
    %ge3A_417 = arith.cmpi sge, %get3A_415, %ge3A_416 : vector<128x3072xi32>
    %convert_element_type3A_418 = arith.extui %ge3A_417 : vector<128x3072xi1> to vector<128x3072xi32>
    %reduce_sum3A_419 = arith.constant dense<0> : vector<128xi32>
    %reduce_sum3A_420 = vector.multi_reduction <add>, %convert_element_type3A_418, %reduce_sum3A_419 [1] : vector<128x3072xi32> to vector<128xi32>
    %broadcast_in_dim3A_421 = vector.shape_cast %reduce_sum3A_420 : vector<128xi32> to vector<128x1xi32>
    %ge3A_422 = arith.constant 1690 : i32
    %ge3A_423 = vector.broadcast %ge3A_422 : i32 to vector<128x1xi32>
    %ge3A_424 = arith.cmpi sge, %broadcast_in_dim3A_421, %ge3A_423 : vector<128x1xi32>
    %select_n3A_425 = arith.select %ge3A_424, %or3A_412, %select_n3A_409 : vector<128x1xi1>, vector<128x1xi32>
    %or3A_426 = arith.constant 4 : i32
    %or3A_427 = vector.broadcast %or3A_426 : i32 to vector<128x1xi32>
    %or3A_428 = arith.ori %select_n3A_425, %or3A_427 : vector<128x1xi32>
    %get3A_429 = arith.constant 0 : index
    %get3A_430 = arith.constant 0 : index
    %get3A_431 = vector.load %arg11[%get3A_429, %get3A_430] : memref<128x3072xi32, #tpu.memory_space<vmem>>, vector<128x3072xi32>
    %ge3A_432 = vector.broadcast %or3A_428 : vector<128x1xi32> to vector<128x3072xi32>
    %ge3A_433 = arith.cmpi sge, %get3A_431, %ge3A_432 : vector<128x3072xi32>
    %convert_element_type3A_434 = arith.extui %ge3A_433 : vector<128x3072xi1> to vector<128x3072xi32>
    %reduce_sum3A_435 = arith.constant dense<0> : vector<128xi32>
    %reduce_sum3A_436 = vector.multi_reduction <add>, %convert_element_type3A_434, %reduce_sum3A_435 [1] : vector<128x3072xi32> to vector<128xi32>
    %broadcast_in_dim3A_437 = vector.shape_cast %reduce_sum3A_436 : vector<128xi32> to vector<128x1xi32>
    %ge3A_438 = arith.constant 1690 : i32
    %ge3A_439 = vector.broadcast %ge3A_438 : i32 to vector<128x1xi32>
    %ge3A_440 = arith.cmpi sge, %broadcast_in_dim3A_437, %ge3A_439 : vector<128x1xi32>
    %select_n3A_441 = arith.select %ge3A_440, %or3A_428, %select_n3A_425 : vector<128x1xi1>, vector<128x1xi32>
    %or3A_442 = arith.constant 2 : i32
    %or3A_443 = vector.broadcast %or3A_442 : i32 to vector<128x1xi32>
    %or3A_444 = arith.ori %select_n3A_441, %or3A_443 : vector<128x1xi32>
    %get3A_445 = arith.constant 0 : index
    %get3A_446 = arith.constant 0 : index
    %get3A_447 = vector.load %arg11[%get3A_445, %get3A_446] : memref<128x3072xi32, #tpu.memory_space<vmem>>, vector<128x3072xi32>
    %ge3A_448 = vector.broadcast %or3A_444 : vector<128x1xi32> to vector<128x3072xi32>
    %ge3A_449 = arith.cmpi sge, %get3A_447, %ge3A_448 : vector<128x3072xi32>
    %convert_element_type3A_450 = arith.extui %ge3A_449 : vector<128x3072xi1> to vector<128x3072xi32>
    %reduce_sum3A_451 = arith.constant dense<0> : vector<128xi32>
    %reduce_sum3A_452 = vector.multi_reduction <add>, %convert_element_type3A_450, %reduce_sum3A_451 [1] : vector<128x3072xi32> to vector<128xi32>
    %broadcast_in_dim3A_453 = vector.shape_cast %reduce_sum3A_452 : vector<128xi32> to vector<128x1xi32>
    %ge3A_454 = arith.constant 1690 : i32
    %ge3A_455 = vector.broadcast %ge3A_454 : i32 to vector<128x1xi32>
    %ge3A_456 = arith.cmpi sge, %broadcast_in_dim3A_453, %ge3A_455 : vector<128x1xi32>
    %select_n3A_457 = arith.select %ge3A_456, %or3A_444, %select_n3A_441 : vector<128x1xi1>, vector<128x1xi32>
    %or3A_458 = arith.constant 1 : i32
    %or3A_459 = vector.broadcast %or3A_458 : i32 to vector<128x1xi32>
    %or3A_460 = arith.ori %select_n3A_457, %or3A_459 : vector<128x1xi32>
    %get3A_461 = arith.constant 0 : index
    %get3A_462 = arith.constant 0 : index
    %get3A_463 = vector.load %arg11[%get3A_461, %get3A_462] : memref<128x3072xi32, #tpu.memory_space<vmem>>, vector<128x3072xi32>
    %ge3A_464 = vector.broadcast %or3A_460 : vector<128x1xi32> to vector<128x3072xi32>
    %ge3A_465 = arith.cmpi sge, %get3A_463, %ge3A_464 : vector<128x3072xi32>
    %convert_element_type3A_466 = arith.extui %ge3A_465 : vector<128x3072xi1> to vector<128x3072xi32>
    %reduce_sum3A_467 = arith.constant dense<0> : vector<128xi32>
    %reduce_sum3A_468 = vector.multi_reduction <add>, %convert_element_type3A_466, %reduce_sum3A_467 [1] : vector<128x3072xi32> to vector<128xi32>
    %broadcast_in_dim3A_469 = vector.shape_cast %reduce_sum3A_468 : vector<128xi32> to vector<128x1xi32>
    %ge3A_470 = arith.constant 1690 : i32
    %ge3A_471 = vector.broadcast %ge3A_470 : i32 to vector<128x1xi32>
    %ge3A_472 = arith.cmpi sge, %broadcast_in_dim3A_469, %ge3A_471 : vector<128x1xi32>
    %select_n3A_473 = arith.select %ge3A_472, %or3A_460, %select_n3A_457 : vector<128x1xi1>, vector<128x1xi32>
    %get3A_474 = arith.constant 0 : index
    %get3A_475 = arith.constant 0 : index
    %get3A_476 = vector.load %arg10[%get3A_474, %get3A_475] : memref<128x3072xf32, #tpu.memory_space<vmem>>, vector<128x512xf32>
    %get3A_477 = arith.constant 0 : index
    %get3A_478 = arith.constant 0 : index
    %get3A_479 = vector.load %arg11[%get3A_477, %get3A_478] : memref<128x3072xi32, #tpu.memory_space<vmem>>, vector<128x512xi32>
    %ge3A_480 = vector.broadcast %select_n3A_473 : vector<128x1xi32> to vector<128x512xi32>
    %ge3A_481 = arith.cmpi sge, %get3A_479, %ge3A_480 : vector<128x512xi32>
    %jit3A_482 = arith.constant 0.000000e+00 : f32
    %broadcast_in_dim3A_483 = vector.broadcast %jit3A_482 : f32 to vector<128x512xf32>
    %select_n3A_484 = arith.select %ge3A_481, %get3A_476, %broadcast_in_dim3A_483 : vector<128x512xi1>, vector<128x512xf32>
    %mul3A_485 = vector.broadcast %div3A_223 : vector<128x1xf32> to vector<128x512xf32>
    %mul3A_486 = arith.mulf %select_n3A_484, %mul3A_485 : vector<128x512xf32>
    %round3A = math.roundeven %mul3A_486 : vector<128x512xf32>
    %jit3A_487 = arith.constant -127 : i32
    %jit3A_488 = arith.constant 127 : i32
    %convert_element_type3A_489 = arith.sitofp %jit3A_487 : i32 to f32
    %max3A_490 = vector.broadcast %convert_element_type3A_489 : f32 to vector<128x512xf32>
    %max3A_491 = arith.maximumf %max3A_490, %round3A : vector<128x512xf32>
    %convert_element_type3A_492 = arith.sitofp %jit3A_488 : i32 to f32
    %min3A = vector.broadcast %convert_element_type3A_492 : f32 to vector<128x512xf32>
    %min3A_493 = arith.minimumf %min3A, %max3A_491 : vector<128x512xf32>
    %div3A_494 = vector.broadcast %div3A_223 : vector<128x1xf32> to vector<128x512xf32>
    %div3A_495 = arith.divf %min3A_493, %div3A_494 : vector<128x512xf32>
    %convert_element_type3A_496 = arith.truncf %div3A_495 : vector<128x512xf32> to vector<128x512xbf16>
    %get3A_497 = arith.constant 0 : index
    %get3A_498 = arith.constant 0 : index
    %get3A_499 = arith.constant 0 : index
    %get3A_500 = vector.load %arg5[%get3A_497, %get3A_498, %get3A_499] : memref<1x768x3072xi8, #tpu.memory_space<vmem>>, vector<1x768x512xi8>
    %get3A_501 = vector.shape_cast %get3A_500 : vector<1x768x512xi8> to vector<768x512xi8>
    %convert_element_type3A_502 = arith.sitofp %get3A_501 : vector<768x512xi8> to vector<768x512xbf16>
    %dot_general3A_503 = arith.constant dense<0.000000e+00> : vector<128x768xf32>
    %dot_general3A_504 = tpu.matmul %convert_element_type3A_496, %convert_element_type3A_502, %dot_general3A_503 {dimension_numbers = #tpu.dot_dimension_numbers<[1], [1], [0], [0], [0, 0, 1, 0], [], []>, transpose_lhs_hint = false} : vector<128x512xbf16>, vector<768x512xbf16>, vector<128x768xf32> -> vector<128x768xf32>
    %swap3A_505 = arith.constant 0 : index
    %swap3A_506 = arith.constant 0 : index
    %swap3A_507 = vector.load %arg9[%swap3A_505, %swap3A_506] : memref<128x768xf32, #tpu.memory_space<vmem>>, vector<128x768xf32>
    tpu.vector_store %arg9[%swap3A_505, %swap3A_506], %dot_general3A_504 {strides = array<i32>} : memref<128x768xf32, #tpu.memory_space<vmem>>, vector<128x768xf32>,
    %get3A_508 = arith.constant 0 : index
    %get3A_509 = arith.constant 512 : index
    %get3A_510 = vector.load %arg10[%get3A_508, %get3A_509] : memref<128x3072xf32, #tpu.memory_space<vmem>>, vector<128x512xf32>
    %get3A_511 = arith.constant 0 : index
    %get3A_512 = arith.constant 512 : index
    %get3A_513 = vector.load %arg11[%get3A_511, %get3A_512] : memref<128x3072xi32, #tpu.memory_space<vmem>>, vector<128x512xi32>
    %ge3A_514 = vector.broadcast %select_n3A_473 : vector<128x1xi32> to vector<128x512xi32>
    %ge3A_515 = arith.cmpi sge, %get3A_513, %ge3A_514 : vector<128x512xi32>
    %jit3A_516 = arith.constant 0.000000e+00 : f32
    %broadcast_in_dim3A_517 = vector.broadcast %jit3A_516 : f32 to vector<128x512xf32>
    %select_n3A_518 = arith.select %ge3A_515, %get3A_510, %broadcast_in_dim3A_517 : vector<128x512xi1>, vector<128x512xf32>
    %mul3A_519 = vector.broadcast %div3A_223 : vector<128x1xf32> to vector<128x512xf32>
    %mul3A_520 = arith.mulf %select_n3A_518, %mul3A_519 : vector<128x512xf32>
    %round3A_521 = math.roundeven %mul3A_520 : vector<128x512xf32>
    %jit3A_522 = arith.constant -127 : i32
    %jit3A_523 = arith.constant 127 : i32
    %convert_element_type3A_524 = arith.sitofp %jit3A_522 : i32 to f32
    %max3A_525 = vector.broadcast %convert_element_type3A_524 : f32 to vector<128x512xf32>
    %max3A_526 = arith.maximumf %max3A_525, %round3A_521 : vector<128x512xf32>
    %convert_element_type3A_527 = arith.sitofp %jit3A_523 : i32 to f32
    %min3A_528 = vector.broadcast %convert_element_type3A_527 : f32 to vector<128x512xf32>
    %min3A_529 = arith.minimumf %min3A_528, %max3A_526 : vector<128x512xf32>
    %div3A_530 = vector.broadcast %div3A_223 : vector<128x1xf32> to vector<128x512xf32>
    %div3A_531 = arith.divf %min3A_529, %div3A_530 : vector<128x512xf32>
    %convert_element_type3A_532 = arith.truncf %div3A_531 : vector<128x512xf32> to vector<128x512xbf16>
    %get3A_533 = arith.constant 0 : index
    %get3A_534 = arith.constant 0 : index
    %get3A_535 = arith.constant 512 : index
    %get3A_536 = vector.load %arg5[%get3A_533, %get3A_534, %get3A_535] : memref<1x768x3072xi8, #tpu.memory_space<vmem>>, vector<1x768x512xi8>
    %get3A_537 = vector.shape_cast %get3A_536 : vector<1x768x512xi8> to vector<768x512xi8>
    %convert_element_type3A_538 = arith.sitofp %get3A_537 : vector<768x512xi8> to vector<768x512xbf16>
    %dot_general3A_539 = arith.constant dense<0.000000e+00> : vector<128x768xf32>
    %dot_general3A_540 = tpu.matmul %convert_element_type3A_532, %convert_element_type3A_538, %dot_general3A_539 {dimension_numbers = #tpu.dot_dimension_numbers<[1], [1], [0], [0], [0, 0, 1, 0], [], []>, transpose_lhs_hint = false} : vector<128x512xbf16>, vector<768x512xbf16>, vector<128x768xf32> -> vector<128x768xf32>
    %get3A_541 = arith.constant 0 : index
    %get3A_542 = arith.constant 0 : index
    %get3A_543 = vector.load %arg9[%get3A_541, %get3A_542] : memref<128x768xf32, #tpu.memory_space<vmem>>, vector<128x768xf32>
    %add3A = arith.addf %get3A_543, %dot_general3A_540 : vector<128x768xf32>
    %swap3A_544 = arith.constant 0 : index
    %swap3A_545 = arith.constant 0 : index
    %swap3A_546 = vector.load %arg9[%swap3A_544, %swap3A_545] : memref<128x768xf32, #tpu.memory_space<vmem>>, vector<128x768xf32>
    tpu.vector_store %arg9[%swap3A_544, %swap3A_545], %add3A {strides = array<i32>} : memref<128x768xf32, #tpu.memory_space<vmem>>, vector<128x768xf32>,
    %get3A_547 = arith.constant 0 : index
    %get3A_548 = arith.constant 1024 : index
    %get3A_549 = vector.load %arg10[%get3A_547, %get3A_548] : memref<128x3072xf32, #tpu.memory_space<vmem>>, vector<128x512xf32>
    %get3A_550 = arith.constant 0 : index
    %get3A_551 = arith.constant 1024 : index
    %get3A_552 = vector.load %arg11[%get3A_550, %get3A_551] : memref<128x3072xi32, #tpu.memory_space<vmem>>, vector<128x512xi32>
    %ge3A_553 = vector.broadcast %select_n3A_473 : vector<128x1xi32> to vector<128x512xi32>
    %ge3A_554 = arith.cmpi sge, %get3A_552, %ge3A_553 : vector<128x512xi32>
    %jit3A_555 = arith.constant 0.000000e+00 : f32
    %broadcast_in_dim3A_556 = vector.broadcast %jit3A_555 : f32 to vector<128x512xf32>
    %select_n3A_557 = arith.select %ge3A_554, %get3A_549, %broadcast_in_dim3A_556 : vector<128x512xi1>, vector<128x512xf32>
    %mul3A_558 = vector.broadcast %div3A_223 : vector<128x1xf32> to vector<128x512xf32>
    %mul3A_559 = arith.mulf %select_n3A_557, %mul3A_558 : vector<128x512xf32>
    %round3A_560 = math.roundeven %mul3A_559 : vector<128x512xf32>
    %jit3A_561 = arith.constant -127 : i32
    %jit3A_562 = arith.constant 127 : i32
    %convert_element_type3A_563 = arith.sitofp %jit3A_561 : i32 to f32
    %max3A_564 = vector.broadcast %convert_element_type3A_563 : f32 to vector<128x512xf32>
    %max3A_565 = arith.maximumf %max3A_564, %round3A_560 : vector<128x512xf32>
    %convert_element_type3A_566 = arith.sitofp %jit3A_562 : i32 to f32
    %min3A_567 = vector.broadcast %convert_element_type3A_566 : f32 to vector<128x512xf32>
    %min3A_568 = arith.minimumf %min3A_567, %max3A_565 : vector<128x512xf32>
    %div3A_569 = vector.broadcast %div3A_223 : vector<128x1xf32> to vector<128x512xf32>
    %div3A_570 = arith.divf %min3A_568, %div3A_569 : vector<128x512xf32>
    %convert_element_type3A_571 = arith.truncf %div3A_570 : vector<128x512xf32> to vector<128x512xbf16>
    %get3A_572 = arith.constant 0 : index
    %get3A_573 = arith.constant 0 : index
    %get3A_574 = arith.constant 1024 : index
    %get3A_575 = vector.load %arg5[%get3A_572, %get3A_573, %get3A_574] : memref<1x768x3072xi8, #tpu.memory_space<vmem>>, vector<1x768x512xi8>
    %get3A_576 = vector.shape_cast %get3A_575 : vector<1x768x512xi8> to vector<768x512xi8>
    %convert_element_type3A_577 = arith.sitofp %get3A_576 : vector<768x512xi8> to vector<768x512xbf16>
    %dot_general3A_578 = arith.constant dense<0.000000e+00> : vector<128x768xf32>
    %dot_general3A_579 = tpu.matmul %convert_element_type3A_571, %convert_element_type3A_577, %dot_general3A_578 {dimension_numbers = #tpu.dot_dimension_numbers<[1], [1], [0], [0], [0, 0, 1, 0], [], []>, transpose_lhs_hint = false} : vector<128x512xbf16>, vector<768x512xbf16>, vector<128x768xf32> -> vector<128x768xf32>
    %get3A_580 = arith.constant 0 : index
    %get3A_581 = arith.constant 0 : index
    %get3A_582 = vector.load %arg9[%get3A_580, %get3A_581] : memref<128x768xf32, #tpu.memory_space<vmem>>, vector<128x768xf32>
    %add3A_583 = arith.addf %get3A_582, %dot_general3A_579 : vector<128x768xf32>
    %swap3A_584 = arith.constant 0 : index
    %swap3A_585 = arith.constant 0 : index
    %swap3A_586 = vector.load %arg9[%swap3A_584, %swap3A_585] : memref<128x768xf32, #tpu.memory_space<vmem>>, vector<128x768xf32>
    tpu.vector_store %arg9[%swap3A_584, %swap3A_585], %add3A_583 {strides = array<i32>} : memref<128x768xf32, #tpu.memory_space<vmem>>, vector<128x768xf32>,
    %get3A_587 = arith.constant 0 : index
    %get3A_588 = arith.constant 1536 : index
    %get3A_589 = vector.load %arg10[%get3A_587, %get3A_588] : memref<128x3072xf32, #tpu.memory_space<vmem>>, vector<128x512xf32>
    %get3A_590 = arith.constant 0 : index
    %get3A_591 = arith.constant 1536 : index
    %get3A_592 = vector.load %arg11[%get3A_590, %get3A_591] : memref<128x3072xi32, #tpu.memory_space<vmem>>, vector<128x512xi32>
    %ge3A_593 = vector.broadcast %select_n3A_473 : vector<128x1xi32> to vector<128x512xi32>
    %ge3A_594 = arith.cmpi sge, %get3A_592, %ge3A_593 : vector<128x512xi32>
    %jit3A_595 = arith.constant 0.000000e+00 : f32
    %broadcast_in_dim3A_596 = vector.broadcast %jit3A_595 : f32 to vector<128x512xf32>
    %select_n3A_597 = arith.select %ge3A_594, %get3A_589, %broadcast_in_dim3A_596 : vector<128x512xi1>, vector<128x512xf32>
    %mul3A_598 = vector.broadcast %div3A_223 : vector<128x1xf32> to vector<128x512xf32>
    %mul3A_599 = arith.mulf %select_n3A_597, %mul3A_598 : vector<128x512xf32>
    %round3A_600 = math.roundeven %mul3A_599 : vector<128x512xf32>
    %jit3A_601 = arith.constant -127 : i32
    %jit3A_602 = arith.constant 127 : i32
    %convert_element_type3A_603 = arith.sitofp %jit3A_601 : i32 to f32
    %max3A_604 = vector.broadcast %convert_element_type3A_603 : f32 to vector<128x512xf32>
    %max3A_605 = arith.maximumf %max3A_604, %round3A_600 : vector<128x512xf32>
    %convert_element_type3A_606 = arith.sitofp %jit3A_602 : i32 to f32
    %min3A_607 = vector.broadcast %convert_element_type3A_606 : f32 to vector<128x512xf32>
    %min3A_608 = arith.minimumf %min3A_607, %max3A_605 : vector<128x512xf32>
    %div3A_609 = vector.broadcast %div3A_223 : vector<128x1xf32> to vector<128x512xf32>
    %div3A_610 = arith.divf %min3A_608, %div3A_609 : vector<128x512xf32>
    %convert_element_type3A_611 = arith.truncf %div3A_610 : vector<128x512xf32> to vector<128x512xbf16>
    %get3A_612 = arith.constant 0 : index
    %get3A_613 = arith.constant 0 : index
    %get3A_614 = arith.constant 1536 : index
    %get3A_615 = vector.load %arg5[%get3A_612, %get3A_613, %get3A_614] : memref<1x768x3072xi8, #tpu.memory_space<vmem>>, vector<1x768x512xi8>
    %get3A_616 = vector.shape_cast %get3A_615 : vector<1x768x512xi8> to vector<768x512xi8>
    %convert_element_type3A_617 = arith.sitofp %get3A_616 : vector<768x512xi8> to vector<768x512xbf16>
    %dot_general3A_618 = arith.constant dense<0.000000e+00> : vector<128x768xf32>
    %dot_general3A_619 = tpu.matmul %convert_element_type3A_611, %convert_element_type3A_617, %dot_general3A_618 {dimension_numbers = #tpu.dot_dimension_numbers<[1], [1], [0], [0], [0, 0, 1, 0], [], []>, transpose_lhs_hint = false} : vector<128x512xbf16>, vector<768x512xbf16>, vector<128x768xf32> -> vector<128x768xf32>
    %get3A_620 = arith.constant 0 : index
    %get3A_621 = arith.constant 0 : index
    %get3A_622 = vector.load %arg9[%get3A_620, %get3A_621] : memref<128x768xf32, #tpu.memory_space<vmem>>, vector<128x768xf32>
    %add3A_623 = arith.addf %get3A_622, %dot_general3A_619 : vector<128x768xf32>
    %swap3A_624 = arith.constant 0 : index
    %swap3A_625 = arith.constant 0 : index
    %swap3A_626 = vector.load %arg9[%swap3A_624, %swap3A_625] : memref<128x768xf32, #tpu.memory_space<vmem>>, vector<128x768xf32>
    tpu.vector_store %arg9[%swap3A_624, %swap3A_625], %add3A_623 {strides = array<i32>} : memref<128x768xf32, #tpu.memory_space<vmem>>, vector<128x768xf32>,
    %get3A_627 = arith.constant 0 : index
    %get3A_628 = arith.constant 2048 : index
    %get3A_629 = vector.load %arg10[%get3A_627, %get3A_628] : memref<128x3072xf32, #tpu.memory_space<vmem>>, vector<128x512xf32>
    %get3A_630 = arith.constant 0 : index
    %get3A_631 = arith.constant 2048 : index
    %get3A_632 = vector.load %arg11[%get3A_630, %get3A_631] : memref<128x3072xi32, #tpu.memory_space<vmem>>, vector<128x512xi32>
    %ge3A_633 = vector.broadcast %select_n3A_473 : vector<128x1xi32> to vector<128x512xi32>
    %ge3A_634 = arith.cmpi sge, %get3A_632, %ge3A_633 : vector<128x512xi32>
    %jit3A_635 = arith.constant 0.000000e+00 : f32
    %broadcast_in_dim3A_636 = vector.broadcast %jit3A_635 : f32 to vector<128x512xf32>
    %select_n3A_637 = arith.select %ge3A_634, %get3A_629, %broadcast_in_dim3A_636 : vector<128x512xi1>, vector<128x512xf32>
    %mul3A_638 = vector.broadcast %div3A_223 : vector<128x1xf32> to vector<128x512xf32>
    %mul3A_639 = arith.mulf %select_n3A_637, %mul3A_638 : vector<128x512xf32>
    %round3A_640 = math.roundeven %mul3A_639 : vector<128x512xf32>
    %jit3A_641 = arith.constant -127 : i32
    %jit3A_642 = arith.constant 127 : i32
    %convert_element_type3A_643 = arith.sitofp %jit3A_641 : i32 to f32
    %max3A_644 = vector.broadcast %convert_element_type3A_643 : f32 to vector<128x512xf32>
    %max3A_645 = arith.maximumf %max3A_644, %round3A_640 : vector<128x512xf32>
    %convert_element_type3A_646 = arith.sitofp %jit3A_642 : i32 to f32
    %min3A_647 = vector.broadcast %convert_element_type3A_646 : f32 to vector<128x512xf32>
    %min3A_648 = arith.minimumf %min3A_647, %max3A_645 : vector<128x512xf32>
    %div3A_649 = vector.broadcast %div3A_223 : vector<128x1xf32> to vector<128x512xf32>
    %div3A_650 = arith.divf %min3A_648, %div3A_649 : vector<128x512xf32>
    %convert_element_type3A_651 = arith.truncf %div3A_650 : vector<128x512xf32> to vector<128x512xbf16>
    %get3A_652 = arith.constant 0 : index
    %get3A_653 = arith.constant 0 : index
    %get3A_654 = arith.constant 2048 : index
    %get3A_655 = vector.load %arg5[%get3A_652, %get3A_653, %get3A_654] : memref<1x768x3072xi8, #tpu.memory_space<vmem>>, vector<1x768x512xi8>
    %get3A_656 = vector.shape_cast %get3A_655 : vector<1x768x512xi8> to vector<768x512xi8>
    %convert_element_type3A_657 = arith.sitofp %get3A_656 : vector<768x512xi8> to vector<768x512xbf16>
    %dot_general3A_658 = arith.constant dense<0.000000e+00> : vector<128x768xf32>
    %dot_general3A_659 = tpu.matmul %convert_element_type3A_651, %convert_element_type3A_657, %dot_general3A_658 {dimension_numbers = #tpu.dot_dimension_numbers<[1], [1], [0], [0], [0, 0, 1, 0], [], []>, transpose_lhs_hint = false} : vector<128x512xbf16>, vector<768x512xbf16>, vector<128x768xf32> -> vector<128x768xf32>
    %get3A_660 = arith.constant 0 : index
    %get3A_661 = arith.constant 0 : index
    %get3A_662 = vector.load %arg9[%get3A_660, %get3A_661] : memref<128x768xf32, #tpu.memory_space<vmem>>, vector<128x768xf32>
    %add3A_663 = arith.addf %get3A_662, %dot_general3A_659 : vector<128x768xf32>
    %swap3A_664 = arith.constant 0 : index
    %swap3A_665 = arith.constant 0 : index
    %swap3A_666 = vector.load %arg9[%swap3A_664, %swap3A_665] : memref<128x768xf32, #tpu.memory_space<vmem>>, vector<128x768xf32>
    tpu.vector_store %arg9[%swap3A_664, %swap3A_665], %add3A_663 {strides = array<i32>} : memref<128x768xf32, #tpu.memory_space<vmem>>, vector<128x768xf32>,
    %get3A_667 = arith.constant 0 : index
    %get3A_668 = arith.constant 2560 : index
    %get3A_669 = vector.load %arg10[%get3A_667, %get3A_668] : memref<128x3072xf32, #tpu.memory_space<vmem>>, vector<128x512xf32>
    %get3A_670 = arith.constant 0 : index
    %get3A_671 = arith.constant 2560 : index
    %get3A_672 = vector.load %arg11[%get3A_670, %get3A_671] : memref<128x3072xi32, #tpu.memory_space<vmem>>, vector<128x512xi32>
    %ge3A_673 = vector.broadcast %select_n3A_473 : vector<128x1xi32> to vector<128x512xi32>
    %ge3A_674 = arith.cmpi sge, %get3A_672, %ge3A_673 : vector<128x512xi32>
    %jit3A_675 = arith.constant 0.000000e+00 : f32
    %broadcast_in_dim3A_676 = vector.broadcast %jit3A_675 : f32 to vector<128x512xf32>
    %select_n3A_677 = arith.select %ge3A_674, %get3A_669, %broadcast_in_dim3A_676 : vector<128x512xi1>, vector<128x512xf32>
    %mul3A_678 = vector.broadcast %div3A_223 : vector<128x1xf32> to vector<128x512xf32>
    %mul3A_679 = arith.mulf %select_n3A_677, %mul3A_678 : vector<128x512xf32>
    %round3A_680 = math.roundeven %mul3A_679 : vector<128x512xf32>
    %jit3A_681 = arith.constant -127 : i32
    %jit3A_682 = arith.constant 127 : i32
    %convert_element_type3A_683 = arith.sitofp %jit3A_681 : i32 to f32
    %max3A_684 = vector.broadcast %convert_element_type3A_683 : f32 to vector<128x512xf32>
    %max3A_685 = arith.maximumf %max3A_684, %round3A_680 : vector<128x512xf32>
    %convert_element_type3A_686 = arith.sitofp %jit3A_682 : i32 to f32
    %min3A_687 = vector.broadcast %convert_element_type3A_686 : f32 to vector<128x512xf32>
    %min3A_688 = arith.minimumf %min3A_687, %max3A_685 : vector<128x512xf32>
    %div3A_689 = vector.broadcast %div3A_223 : vector<128x1xf32> to vector<128x512xf32>
    %div3A_690 = arith.divf %min3A_688, %div3A_689 : vector<128x512xf32>
    %convert_element_type3A_691 = arith.truncf %div3A_690 : vector<128x512xf32> to vector<128x512xbf16>
    %get3A_692 = arith.constant 0 : index
    %get3A_693 = arith.constant 0 : index
    %get3A_694 = arith.constant 2560 : index
    %get3A_695 = vector.load %arg5[%get3A_692, %get3A_693, %get3A_694] : memref<1x768x3072xi8, #tpu.memory_space<vmem>>, vector<1x768x512xi8>
    %get3A_696 = vector.shape_cast %get3A_695 : vector<1x768x512xi8> to vector<768x512xi8>
    %convert_element_type3A_697 = arith.sitofp %get3A_696 : vector<768x512xi8> to vector<768x512xbf16>
    %dot_general3A_698 = arith.constant dense<0.000000e+00> : vector<128x768xf32>
    %dot_general3A_699 = tpu.matmul %convert_element_type3A_691, %convert_element_type3A_697, %dot_general3A_698 {dimension_numbers = #tpu.dot_dimension_numbers<[1], [1], [0], [0], [0, 0, 1, 0], [], []>, transpose_lhs_hint = false} : vector<128x512xbf16>, vector<768x512xbf16>, vector<128x768xf32> -> vector<128x768xf32>
    %get3A_700 = arith.constant 0 : index
    %get3A_701 = arith.constant 0 : index
    %get3A_702 = vector.load %arg9[%get3A_700, %get3A_701] : memref<128x768xf32, #tpu.memory_space<vmem>>, vector<128x768xf32>
    %add3A_703 = arith.addf %get3A_702, %dot_general3A_699 : vector<128x768xf32>
    %swap3A_704 = arith.constant 0 : index
    %swap3A_705 = arith.constant 0 : index
    %swap3A_706 = vector.load %arg9[%swap3A_704, %swap3A_705] : memref<128x768xf32, #tpu.memory_space<vmem>>, vector<128x768xf32>
    tpu.vector_store %arg9[%swap3A_704, %swap3A_705], %add3A_703 {strides = array<i32>} : memref<128x768xf32, #tpu.memory_space<vmem>>, vector<128x768xf32>,
    %get3A_707 = arith.constant 0 : index
    %get3A_708 = arith.constant 0 : index
    %get3A_709 = vector.load %arg9[%get3A_707, %get3A_708] : memref<128x768xf32, #tpu.memory_space<vmem>>, vector<128x768xf32>
    %mul3A_710 = vector.broadcast %convert_element_type3A_27 : f32 to vector<128x768xf32>
    %mul3A_711 = arith.mulf %get3A_709, %mul3A_710 : vector<128x768xf32>
    %swap3A_712 = arith.constant 0 : index
    %swap3A_713 = arith.constant 0 : index
    %swap3A_714 = vector.load %arg9[%swap3A_712, %swap3A_713] : memref<128x768xf32, #tpu.memory_space<vmem>>, vector<128x768xf32>
    tpu.vector_store %arg9[%swap3A_712, %swap3A_713], %mul3A_711 {strides = array<i32>} : memref<128x768xf32, #tpu.memory_space<vmem>>, vector<128x768xf32>,
    return
  }
  func.func @transform_0(%arg0: i32, %arg1: memref<40xi32, #tpu.memory_space<smem>>) -> (i32, i32) {
    %c0_i32 = arith.constant 0 : i32
    %c0_i32_0 = arith.constant 0 : i32
    return %arg0, %c0_i32 : i32, i32
  }
  func.func @transform_1(%arg0: i32, %arg1: memref<40xi32, #tpu.memory_space<smem>>) -> (i32, i32, i32) {
    %get3A = arith.index_cast %arg0 : i32 to index
    %get3A_0 = memref.load %arg1[%get3A] : memref<40xi32, #tpu.memory_space<smem>>
    %c0_i32 = arith.constant 0 : i32
    %c0_i32_1 = arith.constant 0 : i32
    %c0_i32_2 = arith.constant 0 : i32
    return %get3A_0, %c0_i32, %c0_i32_1 : i32, i32, i32
  }
  func.func @transform_2(%arg0: i32, %arg1: memref<40xi32, #tpu.memory_space<smem>>) -> (i32, i32, i32) {
    %get3A = arith.index_cast %arg0 : i32 to index
    %get3A_0 = memref.load %arg1[%get3A] : memref<40xi32, #tpu.memory_space<smem>>
    %c0_i32 = arith.constant 0 : i32
    %c0_i32_1 = arith.constant 0 : i32
    %c0_i32_2 = arith.constant 0 : i32
    return %get3A_0, %c0_i32, %c0_i32_1 : i32, i32, i32
  }
  func.func @transform_3(%arg0: i32, %arg1: memref<40xi32, #tpu.memory_space<smem>>) -> (i32, i32, i32) {
    %get3A = arith.index_cast %arg0 : i32 to index
    %get3A_0 = memref.load %arg1[%get3A] : memref<40xi32, #tpu.memory_space<smem>>
    %c0_i32 = arith.constant 0 : i32
    %c0_i32_1 = arith.constant 0 : i32
    %c0_i32_2 = arith.constant 0 : i32
    return %get3A_0, %c0_i32, %c0_i32_1 : i32, i32, i32
  }
  func.func @transform_4(%arg0: i32, %arg1: memref<40xi32, #tpu.memory_space<smem>>) -> (i32, i32, i32) {
    %get3A = arith.index_cast %arg0 : i32 to index
    %get3A_0 = memref.load %arg1[%get3A] : memref<40xi32, #tpu.memory_space<smem>>
    %c0_i32 = arith.constant 0 : i32
    %c0_i32_1 = arith.constant 0 : i32
    %c0_i32_2 = arith.constant 0 : i32
    return %get3A_0, %c0_i32, %c0_i32_1 : i32, i32, i32
  }
  func.func @transform_5(%arg0: i32, %arg1: memref<40xi32, #tpu.memory_space<smem>>) -> (i32, i32, i32) {
    %get3A = arith.index_cast %arg0 : i32 to index
    %get3A_0 = memref.load %arg1[%get3A] : memref<40xi32, #tpu.memory_space<smem>>
    %c0_i32 = arith.constant 0 : i32
    %c0_i32_1 = arith.constant 0 : i32
    %c0_i32_2 = arith.constant 0 : i32
    return %get3A_0, %c0_i32, %c0_i32_1 : i32, i32, i32
  }
  func.func @transform_6(%arg0: i32, %arg1: memref<40xi32, #tpu.memory_space<smem>>) -> (i32, i32, i32) {
    %get3A = arith.index_cast %arg0 : i32 to index
    %get3A_0 = memref.load %arg1[%get3A] : memref<40xi32, #tpu.memory_space<smem>>
    %c0_i32 = arith.constant 0 : i32
    %c0_i32_1 = arith.constant 0 : i32
    %c0_i32_2 = arith.constant 0 : i32
    return %get3A_0, %c0_i32, %c0_i32_1 : i32, i32, i32
  }
  func.func @transform_7(%arg0: i32, %arg1: memref<40xi32, #tpu.memory_space<smem>>) -> (i32, i32) {
    %c0_i32 = arith.constant 0 : i32
    %c0_i32_0 = arith.constant 0 : i32
    return %arg0, %c0_i32 : i32, i32
  }
}

module attributes {stable_mosaic.version = 14 : i64} {
  func.func @_k6_body(%arg0: i32, %arg1: memref<256x768xf32, #tpu.memory_space<vmem>>, %arg2: memref<256x768xf32, #tpu.memory_space<vmem>>, %arg3: memref<256x1xf32, #tpu.memory_space<vmem>>, %arg4: memref<256x1xf32, #tpu.memory_space<vmem>>, %arg5: memref<256x768xf32, #tpu.memory_space<vmem>>) attributes {dimension_semantics = [#tpu.dimension_semantics<arbitrary>], iteration_bounds = array<i64: 8>, scalar_prefetch = 0 : i64, scratch_operands = 0 : i64, tpu.core_type = #tpu.core_type<tc>, window_params = [{transform_indices = @transform_0, window_bounds = array<i64: 256, 768>}, {transform_indices = @transform_1, window_bounds = array<i64: 256, 768>}, {transform_indices = @transform_2, window_bounds = array<i64: 256, 1>}, {transform_indices = @transform_3, window_bounds = array<i64: 256, 1>}, {transform_indices = @transform_4, window_bounds = array<i64: 256, 768>}]} {
    %get3A = arith.constant 0 : index
    %get3A_0 = arith.constant 0 : index
    %get3A_1 = vector.load %arg3[%get3A, %get3A_0] : memref<256x1xf32, #tpu.memory_space<vmem>>, vector<256x1xf32>
    %get3A_2 = arith.constant 0 : index
    %get3A_3 = arith.constant 0 : index
    %get3A_4 = vector.load %arg1[%get3A_2, %get3A_3] : memref<256x768xf32, #tpu.memory_space<vmem>>, vector<256x768xf32>
    %mul3A = vector.broadcast %get3A_1 : vector<256x1xf32> to vector<256x768xf32>
    %mul3A_5 = arith.mulf %mul3A, %get3A_4 : vector<256x768xf32>
    %get3A_6 = arith.constant 0 : index
    %get3A_7 = arith.constant 0 : index
    %get3A_8 = vector.load %arg4[%get3A_6, %get3A_7] : memref<256x1xf32, #tpu.memory_space<vmem>>, vector<256x1xf32>
    %get3A_9 = arith.constant 0 : index
    %get3A_10 = arith.constant 0 : index
    %get3A_11 = vector.load %arg2[%get3A_9, %get3A_10] : memref<256x768xf32, #tpu.memory_space<vmem>>, vector<256x768xf32>
    %mul3A_12 = vector.broadcast %get3A_8 : vector<256x1xf32> to vector<256x768xf32>
    %mul3A_13 = arith.mulf %mul3A_12, %get3A_11 : vector<256x768xf32>
    %add3A = arith.addf %mul3A_5, %mul3A_13 : vector<256x768xf32>
    %swap3A = arith.constant 0 : index
    %swap3A_14 = arith.constant 0 : index
    %swap3A_15 = vector.load %arg5[%swap3A, %swap3A_14] : memref<256x768xf32, #tpu.memory_space<vmem>>, vector<256x768xf32>
    tpu.vector_store %arg5[%swap3A, %swap3A_14], %add3A {strides = array<i32>} : memref<256x768xf32, #tpu.memory_space<vmem>>, vector<256x768xf32>,
    return
  }
  func.func @transform_0(%arg0: i32) -> (i32, i32) {
    %c0_i32 = arith.constant 0 : i32
    %c0_i32_0 = arith.constant 0 : i32
    return %arg0, %c0_i32 : i32, i32
  }
  func.func @transform_1(%arg0: i32) -> (i32, i32) {
    %c0_i32 = arith.constant 0 : i32
    %c0_i32_0 = arith.constant 0 : i32
    return %arg0, %c0_i32 : i32, i32
  }
  func.func @transform_2(%arg0: i32) -> (i32, i32) {
    %c0_i32 = arith.constant 0 : i32
    %c0_i32_0 = arith.constant 0 : i32
    return %arg0, %c0_i32 : i32, i32
  }
  func.func @transform_3(%arg0: i32) -> (i32, i32) {
    %c0_i32 = arith.constant 0 : i32
    %c0_i32_0 = arith.constant 0 : i32
    return %arg0, %c0_i32 : i32, i32
  }
  func.func @transform_4(%arg0: i32) -> (i32, i32) {
    %c0_i32 = arith.constant 0 : i32
    %c0_i32_0 = arith.constant 0 : i32
    return %arg0, %c0_i32 : i32, i32
  }
}

</mosaic_0001>

<sc_bundles>
// kernel: kernel.14.cloned.1.call-start
scs
__scs_entry_jumppad:
0x0: {  	(pc) =	sbr.rel $0x88, $3  }
0x1: {  	(tag) =	ssettag $0x0;
	lr =	simm.s32 $0x1  }
0x2: {  	[smem:$0x3F9C] =	sst lr;
	_ =	strace $0xD0000000  }
0x3: {  	_ = 	snop  }
0x4: {  	_ = 	snop  }
0x5: {  	_ = 	snop  }
0x6: {  	_ = 	snop  }
0x7: {  	_ = 	snop  }
__scs_overlays_trampoline_lowered:
0x8: {  	[smem:$0x3FAB] =	sst s0  }
0x9: {  	[smem:$0x3FAC] =	sst s1  }
0xa: {  	[smem:$0x3FAD] =	sst s2  }
0xb: {  	[smem:$0x3FAE] =	sst s3  }
0xc: {  	[smem:$0x3FAF] =	sst s4  }
0xd: {  	[smem:$0x3FB0] =	sst s5  }
0xe: {  	[smem:$0x3FB1] =	sst s6  }
0xf: {  	[smem:$0x3FB2] =	sst s7  }
0x10: {  	[smem:$0x3FB3] =	sst s8  }
0x11: {  	[smem:$0x3FB4] =	sst s9;
	s0 =	simm.s32 @!p0 $0x0  }
0x12: {  	s1 =	sld [smem:$0x3F9A];
	s0 =	simm.s32 @p0 $0x1  }
0x13: {  	[smem:$0x3FB5] =	sst s0;
	s0 =	simm.s32 @!p1 $0x0  }
0x14: {  	s2 =	sld [smem:$0x3F99];
	s0 =	simm.s32 @p1 $0x1  }
0x15: {  	[smem:$0x3FB6] =	sst s0;
	s0 =	simm.s32 @!p2 $0x0  }
0x16: {  	s3 =	sld [smem:$0x3FDB];
	s0 =	simm.s32 @p2 $0x1  }
0x17: {  	s4 =	simm.s32 $0x1BF5;
	[smem:$0x3FB8] =	sst s0  }
0x18: {  	s0 =	sld [smem:$0x3F9B];
	_ =	swait.ge [sflag:s4], $0x0  }
0x19: {  	s7 =	sld [smem:$0x3F9C]  }
0x1a: {  	s8 =	sadd.s32 $0xFFFFE003, lr  }
0x1b: {  	s9 =	sadd.s32 $0xFFFFFEF7, lr;
	s5 =	simm.s32 $0xFFFFFFFF;
	p2 =	slt.u32 s8, $0xFFFFF086  }
0x1c: {  	p1 =	slt.u32 s9, $0xF7A;
	s5 =	simm.s32 @!p2 $0x0  }
0x1d: {  	s5 =	simm.s32 @p1 $0x1;
	p0 =	seq.s32 s7, s2  }
0x1e: {  	s7 =	smul.u32 @!p0 $0xF7A, s2;
	p2 =	seq.s32 @!p0 s5, $0x0  }
0x1f: {  	s9 =	smul.u32 $0xF7A, s1;
	s8 =	simm.s32 @!p0 $0x1BF5;
	p2 =	por !p2, p0  }
0x20: {  	[sflag:s8] =	ssyncset.s32 @!p0 $0xFFFFF086;
	s6 =	sadd.s32 @!p0 s3, s7;
	s7 =	simm.s32 @!p0 $0x108  }
0x21: {  	s3 =	sadd.s32 s3, s9;
	s6 =	sadd.s32 @!p0 $0x88, s6;
	s7 =	simm.s32 @p2 $0x1082  }
0x22: {  	[simem:s7], [sflag:s8] =	dma.local @!p0 [hbm:s6], $0xF7A  }
0x23: {  	s9 =	sor.u32 $0xD0000000, s2;
	s6 =	simm.s32 $0x108;
	_ =	swait.ge @!p0 [sflag:s8], $0x0  }
0x24: {  	s3 =	sadd.s32 $0x88, s3;
	s6 =	simm.s32 @!p1 $0x1082;
	[sflag:s4] =	ssyncset.s32 $0xFFFFF086  }
0x25: {  	[simem:s6], [sflag:s4] =	dma.local [hbm:s3], $0xF7A  }
0x26: {  	[smem:$0x3F9C] =	sst s1;
	(tag) =	ssettag s2;
	_ =	strace s9  }
0x27: {  	s1 =	sld [smem:$0x3FAC]  }
0x28: {  	s2 =	sld [smem:$0x3FAD]  }
0x29: {  	s4 =	sld [smem:$0x3FAF]  }
0x2a: {  	p0 =	seq.s32 s5, $0x0;
	s5 =	sld [smem:$0x3FB0]  }
0x2b: {  	s6 =	sld [smem:$0x3FB1]  }
0x2c: {  	s7 =	sld [smem:$0x3FB2]  }
0x2d: {  	s3 =	simm.s32 $0x108;
	s8 =	sld [smem:$0x3FB3]  }
0x2e: {  	s3 =	simm.s32 @!p0 $0x1082;
	s9 =	sld [smem:$0x3FB4]  }
0x2f: {  	lr =	sadd.s32 s0, s3;
	s0 =	sld [smem:$0x3FAB]  }
0x30: {  	s3 =	sld [smem:$0x3FAE]  }
0x31: {  	[smem:$0x3FB7] =	sst s10  }
0x32: {  	s10 =	sld [smem:$0x3FB5];
	_ =	sdelay $0x3  }
0x33: {  	p0 =	seq.s32 s10, $0x1;
	s10 =	sld [smem:$0x3FB7];
	_ =	sdelay $0x3  }
0x34: {  	[smem:$0x3FB7] =	sst s10  }
0x35: {  	s10 =	sld [smem:$0x3FB6];
	_ =	sdelay $0x3  }
0x36: {  	p1 =	seq.s32 s10, $0x1;
	s10 =	sld [smem:$0x3FB7];
	_ =	sdelay $0x3  }
0x37: {  	[smem:$0x3FB7] =	sst s10  }
0x38: {  	s10 =	sld [smem:$0x3FB8]  }
0x39: {  	_ = 	snop;
	(pc) =	sbr.ind lr, $3  }
0x3a: {  	_ = 	snop  }
0x3b: {  	_ = 	snop  }
0x3c: {  	p2 =	seq.s32 s10, $0x1;
	s10 =	sld [smem:$0x3FB7]  }
0x3d: {  	_ =	shalt  }
0x3e: {  	_ =	shalt  }
0x3f: {  	_ =	shalt  }
0x40: {  	_ =	shalt  }
0x41: {  	_ =	shalt  }
0x42: {  	_ =	shalt  }
0x43: {  	_ =	shalt  }
0x44: {  	_ =	shalt  }
0x45: {  	_ =	shalt  }
0x46: {  	_ =	shalt  }
0x47: {  	_ =	shalt  }
0x48: {  	_ =	shalt  }
0x49: {  	_ =	shalt  }
0x4a: {  	_ =	shalt  }
0x4b: {  	_ =	shalt  }
0x4c: {  	_ =	shalt  }
0x4d: {  	_ =	shalt  }
0x4e: {  	_ =	shalt  }
0x4f: {  	_ =	shalt  }
0x50: {  	_ =	shalt  }
0x51: {  	_ =	shalt  }
0x52: {  	_ =	shalt  }
0x53: {  	_ =	shalt  }
0x54: {  	_ =	shalt  }
0x55: {  	_ =	shalt  }
0x56: {  	_ =	shalt  }
0x57: {  	_ =	shalt  }
0x58: {  	_ =	shalt  }
0x59: {  	_ =	shalt  }
0x5a: {  	_ =	shalt  }
0x5b: {  	_ =	shalt  }
0x5c: {  	_ =	shalt  }
0x5d: {  	_ =	shalt  }
0x5e: {  	_ =	shalt  }
0x5f: {  	_ =	shalt  }
0x60: {  	_ =	shalt  }
0x61: {  	_ =	shalt  }
0x62: {  	_ =	shalt  }
0x63: {  	_ =	shalt  }
0x64: {  	_ =	shalt  }
0x65: {  	_ =	shalt  }
0x66: {  	_ =	shalt  }
0x67: {  	_ =	shalt  }
0x68: {  	_ =	shalt  }
0x69: {  	_ =	shalt  }
0x6a: {  	_ =	shalt  }
0x6b: {  	_ =	shalt  }
0x6c: {  	_ =	shalt  }
0x6d: {  	_ =	shalt  }
0x6e: {  	_ =	shalt  }
0x6f: {  	_ =	shalt  }
0x70: {  	_ =	shalt  }
0x71: {  	_ =	shalt  }
0x72: {  	_ =	shalt  }
0x73: {  	_ =	shalt  }
0x74: {  	_ =	shalt  }
0x75: {  	_ =	shalt  }
0x76: {  	_ =	shalt  }
0x77: {  	_ =	shalt  }
0x78: {  	_ =	shalt  }
0x79: {  	_ =	shalt  }
0x7a: {  	_ =	shalt  }
0x7b: {  	_ =	shalt  }
0x7c: {  	_ =	shalt  }
0x7d: {  	_ =	shalt  }
0x7e: {  	_ =	shalt  }
0x7f: {  	_ =	shalt  }
0x80: {  	_ =	shalt  }
0x81: {  	_ =	shalt  }
0x82: {  	_ =	shalt  }
0x83: {  	_ =	shalt  }
0x84: {  	_ =	shalt  }
0x85: {  	_ =	shalt  }
0x86: {  	_ =	shalt  }
0x87: {  	_ =	shalt  }
.Lfunc_end0:
.L_simem_size_0:
called_computation_lowered:
.L_overlay_start_0:
0x88: {  	s2 =	sld [smem:$0x3FD9]  }
0x89: {  	s3 =	sld [smem:$0x3FFE];
	_ =	sdelay $0x1  }
0x8a: {  	s1 =	srdreg.scid  }
0x8b: {  	s0 =	sand.u32 $0x1, s1  }
0x8c: {  	s17 =	sshll.u32 s0, $0xA;
	s2 =	sadd.s32 s3, s2  }
0x8d: {  	s2 =	sadd.s32 s2, s17  }
0x8e: {  	[smem:$0x3FC3] =	sst s2  }
0x8f: {  	_ = 	snop  }
0x90: {  	s2 =	sld [smem:$0x3FD0];
	(tm) =	ssettm $0x1  }
0x91: {  	s18 =	sld [smem:$0x3FFB];
	_ =	sdelay $0x3  }
0x92: {  	_ =	strace s18  }
0x93: {  	s3 =	sld [smem:$0x3FFC];
	_ =	sdelay $0x3  }
0x94: {  	_ =	strace s3  }
0x95: {  	s3 =	sld [smem:$0x3FFD];
	_ =	sdelay $0x3  }
0x96: {  	_ =	strace s3  }
0x97: {  	_ =	strace $0x8FFFFFFF  }
0x98: {  	s19 =	sld [smem:$0x3FDB];
	_ =	sdelay $0x1  }
0x99: {  	s4 =	simm.s32 $_scs_section_size  }
0x9a: {  	s5 =	simm.s32 $_size__tile_overlayer_lowered;
	s6 =	simm.s32 $_tile_overlayer_lowered  }
0x9b: {  	s22 =	simm.s32 $0x1BFF;
	s21 =	sshll.u32 s6, $0x1;
	s3 =	sadd.s32 s4, s19  }
0x9c: {  	s7 =	simm.s32 $0x0;
	s20 =	sshll.u32 s5, $0x1;
	s5 =	sadd.s32 s21, s3  }
0x9d: {  	[timem:s7], [sflag:s22] =	dma.local [hbm:s5], s20  }
0x9e: {  	_ =	swait.ge [sflag:s22], s20  }
0x9f: {  	s4 =	ssub.s32 $0x0, s20;
	[sflag:s22] =	ssyncset.done $0x0  }
0xa0: {  	[sflag:s22] =	ssyncadd.s32 s4;
	_ =	sdelay $0x1  }
0xa1: {  	s23 =	simm.s32 $0x1B8B  }
0xa2: {  	_ =	swait.ge [sflag:s23], $0x1  }
0xa3: {  	[sflag:s23] =	ssyncset.done $0x0  }
0xa4: {  	s25 =	simm.s32 $0x1B8E;
	s24 =	sld [smem:$0x3FFE];
	[sflag:s23] =	ssyncadd.s32 $0xFFFFFFFF  }
0xa5: {  	s26 =	simm.s32 $execute0_lowered;
	[smem:$0x3FD2] =	sst s25  }
0xa6: {  	s5 =	sshll.u32 s26, $0x1;
	_ =	strace $0x80000046;
	[dreg:$0x1] =	wrdreg $0xFFFFFFFF  }
0xa7: {  	s28 =	simm.s32 $_size_execute0_lowered;
	s3 =	sadd.s32 s3, s5;
	[dreg:$0x0] =	wrdreg $0x0  }
0xa8: {  	s5 =	sshll.u32 s28, $0x1;
	[dreg:$0x2] =	wrdreg s3  }
0xa9: {  	[dreg:$0x3] =	wrdreg s5  }
0xaa: {  	[dreg:$0x4] =	wrdreg $0xC0  }
0xab: {  	_ =	task [dreg:s7], $0x5FFFF  }
0xac: {  	[dreg:$0x1] =	wrdreg $0xFFFFFFFF  }
0xad: {  	[dreg:$0x0] =	wrdreg $0x60  }
0xae: {  	[dreg:$0x2] =	wrdreg s2  }
0xaf: {  	[dreg:$0x3] =	wrdreg s24  }
0xb0: {  	[dreg:$0x4] =	wrdreg $0x9  }
0xb1: {  	_ =	task.clear_ibuf [dreg:s7], $0x5FFFF;
	_ =	strace $0x90000046  }
0xb2: {  	s29 =	simm.s32 $0x9;
	_ =	strace $0x80000048  }
0xb3: {  	_ =	swait.ge [sflag:s29], $0x1  }
0xb4: {  	[sflag:s29] =	ssyncadd.s32 $0xFFFFFFFF  }
0xb5: {  	_ =	strace $0x90000048  }
0xb6: {  	_ =	sfence  }
0xb7: {  	s30 =	sld [smem:$0x0];
	_ =	sdelay $0x2  }
0xb8: {  	s31 =	sshll.u32 s1, $0xD;
	s1 =	sshrl.u32 s1, $0x2  }
0xb9: {  	s3 =	sand.u32 $0x4000, s31;
	s1 =	sadd.s32 s1, s30  }
0xba: {  	s0 =	sor.u32 s3, s0;
	s1 =	sshll.u32 s1, $0x11  }
0xbb: {  	s0 =	sor.u32 s1, s0  }
0xbc: {  	s0 =	sadd.s32 $0x8F2B, s0  }
0xbd: {  	[sflag:s0] =	ssyncadd.remote.s32 $0x1  }
0xbe: {  	_ =	sfence.sel $0xFFFF  }
0xbf: {  	[dreg:$0x0] =	wrdreg $0xFFFFFFFF;
	(pc) =	sbr.abs _section_cstart, $3  }
0xc0: {  	[dreg:$0x1] =	wrdreg $0xFFFFFFFF  }
0xc1: {  	_ =	task.clear_ibuf [dreg:s7], $0x2FFFF;
	_ =	strace $0x9FFFFFFF  }
0xc2: {  	(tm) =	ssettm $0x7FFFFFFF  }
0xc3: {  	_ =	shalt  }
tec
execute0_lowered:
.L_overlay_start_1:
0x0: {  	(tag) =	ssettag $0x1  }
0x1: {  	s1 =	srdreg.scid  }
0x2: {  	s0 =	stileid.u32;
	s1 =	sand.u32 $0x1, s1  }
0x3: {  	s4 =	rddreg [dreg:$0x0];
	s2 =	sshll.u32 s0, $0x5;
	s3 =	sshll.u32 s1, $0x4  }
0x4: {  	s5 =	rddreg [dreg:$0x1];
	s3 =	sor.u32 s3, s2;
	s2 =	simm.s32 $0x0  }
0x5: {  	s25 =	simm.s32 $0x880;
	[smem:$0x7FF] =	sst s2  }
0x6: {  	s26 =	simm.s32 $0x1080;
	_ =	strace $0x80000047;
	[dreg:$0x5] =	wrdreg s25  }
0x7: {  	s0 =	simm.s32 $0x1880;
	[dreg:$0x6] =	wrdreg s26  }
0x8: {  	s7 =	simm.s32 $0x3080;
	[dreg:$0x7] =	wrdreg s0  }
0x9: {  	s8 =	simm.s32 $0x3880;
	[dreg:$0xa] =	wrdreg s7  }
0xa: {  	s9 =	simm.s32 $0x4080;
	[dreg:$0xb] =	wrdreg s8  }
0xb: {  	s10 =	simm.s32 $0x4880;
	[dreg:$0xc] =	wrdreg s9  }
0xc: {  	s11 =	simm.s32 $0x5080;
	s12 =	simm.s32 $0x5880;
	[dreg:$0xd] =	wrdreg s10  }
0xd: {  	s13 =	simm.s32 $0x6080;
	s14 =	simm.s32 $0x6880;
	[dreg:$0xe] =	wrdreg s11  }
0xe: {  	s15 =	simm.s32 $0x7080;
	s16 =	simm.s32 $0x7880;
	[dreg:$0xf] =	wrdreg s12  }
0xf: {  	s17 =	simm.s32 $0x8080;
	s18 =	simm.s32 $0x8880;
	[dreg:$0x10] =	wrdreg s13  }
0x10: {  	s19 =	simm.s32 $0x9080;
	s21 =	simm.s32 $0x9880;
	[dreg:$0x11] =	wrdreg s14  }
0x11: {  	s22 =	simm.s32 $0xA080;
	s23 =	simm.s32 $0xA880;
	[dreg:$0x12] =	wrdreg s15  }
0x12: {  	s24 =	simm.s32 $0xB880;
	s28 =	simm.s32 $0x16080;
	[dreg:$0x13] =	wrdreg s16  }
0x13: {  	s29 =	simm.s32 $0x16880;
	s30 =	simm.s32 $0x17080;
	[dreg:$0x14] =	wrdreg s17  }
0x14: {  	s31 =	simm.s32 $0x17880;
	s1 =	ssub.s32 $0x2, s1;
	[dreg:$0x15] =	wrdreg s18  }
0x15: {  	s20 =	sshrl.u32 s1, $0x1;
	s6 =	sand.u32 $0xF0, s3;
	[dreg:$0x16] =	wrdreg s19  }
0x16: {  	s3 =	sadd.s32 s3, s5;
	s1 =	ssub.s32 s1, s20;
	[dreg:$0x17] =	wrdreg s21  }
0x17: {  	s20 =	simm.s32 $0x12880;
	s6 =	smul.u32 $0x300, s6;
	[dreg:$0x18] =	wrdreg s22  }
0x18: {  	s3 =	sadd.s32 $0x12000, s3;
	[dreg:$0x19] =	wrdreg s23;
	s7 =	simm.s32 $0xB080  }
0x19: {  	[dreg:$0x1b] =	wrdreg s24;
	s25 =	simm.s32 $0xC080;
	s8 =	simm.s32 $0x2  }
0x1a: {  	s26 =	simm.s32 $0xC880;
	s10 =	simm.s32 $0xD880;
	s11 =	simm.s32 $0xE080  }
0x1b: {  	s12 =	simm.s32 $0xE880;
	s13 =	simm.s32 $0xF080;
	s14 =	simm.s32 $0xF880  }
0x1c: {  	s15 =	simm.s32 $0x10080;
	s16 =	simm.s32 $0x10880;
	s17 =	simm.s32 $0x11080  }
0x1d: {  	s18 =	simm.s32 $0x11880;
	s19 =	simm.s32 $0x12080;
	[dreg:$0x4] =	wrdreg s3  }
0x1e: {  	s21 =	simm.s32 $0x13080;
	s22 =	simm.s32 $0x13880;
	[dreg:$0x1a] =	wrdreg s7  }
0x1f: {  	s23 =	simm.s32 $0x14080;
	s24 =	simm.s32 $0x14880;
	[dreg:$0x1c] =	wrdreg s25  }
0x20: {  	s3 =	sadd.s32 $0x12200, s5;
	s7 =	simm.s32 $0x80;
	[dreg:$0x1d] =	wrdreg s26  }
0x21: {  	s25 =	simm.s32 $0x15080;
	s26 =	simm.s32 $0x15880;
	s4 =	sadd.s32 s4, s6  }
0x22: {  	v2 =	vlaneseq.u32;
	s6 =	simm.s32 $0x2880;
	[dreg:$0x3] =	wrdreg s4;
	s4 =	simm.s32 $0x2080  }
0x23: {  	vm0 =	vmmov $0xffff;
	v1 =	vshrl.u32 v2, $0x3;
	[dreg:$0x9] =	wrdreg s6;
	s6 =	smax.u32 s1, $0x1;
	s1 =	simm.s32 $0x1  }
0x24: {  	v0 =	vand.u32 $0x7, v2;
	v2 =	vor.u32 $0x8, v2;
	v1 =	vmul.u32 $0x8, v1;
	[dreg:$0x8] =	wrdreg s4;
	s4 =	sadd.s32 $0x12300, s5;
	s5 =	sadd.s32 $0x12400, s5  }
.LBB2_1:
0x25: {  	s0 =	rddreg [dreg:$0x3]  }
0x26: {  	[tilespmem:s7], [sflag:$0x2] =	stream.linear.gather [hbm4b:s0+s2], $0x18000, $0x38;
	[tilespmem:$0x18080] =	vst v63  }
0x27: {  	_ =	swait.ge [sflag:s8], $0x18000  }
0x28: {  	[sflag:s8] =	ssyncset.done $0x0  }
0x29: {  	s9 =	rddreg [dreg:$0x4];
	[sflag:s8] =	ssyncadd.s32 $0xFFFE8000  }
0x2a: {  	[tilespmem:s2], [sflag:$0x2] =	stream.linear.gather [hbm4b:s9+s2], $0x80, $0x38;
	[tilespmem:$0x18080] =	vst v63  }
0x2b: {  	_ =	swait.ge [sflag:s8], $0x80  }
0x2c: {  	[sflag:s8] =	ssyncset.done $0x0  }
0x2d: {  	[sflag:s8] =	ssyncadd.s32 $0xFFFFFF80  }
0x2e: {  	v3 =	vld [tilespmem:$0x0];
	_ =	sdelay $0x4  }
0x2f: {  	v4 =	vshrl.u32 v3, $0x3  }
0x30: {  	v4 =	vmul.u32 $0x30, v4  }
0x31: {  	v3 =	vand.u32 $0x7, v3  }
0x32: {  	v3 =	vor.u32 v3, v4  }
0x33: {  	v4 =	vperm.xlane v3, v0;
	_ =	sdelay $0x1  }
0x34: {  	v4 =	vadd.s32 v1, v4;
	_ =	sdelay $0x3  }
0x35: {  	v3 =	vperm.xlane v3, v2  }
0x36: {  	[hbm4b:s3+s2] =	stream.indirect_vreg.scatter [tilespmem:s7], [sflag:$0x1], $0x80, v4, vm0, $0xb8;
	[tilespmem:$0x18080] =	vst v63  }
0x37: {  	s0 =	rddreg [dreg:$0x5];
	v3 =	vadd.s32 v1, v3  }
0x38: {  	[hbm4b:s4+s2] =	stream.indirect_vreg.scatter [tilespmem:s0], [sflag:$0x1], $0x80, v4, vm0, $0xb8;
	[tilespmem:$0x18080] =	vst v63  }
0x39: {  	s9 =	rddreg [dreg:$0x6]  }
0x3a: {  	[hbm4b:s5+s2] =	stream.indirect_vreg.scatter [tilespmem:s9], [sflag:$0x1], $0x80, v4, vm0, $0xb8;
	[tilespmem:$0x18080] =	vst v63  }
0x3b: {  	s0 =	rddreg [dreg:$0x7]  }
0x3c: {  	[hbm4b:s3+s2] =	stream.indirect_vreg.scatter [tilespmem:s0], [sflag:$0x1], $0x80, v3, vm0, $0xb8;
	[tilespmem:$0x18080] =	vst v63  }
0x3d: {  	s9 =	rddreg [dreg:$0x8]  }
0x3e: {  	[hbm4b:s4+s2] =	stream.indirect_vreg.scatter [tilespmem:s9], [sflag:$0x1], $0x80, v3, vm0, $0xb8;
	[tilespmem:$0x18080] =	vst v63  }
0x3f: {  	s0 =	rddreg [dreg:$0x9]  }
0x40: {  	[hbm4b:s5+s2] =	stream.indirect_vreg.scatter [tilespmem:s0], [sflag:$0x1], $0x80, v3, vm0, $0xb8;
	[tilespmem:$0x18080] =	vst v63  }
0x41: {  	v3 =	vld [tilespmem:$0x10];
	_ =	sdelay $0x4  }
0x42: {  	v57 =	vshrl.u32 v3, $0x3  }
0x43: {  	v4 =	vmul.u32 $0x30, v57  }
0x44: {  	v3 =	vand.u32 $0x7, v3  }
0x45: {  	v3 =	vor.u32 v3, v4  }
0x46: {  	v4 =	vperm.xlane v3, v0;
	_ =	sdelay $0x1  }
0x47: {  	v4 =	vadd.s32 v1, v4;
	_ =	sdelay $0x3  }
0x48: {  	s0 =	rddreg [dreg:$0xa];
	v3 =	vperm.xlane v3, v2  }
0x49: {  	[hbm4b:s3+s2] =	stream.indirect_vreg.scatter [tilespmem:s0], [sflag:$0x1], $0x80, v4, vm0, $0xb8;
	[tilespmem:$0x18080] =	vst v63  }
0x4a: {  	s9 =	rddreg [dreg:$0xb];
	v3 =	vadd.s32 v1, v3  }
0x4b: {  	[hbm4b:s4+s2] =	stream.indirect_vreg.scatter [tilespmem:s9], [sflag:$0x1], $0x80, v4, vm0, $0xb8;
	[tilespmem:$0x18080] =	vst v63  }
0x4c: {  	s0 =	rddreg [dreg:$0xc]  }
0x4d: {  	[hbm4b:s5+s2] =	stream.indirect_vreg.scatter [tilespmem:s0], [sflag:$0x1], $0x80, v4, vm0, $0xb8;
	[tilespmem:$0x18080] =	vst v63  }
0x4e: {  	s9 =	rddreg [dreg:$0xd]  }
0x4f: {  	[hbm4b:s3+s2] =	stream.indirect_vreg.scatter [tilespmem:s9], [sflag:$0x1], $0x80, v3, vm0, $0xb8;
	[tilespmem:$0x18080] =	vst v63  }
0x50: {  	s0 =	rddreg [dreg:$0xe]  }
0x51: {  	[hbm4b:s4+s2] =	stream.indirect_vreg.scatter [tilespmem:s0], [sflag:$0x1], $0x80, v3, vm0, $0xb8;
	[tilespmem:$0x18080] =	vst v63  }
0x52: {  	s9 =	rddreg [dreg:$0xf]  }
0x53: {  	[hbm4b:s5+s2] =	stream.indirect_vreg.scatter [tilespmem:s9], [sflag:$0x1], $0x80, v3, vm0, $0xb8;
	[tilespmem:$0x18080] =	vst v63  }
0x54: {  	v3 =	vld [tilespmem:$0x20];
	_ =	sdelay $0x4  }
0x55: {  	v58 =	vshrl.u32 v3, $0x3  }
0x56: {  	v4 =	vmul.u32 $0x30, v58  }
0x57: {  	v3 =	vand.u32 $0x7, v3  }
0x58: {  	v3 =	vor.u32 v3, v4  }
0x59: {  	v4 =	vperm.xlane v3, v0;
	_ =	sdelay $0x1  }
0x5a: {  	v4 =	vadd.s32 v1, v4;
	_ =	sdelay $0x3  }
0x5b: {  	s0 =	rddreg [dreg:$0x10];
	v3 =	vperm.xlane v3, v2  }
0x5c: {  	[hbm4b:s3+s2] =	stream.indirect_vreg.scatter [tilespmem:s0], [sflag:$0x1], $0x80, v4, vm0, $0xb8;
	[tilespmem:$0x18080] =	vst v63  }
0x5d: {  	s9 =	rddreg [dreg:$0x11];
	v3 =	vadd.s32 v1, v3  }
0x5e: {  	[hbm4b:s4+s2] =	stream.indirect_vreg.scatter [tilespmem:s9], [sflag:$0x1], $0x80, v4, vm0, $0xb8;
	[tilespmem:$0x18080] =	vst v63  }
0x5f: {  	s0 =	rddreg [dreg:$0x12]  }
0x60: {  	[hbm4b:s5+s2] =	stream.indirect_vreg.scatter [tilespmem:s0], [sflag:$0x1], $0x80, v4, vm0, $0xb8;
	[tilespmem:$0x18080] =	vst v63  }
0x61: {  	s9 =	rddreg [dreg:$0x13]  }
0x62: {  	[hbm4b:s3+s2] =	stream.indirect_vreg.scatter [tilespmem:s9], [sflag:$0x1], $0x80, v3, vm0, $0xb8;
	[tilespmem:$0x18080] =	vst v63  }
0x63: {  	s0 =	rddreg [dreg:$0x14]  }
0x64: {  	[hbm4b:s4+s2] =	stream.indirect_vreg.scatter [tilespmem:s0], [sflag:$0x1], $0x80, v3, vm0, $0xb8;
	[tilespmem:$0x18080] =	vst v63  }
0x65: {  	s9 =	rddreg [dreg:$0x15]  }
0x66: {  	[hbm4b:s5+s2] =	stream.indirect_vreg.scatter [tilespmem:s9], [sflag:$0x1], $0x80, v3, vm0, $0xb8;
	[tilespmem:$0x18080] =	vst v63  }
0x67: {  	v3 =	vld [tilespmem:$0x30];
	_ =	sdelay $0x4  }
0x68: {  	v59 =	vshrl.u32 v3, $0x3  }
0x69: {  	v4 =	vmul.u32 $0x30, v59  }
0x6a: {  	v3 =	vand.u32 $0x7, v3  }
0x6b: {  	v3 =	vor.u32 v3, v4  }
0x6c: {  	v4 =	vperm.xlane v3, v0;
	_ =	sdelay $0x1  }
0x6d: {  	v4 =	vadd.s32 v1, v4;
	_ =	sdelay $0x3  }
0x6e: {  	s0 =	rddreg [dreg:$0x16];
	v3 =	vperm.xlane v3, v2  }
0x6f: {  	[hbm4b:s3+s2] =	stream.indirect_vreg.scatter [tilespmem:s0], [sflag:$0x1], $0x80, v4, vm0, $0xb8;
	[tilespmem:$0x18080] =	vst v63  }
0x70: {  	s9 =	rddreg [dreg:$0x17];
	v3 =	vadd.s32 v1, v3  }
0x71: {  	[hbm4b:s4+s2] =	stream.indirect_vreg.scatter [tilespmem:s9], [sflag:$0x1], $0x80, v4, vm0, $0xb8;
	[tilespmem:$0x18080] =	vst v63  }
0x72: {  	s0 =	rddreg [dreg:$0x18]  }
0x73: {  	[hbm4b:s5+s2] =	stream.indirect_vreg.scatter [tilespmem:s0], [sflag:$0x1], $0x80, v4, vm0, $0xb8;
	[tilespmem:$0x18080] =	vst v63  }
0x74: {  	s9 =	rddreg [dreg:$0x19]  }
0x75: {  	[hbm4b:s3+s2] =	stream.indirect_vreg.scatter [tilespmem:s9], [sflag:$0x1], $0x80, v3, vm0, $0xb8;
	[tilespmem:$0x18080] =	vst v63  }
0x76: {  	s0 =	rddreg [dreg:$0x1a]  }
0x77: {  	[hbm4b:s4+s2] =	stream.indirect_vreg.scatter [tilespmem:s0], [sflag:$0x1], $0x80, v3, vm0, $0xb8;
	[tilespmem:$0x18080] =	vst v63  }
0x78: {  	s9 =	rddreg [dreg:$0x1b]  }
0x79: {  	[hbm4b:s5+s2] =	stream.indirect_vreg.scatter [tilespmem:s9], [sflag:$0x1], $0x80, v3, vm0, $0xb8;
	[tilespmem:$0x18080] =	vst v63  }
0x7a: {  	v3 =	vld [tilespmem:$0x40];
	_ =	sdelay $0x4  }
0x7b: {  	v60 =	vshrl.u32 v3, $0x3  }
0x7c: {  	v4 =	vmul.u32 $0x30, v60  }
0x7d: {  	v3 =	vand.u32 $0x7, v3  }
0x7e: {  	v3 =	vor.u32 v3, v4  }
0x7f: {  	v4 =	vperm.xlane v3, v0;
	_ =	sdelay $0x1  }
0x80: {  	v4 =	vadd.s32 v1, v4;
	_ =	sdelay $0x3  }
0x81: {  	s0 =	rddreg [dreg:$0x1c];
	v3 =	vperm.xlane v3, v2  }
0x82: {  	[hbm4b:s3+s2] =	stream.indirect_vreg.scatter [tilespmem:s0], [sflag:$0x1], $0x80, v4, vm0, $0xb8;
	[tilespmem:$0x18080] =	vst v63  }
0x83: {  	s9 =	rddreg [dreg:$0x1d];
	v3 =	vadd.s32 v1, v3  }
0x84: {  	[hbm4b:s4+s2] =	stream.indirect_vreg.scatter [tilespmem:s9], [sflag:$0x1], $0x80, v4, vm0, $0xb8;
	[tilespmem:$0x18080] =	vst v63  }
0x85: {  	s9 =	simm.s32 $0xD080  }
0x86: {  	[hbm4b:s5+s2] =	stream.indirect_vreg.scatter [tilespmem:s9], [sflag:$0x1], $0x80, v4, vm0, $0xb8;
	[tilespmem:$0x18080] =	vst v63  }
0x87: {  	_ = 	snop  }
0x88: {  	[hbm4b:s3+s2] =	stream.indirect_vreg.scatter [tilespmem:s10], [sflag:$0x1], $0x80, v3, vm0, $0xb8;
	[tilespmem:$0x18080] =	vst v63  }
0x89: {  	_ = 	snop  }
0x8a: {  	[hbm4b:s4+s2] =	stream.indirect_vreg.scatter [tilespmem:s11], [sflag:$0x1], $0x80, v3, vm0, $0xb8;
	[tilespmem:$0x18080] =	vst v63  }
0x8b: {  	_ = 	snop  }
0x8c: {  	[hbm4b:s5+s2] =	stream.indirect_vreg.scatter [tilespmem:s12], [sflag:$0x1], $0x80, v3, vm0, $0xb8;
	[tilespmem:$0x18080] =	vst v63  }
0x8d: {  	v3 =	vld [tilespmem:$0x50];
	_ =	sdelay $0x4  }
0x8e: {  	v61 =	vshrl.u32 v3, $0x3  }
0x8f: {  	v4 =	vmul.u32 $0x30, v61  }
0x90: {  	v3 =	vand.u32 $0x7, v3  }
0x91: {  	v3 =	vor.u32 v3, v4  }
0x92: {  	v4 =	vperm.xlane v3, v0;
	_ =	sdelay $0x1  }
0x93: {  	v4 =	vadd.s32 v1, v4;
	_ =	sdelay $0x3  }
0x94: {  	v3 =	vperm.xlane v3, v2  }
0x95: {  	[hbm4b:s3+s2] =	stream.indirect_vreg.scatter [tilespmem:s13], [sflag:$0x1], $0x80, v4, vm0, $0xb8;
	[tilespmem:$0x18080] =	vst v63  }
0x96: {  	v3 =	vadd.s32 v1, v3  }
0x97: {  	[hbm4b:s4+s2] =	stream.indirect_vreg.scatter [tilespmem:s14], [sflag:$0x1], $0x80, v4, vm0, $0xb8;
	[tilespmem:$0x18080] =	vst v63  }
0x98: {  	_ = 	snop  }
0x99: {  	[hbm4b:s5+s2] =	stream.indirect_vreg.scatter [tilespmem:s15], [sflag:$0x1], $0x80, v4, vm0, $0xb8;
	[tilespmem:$0x18080] =	vst v63  }
0x9a: {  	_ = 	snop  }
0x9b: {  	[hbm4b:s3+s2] =	stream.indirect_vreg.scatter [tilespmem:s16], [sflag:$0x1], $0x80, v3, vm0, $0xb8;
	[tilespmem:$0x18080] =	vst v63  }
0x9c: {  	_ = 	snop  }
0x9d: {  	[hbm4b:s4+s2] =	stream.indirect_vreg.scatter [tilespmem:s17], [sflag:$0x1], $0x80, v3, vm0, $0xb8;
	[tilespmem:$0x18080] =	vst v63  }
0x9e: {  	_ = 	snop  }
0x9f: {  	[hbm4b:s5+s2] =	stream.indirect_vreg.scatter [tilespmem:s18], [sflag:$0x1], $0x80, v3, vm0, $0xb8;
	[tilespmem:$0x18080] =	vst v63  }
0xa0: {  	v3 =	vld [tilespmem:$0x60];
	_ =	sdelay $0x4  }
0xa1: {  	v62 =	vshrl.u32 v3, $0x3  }
0xa2: {  	v4 =	vmul.u32 $0x30, v62  }
0xa3: {  	v3 =	vand.u32 $0x7, v3  }
0xa4: {  	v3 =	vor.u32 v3, v4  }
0xa5: {  	v4 =	vperm.xlane v3, v0;
	_ =	sdelay $0x1  }
0xa6: {  	v4 =	vadd.s32 v1, v4;
	_ =	sdelay $0x3  }
0xa7: {  	v3 =	vperm.xlane v3, v2  }
0xa8: {  	[hbm4b:s3+s2] =	stream.indirect_vreg.scatter [tilespmem:s19], [sflag:$0x1], $0x80, v4, vm0, $0xb8;
	[tilespmem:$0x18080] =	vst v63  }
0xa9: {  	v3 =	vadd.s32 v1, v3  }
0xaa: {  	[hbm4b:s4+s2] =	stream.indirect_vreg.scatter [tilespmem:s20], [sflag:$0x1], $0x80, v4, vm0, $0xb8;
	[tilespmem:$0x18080] =	vst v63  }
0xab: {  	_ = 	snop  }
0xac: {  	[hbm4b:s5+s2] =	stream.indirect_vreg.scatter [tilespmem:s21], [sflag:$0x1], $0x80, v4, vm0, $0xb8;
	[tilespmem:$0x18080] =	vst v63  }
0xad: {  	_ = 	snop  }
0xae: {  	[hbm4b:s3+s2] =	stream.indirect_vreg.scatter [tilespmem:s22], [sflag:$0x1], $0x80, v3, vm0, $0xb8;
	[tilespmem:$0x18080] =	vst v63  }
0xaf: {  	_ = 	snop  }
0xb0: {  	[hbm4b:s4+s2] =	stream.indirect_vreg.scatter [tilespmem:s23], [sflag:$0x1], $0x80, v3, vm0, $0xb8;
	[tilespmem:$0x18080] =	vst v63  }
0xb1: {  	_ = 	snop  }
0xb2: {  	[hbm4b:s5+s2] =	stream.indirect_vreg.scatter [tilespmem:s24], [sflag:$0x1], $0x80, v3, vm0, $0xb8;
	[tilespmem:$0x18080] =	vst v63  }
0xb3: {  	v3 =	vld [tilespmem:$0x70];
	_ =	sdelay $0x4  }
0xb4: {  	v63 =	vshrl.u32 v3, $0x3  }
0xb5: {  	v4 =	vmul.u32 $0x30, v63  }
0xb6: {  	v3 =	vand.u32 $0x7, v3  }
0xb7: {  	v3 =	vor.u32 v3, v4  }
0xb8: {  	v4 =	vperm.xlane v3, v0;
	_ =	sdelay $0x1  }
0xb9: {  	v4 =	vadd.s32 v1, v4;
	_ =	sdelay $0x3  }
0xba: {  	v3 =	vperm.xlane v3, v2  }
0xbb: {  	[hbm4b:s3+s2] =	stream.indirect_vreg.scatter [tilespmem:s25], [sflag:$0x1], $0x80, v4, vm0, $0xb8;
	[tilespmem:$0x18080] =	vst v63  }
0xbc: {  	v3 =	vadd.s32 v1, v3  }
0xbd: {  	[hbm4b:s4+s2] =	stream.indirect_vreg.scatter [tilespmem:s26], [sflag:$0x1], $0x80, v4, vm0, $0xb8;
	[tilespmem:$0x18080] =	vst v63  }
0xbe: {  	_ = 	snop  }
0xbf: {  	[hbm4b:s5+s2] =	stream.indirect_vreg.scatter [tilespmem:s28], [sflag:$0x1], $0x80, v4, vm0, $0xb8;
	[tilespmem:$0x18080] =	vst v63  }
0xc0: {  	_ = 	snop  }
0xc1: {  	[hbm4b:s3+s2] =	stream.indirect_vreg.scatter [tilespmem:s29], [sflag:$0x1], $0x80, v3, vm0, $0xb8;
	[tilespmem:$0x18080] =	vst v63  }
0xc2: {  	p0 =	sne.s32 s6, $0x1  }
0xc3: {  	[hbm4b:s4+s2] =	stream.indirect_vreg.scatter [tilespmem:s30], [sflag:$0x1], $0x80, v3, vm0, $0xb8;
	[tilespmem:$0x18080] =	vst v63  }
.Ltmp0:
0xc4: {  	_ = 	snop;
	(pc) =	sbr.rel @p0 .LBB2_1-.Ltmp0, $4  }
0xc5: {  	[hbm4b:s5+s2] =	stream.indirect_vreg.scatter [tilespmem:s31], [sflag:$0x1], $0x80, v3, vm0, $0xb8;
	[tilespmem:$0x18080] =	vst v63  }
0xc6: {  	_ =	swait.ge [sflag:s1], $0x18000  }
0xc7: {  	[sflag:s1] =	ssyncset.done $0x0  }
0xc8: {  	s6 =	sadd.s32 $0xFFFFFFFF, s6;
	[sflag:s1] =	ssyncadd.s32 $0xFFFE8000  }
0xc9: {  	_ =	sfence.sel $0x180000  }
0xca: {  	[bflag:$0x0] =	sbarrier.arrive $0xFFFF  }
0xcb: {  	_ =	strace $0x90000047  }
0xcc: {  	s0 =	stileid.u32;
	[bflag:$0x2] =	sbarrier.arrive $0xFFFF  }
0xcd: {  	p0 =	sne.s32 s0, $0x0;
	s0 =	rddreg [dreg:$0x2]  }
0xce: {  	s0 =	sadd.s32 @!p0 $0x100000, s0  }
0xcf: {  	[sflag:s0] =	ssyncadd.tile.s32 @!p0 $0x1;
	_ =	shalt  }
.Lfunc_end2:
_tile_overlayer_lowered:
.L_overlay_start_2:
0xd0: {  	(tag) =	ssettag $0x2  }
0xd1: {  	s0 =	rddreg [dreg:$0x0];
	s2 =	stileid.u32  }
0xd2: {  	s1 =	rddreg [dreg:$0x1];
	p0 =	sne.s32 s2, $0x0  }
0xd3: {  	s3 =	rddreg [dreg:$0x2];
	[bflag:$0x3] =	sbarrier.arrive $0xFFFF;
	s2 =	simm.s32 @!p0 $0x1C02  }
0xd4: {  	[timem:s3], [sflag:s2] =	dma.local @!p0 [hbm:s0], s1  }
0xd5: {  	s0 =	simm.s32 @!p0 $0x2  }
0xd6: {  	_ =	swait.ge @!p0 [sflag:s0], s1  }
0xd7: {  	s1 =	ssub.s32 @!p0 $0x0, s1;
	[sflag:s0] =	ssyncset.done @!p0 $0x0  }
0xd8: {  	[sflag:s0] =	ssyncadd.s32 @!p0 s1  }
0xd9: {  	[bflag:$0x3] =	sbarrier.arrive $0xFFFF  }
0xda: {  	_ =	shalt  }

// kernel: kernel.17.cloned.1.call-start
scs
__scs_entry_jumppad:
0x0: {  	(pc) =	sbr.rel $0x88, $3  }
0x1: {  	(tag) =	ssettag $0x0;
	lr =	simm.s32 $0x1  }
0x2: {  	[smem:$0x3F9C] =	sst lr;
	_ =	strace $0xD0000000  }
0x3: {  	_ = 	snop  }
0x4: {  	_ = 	snop  }
0x5: {  	_ = 	snop  }
0x6: {  	_ = 	snop  }
0x7: {  	_ = 	snop  }
__scs_overlays_trampoline_lowered:
0x8: {  	[smem:$0x3FAB] =	sst s0  }
0x9: {  	[smem:$0x3FAC] =	sst s1  }
0xa: {  	[smem:$0x3FAD] =	sst s2  }
0xb: {  	[smem:$0x3FAE] =	sst s3  }
0xc: {  	[smem:$0x3FAF] =	sst s4  }
0xd: {  	[smem:$0x3FB0] =	sst s5  }
0xe: {  	[smem:$0x3FB1] =	sst s6  }
0xf: {  	[smem:$0x3FB2] =	sst s7  }
0x10: {  	[smem:$0x3FB3] =	sst s8  }
0x11: {  	[smem:$0x3FB4] =	sst s9;
	s0 =	simm.s32 @!p0 $0x0  }
0x12: {  	s1 =	sld [smem:$0x3F9A];
	s0 =	simm.s32 @p0 $0x1  }
0x13: {  	[smem:$0x3FB5] =	sst s0;
	s0 =	simm.s32 @!p1 $0x0  }
0x14: {  	s2 =	sld [smem:$0x3F99];
	s0 =	simm.s32 @p1 $0x1  }
0x15: {  	[smem:$0x3FB6] =	sst s0;
	s0 =	simm.s32 @!p2 $0x0  }
0x16: {  	s3 =	sld [smem:$0x3FDB];
	s0 =	simm.s32 @p2 $0x1  }
0x17: {  	s4 =	simm.s32 $0x1BF5;
	[smem:$0x3FB8] =	sst s0  }
0x18: {  	s0 =	sld [smem:$0x3F9B];
	_ =	swait.ge [sflag:s4], $0x0  }
0x19: {  	s7 =	sld [smem:$0x3F9C]  }
0x1a: {  	s8 =	sadd.s32 $0xFFFFE003, lr  }
0x1b: {  	s9 =	sadd.s32 $0xFFFFFEF7, lr;
	s5 =	simm.s32 $0xFFFFFFFF;
	p2 =	slt.u32 s8, $0xFFFFF086  }
0x1c: {  	p1 =	slt.u32 s9, $0xF7A;
	s5 =	simm.s32 @!p2 $0x0  }
0x1d: {  	s5 =	simm.s32 @p1 $0x1;
	p0 =	seq.s32 s7, s2  }
0x1e: {  	s7 =	smul.u32 @!p0 $0xF7A, s2;
	p2 =	seq.s32 @!p0 s5, $0x0  }
0x1f: {  	s9 =	smul.u32 $0xF7A, s1;
	s8 =	simm.s32 @!p0 $0x1BF5;
	p2 =	por !p2, p0  }
0x20: {  	[sflag:s8] =	ssyncset.s32 @!p0 $0xFFFFF086;
	s6 =	sadd.s32 @!p0 s3, s7;
	s7 =	simm.s32 @!p0 $0x108  }
0x21: {  	s3 =	sadd.s32 s3, s9;
	s6 =	sadd.s32 @!p0 $0x88, s6;
	s7 =	simm.s32 @p2 $0x1082  }
0x22: {  	[simem:s7], [sflag:s8] =	dma.local @!p0 [hbm:s6], $0xF7A  }
0x23: {  	s9 =	sor.u32 $0xD0000000, s2;
	s6 =	simm.s32 $0x108;
	_ =	swait.ge @!p0 [sflag:s8], $0x0  }
0x24: {  	s3 =	sadd.s32 $0x88, s3;
	s6 =	simm.s32 @!p1 $0x1082;
	[sflag:s4] =	ssyncset.s32 $0xFFFFF086  }
0x25: {  	[simem:s6], [sflag:s4] =	dma.local [hbm:s3], $0xF7A  }
0x26: {  	[smem:$0x3F9C] =	sst s1;
	(tag) =	ssettag s2;
	_ =	strace s9  }
0x27: {  	s1 =	sld [smem:$0x3FAC]  }
0x28: {  	s2 =	sld [smem:$0x3FAD]  }
0x29: {  	s4 =	sld [smem:$0x3FAF]  }
0x2a: {  	p0 =	seq.s32 s5, $0x0;
	s5 =	sld [smem:$0x3FB0]  }
0x2b: {  	s6 =	sld [smem:$0x3FB1]  }
0x2c: {  	s7 =	sld [smem:$0x3FB2]  }
0x2d: {  	s3 =	simm.s32 $0x108;
	s8 =	sld [smem:$0x3FB3]  }
0x2e: {  	s3 =	simm.s32 @!p0 $0x1082;
	s9 =	sld [smem:$0x3FB4]  }
0x2f: {  	lr =	sadd.s32 s0, s3;
	s0 =	sld [smem:$0x3FAB]  }
0x30: {  	s3 =	sld [smem:$0x3FAE]  }
0x31: {  	[smem:$0x3FB7] =	sst s10  }
0x32: {  	s10 =	sld [smem:$0x3FB5];
	_ =	sdelay $0x3  }
0x33: {  	p0 =	seq.s32 s10, $0x1;
	s10 =	sld [smem:$0x3FB7];
	_ =	sdelay $0x3  }
0x34: {  	[smem:$0x3FB7] =	sst s10  }
0x35: {  	s10 =	sld [smem:$0x3FB6];
	_ =	sdelay $0x3  }
0x36: {  	p1 =	seq.s32 s10, $0x1;
	s10 =	sld [smem:$0x3FB7];
	_ =	sdelay $0x3  }
0x37: {  	[smem:$0x3FB7] =	sst s10  }
0x38: {  	s10 =	sld [smem:$0x3FB8]  }
0x39: {  	_ = 	snop;
	(pc) =	sbr.ind lr, $3  }
0x3a: {  	_ = 	snop  }
0x3b: {  	_ = 	snop  }
0x3c: {  	p2 =	seq.s32 s10, $0x1;
	s10 =	sld [smem:$0x3FB7]  }
0x3d: {  	_ =	shalt  }
0x3e: {  	_ =	shalt  }
0x3f: {  	_ =	shalt  }
0x40: {  	_ =	shalt  }
0x41: {  	_ =	shalt  }
0x42: {  	_ =	shalt  }
0x43: {  	_ =	shalt  }
0x44: {  	_ =	shalt  }
0x45: {  	_ =	shalt  }
0x46: {  	_ =	shalt  }
0x47: {  	_ =	shalt  }
0x48: {  	_ =	shalt  }
0x49: {  	_ =	shalt  }
0x4a: {  	_ =	shalt  }
0x4b: {  	_ =	shalt  }
0x4c: {  	_ =	shalt  }
0x4d: {  	_ =	shalt  }
0x4e: {  	_ =	shalt  }
0x4f: {  	_ =	shalt  }
0x50: {  	_ =	shalt  }
0x51: {  	_ =	shalt  }
0x52: {  	_ =	shalt  }
0x53: {  	_ =	shalt  }
0x54: {  	_ =	shalt  }
0x55: {  	_ =	shalt  }
0x56: {  	_ =	shalt  }
0x57: {  	_ =	shalt  }
0x58: {  	_ =	shalt  }
0x59: {  	_ =	shalt  }
0x5a: {  	_ =	shalt  }
0x5b: {  	_ =	shalt  }
0x5c: {  	_ =	shalt  }
0x5d: {  	_ =	shalt  }
0x5e: {  	_ =	shalt  }
0x5f: {  	_ =	shalt  }
0x60: {  	_ =	shalt  }
0x61: {  	_ =	shalt  }
0x62: {  	_ =	shalt  }
0x63: {  	_ =	shalt  }
0x64: {  	_ =	shalt  }
0x65: {  	_ =	shalt  }
0x66: {  	_ =	shalt  }
0x67: {  	_ =	shalt  }
0x68: {  	_ =	shalt  }
0x69: {  	_ =	shalt  }
0x6a: {  	_ =	shalt  }
0x6b: {  	_ =	shalt  }
0x6c: {  	_ =	shalt  }
0x6d: {  	_ =	shalt  }
0x6e: {  	_ =	shalt  }
0x6f: {  	_ =	shalt  }
0x70: {  	_ =	shalt  }
0x71: {  	_ =	shalt  }
0x72: {  	_ =	shalt  }
0x73: {  	_ =	shalt  }
0x74: {  	_ =	shalt  }
0x75: {  	_ =	shalt  }
0x76: {  	_ =	shalt  }
0x77: {  	_ =	shalt  }
0x78: {  	_ =	shalt  }
0x79: {  	_ =	shalt  }
0x7a: {  	_ =	shalt  }
0x7b: {  	_ =	shalt  }
0x7c: {  	_ =	shalt  }
0x7d: {  	_ =	shalt  }
0x7e: {  	_ =	shalt  }
0x7f: {  	_ =	shalt  }
0x80: {  	_ =	shalt  }
0x81: {  	_ =	shalt  }
0x82: {  	_ =	shalt  }
0x83: {  	_ =	shalt  }
0x84: {  	_ =	shalt  }
0x85: {  	_ =	shalt  }
0x86: {  	_ =	shalt  }
0x87: {  	_ =	shalt  }
.Lfunc_end0:
.L_simem_size_0:
called_computation.1_lowered:
.L_overlay_start_0:
0x88: {  	s2 =	sld [smem:$0x3FD9]  }
0x89: {  	s3 =	sld [smem:$0x3FFE];
	_ =	sdelay $0x1  }
0x8a: {  	s1 =	srdreg.scid  }
0x8b: {  	s0 =	sand.u32 $0x1, s1  }
0x8c: {  	s17 =	sshll.u32 s0, $0xA;
	s2 =	sadd.s32 s3, s2  }
0x8d: {  	s2 =	sadd.s32 s2, s17  }
0x8e: {  	[smem:$0x3FC3] =	sst s2  }
0x8f: {  	_ = 	snop  }
0x90: {  	s2 =	sld [smem:$0x3FD0];
	(tm) =	ssettm $0x1  }
0x91: {  	s18 =	sld [smem:$0x3FFB];
	_ =	sdelay $0x3  }
0x92: {  	_ =	strace s18  }
0x93: {  	s3 =	sld [smem:$0x3FFC];
	_ =	sdelay $0x3  }
0x94: {  	_ =	strace s3  }
0x95: {  	s3 =	sld [smem:$0x3FFD];
	_ =	sdelay $0x3  }
0x96: {  	_ =	strace s3  }
0x97: {  	_ =	strace $0x8FFFFFFF  }
0x98: {  	s19 =	sld [smem:$0x3FDB];
	_ =	sdelay $0x1  }
0x99: {  	s4 =	simm.s32 $_scs_section_size  }
0x9a: {  	s5 =	simm.s32 $_size__tile_overlayer_lowered;
	s6 =	simm.s32 $_tile_overlayer_lowered  }
0x9b: {  	s22 =	simm.s32 $0x1BFF;
	s21 =	sshll.u32 s6, $0x1;
	s3 =	sadd.s32 s4, s19  }
0x9c: {  	s7 =	simm.s32 $0x0;
	s20 =	sshll.u32 s5, $0x1;
	s5 =	sadd.s32 s21, s3  }
0x9d: {  	[timem:s7], [sflag:s22] =	dma.local [hbm:s5], s20  }
0x9e: {  	_ =	swait.ge [sflag:s22], s20  }
0x9f: {  	s4 =	ssub.s32 $0x0, s20;
	[sflag:s22] =	ssyncset.done $0x0  }
0xa0: {  	[sflag:s22] =	ssyncadd.s32 s4;
	_ =	sdelay $0x1  }
0xa1: {  	s23 =	simm.s32 $0x1B8B  }
0xa2: {  	_ =	swait.ge [sflag:s23], $0x1  }
0xa3: {  	[sflag:s23] =	ssyncset.done $0x0  }
0xa4: {  	s25 =	simm.s32 $0x1B8E;
	s24 =	sld [smem:$0x3FFE];
	[sflag:s23] =	ssyncadd.s32 $0xFFFFFFFF  }
0xa5: {  	s26 =	simm.s32 $execute0_lowered;
	[smem:$0x3FD2] =	sst s25  }
0xa6: {  	s5 =	sshll.u32 s26, $0x1;
	_ =	strace $0x80000049;
	[dreg:$0x1] =	wrdreg $0xFFFFFFFF  }
0xa7: {  	s28 =	simm.s32 $_size_execute0_lowered;
	s3 =	sadd.s32 s3, s5;
	[dreg:$0x0] =	wrdreg $0x0  }
0xa8: {  	s5 =	sshll.u32 s28, $0x1;
	[dreg:$0x2] =	wrdreg s3  }
0xa9: {  	[dreg:$0x3] =	wrdreg s5  }
0xaa: {  	[dreg:$0x4] =	wrdreg $0xC0  }
0xab: {  	_ =	task [dreg:s7], $0x5FFFF  }
0xac: {  	[dreg:$0x1] =	wrdreg $0xFFFFFFFF  }
0xad: {  	[dreg:$0x0] =	wrdreg $0x60  }
0xae: {  	[dreg:$0x2] =	wrdreg s24  }
0xaf: {  	[dreg:$0x3] =	wrdreg s2  }
0xb0: {  	[dreg:$0x4] =	wrdreg $0x9  }
0xb1: {  	_ =	task.clear_ibuf [dreg:s7], $0x5FFFF;
	_ =	strace $0x90000049  }
0xb2: {  	s29 =	simm.s32 $0x9;
	_ =	strace $0x8000004B  }
0xb3: {  	_ =	swait.ge [sflag:s29], $0x1  }
0xb4: {  	[sflag:s29] =	ssyncadd.s32 $0xFFFFFFFF  }
0xb5: {  	_ =	strace $0x9000004B  }
0xb6: {  	_ =	sfence  }
0xb7: {  	s30 =	sld [smem:$0x0];
	_ =	sdelay $0x2  }
0xb8: {  	s31 =	sshll.u32 s1, $0xD;
	s1 =	sshrl.u32 s1, $0x2  }
0xb9: {  	s3 =	sand.u32 $0x4000, s31;
	s1 =	sadd.s32 s1, s30  }
0xba: {  	s0 =	sor.u32 s3, s0;
	s1 =	sshll.u32 s1, $0x11  }
0xbb: {  	s0 =	sor.u32 s1, s0  }
0xbc: {  	s0 =	sadd.s32 $0x8F2B, s0  }
0xbd: {  	[sflag:s0] =	ssyncadd.remote.s32 $0x1  }
0xbe: {  	_ =	sfence.sel $0xFFFF  }
0xbf: {  	[dreg:$0x0] =	wrdreg $0xFFFFFFFF;
	(pc) =	sbr.abs _section_cstart, $3  }
0xc0: {  	[dreg:$0x1] =	wrdreg $0xFFFFFFFF  }
0xc1: {  	_ =	task.clear_ibuf [dreg:s7], $0x2FFFF;
	_ =	strace $0x9FFFFFFF  }
0xc2: {  	(tm) =	ssettm $0x7FFFFFFF  }
0xc3: {  	_ =	shalt  }
tec
execute0_lowered:
.L_overlay_start_1:
0x0: {  	(tag) =	ssettag $0x1  }
0x1: {  	s2 =	srdreg.scid;
	s1 =	rddreg [dreg:$0x0]  }
0x2: {  	s3 =	rddreg [dreg:$0x1];
	s4 =	sand.u32 $0x1, s2;
	s2 =	simm.s32 $0x0  }
0x3: {  	s23 =	simm.s32 $0x80;
	[smem:$0x7FF] =	sst s2  }
0x4: {  	s24 =	simm.s32 $0x900;
	_ =	strace $0x8000004A;
	[dreg:$0x7] =	wrdreg s23  }
0x5: {  	s25 =	simm.s32 $0x1100;
	[dreg:$0x8] =	wrdreg s24  }
0x6: {  	s0 =	stileid.u32;
	s26 =	simm.s32 $0x1900;
	[dreg:$0x9] =	wrdreg s25  }
0x7: {  	s5 =	sshll.u32 s0, $0x4;
	s0 =	simm.s32 $0x2100;
	[dreg:$0xa] =	wrdreg s26  }
0x8: {  	s8 =	simm.s32 $0x4100;
	[dreg:$0xb] =	wrdreg s0  }
0x9: {  	s9 =	simm.s32 $0x4900;
	[dreg:$0xf] =	wrdreg s8  }
0xa: {  	s10 =	simm.s32 $0x5100;
	[dreg:$0x10] =	wrdreg s9  }
0xb: {  	s11 =	simm.s32 $0x5900;
	[dreg:$0x11] =	wrdreg s10  }
0xc: {  	s12 =	simm.s32 $0x6100;
	[dreg:$0x12] =	wrdreg s11  }
0xd: {  	s13 =	simm.s32 $0x6900;
	[dreg:$0x13] =	wrdreg s12  }
0xe: {  	s14 =	simm.s32 $0x7100;
	s15 =	simm.s32 $0x7900;
	[dreg:$0x14] =	wrdreg s13  }
0xf: {  	s16 =	simm.s32 $0x8100;
	s17 =	simm.s32 $0x8900;
	[dreg:$0x15] =	wrdreg s14  }
0x10: {  	s18 =	simm.s32 $0x9100;
	s20 =	simm.s32 $0x9900;
	[dreg:$0x16] =	wrdreg s15  }
0x11: {  	s28 =	simm.s32 $0x15900;
	s29 =	simm.s32 $0x16100;
	[dreg:$0x17] =	wrdreg s16  }
0x12: {  	s30 =	simm.s32 $0x16900;
	s31 =	simm.s32 $0x17100;
	[dreg:$0x18] =	wrdreg s17  }
0x13: {  	s6 =	sshll.u32 s4, $0x3;
	s4 =	ssub.s32 $0x2, s4;
	[dreg:$0x19] =	wrdreg s18  }
0x14: {  	s5 =	sor.u32 s6, s5;
	s19 =	sshrl.u32 s4, $0x1;
	[dreg:$0x1a] =	wrdreg s20  }
0x15: {  	s23 =	simm.s32 $0xB100;
	s24 =	simm.s32 $0xB900;
	s25 =	simm.s32 $0xC900  }
0x16: {  	s8 =	simm.s32 $0x100;
	s26 =	simm.s32 $0xD100;
	s9 =	simm.s32 $0x1  }
0x17: {  	s10 =	simm.s32 $0xC100;
	s12 =	simm.s32 $0xE100;
	s13 =	simm.s32 $0xE900  }
0x18: {  	s14 =	simm.s32 $0xF100;
	s15 =	simm.s32 $0xF900;
	[dreg:$0x1d] =	wrdreg s23  }
0x19: {  	s16 =	simm.s32 $0x10100;
	s17 =	simm.s32 $0x10900;
	[dreg:$0x1e] =	wrdreg s24  }
0x1a: {  	s18 =	simm.s32 $0x11100;
	s6 =	sadd.s32 s5, s1;
	[dreg:$0x1f] =	wrdreg s25  }
0x1b: {  	s5 =	smul.u32 $0x300, s5;
	[smem:$0x7FD] =	sst s26;
	s7 =	sadd.s32 $0x12000, s6  }
0x1c: {  	s20 =	simm.s32 $0x12100;
	s6 =	sadd.s32 $0x12100, s6;
	[dreg:$0x3] =	wrdreg s7  }
0x1d: {  	s23 =	simm.s32 $0x13900;
	[dreg:$0x4] =	wrdreg s6;
	s3 =	sadd.s32 s3, s5  }
0x1e: {  	s21 =	sadd.s32 s5, s1;
	s5 =	simm.s32 $0x2900;
	[dreg:$0x5] =	wrdreg s3  }
0x1f: {  	s24 =	simm.s32 $0x14100;
	s6 =	simm.s32 $0x3100;
	[dreg:$0xc] =	wrdreg s5  }
0x20: {  	s25 =	simm.s32 $0x14900;
	s7 =	simm.s32 $0x3900;
	[dreg:$0xd] =	wrdreg s6  }
0x21: {  	s26 =	simm.s32 $0x15100;
	s22 =	sadd.s32 $0x8A200, s21;
	[dreg:$0xe] =	wrdreg s7  }
0x22: {  	s3 =	sadd.s32 $0x12200, s1;
	s6 =	ssub.s32 s4, s19;
	s21 =	simm.s32 $0xA100  }
0x23: {  	s4 =	sadd.s32 $0x12300, s1;
	s5 =	sadd.s32 $0x12400, s1;
	s7 =	simm.s32 $0x2  }
0x24: {  	v2 =	vlaneseq.u32;
	s19 =	simm.s32 $0x11900;
	s1 =	simm.s32 $0x17900;
	[dreg:$0x6] =	wrdreg s22  }
0x25: {  	vm0 =	vmmov $0xffff;
	v1 =	vshrl.u32 v2, $0x3;
	[dreg:$0x1b] =	wrdreg s21;
	s22 =	simm.s32 $0xA900;
	s6 =	smax.u32 s6, $0x1  }
0x26: {  	v0 =	vand.u32 $0x7, v2;
	v2 =	vor.u32 $0x8, v2;
	v1 =	vmul.u32 $0x8, v1;
	s21 =	simm.s32 $0x12900;
	[dreg:$0x1c] =	wrdreg s22;
	s22 =	simm.s32 $0x13100  }
.LBB2_1:
0x27: {  	s0 =	rddreg [dreg:$0x3]  }
0x28: {  	[tilespmem:s2], [sflag:$0x2] =	stream.linear.gather [hbm4b:s0+s2], $0x40, $0x38;
	[tilespmem:$0x18100] =	vst v63  }
0x29: {  	_ =	swait.ge [sflag:s7], $0x40  }
0x2a: {  	s0 =	rddreg [dreg:$0x4];
	[sflag:s7] =	ssyncset.done $0x0  }
0x2b: {  	s11 =	rddreg [dreg:$0x7];
	[sflag:s7] =	ssyncadd.s32 $0xFFFFFFC0  }
0x2c: {  	[tilespmem:s11], [sflag:$0x2] =	stream.linear.gather [hbm4b:s0+s2], $0x40, $0x38;
	[tilespmem:$0x18100] =	vst v63  }
0x2d: {  	_ =	swait.ge [sflag:s7], $0x40  }
0x2e: {  	[sflag:s7] =	ssyncset.done $0x0  }
0x2f: {  	[sflag:s7] =	ssyncadd.s32 $0xFFFFFFC0  }
0x30: {  	v3 =	vld [tilespmem:$0x0];
	_ =	sdelay $0x4  }
0x31: {  	v4 =	vshrl.u32 v3, $0x3  }
0x32: {  	v4 =	vmul.u32 $0x30, v4  }
0x33: {  	v3 =	vand.u32 $0x7, v3  }
0x34: {  	v3 =	vor.u32 v3, v4  }
0x35: {  	v4 =	vperm.xlane v3, v0;
	_ =	sdelay $0x1  }
0x36: {  	v4 =	vadd.s32 v1, v4;
	_ =	sdelay $0x3  }
0x37: {  	v3 =	vperm.xlane v3, v2  }
0x38: {  	[tilespmem:s8], [sflag:$0x1] =	stream.indirect_vreg.gather [hbm4b:s3+s2], $0x80, v4, vm0, $0xb8;
	[tilespmem:$0x18100] =	vst v63  }
0x39: {  	s0 =	rddreg [dreg:$0x8];
	v3 =	vadd.s32 v1, v3  }
0x3a: {  	[tilespmem:s0], [sflag:$0x1] =	stream.indirect_vreg.gather [hbm4b:s4+s2], $0x80, v4, vm0, $0xb8;
	[tilespmem:$0x18100] =	vst v63  }
0x3b: {  	s11 =	rddreg [dreg:$0x9]  }
0x3c: {  	[tilespmem:s11], [sflag:$0x1] =	stream.indirect_vreg.gather [hbm4b:s5+s2], $0x80, v4, vm0, $0xb8;
	[tilespmem:$0x18100] =	vst v63  }
0x3d: {  	s0 =	rddreg [dreg:$0xa]  }
0x3e: {  	[tilespmem:s0], [sflag:$0x1] =	stream.indirect_vreg.gather [hbm4b:s3+s2], $0x80, v3, vm0, $0xb8;
	[tilespmem:$0x18100] =	vst v63  }
0x3f: {  	s11 =	rddreg [dreg:$0xb]  }
0x40: {  	[tilespmem:s11], [sflag:$0x1] =	stream.indirect_vreg.gather [hbm4b:s4+s2], $0x80, v3, vm0, $0xb8;
	[tilespmem:$0x18100] =	vst v63  }
0x41: {  	s0 =	rddreg [dreg:$0xc]  }
0x42: {  	[tilespmem:s0], [sflag:$0x1] =	stream.indirect_vreg.gather [hbm4b:s5+s2], $0x80, v3, vm0, $0xb8;
	[tilespmem:$0x18100] =	vst v63  }
0x43: {  	v3 =	vld [tilespmem:$0x10];
	_ =	sdelay $0x4  }
0x44: {  	v57 =	vshrl.u32 v3, $0x3  }
0x45: {  	v4 =	vmul.u32 $0x30, v57  }
0x46: {  	v3 =	vand.u32 $0x7, v3  }
0x47: {  	v3 =	vor.u32 v3, v4  }
0x48: {  	v4 =	vperm.xlane v3, v0;
	_ =	sdelay $0x1  }
0x49: {  	v4 =	vadd.s32 v1, v4;
	_ =	sdelay $0x3  }
0x4a: {  	s0 =	rddreg [dreg:$0xd];
	v3 =	vperm.xlane v3, v2  }
0x4b: {  	[tilespmem:s0], [sflag:$0x1] =	stream.indirect_vreg.gather [hbm4b:s3+s2], $0x80, v4, vm0, $0xb8;
	[tilespmem:$0x18100] =	vst v63  }
0x4c: {  	s11 =	rddreg [dreg:$0xe];
	v3 =	vadd.s32 v1, v3  }
0x4d: {  	[tilespmem:s11], [sflag:$0x1] =	stream.indirect_vreg.gather [hbm4b:s4+s2], $0x80, v4, vm0, $0xb8;
	[tilespmem:$0x18100] =	vst v63  }
0x4e: {  	s0 =	rddreg [dreg:$0xf]  }
0x4f: {  	[tilespmem:s0], [sflag:$0x1] =	stream.indirect_vreg.gather [hbm4b:s5+s2], $0x80, v4, vm0, $0xb8;
	[tilespmem:$0x18100] =	vst v63  }
0x50: {  	s11 =	rddreg [dreg:$0x10]  }
0x51: {  	[tilespmem:s11], [sflag:$0x1] =	stream.indirect_vreg.gather [hbm4b:s3+s2], $0x80, v3, vm0, $0xb8;
	[tilespmem:$0x18100] =	vst v63  }
0x52: {  	s0 =	rddreg [dreg:$0x11]  }
0x53: {  	[tilespmem:s0], [sflag:$0x1] =	stream.indirect_vreg.gather [hbm4b:s4+s2], $0x80, v3, vm0, $0xb8;
	[tilespmem:$0x18100] =	vst v63  }
0x54: {  	s11 =	rddreg [dreg:$0x12]  }
0x55: {  	[tilespmem:s11], [sflag:$0x1] =	stream.indirect_vreg.gather [hbm4b:s5+s2], $0x80, v3, vm0, $0xb8;
	[tilespmem:$0x18100] =	vst v63  }
0x56: {  	v3 =	vld [tilespmem:$0x20];
	_ =	sdelay $0x4  }
0x57: {  	v58 =	vshrl.u32 v3, $0x3  }
0x58: {  	v4 =	vmul.u32 $0x30, v58  }
0x59: {  	v3 =	vand.u32 $0x7, v3  }
0x5a: {  	v3 =	vor.u32 v3, v4  }
0x5b: {  	v4 =	vperm.xlane v3, v0;
	_ =	sdelay $0x1  }
0x5c: {  	v4 =	vadd.s32 v1, v4;
	_ =	sdelay $0x3  }
0x5d: {  	s0 =	rddreg [dreg:$0x13];
	v3 =	vperm.xlane v3, v2  }
0x5e: {  	[tilespmem:s0], [sflag:$0x1] =	stream.indirect_vreg.gather [hbm4b:s3+s2], $0x80, v4, vm0, $0xb8;
	[tilespmem:$0x18100] =	vst v63  }
0x5f: {  	s11 =	rddreg [dreg:$0x14];
	v3 =	vadd.s32 v1, v3  }
0x60: {  	[tilespmem:s11], [sflag:$0x1] =	stream.indirect_vreg.gather [hbm4b:s4+s2], $0x80, v4, vm0, $0xb8;
	[tilespmem:$0x18100] =	vst v63  }
0x61: {  	s0 =	rddreg [dreg:$0x15]  }
0x62: {  	[tilespmem:s0], [sflag:$0x1] =	stream.indirect_vreg.gather [hbm4b:s5+s2], $0x80, v4, vm0, $0xb8;
	[tilespmem:$0x18100] =	vst v63  }
0x63: {  	s11 =	rddreg [dreg:$0x16]  }
0x64: {  	[tilespmem:s11], [sflag:$0x1] =	stream.indirect_vreg.gather [hbm4b:s3+s2], $0x80, v3, vm0, $0xb8;
	[tilespmem:$0x18100] =	vst v63  }
0x65: {  	s0 =	rddreg [dreg:$0x17]  }
0x66: {  	[tilespmem:s0], [sflag:$0x1] =	stream.indirect_vreg.gather [hbm4b:s4+s2], $0x80, v3, vm0, $0xb8;
	[tilespmem:$0x18100] =	vst v63  }
0x67: {  	s11 =	rddreg [dreg:$0x18]  }
0x68: {  	[tilespmem:s11], [sflag:$0x1] =	stream.indirect_vreg.gather [hbm4b:s5+s2], $0x80, v3, vm0, $0xb8;
	[tilespmem:$0x18100] =	vst v63  }
0x69: {  	v3 =	vld [tilespmem:$0x30];
	_ =	sdelay $0x4  }
0x6a: {  	v59 =	vshrl.u32 v3, $0x3  }
0x6b: {  	v4 =	vmul.u32 $0x30, v59  }
0x6c: {  	v3 =	vand.u32 $0x7, v3  }
0x6d: {  	v3 =	vor.u32 v3, v4  }
0x6e: {  	v4 =	vperm.xlane v3, v0;
	_ =	sdelay $0x1  }
0x6f: {  	v4 =	vadd.s32 v1, v4;
	_ =	sdelay $0x3  }
0x70: {  	s0 =	rddreg [dreg:$0x19];
	v3 =	vperm.xlane v3, v2  }
0x71: {  	[tilespmem:s0], [sflag:$0x1] =	stream.indirect_vreg.gather [hbm4b:s3+s2], $0x80, v4, vm0, $0xb8;
	[tilespmem:$0x18100] =	vst v63  }
0x72: {  	s11 =	rddreg [dreg:$0x1a];
	v3 =	vadd.s32 v1, v3  }
0x73: {  	[tilespmem:s11], [sflag:$0x1] =	stream.indirect_vreg.gather [hbm4b:s4+s2], $0x80, v4, vm0, $0xb8;
	[tilespmem:$0x18100] =	vst v63  }
0x74: {  	s0 =	rddreg [dreg:$0x1b]  }
0x75: {  	[tilespmem:s0], [sflag:$0x1] =	stream.indirect_vreg.gather [hbm4b:s5+s2], $0x80, v4, vm0, $0xb8;
	[tilespmem:$0x18100] =	vst v63  }
0x76: {  	s11 =	rddreg [dreg:$0x1c]  }
0x77: {  	[tilespmem:s11], [sflag:$0x1] =	stream.indirect_vreg.gather [hbm4b:s3+s2], $0x80, v3, vm0, $0xb8;
	[tilespmem:$0x18100] =	vst v63  }
0x78: {  	s0 =	rddreg [dreg:$0x1d]  }
0x79: {  	[tilespmem:s0], [sflag:$0x1] =	stream.indirect_vreg.gather [hbm4b:s4+s2], $0x80, v3, vm0, $0xb8;
	[tilespmem:$0x18100] =	vst v63  }
0x7a: {  	s11 =	rddreg [dreg:$0x1e]  }
0x7b: {  	[tilespmem:s11], [sflag:$0x1] =	stream.indirect_vreg.gather [hbm4b:s5+s2], $0x80, v3, vm0, $0xb8;
	[tilespmem:$0x18100] =	vst v63  }
0x7c: {  	_ =	swait.ge [sflag:s9], $0xC000  }
0x7d: {  	[sflag:s9] =	ssyncset.done $0x0  }
0x7e: {  	[sflag:s9] =	ssyncadd.s32 $0xFFFF4000  }
0x7f: {  	v3 =	vld [tilespmem:$0x80];
	_ =	sdelay $0x4  }
0x80: {  	v60 =	vshrl.u32 v3, $0x3  }
0x81: {  	v4 =	vmul.u32 $0x30, v60  }
0x82: {  	v3 =	vand.u32 $0x7, v3  }
0x83: {  	v3 =	vor.u32 v3, v4  }
0x84: {  	v4 =	vperm.xlane v3, v0;
	_ =	sdelay $0x1  }
0x85: {  	v4 =	vadd.s32 v1, v4;
	_ =	sdelay $0x3  }
0x86: {  	s0 =	rddreg [dreg:$0x1f];
	v3 =	vperm.xlane v3, v2  }
0x87: {  	[tilespmem:s10], [sflag:$0x1] =	stream.indirect_vreg.gather [hbm4b:s3+s2], $0x80, v4, vm0, $0xb8;
	[tilespmem:$0x18100] =	vst v63  }
0x88: {  	s11 =	sld [smem:$0x7FD];
	v3 =	vadd.s32 v1, v3  }
0x89: {  	[tilespmem:s0], [sflag:$0x1] =	stream.indirect_vreg.gather [hbm4b:s4+s2], $0x80, v4, vm0, $0xb8;
	[tilespmem:$0x18100] =	vst v63  }
0x8a: {  	_ = 	snop  }
0x8b: {  	[tilespmem:s11], [sflag:$0x1] =	stream.indirect_vreg.gather [hbm4b:s5+s2], $0x80, v4, vm0, $0xb8;
	[tilespmem:$0x18100] =	vst v63  }
0x8c: {  	s11 =	simm.s32 $0xD900  }
0x8d: {  	[tilespmem:s11], [sflag:$0x1] =	stream.indirect_vreg.gather [hbm4b:s3+s2], $0x80, v3, vm0, $0xb8;
	[tilespmem:$0x18100] =	vst v63  }
0x8e: {  	_ = 	snop  }
0x8f: {  	[tilespmem:s12], [sflag:$0x1] =	stream.indirect_vreg.gather [hbm4b:s4+s2], $0x80, v3, vm0, $0xb8;
	[tilespmem:$0x18100] =	vst v63  }
0x90: {  	_ = 	snop  }
0x91: {  	[tilespmem:s13], [sflag:$0x1] =	stream.indirect_vreg.gather [hbm4b:s5+s2], $0x80, v3, vm0, $0xb8;
	[tilespmem:$0x18100] =	vst v63  }
0x92: {  	v3 =	vld [tilespmem:$0x90];
	_ =	sdelay $0x4  }
0x93: {  	v61 =	vshrl.u32 v3, $0x3  }
0x94: {  	v4 =	vmul.u32 $0x30, v61  }
0x95: {  	v3 =	vand.u32 $0x7, v3  }
0x96: {  	v3 =	vor.u32 v3, v4  }
0x97: {  	v4 =	vperm.xlane v3, v0;
	_ =	sdelay $0x1  }
0x98: {  	v4 =	vadd.s32 v1, v4;
	_ =	sdelay $0x3  }
0x99: {  	v3 =	vperm.xlane v3, v2  }
0x9a: {  	[tilespmem:s14], [sflag:$0x1] =	stream.indirect_vreg.gather [hbm4b:s3+s2], $0x80, v4, vm0, $0xb8;
	[tilespmem:$0x18100] =	vst v63  }
0x9b: {  	v3 =	vadd.s32 v1, v3  }
0x9c: {  	[tilespmem:s15], [sflag:$0x1] =	stream.indirect_vreg.gather [hbm4b:s4+s2], $0x80, v4, vm0, $0xb8;
	[tilespmem:$0x18100] =	vst v63  }
0x9d: {  	_ = 	snop  }
0x9e: {  	[tilespmem:s16], [sflag:$0x1] =	stream.indirect_vreg.gather [hbm4b:s5+s2], $0x80, v4, vm0, $0xb8;
	[tilespmem:$0x18100] =	vst v63  }
0x9f: {  	_ = 	snop  }
0xa0: {  	[tilespmem:s17], [sflag:$0x1] =	stream.indirect_vreg.gather [hbm4b:s3+s2], $0x80, v3, vm0, $0xb8;
	[tilespmem:$0x18100] =	vst v63  }
0xa1: {  	_ = 	snop  }
0xa2: {  	[tilespmem:s18], [sflag:$0x1] =	stream.indirect_vreg.gather [hbm4b:s4+s2], $0x80, v3, vm0, $0xb8;
	[tilespmem:$0x18100] =	vst v63  }
0xa3: {  	_ = 	snop  }
0xa4: {  	[tilespmem:s19], [sflag:$0x1] =	stream.indirect_vreg.gather [hbm4b:s5+s2], $0x80, v3, vm0, $0xb8;
	[tilespmem:$0x18100] =	vst v63  }
0xa5: {  	v3 =	vld [tilespmem:$0xA0];
	_ =	sdelay $0x4  }
0xa6: {  	v62 =	vshrl.u32 v3, $0x3  }
0xa7: {  	v4 =	vmul.u32 $0x30, v62  }
0xa8: {  	v3 =	vand.u32 $0x7, v3  }
0xa9: {  	v3 =	vor.u32 v3, v4  }
0xaa: {  	v4 =	vperm.xlane v3, v0;
	_ =	sdelay $0x1  }
0xab: {  	v4 =	vadd.s32 v1, v4;
	_ =	sdelay $0x3  }
0xac: {  	v3 =	vperm.xlane v3, v2  }
0xad: {  	[tilespmem:s20], [sflag:$0x1] =	stream.indirect_vreg.gather [hbm4b:s3+s2], $0x80, v4, vm0, $0xb8;
	[tilespmem:$0x18100] =	vst v63  }
0xae: {  	v3 =	vadd.s32 v1, v3  }
0xaf: {  	[tilespmem:s21], [sflag:$0x1] =	stream.indirect_vreg.gather [hbm4b:s4+s2], $0x80, v4, vm0, $0xb8;
	[tilespmem:$0x18100] =	vst v63  }
0xb0: {  	_ = 	snop  }
0xb1: {  	[tilespmem:s22], [sflag:$0x1] =	stream.indirect_vreg.gather [hbm4b:s5+s2], $0x80, v4, vm0, $0xb8;
	[tilespmem:$0x18100] =	vst v63  }
0xb2: {  	_ = 	snop  }
0xb3: {  	[tilespmem:s23], [sflag:$0x1] =	stream.indirect_vreg.gather [hbm4b:s3+s2], $0x80, v3, vm0, $0xb8;
	[tilespmem:$0x18100] =	vst v63  }
0xb4: {  	_ = 	snop  }
0xb5: {  	[tilespmem:s24], [sflag:$0x1] =	stream.indirect_vreg.gather [hbm4b:s4+s2], $0x80, v3, vm0, $0xb8;
	[tilespmem:$0x18100] =	vst v63  }
0xb6: {  	_ = 	snop  }
0xb7: {  	[tilespmem:s25], [sflag:$0x1] =	stream.indirect_vreg.gather [hbm4b:s5+s2], $0x80, v3, vm0, $0xb8;
	[tilespmem:$0x18100] =	vst v63  }
0xb8: {  	v3 =	vld [tilespmem:$0xB0];
	_ =	sdelay $0x4  }
0xb9: {  	v63 =	vshrl.u32 v3, $0x3  }
0xba: {  	v4 =	vmul.u32 $0x30, v63  }
0xbb: {  	v3 =	vand.u32 $0x7, v3  }
0xbc: {  	v3 =	vor.u32 v3, v4  }
0xbd: {  	v4 =	vperm.xlane v3, v0;
	_ =	sdelay $0x1  }
0xbe: {  	v4 =	vadd.s32 v1, v4;
	_ =	sdelay $0x3  }
0xbf: {  	v3 =	vperm.xlane v3, v2  }
0xc0: {  	[tilespmem:s26], [sflag:$0x1] =	stream.indirect_vreg.gather [hbm4b:s3+s2], $0x80, v4, vm0, $0xb8;
	[tilespmem:$0x18100] =	vst v63  }
0xc1: {  	v3 =	vadd.s32 v1, v3  }
0xc2: {  	[tilespmem:s28], [sflag:$0x1] =	stream.indirect_vreg.gather [hbm4b:s4+s2], $0x80, v4, vm0, $0xb8;
	[tilespmem:$0x18100] =	vst v63  }
0xc3: {  	_ = 	snop  }
0xc4: {  	[tilespmem:s29], [sflag:$0x1] =	stream.indirect_vreg.gather [hbm4b:s5+s2], $0x80, v4, vm0, $0xb8;
	[tilespmem:$0x18100] =	vst v63  }
0xc5: {  	_ = 	snop  }
0xc6: {  	[tilespmem:s30], [sflag:$0x1] =	stream.indirect_vreg.gather [hbm4b:s3+s2], $0x80, v3, vm0, $0xb8;
	[tilespmem:$0x18100] =	vst v63  }
0xc7: {  	_ = 	snop  }
0xc8: {  	[tilespmem:s31], [sflag:$0x1] =	stream.indirect_vreg.gather [hbm4b:s4+s2], $0x80, v3, vm0, $0xb8;
	[tilespmem:$0x18100] =	vst v63  }
0xc9: {  	_ = 	snop  }
0xca: {  	[tilespmem:s1], [sflag:$0x1] =	stream.indirect_vreg.gather [hbm4b:s5+s2], $0x80, v3, vm0, $0xb8;
	[tilespmem:$0x18100] =	vst v63  }
0xcb: {  	_ =	swait.ge [sflag:s9], $0xC000  }
0xcc: {  	[sflag:s9] =	ssyncset.done $0x0  }
0xcd: {  	s11 =	rddreg [dreg:$0x5];
	[sflag:s9] =	ssyncadd.s32 $0xFFFF4000  }
0xce: {  	[hbm4b:s11+s2] =	stream.linear.scatter [tilespmem:s8], [sflag:$0x2], $0xC000, $0x38;
	[tilespmem:$0x18100] =	vst v63  }
0xcf: {  	_ =	swait.ge [sflag:s7], $0xC000  }
0xd0: {  	p0 =	sne.s32 s6, $0x1;
	[sflag:s7] =	ssyncset.done $0x0  }
.Ltmp0:
0xd1: {  	s11 =	rddreg [dreg:$0x6];
	[sflag:s7] =	ssyncadd.s32 $0xFFFF4000;
	(pc) =	sbr.rel @p0 .LBB2_1-.Ltmp0, $4  }
0xd2: {  	[hbm4b:s11+s2] =	stream.linear.scatter [tilespmem:s10], [sflag:$0x2], $0xC000, $0x38;
	[tilespmem:$0x18100] =	vst v63  }
0xd3: {  	_ =	swait.ge [sflag:s7], $0xC000  }
0xd4: {  	[sflag:s7] =	ssyncset.done $0x0  }
0xd5: {  	s6 =	sadd.s32 $0xFFFFFFFF, s6;
	[sflag:s7] =	ssyncadd.s32 $0xFFFF4000  }
0xd6: {  	_ =	sfence.sel $0x180000  }
0xd7: {  	[bflag:$0x0] =	sbarrier.arrive $0xFFFF  }
0xd8: {  	_ =	strace $0x9000004A  }
0xd9: {  	s0 =	stileid.u32;
	[bflag:$0x2] =	sbarrier.arrive $0xFFFF  }
0xda: {  	p0 =	sne.s32 s0, $0x0;
	s0 =	rddreg [dreg:$0x2]  }
0xdb: {  	s0 =	sadd.s32 @!p0 $0x100000, s0  }
0xdc: {  	[sflag:s0] =	ssyncadd.tile.s32 @!p0 $0x1;
	_ =	shalt  }
.Lfunc_end2:
_tile_overlayer_lowered:
.L_overlay_start_2:
0xdd: {  	(tag) =	ssettag $0x2  }
0xde: {  	s0 =	rddreg [dreg:$0x0];
	s2 =	stileid.u32  }
0xdf: {  	s1 =	rddreg [dreg:$0x1];
	p0 =	sne.s32 s2, $0x0  }
0xe0: {  	s3 =	rddreg [dreg:$0x2];
	[bflag:$0x3] =	sbarrier.arrive $0xFFFF;
	s2 =	simm.s32 @!p0 $0x1C02  }
0xe1: {  	[timem:s3], [sflag:s2] =	dma.local @!p0 [hbm:s0], s1  }
0xe2: {  	s0 =	simm.s32 @!p0 $0x2  }
0xe3: {  	_ =	swait.ge @!p0 [sflag:s0], s1  }
0xe4: {  	s1 =	ssub.s32 @!p0 $0x0, s1;
	[sflag:s0] =	ssyncset.done @!p0 $0x0  }
0xe5: {  	[sflag:s0] =	ssyncadd.s32 @!p0 s1  }
0xe6: {  	[bflag:$0x3] =	sbarrier.arrive $0xFFFF  }
0xe7: {  	_ =	shalt  }

</sc_bundles>
